<compile_context>
chip_gen: v7x
topology: tpu7x:2x2x1
jax: 0.10.2.dev20260603
libtpu: 0.0.44.dev20260713+nightly
codegen_flags: <defaults>
</compile_context>

<pallas_src>
import functools

import jax
import jax.numpy as jnp
from jax import lax
from jax.experimental import pallas as pl
from jax.experimental.pallas import tpu as pltpu
from jax.experimental.pallas import tpu_sc as plsc

B, H, W, SH, SW = 2, 64, 256, 32, 128
KH, KW = 4, 8
K = KH * KW
NS = 8
DIST2 = 100.0 * 100.0
C1, C2 = 64, 64
HW = H * W

DPAD = 128
TP = 2048
NROWS = B * NS * HW

f32 = jnp.float32
bf16 = jnp.bfloat16


def _roll(x, shift, axis):
    if shift % x.shape[axis] == 0:
        return x
    return jnp.roll(x, shift, axis=axis)


def _sel_body(x1x, x1y, x1z, x2x, x2y, x2z, idx_out, mask_out):
    b = pl.program_id(0)
    q = (x1x[0], x1y[0], x1z[0])
    planes = (x2x[0], x2y[0], x2z[0])

    lrow = lax.broadcasted_iota(jnp.int32, (H, W), 0)
    lcol = lax.broadcasted_iota(jnp.int32, (H, W), 1)
    srow0 = lrow // 2
    scol0 = lcol // 2

    d2s = []
    for kh in range(KH):
        dh = kh - KH // 2
        vr = (srow0 + dh >= 0) & (srow0 + dh < SH)
        slabs = []
        for p in planes:
            r = _roll(p, -dh, axis=0)
            r = jnp.broadcast_to(r[:, None, :], (SH, 2, SW)).reshape(H, SW)
            r = jnp.broadcast_to(r[:, :, None], (H, SW, 2)).reshape(H, W)
            slabs.append(r)
        for kw in range(KW):
            dw = kw - KW // 2
            vc = (scol0 + dw >= 0) & (scol0 + dw < SW)
            cx = _roll(slabs[0], -2 * dw, axis=1)
            cy = _roll(slabs[1], -2 * dw, axis=1)
            cz = _roll(slabs[2], -2 * dw, axis=1)
            dx = cx - q[0]
            dy = cy - q[1]
            dz = cz - q[2]
            d2 = dx * dx + dy * dy + dz * dz
            d2s.append(jnp.where(vr & vc, d2, jnp.inf))

    cur = jnp.stack(d2s, axis=0)
    kidx = lax.broadcasted_iota(jnp.int32, (K, H, W), 0)
    for s in range(NS):
        m = jnp.min(cur, axis=0)
        amin = jnp.min(jnp.where(cur == m[None], kidx, K), axis=0)
        cur = jnp.where(kidx == amin[None], jnp.inf, cur)
        kh = amin // KW
        kw = amin % KW
        rr = jnp.clip(srow0 + kh - KH // 2, 0, SH - 1)
        cc = jnp.clip(scol0 + kw - KW // 2, 0, SW - 1)
        idx_out[0, s] = b * (SH * SW) + rr * SW + cc
        mask_out[0, s] = (m < DIST2).astype(f32)


def _select(x1x, x1y, x1z, x2x, x2y, x2z):
    return pl.pallas_call(
        _sel_body,
        grid=(B,),
        in_specs=[
            pl.BlockSpec((1, H, W), lambda b: (b, 0, 0)),
            pl.BlockSpec((1, H, W), lambda b: (b, 0, 0)),
            pl.BlockSpec((1, H, W), lambda b: (b, 0, 0)),
            pl.BlockSpec((1, SH, SW), lambda b: (b, 0, 0)),
            pl.BlockSpec((1, SH, SW), lambda b: (b, 0, 0)),
            pl.BlockSpec((1, SH, SW), lambda b: (b, 0, 0)),
        ],
        out_specs=[
            pl.BlockSpec((1, NS, H, W), lambda b: (b, 0, 0, 0)),
            pl.BlockSpec((1, NS, H, W), lambda b: (b, 0, 0, 0)),
        ],
        out_shape=[
            jax.ShapeDtypeStruct((B, NS, H, W), jnp.int32),
            jax.ShapeDtypeStruct((B, NS, H, W), f32),
        ],
    )(x1x, x1y, x1z, x2x, x2y, x2z)


_NW = 32
_NPW = NROWS // _NW
_CH = 256
_NCH = _NPW // _CH


def _sc_gather(table, idx_flat):
    mesh = plsc.VectorSubcoreMesh(core_axis_name="c", subcore_axis_name="s")

    @functools.partial(
        pl.kernel,
        mesh=mesh,
        out_type=jax.ShapeDtypeStruct((NROWS, DPAD), f32),
        scratch_types=[
            pltpu.VMEM((_NPW,), jnp.int32),
            pltpu.VMEM((_CH, DPAD), f32),
            pltpu.VMEM((_CH, DPAD), f32),
            pltpu.SemaphoreType.DMA,
            pltpu.SemaphoreType.DMA,
        ],
    )
    def run(table_hbm, idx_hbm, out_hbm, idx_v, rows_a, rows_b, sem_a, sem_b):
        wid = lax.axis_index("s") * 2 + lax.axis_index("c")
        base = wid * _NPW
        pltpu.sync_copy(idx_hbm.at[pl.ds(base, _NPW)], idx_v)
        bufs = (rows_a, rows_b)
        sems = (sem_a, sem_b)
        pend = pltpu.async_copy(
            table_hbm.at[idx_v.at[pl.ds(0, _CH)]], bufs[0], sems[0]
        )
        for ch in range(_NCH):
            cur = bufs[ch % 2]
            pend.wait()
            if ch + 1 < _NCH:
                pend = pltpu.async_copy(
                    table_hbm.at[idx_v.at[pl.ds((ch + 1) * _CH, _CH)]],
                    bufs[(ch + 1) % 2],
                    sems[(ch + 1) % 2],
                )
            pltpu.sync_copy(cur, out_hbm.at[pl.ds(base + ch * _CH, _CH)])

    return run(table, idx_flat)


def _acc_stats(st_out, h):
    st = jnp.concatenate(
        [jnp.sum(h, axis=0, keepdims=True), jnp.sum(h * h, axis=0, keepdims=True)],
        axis=0,
    )
    first = (pl.program_id(0) == 0) & (pl.program_id(1) == 0)

    @pl.when(first)
    def _():
        st_out[...] = st

    @pl.when(jnp.logical_not(first))
    def _():
        st_out[...] = st_out[...] + st


def _l0_body(gf, mk, xp, w, bb, h_out, st_out):
    x = gf[0] * mk[0][:, :, None] - xp[0][None]
    x = x.reshape(NS * TP, DPAD)
    h = jnp.dot(x, w[...], preferred_element_type=f32) + bb[0][None]
    h_out[0] = h.reshape(NS, TP, -1).astype(bf16)
    _acc_stats(st_out, h)


def _layer0(gf, mk, xp, w, bb, cout):
    return pl.pallas_call(
        _l0_body,
        grid=(B, HW // TP),
        in_specs=[
            pl.BlockSpec((1, NS, TP, DPAD), lambda b, t: (b, 0, t, 0)),
            pl.BlockSpec((1, NS, TP), lambda b, t: (b, 0, t)),
            pl.BlockSpec((1, TP, DPAD), lambda b, t: (b, t, 0)),
            pl.BlockSpec((DPAD, cout), lambda b, t: (0, 0)),
            pl.BlockSpec((1, cout), lambda b, t: (0, 0)),
        ],
        out_specs=[
            pl.BlockSpec((1, NS, TP, cout), lambda b, t: (b, 0, t, 0)),
            pl.BlockSpec((2, cout), lambda b, t: (0, 0)),
        ],
        out_shape=[
            jax.ShapeDtypeStruct((B, NS, HW, cout), bf16),
            jax.ShapeDtypeStruct((2, cout), f32),
        ],
    )(gf, mk, xp, w, bb)


def _mid_body(h, sc, sh, w, bb, out, st_out):
    cin = h.shape[-1]
    a = h[0].reshape(NS * TP, cin).astype(f32)
    a = jnp.maximum(a * sc[0][None] + sh[0][None], 0.0)
    y = jnp.dot(a, w[...], preferred_element_type=f32) + bb[0][None]
    out[0] = y.reshape(NS, TP, -1).astype(bf16)
    _acc_stats(st_out, y)


def _mid_layer(h, sc, sh, w, bb, cin, cout):
    return pl.pallas_call(
        _mid_body,
        grid=(B, HW // TP),
        in_specs=[
            pl.BlockSpec((1, NS, TP, cin), lambda b, t: (b, 0, t, 0)),
            pl.BlockSpec((1, cin), lambda b, t: (0, 0)),
            pl.BlockSpec((1, cin), lambda b, t: (0, 0)),
            pl.BlockSpec((cin, cout), lambda b, t: (0, 0)),
            pl.BlockSpec((1, cout), lambda b, t: (0, 0)),
        ],
        out_specs=[
            pl.BlockSpec((1, NS, TP, cout), lambda b, t: (b, 0, t, 0)),
            pl.BlockSpec((2, cout), lambda b, t: (0, 0)),
        ],
        out_shape=[
            jax.ShapeDtypeStruct((B, NS, HW, cout), bf16),
            jax.ShapeDtypeStruct((2, cout), f32),
        ],
    )(h, sc, sh, w, bb)


def _l2pool_body(h, sc, sh, w, bb, out, st_out):
    cin = h.shape[-1]
    a = h[0].reshape(NS * TP, cin).astype(f32)
    a = jnp.maximum(a * sc[0][None] + sh[0][None], 0.0)
    y = jnp.dot(a, w[...], preferred_element_type=f32) + bb[0][None]
    _acc_stats(st_out, y)
    out[0] = jnp.max(y.reshape(NS, TP, -1), axis=0)


def _l2pool_layer(h, sc, sh, w, bb, cin, cout):
    return pl.pallas_call(
        _l2pool_body,
        grid=(B, HW // TP),
        in_specs=[
            pl.BlockSpec((1, NS, TP, cin), lambda b, t: (b, 0, t, 0)),
            pl.BlockSpec((1, cin), lambda b, t: (0, 0)),
            pl.BlockSpec((1, cin), lambda b, t: (0, 0)),
            pl.BlockSpec((cin, cout), lambda b, t: (0, 0)),
            pl.BlockSpec((1, cout), lambda b, t: (0, 0)),
        ],
        out_specs=[
            pl.BlockSpec((1, TP, cout), lambda b, t: (b, t, 0)),
            pl.BlockSpec((2, cout), lambda b, t: (0, 0)),
        ],
        out_shape=[
            jax.ShapeDtypeStruct((B, HW, cout), f32),
            jax.ShapeDtypeStruct((2, cout), f32),
        ],
    )(h, sc, sh, w, bb)


def _concat_body(m, sc, sh, p1, wa, wb, bb, out, st_out):
    feat = jnp.maximum(m[0] * sc[0][None] + sh[0][None], 0.0)
    y = (
        jnp.dot(feat, wa[...], preferred_element_type=f32)
        + jnp.dot(p1[0], wb[...], preferred_element_type=f32)
        + bb[0][None]
    )
    out[0] = y
    _acc_stats(st_out, y)


TPB = 4096


def _concat_layer(m, sc, sh, p1, wa, wb, bb, cin, cout):
    return pl.pallas_call(
        _concat_body,
        grid=(B, HW // TPB),
        in_specs=[
            pl.BlockSpec((1, TPB, cin), lambda b, t: (b, t, 0)),
            pl.BlockSpec((1, cin), lambda b, t: (0, 0)),
            pl.BlockSpec((1, cin), lambda b, t: (0, 0)),
            pl.BlockSpec((1, TPB, C1), lambda b, t: (b, t, 0)),
            pl.BlockSpec((cin, cout), lambda b, t: (0, 0)),
            pl.BlockSpec((C1, cout), lambda b, t: (0, 0)),
            pl.BlockSpec((1, cout), lambda b, t: (0, 0)),
        ],
        out_specs=[
            pl.BlockSpec((1, TPB, cout), lambda b, t: (b, t, 0)),
            pl.BlockSpec((2, cout), lambda b, t: (0, 0)),
        ],
        out_shape=[
            jax.ShapeDtypeStruct((B, HW, cout), f32),
            jax.ShapeDtypeStruct((2, cout), f32),
        ],
    )(m, sc, sh, p1, wa, wb, bb)


def _final_body(h, sc, sh, out):
    out[0] = jnp.maximum(h[0] * sc[0][None] + sh[0][None], 0.0)


def _final_layer(h, sc, sh, cout):
    return pl.pallas_call(
        _final_body,
        grid=(B, HW // TPB),
        in_specs=[
            pl.BlockSpec((1, TPB, cout), lambda b, t: (b, t, 0)),
            pl.BlockSpec((1, cout), lambda b, t: (0, 0)),
            pl.BlockSpec((1, cout), lambda b, t: (0, 0)),
        ],
        out_specs=pl.BlockSpec((1, TPB, cout), lambda b, t: (b, t, 0)),
        out_shape=jax.ShapeDtypeStruct((B, HW, cout), f32),
    )(h, sc, sh)


def _bn_affine(st, g, be, n):
    mean = st[0] / n
    var = st[1] / n - mean * mean
    scale = g * lax.rsqrt(var + 1e-5)
    shift = be - mean * scale
    return scale[None], shift[None]


def kernel(xyz1_proj, xyz2_proj, points1_proj, feat2_proj,
           W0, b0, g0, be0, W1, b1, g1, be1, W2, b2, g2, be2, W3, b3, g3, be3):
    x1x, x1y, x1z = (xyz1_proj[..., i] for i in range(3))
    x2x, x2y, x2z = (xyz2_proj[..., i] for i in range(3))

    idx, mask = _select(x1x, x1y, x1z, x2x, x2y, x2z)

    table = jnp.concatenate(
        [
            feat2_proj.reshape(B * SH * SW, C2),
            xyz2_proj.reshape(B * SH * SW, 3),
            jnp.zeros((B * SH * SW, DPAD - C2 - 3), f32),
        ],
        axis=1,
    )
    rows = _sc_gather(table, idx.reshape(-1))
    gf = rows.reshape(B, NS, HW, DPAD)

    xyz1pad = jnp.concatenate(
        [
            jnp.zeros((B, HW, C2), f32),
            xyz1_proj.reshape(B, HW, 3),
            jnp.zeros((B, HW, DPAD - C2 - 3), f32),
        ],
        axis=2,
    )
    W0p = jnp.concatenate(
        [W0[3:], W0[:3], jnp.zeros((DPAD - (C2 + 3), W0.shape[1]), f32)], axis=0
    )

    n_rows = float(B * HW * NS)
    h0, st0 = _layer0(gf, mask.reshape(B, NS, HW), xyz1pad, W0p, b0[None], 128)
    sc0, sh0 = _bn_affine(st0, g0, be0, n_rows)
    h1, st1 = _mid_layer(h0, sc0, sh0, W1, b1[None], 128, 128)
    sc1, sh1 = _bn_affine(st1, g1, be1, n_rows)
    m2, st2 = _l2pool_layer(h1, sc1, sh1, W2, b2[None], 128, 256)
    sc2, sh2 = _bn_affine(st2, g2, be2, n_rows)
    h3, st3 = _concat_layer(
        m2, sc2, sh2, points1_proj.reshape(B, HW, C1),
        W3[:256], W3[256:],
        b3[None], 256, 256,
    )
    sc3, sh3 = _bn_affine(st3, g3, be3, float(B * HW))
    return _final_layer(h3, sc3, sh3, 256)

# --- scband reference (transcript-rebuilt; emitter-appended) ---
"""Pipeline reference for scband-set-upconv-module-2697239462396 (READ-ONLY COPY).

The authoritative reference and input builder live on the scoring server;
editing this copy changes nothing except your own understanding.
"""

import jax, jax.numpy as jnp
import numpy as np

B, H, W, SH, SW = 2, 64, 256, 32, 128
KH, KW = 4, 8
NSAMPLE = 8
STRIDE_H, STRIDE_W = 2, 2
DIST = 100.0
C1, C2 = 64, 64


def setup_inputs(seed: int = 0):
    key = jax.random.key(seed)
    ks = jax.random.split(key, 12)
    inp = {}
    inp["xyz1_proj"] = jax.random.normal(ks[0], (B, H, W, 3), dtype=jnp.float32)
    inp["xyz2_proj"] = jax.random.normal(ks[1], (B, SH, SW, 3), dtype=jnp.float32)
    inp["points1_proj"] = jax.random.normal(ks[2], (B, H, W, C1), dtype=jnp.float32)
    inp["feat2_proj"] = jax.random.normal(ks[3], (B, SH, SW, C2), dtype=jnp.float32)
    dims = [(C2 + 3, 128), (128, 128), (128, 256), (256 + C1, 256)]
    for i, (cin, cout) in enumerate(dims):
        inp["W%d" % i] = jax.random.normal(ks[4 + i], (cin, cout), dtype=jnp.float32) * 0.05
        inp["b%d" % i] = jnp.zeros((cout,), dtype=jnp.float32)
        inp["g%d" % i] = jnp.ones((cout,), dtype=jnp.float32)
        inp["be%d" % i] = jnp.zeros((cout,), dtype=jnp.float32)
    return inp


def _bn_relu(x, g, be):
    mean = jnp.mean(x, axis=(0, 1, 2), keepdims=True)
    var = jnp.var(x, axis=(0, 1, 2), keepdims=True)
    return jax.nn.relu((x - mean) / jnp.sqrt(var + 1e-5) * g + be)


def _forward(xyz1_proj, xyz2_proj, points1_proj, feat2_proj, params):
    K = KH * KW
    hh = (jnp.arange(H) // STRIDE_H)[:, None] + (jnp.arange(KH) - KH // 2)[None, :]
    ww = (jnp.arange(W) // STRIDE_W)[:, None] + (jnp.arange(KW) - KW // 2)[None, :]
    vh = (hh >= 0) & (hh < SH)
    vw = (ww >= 0) & (ww < SW)
    hhc = jnp.clip(hh, 0, SH - 1)
    wwc = jnp.clip(ww, 0, SW - 1)
    HHf = jnp.broadcast_to(hhc[:, None, :, None], (H, W, KH, KW)).reshape(H, W, K)
    WWf = jnp.broadcast_to(wwc[None, :, None, :], (H, W, KH, KW)).reshape(H, W, K)
    Vf = jnp.broadcast_to(vh[:, None, :, None] & vw[None, :, None, :], (H, W, KH, KW)).reshape(H, W, K)
    # candidate gather from sparse frame (kernel-window KNN, emulates fused_conv_select_k)
    cand = xyz2_proj[:, HHf, WWf, :]
    d2 = jnp.sum((cand - xyz1_proj[:, :, :, None, :]) ** 2, axis=-1)
    d2 = jnp.where(Vf[None], d2, jnp.inf)
    neg, sel = jax.lax.top_k(-d2, NSAMPLE)
    seld2 = jax.lax.stop_gradient(-neg)
    mask = (seld2 < DIST * DIST).astype(jnp.float32)[..., None]
    selh = jnp.take_along_axis(jnp.broadcast_to(HHf[None], (B, H, W, K)), sel, axis=3)
    selw = jnp.take_along_axis(jnp.broadcast_to(WWf[None], (B, H, W, K)), sel, axis=3)
    bidx = jnp.arange(B)[:, None, None, None]
    gxyz = (xyz2_proj[bidx, selh, selw, :] * mask).reshape(B, H * W, NSAMPLE, 3)
    gfeat = (feat2_proj[bidx, selh, selw, :] * mask).reshape(B, H * W, NSAMPLE, C2)
    xyz1 = xyz1_proj.reshape(B, H * W, 3)
    points1 = points1_proj.reshape(B, H * W, C1)
    x = jnp.concatenate([gxyz - xyz1[:, :, None, :], gfeat], axis=-1)
    for i in range(3):
        Wm, bm, gm, bem = params[4 * i], params[4 * i + 1], params[4 * i + 2], params[4 * i + 3]
        x = _bn_relu(x @ Wm + bm, gm, bem)
    feat = jnp.max(x, axis=2)
    y = jnp.concatenate([feat, points1], axis=-1)[:, :, None, :]
    Wm, bm, gm, bem = params[12], params[13], params[14], params[15]
    y = _bn_relu(y @ Wm + bm, gm, bem)
    return y[:, :, 0, :]


def reference(xyz1_proj, xyz2_proj, points1_proj, feat2_proj, W0, b0, g0, be0, W1, b1, g1, be1, W2, b2, g2, be2, W3, b3, g3, be3):
    params = [W0, b0, g0, be0, W1, b1, g1, be1, W2, b2, g2, be2, W3, b3, g3, be3]
    return _forward(xyz1_proj, xyz2_proj, points1_proj, feat2_proj, params)

if __name__ == "__main__":
    import jax
    _d = setup_inputs()
    print(jax.jit(kernel)(*tuple(_d.values())))

</pallas_src>

<mosaic_0001>
#map = affine_map<(d0, d1) -> (0, 0)>
#map1 = affine_map<(d0, d1) -> (0)>
module attributes {stable_mosaic.version = 14 : i64} {
  func.func @run(%arg0: i32, %arg1: i32, %arg2: memref<8192x128xf32, #tpu.memory_space<hbm>>, %arg3: memref<262144xi32, #tpu.memory_space<hbm>>, %arg4: memref<262144x128xf32, #tpu.memory_space<hbm>>, %arg5: memref<8192xi32, #tpu.memory_space<vmem>>, %arg6: memref<256x128xf32, #tpu.memory_space<vmem>>, %arg7: memref<256x128xf32, #tpu.memory_space<vmem>>, %arg8: memref<!tpu.dma_semaphore, #tpu.memory_space<semaphore_mem>>, %arg9: memref<!tpu.dma_semaphore, #tpu.memory_space<semaphore_mem>>) attributes {dimension_semantics = [#tpu.dimension_semantics<core_parallel>, #tpu.dimension_semantics<subcore_parallel>], iteration_bounds = array<i64: 2, 16>, scalar_prefetch = 0 : i64, scratch_operands = 5 : i64, tpu.core_type = #tpu.core_type<sc_vector_subcore>, window_params = [{transform_indices = #map}, {transform_indices = #map1}, {transform_indices = #map}]} {
    %mul3A = arith.constant 2 : i32
    %mul3A_0 = arith.muli %arg1, %mul3A : i32
    %add3A = arith.addi %mul3A_0, %arg0 : i32
    %mul3A_1 = arith.constant 8192 : i32
    %mul3A_2 = arith.muli %add3A, %mul3A_1 : i32
    "tpu.region"() ({
      %run_scoped3A = tpu.sem_alloc : memref<!tpu.dma_semaphore, #tpu.memory_space<semaphore_mem>>
      %dma_start3A_385 = tpu.memref_slice %arg3[%mul3A_2] : memref<262144xi32, #tpu.memory_space<hbm>> -> memref<8192xi32, #tpu.memory_space<hbm>>
      %dma_start3A_386 = tpu.memref_slice %arg3[%mul3A_2] : memref<262144xi32, #tpu.memory_space<hbm>> -> memref<8192xi32, #tpu.memory_space<hbm>>
      tpu.enqueue_dma source(%dma_start3A_386 : memref<8192xi32, #tpu.memory_space<hbm>>) target(%arg5 : memref<8192xi32, #tpu.memory_space<vmem>>) target_semaphore(%run_scoped3A : memref<!tpu.dma_semaphore, #tpu.memory_space<semaphore_mem>>)
      %dma_wait3A_387 = tpu.memref_slice %arg3[%mul3A_2] : memref<262144xi32, #tpu.memory_space<hbm>> -> memref<8192xi32, #tpu.memory_space<hbm>>
      %dma_wait3A_388 = tpu.memref_slice %arg3[%mul3A_2] : memref<262144xi32, #tpu.memory_space<hbm>> -> memref<8192xi32, #tpu.memory_space<hbm>>
      tpu.wait_dma2 semaphore(%run_scoped3A : memref<!tpu.dma_semaphore, #tpu.memory_space<semaphore_mem>>) src(%dma_wait3A_388 : memref<8192xi32, #tpu.memory_space<hbm>>) dst(%arg5 : memref<8192xi32, #tpu.memory_space<vmem>>)
      tpu.yield
    }) : () -> ()
    %dma_start3A = arith.constant 0 : i32
    %dma_start3A_3 = tpu.memref_slice %arg5[%dma_start3A] : memref<8192xi32, #tpu.memory_space<vmem>> -> memref<256xi32, #tpu.memory_space<vmem>>
    %dma_start3A_4 = arith.constant 0 : i32
    %dma_start3A_5 = arith.constant 0 : i32
    %dma_start3A_6 = tpu.memref_slice %arg2[%dma_start3A_4, %dma_start3A_5] : memref<8192x128xf32, #tpu.memory_space<hbm>> -> memref<8192x128xf32, #tpu.memory_space<hbm>>
    tpu.enqueue_indirect_dma source(%dma_start3A_6 : memref<8192x128xf32, #tpu.memory_space<hbm>>) target(%arg6 : memref<256x128xf32, #tpu.memory_space<vmem>>) offsets(%dma_start3A_3 : memref<256xi32, #tpu.memory_space<vmem>>) semaphore(%arg8 : memref<!tpu.dma_semaphore, #tpu.memory_space<semaphore_mem>>)
    %dma_wait3A = arith.constant 0 : i32
    %dma_wait3A_7 = tpu.memref_slice %arg5[%dma_wait3A] : memref<8192xi32, #tpu.memory_space<vmem>> -> memref<256xi32, #tpu.memory_space<vmem>>
    %dma_wait3A_8 = arith.constant 0 : i32
    %dma_wait3A_9 = arith.constant 0 : i32
    %dma_wait3A_10 = tpu.memref_slice %arg2[%dma_wait3A_8, %dma_wait3A_9] : memref<8192x128xf32, #tpu.memory_space<hbm>> -> memref<8192x128xf32, #tpu.memory_space<hbm>>
    tpu.wait_indirect_dma semaphore(%arg8 : memref<!tpu.dma_semaphore, #tpu.memory_space<semaphore_mem>>) src(%dma_wait3A_10 : memref<8192x128xf32, #tpu.memory_space<hbm>>) dst(%arg6 : memref<256x128xf32, #tpu.memory_space<vmem>>)
    %dma_start3A_11 = arith.constant 256 : i32
    %dma_start3A_12 = tpu.memref_slice %arg5[%dma_start3A_11] : memref<8192xi32, #tpu.memory_space<vmem>> -> memref<256xi32, #tpu.memory_space<vmem>>
    %dma_start3A_13 = arith.constant 0 : i32
    %dma_start3A_14 = arith.constant 0 : i32
    %dma_start3A_15 = tpu.memref_slice %arg2[%dma_start3A_13, %dma_start3A_14] : memref<8192x128xf32, #tpu.memory_space<hbm>> -> memref<8192x128xf32, #tpu.memory_space<hbm>>
    tpu.enqueue_indirect_dma source(%dma_start3A_15 : memref<8192x128xf32, #tpu.memory_space<hbm>>) target(%arg7 : memref<256x128xf32, #tpu.memory_space<vmem>>) offsets(%dma_start3A_12 : memref<256xi32, #tpu.memory_space<vmem>>) semaphore(%arg9 : memref<!tpu.dma_semaphore, #tpu.memory_space<semaphore_mem>>)
    %add3A_16 = arith.constant 0 : i32
    %add3A_17 = arith.addi %mul3A_2, %add3A_16 : i32
    "tpu.region"() ({
      %run_scoped3A = tpu.sem_alloc : memref<!tpu.dma_semaphore, #tpu.memory_space<semaphore_mem>>
      %dma_start3A_385 = arith.constant 0 : i32
      %dma_start3A_386 = tpu.memref_slice %arg4[%add3A_17, %dma_start3A_385] : memref<262144x128xf32, #tpu.memory_space<hbm>> -> memref<256x128xf32, #tpu.memory_space<hbm>>
      %dma_start3A_387 = arith.constant 0 : i32
      %dma_start3A_388 = tpu.memref_slice %arg4[%add3A_17, %dma_start3A_387] : memref<262144x128xf32, #tpu.memory_space<hbm>> -> memref<256x128xf32, #tpu.memory_space<hbm>>
      tpu.enqueue_dma source(%arg6 : memref<256x128xf32, #tpu.memory_space<vmem>>) target(%dma_start3A_388 : memref<256x128xf32, #tpu.memory_space<hbm>>) target_semaphore(%run_scoped3A : memref<!tpu.dma_semaphore, #tpu.memory_space<semaphore_mem>>)
      %dma_wait3A_389 = arith.constant 0 : i32
      %dma_wait3A_390 = tpu.memref_slice %arg4[%add3A_17, %dma_wait3A_389] : memref<262144x128xf32, #tpu.memory_space<hbm>> -> memref<256x128xf32, #tpu.memory_space<hbm>>
      %dma_wait3A_391 = arith.constant 0 : i32
      %dma_wait3A_392 = tpu.memref_slice %arg4[%add3A_17, %dma_wait3A_391] : memref<262144x128xf32, #tpu.memory_space<hbm>> -> memref<256x128xf32, #tpu.memory_space<hbm>>
      tpu.wait_dma2 semaphore(%run_scoped3A : memref<!tpu.dma_semaphore, #tpu.memory_space<semaphore_mem>>) src(%arg6 : memref<256x128xf32, #tpu.memory_space<vmem>>) dst(%dma_wait3A_392 : memref<256x128xf32, #tpu.memory_space<hbm>>)
      tpu.yield
    }) : () -> ()
    %dma_wait3A_18 = arith.constant 256 : i32
    %dma_wait3A_19 = tpu.memref_slice %arg5[%dma_wait3A_18] : memref<8192xi32, #tpu.memory_space<vmem>> -> memref<256xi32, #tpu.memory_space<vmem>>
    %dma_wait3A_20 = arith.constant 0 : i32
    %dma_wait3A_21 = arith.constant 0 : i32
    %dma_wait3A_22 = tpu.memref_slice %arg2[%dma_wait3A_20, %dma_wait3A_21] : memref<8192x128xf32, #tpu.memory_space<hbm>> -> memref<8192x128xf32, #tpu.memory_space<hbm>>
    tpu.wait_indirect_dma semaphore(%arg9 : memref<!tpu.dma_semaphore, #tpu.memory_space<semaphore_mem>>) src(%dma_wait3A_22 : memref<8192x128xf32, #tpu.memory_space<hbm>>) dst(%arg7 : memref<256x128xf32, #tpu.memory_space<vmem>>)
    %dma_start3A_23 = arith.constant 512 : i32
    %dma_start3A_24 = tpu.memref_slice %arg5[%dma_start3A_23] : memref<8192xi32, #tpu.memory_space<vmem>> -> memref<256xi32, #tpu.memory_space<vmem>>
    %dma_start3A_25 = arith.constant 0 : i32
    %dma_start3A_26 = arith.constant 0 : i32
    %dma_start3A_27 = tpu.memref_slice %arg2[%dma_start3A_25, %dma_start3A_26] : memref<8192x128xf32, #tpu.memory_space<hbm>> -> memref<8192x128xf32, #tpu.memory_space<hbm>>
    tpu.enqueue_indirect_dma source(%dma_start3A_27 : memref<8192x128xf32, #tpu.memory_space<hbm>>) target(%arg6 : memref<256x128xf32, #tpu.memory_space<vmem>>) offsets(%dma_start3A_24 : memref<256xi32, #tpu.memory_space<vmem>>) semaphore(%arg8 : memref<!tpu.dma_semaphore, #tpu.memory_space<semaphore_mem>>)
    %add3A_28 = arith.constant 256 : i32
    %add3A_29 = arith.addi %mul3A_2, %add3A_28 : i32
    "tpu.region"() ({
      %run_scoped3A = tpu.sem_alloc : memref<!tpu.dma_semaphore, #tpu.memory_space<semaphore_mem>>
      %dma_start3A_385 = arith.constant 0 : i32
      %dma_start3A_386 = tpu.memref_slice %arg4[%add3A_29, %dma_start3A_385] : memref<262144x128xf32, #tpu.memory_space<hbm>> -> memref<256x128xf32, #tpu.memory_space<hbm>>
      %dma_start3A_387 = arith.constant 0 : i32
      %dma_start3A_388 = tpu.memref_slice %arg4[%add3A_29, %dma_start3A_387] : memref<262144x128xf32, #tpu.memory_space<hbm>> -> memref<256x128xf32, #tpu.memory_space<hbm>>
      tpu.enqueue_dma source(%arg7 : memref<256x128xf32, #tpu.memory_space<vmem>>) target(%dma_start3A_388 : memref<256x128xf32, #tpu.memory_space<hbm>>) target_semaphore(%run_scoped3A : memref<!tpu.dma_semaphore, #tpu.memory_space<semaphore_mem>>)
      %dma_wait3A_389 = arith.constant 0 : i32
      %dma_wait3A_390 = tpu.memref_slice %arg4[%add3A_29, %dma_wait3A_389] : memref<262144x128xf32, #tpu.memory_space<hbm>> -> memref<256x128xf32, #tpu.memory_space<hbm>>
      %dma_wait3A_391 = arith.constant 0 : i32
      %dma_wait3A_392 = tpu.memref_slice %arg4[%add3A_29, %dma_wait3A_391] : memref<262144x128xf32, #tpu.memory_space<hbm>> -> memref<256x128xf32, #tpu.memory_space<hbm>>
      tpu.wait_dma2 semaphore(%run_scoped3A : memref<!tpu.dma_semaphore, #tpu.memory_space<semaphore_mem>>) src(%arg7 : memref<256x128xf32, #tpu.memory_space<vmem>>) dst(%dma_wait3A_392 : memref<256x128xf32, #tpu.memory_space<hbm>>)
      tpu.yield
    }) : () -> ()
    %dma_wait3A_30 = arith.constant 512 : i32
    %dma_wait3A_31 = tpu.memref_slice %arg5[%dma_wait3A_30] : memref<8192xi32, #tpu.memory_space<vmem>> -> memref<256xi32, #tpu.memory_space<vmem>>
    %dma_wait3A_32 = arith.constant 0 : i32
    %dma_wait3A_33 = arith.constant 0 : i32
    %dma_wait3A_34 = tpu.memref_slice %arg2[%dma_wait3A_32, %dma_wait3A_33] : memref<8192x128xf32, #tpu.memory_space<hbm>> -> memref<8192x128xf32, #tpu.memory_space<hbm>>
    tpu.wait_indirect_dma semaphore(%arg8 : memref<!tpu.dma_semaphore, #tpu.memory_space<semaphore_mem>>) src(%dma_wait3A_34 : memref<8192x128xf32, #tpu.memory_space<hbm>>) dst(%arg6 : memref<256x128xf32, #tpu.memory_space<vmem>>)
    %dma_start3A_35 = arith.constant 768 : i32
    %dma_start3A_36 = tpu.memref_slice %arg5[%dma_start3A_35] : memref<8192xi32, #tpu.memory_space<vmem>> -> memref<256xi32, #tpu.memory_space<vmem>>
    %dma_start3A_37 = arith.constant 0 : i32
    %dma_start3A_38 = arith.constant 0 : i32
    %dma_start3A_39 = tpu.memref_slice %arg2[%dma_start3A_37, %dma_start3A_38] : memref<8192x128xf32, #tpu.memory_space<hbm>> -> memref<8192x128xf32, #tpu.memory_space<hbm>>
    tpu.enqueue_indirect_dma source(%dma_start3A_39 : memref<8192x128xf32, #tpu.memory_space<hbm>>) target(%arg7 : memref<256x128xf32, #tpu.memory_space<vmem>>) offsets(%dma_start3A_36 : memref<256xi32, #tpu.memory_space<vmem>>) semaphore(%arg9 : memref<!tpu.dma_semaphore, #tpu.memory_space<semaphore_mem>>)
    %add3A_40 = arith.constant 512 : i32
    %add3A_41 = arith.addi %mul3A_2, %add3A_40 : i32
    "tpu.region"() ({
      %run_scoped3A = tpu.sem_alloc : memref<!tpu.dma_semaphore, #tpu.memory_space<semaphore_mem>>
      %dma_start3A_385 = arith.constant 0 : i32
      %dma_start3A_386 = tpu.memref_slice %arg4[%add3A_41, %dma_start3A_385] : memref<262144x128xf32, #tpu.memory_space<hbm>> -> memref<256x128xf32, #tpu.memory_space<hbm>>
      %dma_start3A_387 = arith.constant 0 : i32
      %dma_start3A_388 = tpu.memref_slice %arg4[%add3A_41, %dma_start3A_387] : memref<262144x128xf32, #tpu.memory_space<hbm>> -> memref<256x128xf32, #tpu.memory_space<hbm>>
      tpu.enqueue_dma source(%arg6 : memref<256x128xf32, #tpu.memory_space<vmem>>) target(%dma_start3A_388 : memref<256x128xf32, #tpu.memory_space<hbm>>) target_semaphore(%run_scoped3A : memref<!tpu.dma_semaphore, #tpu.memory_space<semaphore_mem>>)
      %dma_wait3A_389 = arith.constant 0 : i32
      %dma_wait3A_390 = tpu.memref_slice %arg4[%add3A_41, %dma_wait3A_389] : memref<262144x128xf32, #tpu.memory_space<hbm>> -> memref<256x128xf32, #tpu.memory_space<hbm>>
      %dma_wait3A_391 = arith.constant 0 : i32
      %dma_wait3A_392 = tpu.memref_slice %arg4[%add3A_41, %dma_wait3A_391] : memref<262144x128xf32, #tpu.memory_space<hbm>> -> memref<256x128xf32, #tpu.memory_space<hbm>>
      tpu.wait_dma2 semaphore(%run_scoped3A : memref<!tpu.dma_semaphore, #tpu.memory_space<semaphore_mem>>) src(%arg6 : memref<256x128xf32, #tpu.memory_space<vmem>>) dst(%dma_wait3A_392 : memref<256x128xf32, #tpu.memory_space<hbm>>)
      tpu.yield
    }) : () -> ()
    %dma_wait3A_42 = arith.constant 768 : i32
    %dma_wait3A_43 = tpu.memref_slice %arg5[%dma_wait3A_42] : memref<8192xi32, #tpu.memory_space<vmem>> -> memref<256xi32, #tpu.memory_space<vmem>>
    %dma_wait3A_44 = arith.constant 0 : i32
    %dma_wait3A_45 = arith.constant 0 : i32
    %dma_wait3A_46 = tpu.memref_slice %arg2[%dma_wait3A_44, %dma_wait3A_45] : memref<8192x128xf32, #tpu.memory_space<hbm>> -> memref<8192x128xf32, #tpu.memory_space<hbm>>
    tpu.wait_indirect_dma semaphore(%arg9 : memref<!tpu.dma_semaphore, #tpu.memory_space<semaphore_mem>>) src(%dma_wait3A_46 : memref<8192x128xf32, #tpu.memory_space<hbm>>) dst(%arg7 : memref<256x128xf32, #tpu.memory_space<vmem>>)
    %dma_start3A_47 = arith.constant 1024 : i32
    %dma_start3A_48 = tpu.memref_slice %arg5[%dma_start3A_47] : memref<8192xi32, #tpu.memory_space<vmem>> -> memref<256xi32, #tpu.memory_space<vmem>>
    %dma_start3A_49 = arith.constant 0 : i32
    %dma_start3A_50 = arith.constant 0 : i32
    %dma_start3A_51 = tpu.memref_slice %arg2[%dma_start3A_49, %dma_start3A_50] : memref<8192x128xf32, #tpu.memory_space<hbm>> -> memref<8192x128xf32, #tpu.memory_space<hbm>>
    tpu.enqueue_indirect_dma source(%dma_start3A_51 : memref<8192x128xf32, #tpu.memory_space<hbm>>) target(%arg6 : memref<256x128xf32, #tpu.memory_space<vmem>>) offsets(%dma_start3A_48 : memref<256xi32, #tpu.memory_space<vmem>>) semaphore(%arg8 : memref<!tpu.dma_semaphore, #tpu.memory_space<semaphore_mem>>)
    %add3A_52 = arith.constant 768 : i32
    %add3A_53 = arith.addi %mul3A_2, %add3A_52 : i32
    "tpu.region"() ({
      %run_scoped3A = tpu.sem_alloc : memref<!tpu.dma_semaphore, #tpu.memory_space<semaphore_mem>>
      %dma_start3A_385 = arith.constant 0 : i32
      %dma_start3A_386 = tpu.memref_slice %arg4[%add3A_53, %dma_start3A_385] : memref<262144x128xf32, #tpu.memory_space<hbm>> -> memref<256x128xf32, #tpu.memory_space<hbm>>
      %dma_start3A_387 = arith.constant 0 : i32
      %dma_start3A_388 = tpu.memref_slice %arg4[%add3A_53, %dma_start3A_387] : memref<262144x128xf32, #tpu.memory_space<hbm>> -> memref<256x128xf32, #tpu.memory_space<hbm>>
      tpu.enqueue_dma source(%arg7 : memref<256x128xf32, #tpu.memory_space<vmem>>) target(%dma_start3A_388 : memref<256x128xf32, #tpu.memory_space<hbm>>) target_semaphore(%run_scoped3A : memref<!tpu.dma_semaphore, #tpu.memory_space<semaphore_mem>>)
      %dma_wait3A_389 = arith.constant 0 : i32
      %dma_wait3A_390 = tpu.memref_slice %arg4[%add3A_53, %dma_wait3A_389] : memref<262144x128xf32, #tpu.memory_space<hbm>> -> memref<256x128xf32, #tpu.memory_space<hbm>>
      %dma_wait3A_391 = arith.constant 0 : i32
      %dma_wait3A_392 = tpu.memref_slice %arg4[%add3A_53, %dma_wait3A_391] : memref<262144x128xf32, #tpu.memory_space<hbm>> -> memref<256x128xf32, #tpu.memory_space<hbm>>
      tpu.wait_dma2 semaphore(%run_scoped3A : memref<!tpu.dma_semaphore, #tpu.memory_space<semaphore_mem>>) src(%arg7 : memref<256x128xf32, #tpu.memory_space<vmem>>) dst(%dma_wait3A_392 : memref<256x128xf32, #tpu.memory_space<hbm>>)
      tpu.yield
    }) : () -> ()
    %dma_wait3A_54 = arith.constant 1024 : i32
    %dma_wait3A_55 = tpu.memref_slice %arg5[%dma_wait3A_54] : memref<8192xi32, #tpu.memory_space<vmem>> -> memref<256xi32, #tpu.memory_space<vmem>>
    %dma_wait3A_56 = arith.constant 0 : i32
    %dma_wait3A_57 = arith.constant 0 : i32
    %dma_wait3A_58 = tpu.memref_slice %arg2[%dma_wait3A_56, %dma_wait3A_57] : memref<8192x128xf32, #tpu.memory_space<hbm>> -> memref<8192x128xf32, #tpu.memory_space<hbm>>
    tpu.wait_indirect_dma semaphore(%arg8 : memref<!tpu.dma_semaphore, #tpu.memory_space<semaphore_mem>>) src(%dma_wait3A_58 : memref<8192x128xf32, #tpu.memory_space<hbm>>) dst(%arg6 : memref<256x128xf32, #tpu.memory_space<vmem>>)
    %dma_start3A_59 = arith.constant 1280 : i32
    %dma_start3A_60 = tpu.memref_slice %arg5[%dma_start3A_59] : memref<8192xi32, #tpu.memory_space<vmem>> -> memref<256xi32, #tpu.memory_space<vmem>>
    %dma_start3A_61 = arith.constant 0 : i32
    %dma_start3A_62 = arith.constant 0 : i32
    %dma_start3A_63 = tpu.memref_slice %arg2[%dma_start3A_61, %dma_start3A_62] : memref<8192x128xf32, #tpu.memory_space<hbm>> -> memref<8192x128xf32, #tpu.memory_space<hbm>>
    tpu.enqueue_indirect_dma source(%dma_start3A_63 : memref<8192x128xf32, #tpu.memory_space<hbm>>) target(%arg7 : memref<256x128xf32, #tpu.memory_space<vmem>>) offsets(%dma_start3A_60 : memref<256xi32, #tpu.memory_space<vmem>>) semaphore(%arg9 : memref<!tpu.dma_semaphore, #tpu.memory_space<semaphore_mem>>)
    %add3A_64 = arith.constant 1024 : i32
    %add3A_65 = arith.addi %mul3A_2, %add3A_64 : i32
    "tpu.region"() ({
      %run_scoped3A = tpu.sem_alloc : memref<!tpu.dma_semaphore, #tpu.memory_space<semaphore_mem>>
      %dma_start3A_385 = arith.constant 0 : i32
      %dma_start3A_386 = tpu.memref_slice %arg4[%add3A_65, %dma_start3A_385] : memref<262144x128xf32, #tpu.memory_space<hbm>> -> memref<256x128xf32, #tpu.memory_space<hbm>>
      %dma_start3A_387 = arith.constant 0 : i32
      %dma_start3A_388 = tpu.memref_slice %arg4[%add3A_65, %dma_start3A_387] : memref<262144x128xf32, #tpu.memory_space<hbm>> -> memref<256x128xf32, #tpu.memory_space<hbm>>
      tpu.enqueue_dma source(%arg6 : memref<256x128xf32, #tpu.memory_space<vmem>>) target(%dma_start3A_388 : memref<256x128xf32, #tpu.memory_space<hbm>>) target_semaphore(%run_scoped3A : memref<!tpu.dma_semaphore, #tpu.memory_space<semaphore_mem>>)
      %dma_wait3A_389 = arith.constant 0 : i32
      %dma_wait3A_390 = tpu.memref_slice %arg4[%add3A_65, %dma_wait3A_389] : memref<262144x128xf32, #tpu.memory_space<hbm>> -> memref<256x128xf32, #tpu.memory_space<hbm>>
      %dma_wait3A_391 = arith.constant 0 : i32
      %dma_wait3A_392 = tpu.memref_slice %arg4[%add3A_65, %dma_wait3A_391] : memref<262144x128xf32, #tpu.memory_space<hbm>> -> memref<256x128xf32, #tpu.memory_space<hbm>>
      tpu.wait_dma2 semaphore(%run_scoped3A : memref<!tpu.dma_semaphore, #tpu.memory_space<semaphore_mem>>) src(%arg6 : memref<256x128xf32, #tpu.memory_space<vmem>>) dst(%dma_wait3A_392 : memref<256x128xf32, #tpu.memory_space<hbm>>)
      tpu.yield
    }) : () -> ()
    %dma_wait3A_66 = arith.constant 1280 : i32
    %dma_wait3A_67 = tpu.memref_slice %arg5[%dma_wait3A_66] : memref<8192xi32, #tpu.memory_space<vmem>> -> memref<256xi32, #tpu.memory_space<vmem>>
    %dma_wait3A_68 = arith.constant 0 : i32
    %dma_wait3A_69 = arith.constant 0 : i32
    %dma_wait3A_70 = tpu.memref_slice %arg2[%dma_wait3A_68, %dma_wait3A_69] : memref<8192x128xf32, #tpu.memory_space<hbm>> -> memref<8192x128xf32, #tpu.memory_space<hbm>>
    tpu.wait_indirect_dma semaphore(%arg9 : memref<!tpu.dma_semaphore, #tpu.memory_space<semaphore_mem>>) src(%dma_wait3A_70 : memref<8192x128xf32, #tpu.memory_space<hbm>>) dst(%arg7 : memref<256x128xf32, #tpu.memory_space<vmem>>)
    %dma_start3A_71 = arith.constant 1536 : i32
    %dma_start3A_72 = tpu.memref_slice %arg5[%dma_start3A_71] : memref<8192xi32, #tpu.memory_space<vmem>> -> memref<256xi32, #tpu.memory_space<vmem>>
    %dma_start3A_73 = arith.constant 0 : i32
    %dma_start3A_74 = arith.constant 0 : i32
    %dma_start3A_75 = tpu.memref_slice %arg2[%dma_start3A_73, %dma_start3A_74] : memref<8192x128xf32, #tpu.memory_space<hbm>> -> memref<8192x128xf32, #tpu.memory_space<hbm>>
    tpu.enqueue_indirect_dma source(%dma_start3A_75 : memref<8192x128xf32, #tpu.memory_space<hbm>>) target(%arg6 : memref<256x128xf32, #tpu.memory_space<vmem>>) offsets(%dma_start3A_72 : memref<256xi32, #tpu.memory_space<vmem>>) semaphore(%arg8 : memref<!tpu.dma_semaphore, #tpu.memory_space<semaphore_mem>>)
    %add3A_76 = arith.constant 1280 : i32
    %add3A_77 = arith.addi %mul3A_2, %add3A_76 : i32
    "tpu.region"() ({
      %run_scoped3A = tpu.sem_alloc : memref<!tpu.dma_semaphore, #tpu.memory_space<semaphore_mem>>
      %dma_start3A_385 = arith.constant 0 : i32
      %dma_start3A_386 = tpu.memref_slice %arg4[%add3A_77, %dma_start3A_385] : memref<262144x128xf32, #tpu.memory_space<hbm>> -> memref<256x128xf32, #tpu.memory_space<hbm>>
      %dma_start3A_387 = arith.constant 0 : i32
      %dma_start3A_388 = tpu.memref_slice %arg4[%add3A_77, %dma_start3A_387] : memref<262144x128xf32, #tpu.memory_space<hbm>> -> memref<256x128xf32, #tpu.memory_space<hbm>>
      tpu.enqueue_dma source(%arg7 : memref<256x128xf32, #tpu.memory_space<vmem>>) target(%dma_start3A_388 : memref<256x128xf32, #tpu.memory_space<hbm>>) target_semaphore(%run_scoped3A : memref<!tpu.dma_semaphore, #tpu.memory_space<semaphore_mem>>)
      %dma_wait3A_389 = arith.constant 0 : i32
      %dma_wait3A_390 = tpu.memref_slice %arg4[%add3A_77, %dma_wait3A_389] : memref<262144x128xf32, #tpu.memory_space<hbm>> -> memref<256x128xf32, #tpu.memory_space<hbm>>
      %dma_wait3A_391 = arith.constant 0 : i32
      %dma_wait3A_392 = tpu.memref_slice %arg4[%add3A_77, %dma_wait3A_391] : memref<262144x128xf32, #tpu.memory_space<hbm>> -> memref<256x128xf32, #tpu.memory_space<hbm>>
      tpu.wait_dma2 semaphore(%run_scoped3A : memref<!tpu.dma_semaphore, #tpu.memory_space<semaphore_mem>>) src(%arg7 : memref<256x128xf32, #tpu.memory_space<vmem>>) dst(%dma_wait3A_392 : memref<256x128xf32, #tpu.memory_space<hbm>>)
      tpu.yield
    }) : () -> ()
    %dma_wait3A_78 = arith.constant 1536 : i32
    %dma_wait3A_79 = tpu.memref_slice %arg5[%dma_wait3A_78] : memref<8192xi32, #tpu.memory_space<vmem>> -> memref<256xi32, #tpu.memory_space<vmem>>
    %dma_wait3A_80 = arith.constant 0 : i32
    %dma_wait3A_81 = arith.constant 0 : i32
    %dma_wait3A_82 = tpu.memref_slice %arg2[%dma_wait3A_80, %dma_wait3A_81] : memref<8192x128xf32, #tpu.memory_space<hbm>> -> memref<8192x128xf32, #tpu.memory_space<hbm>>
    tpu.wait_indirect_dma semaphore(%arg8 : memref<!tpu.dma_semaphore, #tpu.memory_space<semaphore_mem>>) src(%dma_wait3A_82 : memref<8192x128xf32, #tpu.memory_space<hbm>>) dst(%arg6 : memref<256x128xf32, #tpu.memory_space<vmem>>)
    %dma_start3A_83 = arith.constant 1792 : i32
    %dma_start3A_84 = tpu.memref_slice %arg5[%dma_start3A_83] : memref<8192xi32, #tpu.memory_space<vmem>> -> memref<256xi32, #tpu.memory_space<vmem>>
    %dma_start3A_85 = arith.constant 0 : i32
    %dma_start3A_86 = arith.constant 0 : i32
    %dma_start3A_87 = tpu.memref_slice %arg2[%dma_start3A_85, %dma_start3A_86] : memref<8192x128xf32, #tpu.memory_space<hbm>> -> memref<8192x128xf32, #tpu.memory_space<hbm>>
    tpu.enqueue_indirect_dma source(%dma_start3A_87 : memref<8192x128xf32, #tpu.memory_space<hbm>>) target(%arg7 : memref<256x128xf32, #tpu.memory_space<vmem>>) offsets(%dma_start3A_84 : memref<256xi32, #tpu.memory_space<vmem>>) semaphore(%arg9 : memref<!tpu.dma_semaphore, #tpu.memory_space<semaphore_mem>>)
    %add3A_88 = arith.constant 1536 : i32
    %add3A_89 = arith.addi %mul3A_2, %add3A_88 : i32
    "tpu.region"() ({
      %run_scoped3A = tpu.sem_alloc : memref<!tpu.dma_semaphore, #tpu.memory_space<semaphore_mem>>
      %dma_start3A_385 = arith.constant 0 : i32
      %dma_start3A_386 = tpu.memref_slice %arg4[%add3A_89, %dma_start3A_385] : memref<262144x128xf32, #tpu.memory_space<hbm>> -> memref<256x128xf32, #tpu.memory_space<hbm>>
      %dma_start3A_387 = arith.constant 0 : i32
      %dma_start3A_388 = tpu.memref_slice %arg4[%add3A_89, %dma_start3A_387] : memref<262144x128xf32, #tpu.memory_space<hbm>> -> memref<256x128xf32, #tpu.memory_space<hbm>>
      tpu.enqueue_dma source(%arg6 : memref<256x128xf32, #tpu.memory_space<vmem>>) target(%dma_start3A_388 : memref<256x128xf32, #tpu.memory_space<hbm>>) target_semaphore(%run_scoped3A : memref<!tpu.dma_semaphore, #tpu.memory_space<semaphore_mem>>)
      %dma_wait3A_389 = arith.constant 0 : i32
      %dma_wait3A_390 = tpu.memref_slice %arg4[%add3A_89, %dma_wait3A_389] : memref<262144x128xf32, #tpu.memory_space<hbm>> -> memref<256x128xf32, #tpu.memory_space<hbm>>
      %dma_wait3A_391 = arith.constant 0 : i32
      %dma_wait3A_392 = tpu.memref_slice %arg4[%add3A_89, %dma_wait3A_391] : memref<262144x128xf32, #tpu.memory_space<hbm>> -> memref<256x128xf32, #tpu.memory_space<hbm>>
      tpu.wait_dma2 semaphore(%run_scoped3A : memref<!tpu.dma_semaphore, #tpu.memory_space<semaphore_mem>>) src(%arg6 : memref<256x128xf32, #tpu.memory_space<vmem>>) dst(%dma_wait3A_392 : memref<256x128xf32, #tpu.memory_space<hbm>>)
      tpu.yield
    }) : () -> ()
    %dma_wait3A_90 = arith.constant 1792 : i32
    %dma_wait3A_91 = tpu.memref_slice %arg5[%dma_wait3A_90] : memref<8192xi32, #tpu.memory_space<vmem>> -> memref<256xi32, #tpu.memory_space<vmem>>
    %dma_wait3A_92 = arith.constant 0 : i32
    %dma_wait3A_93 = arith.constant 0 : i32
    %dma_wait3A_94 = tpu.memref_slice %arg2[%dma_wait3A_92, %dma_wait3A_93] : memref<8192x128xf32, #tpu.memory_space<hbm>> -> memref<8192x128xf32, #tpu.memory_space<hbm>>
    tpu.wait_indirect_dma semaphore(%arg9 : memref<!tpu.dma_semaphore, #tpu.memory_space<semaphore_mem>>) src(%dma_wait3A_94 : memref<8192x128xf32, #tpu.memory_space<hbm>>) dst(%arg7 : memref<256x128xf32, #tpu.memory_space<vmem>>)
    %dma_start3A_95 = arith.constant 2048 : i32
    %dma_start3A_96 = tpu.memref_slice %arg5[%dma_start3A_95] : memref<8192xi32, #tpu.memory_space<vmem>> -> memref<256xi32, #tpu.memory_space<vmem>>
    %dma_start3A_97 = arith.constant 0 : i32
    %dma_start3A_98 = arith.constant 0 : i32
    %dma_start3A_99 = tpu.memref_slice %arg2[%dma_start3A_97, %dma_start3A_98] : memref<8192x128xf32, #tpu.memory_space<hbm>> -> memref<8192x128xf32, #tpu.memory_space<hbm>>
    tpu.enqueue_indirect_dma source(%dma_start3A_99 : memref<8192x128xf32, #tpu.memory_space<hbm>>) target(%arg6 : memref<256x128xf32, #tpu.memory_space<vmem>>) offsets(%dma_start3A_96 : memref<256xi32, #tpu.memory_space<vmem>>) semaphore(%arg8 : memref<!tpu.dma_semaphore, #tpu.memory_space<semaphore_mem>>)
    %add3A_100 = arith.constant 1792 : i32
    %add3A_101 = arith.addi %mul3A_2, %add3A_100 : i32
    "tpu.region"() ({
      %run_scoped3A = tpu.sem_alloc : memref<!tpu.dma_semaphore, #tpu.memory_space<semaphore_mem>>
      %dma_start3A_385 = arith.constant 0 : i32
      %dma_start3A_386 = tpu.memref_slice %arg4[%add3A_101, %dma_start3A_385] : memref<262144x128xf32, #tpu.memory_space<hbm>> -> memref<256x128xf32, #tpu.memory_space<hbm>>
      %dma_start3A_387 = arith.constant 0 : i32
      %dma_start3A_388 = tpu.memref_slice %arg4[%add3A_101, %dma_start3A_387] : memref<262144x128xf32, #tpu.memory_space<hbm>> -> memref<256x128xf32, #tpu.memory_space<hbm>>
      tpu.enqueue_dma source(%arg7 : memref<256x128xf32, #tpu.memory_space<vmem>>) target(%dma_start3A_388 : memref<256x128xf32, #tpu.memory_space<hbm>>) target_semaphore(%run_scoped3A : memref<!tpu.dma_semaphore, #tpu.memory_space<semaphore_mem>>)
      %dma_wait3A_389 = arith.constant 0 : i32
      %dma_wait3A_390 = tpu.memref_slice %arg4[%add3A_101, %dma_wait3A_389] : memref<262144x128xf32, #tpu.memory_space<hbm>> -> memref<256x128xf32, #tpu.memory_space<hbm>>
      %dma_wait3A_391 = arith.constant 0 : i32
      %dma_wait3A_392 = tpu.memref_slice %arg4[%add3A_101, %dma_wait3A_391] : memref<262144x128xf32, #tpu.memory_space<hbm>> -> memref<256x128xf32, #tpu.memory_space<hbm>>
      tpu.wait_dma2 semaphore(%run_scoped3A : memref<!tpu.dma_semaphore, #tpu.memory_space<semaphore_mem>>) src(%arg7 : memref<256x128xf32, #tpu.memory_space<vmem>>) dst(%dma_wait3A_392 : memref<256x128xf32, #tpu.memory_space<hbm>>)
      tpu.yield
    }) : () -> ()
    %dma_wait3A_102 = arith.constant 2048 : i32
    %dma_wait3A_103 = tpu.memref_slice %arg5[%dma_wait3A_102] : memref<8192xi32, #tpu.memory_space<vmem>> -> memref<256xi32, #tpu.memory_space<vmem>>
    %dma_wait3A_104 = arith.constant 0 : i32
    %dma_wait3A_105 = arith.constant 0 : i32
    %dma_wait3A_106 = tpu.memref_slice %arg2[%dma_wait3A_104, %dma_wait3A_105] : memref<8192x128xf32, #tpu.memory_space<hbm>> -> memref<8192x128xf32, #tpu.memory_space<hbm>>
    tpu.wait_indirect_dma semaphore(%arg8 : memref<!tpu.dma_semaphore, #tpu.memory_space<semaphore_mem>>) src(%dma_wait3A_106 : memref<8192x128xf32, #tpu.memory_space<hbm>>) dst(%arg6 : memref<256x128xf32, #tpu.memory_space<vmem>>)
    %dma_start3A_107 = arith.constant 2304 : i32
    %dma_start3A_108 = tpu.memref_slice %arg5[%dma_start3A_107] : memref<8192xi32, #tpu.memory_space<vmem>> -> memref<256xi32, #tpu.memory_space<vmem>>
    %dma_start3A_109 = arith.constant 0 : i32
    %dma_start3A_110 = arith.constant 0 : i32
    %dma_start3A_111 = tpu.memref_slice %arg2[%dma_start3A_109, %dma_start3A_110] : memref<8192x128xf32, #tpu.memory_space<hbm>> -> memref<8192x128xf32, #tpu.memory_space<hbm>>
    tpu.enqueue_indirect_dma source(%dma_start3A_111 : memref<8192x128xf32, #tpu.memory_space<hbm>>) target(%arg7 : memref<256x128xf32, #tpu.memory_space<vmem>>) offsets(%dma_start3A_108 : memref<256xi32, #tpu.memory_space<vmem>>) semaphore(%arg9 : memref<!tpu.dma_semaphore, #tpu.memory_space<semaphore_mem>>)
    %add3A_112 = arith.constant 2048 : i32
    %add3A_113 = arith.addi %mul3A_2, %add3A_112 : i32
    "tpu.region"() ({
      %run_scoped3A = tpu.sem_alloc : memref<!tpu.dma_semaphore, #tpu.memory_space<semaphore_mem>>
      %dma_start3A_385 = arith.constant 0 : i32
      %dma_start3A_386 = tpu.memref_slice %arg4[%add3A_113, %dma_start3A_385] : memref<262144x128xf32, #tpu.memory_space<hbm>> -> memref<256x128xf32, #tpu.memory_space<hbm>>
      %dma_start3A_387 = arith.constant 0 : i32
      %dma_start3A_388 = tpu.memref_slice %arg4[%add3A_113, %dma_start3A_387] : memref<262144x128xf32, #tpu.memory_space<hbm>> -> memref<256x128xf32, #tpu.memory_space<hbm>>
      tpu.enqueue_dma source(%arg6 : memref<256x128xf32, #tpu.memory_space<vmem>>) target(%dma_start3A_388 : memref<256x128xf32, #tpu.memory_space<hbm>>) target_semaphore(%run_scoped3A : memref<!tpu.dma_semaphore, #tpu.memory_space<semaphore_mem>>)
      %dma_wait3A_389 = arith.constant 0 : i32
      %dma_wait3A_390 = tpu.memref_slice %arg4[%add3A_113, %dma_wait3A_389] : memref<262144x128xf32, #tpu.memory_space<hbm>> -> memref<256x128xf32, #tpu.memory_space<hbm>>
      %dma_wait3A_391 = arith.constant 0 : i32
      %dma_wait3A_392 = tpu.memref_slice %arg4[%add3A_113, %dma_wait3A_391] : memref<262144x128xf32, #tpu.memory_space<hbm>> -> memref<256x128xf32, #tpu.memory_space<hbm>>
      tpu.wait_dma2 semaphore(%run_scoped3A : memref<!tpu.dma_semaphore, #tpu.memory_space<semaphore_mem>>) src(%arg6 : memref<256x128xf32, #tpu.memory_space<vmem>>) dst(%dma_wait3A_392 : memref<256x128xf32, #tpu.memory_space<hbm>>)
      tpu.yield
    }) : () -> ()
    %dma_wait3A_114 = arith.constant 2304 : i32
    %dma_wait3A_115 = tpu.memref_slice %arg5[%dma_wait3A_114] : memref<8192xi32, #tpu.memory_space<vmem>> -> memref<256xi32, #tpu.memory_space<vmem>>
    %dma_wait3A_116 = arith.constant 0 : i32
    %dma_wait3A_117 = arith.constant 0 : i32
    %dma_wait3A_118 = tpu.memref_slice %arg2[%dma_wait3A_116, %dma_wait3A_117] : memref<8192x128xf32, #tpu.memory_space<hbm>> -> memref<8192x128xf32, #tpu.memory_space<hbm>>
    tpu.wait_indirect_dma semaphore(%arg9 : memref<!tpu.dma_semaphore, #tpu.memory_space<semaphore_mem>>) src(%dma_wait3A_118 : memref<8192x128xf32, #tpu.memory_space<hbm>>) dst(%arg7 : memref<256x128xf32, #tpu.memory_space<vmem>>)
    %dma_start3A_119 = arith.constant 2560 : i32
    %dma_start3A_120 = tpu.memref_slice %arg5[%dma_start3A_119] : memref<8192xi32, #tpu.memory_space<vmem>> -> memref<256xi32, #tpu.memory_space<vmem>>
    %dma_start3A_121 = arith.constant 0 : i32
    %dma_start3A_122 = arith.constant 0 : i32
    %dma_start3A_123 = tpu.memref_slice %arg2[%dma_start3A_121, %dma_start3A_122] : memref<8192x128xf32, #tpu.memory_space<hbm>> -> memref<8192x128xf32, #tpu.memory_space<hbm>>
    tpu.enqueue_indirect_dma source(%dma_start3A_123 : memref<8192x128xf32, #tpu.memory_space<hbm>>) target(%arg6 : memref<256x128xf32, #tpu.memory_space<vmem>>) offsets(%dma_start3A_120 : memref<256xi32, #tpu.memory_space<vmem>>) semaphore(%arg8 : memref<!tpu.dma_semaphore, #tpu.memory_space<semaphore_mem>>)
    %add3A_124 = arith.constant 2304 : i32
    %add3A_125 = arith.addi %mul3A_2, %add3A_124 : i32
    "tpu.region"() ({
      %run_scoped3A = tpu.sem_alloc : memref<!tpu.dma_semaphore, #tpu.memory_space<semaphore_mem>>
      %dma_start3A_385 = arith.constant 0 : i32
      %dma_start3A_386 = tpu.memref_slice %arg4[%add3A_125, %dma_start3A_385] : memref<262144x128xf32, #tpu.memory_space<hbm>> -> memref<256x128xf32, #tpu.memory_space<hbm>>
      %dma_start3A_387 = arith.constant 0 : i32
      %dma_start3A_388 = tpu.memref_slice %arg4[%add3A_125, %dma_start3A_387] : memref<262144x128xf32, #tpu.memory_space<hbm>> -> memref<256x128xf32, #tpu.memory_space<hbm>>
      tpu.enqueue_dma source(%arg7 : memref<256x128xf32, #tpu.memory_space<vmem>>) target(%dma_start3A_388 : memref<256x128xf32, #tpu.memory_space<hbm>>) target_semaphore(%run_scoped3A : memref<!tpu.dma_semaphore, #tpu.memory_space<semaphore_mem>>)
      %dma_wait3A_389 = arith.constant 0 : i32
      %dma_wait3A_390 = tpu.memref_slice %arg4[%add3A_125, %dma_wait3A_389] : memref<262144x128xf32, #tpu.memory_space<hbm>> -> memref<256x128xf32, #tpu.memory_space<hbm>>
      %dma_wait3A_391 = arith.constant 0 : i32
      %dma_wait3A_392 = tpu.memref_slice %arg4[%add3A_125, %dma_wait3A_391] : memref<262144x128xf32, #tpu.memory_space<hbm>> -> memref<256x128xf32, #tpu.memory_space<hbm>>
      tpu.wait_dma2 semaphore(%run_scoped3A : memref<!tpu.dma_semaphore, #tpu.memory_space<semaphore_mem>>) src(%arg7 : memref<256x128xf32, #tpu.memory_space<vmem>>) dst(%dma_wait3A_392 : memref<256x128xf32, #tpu.memory_space<hbm>>)
      tpu.yield
    }) : () -> ()
    %dma_wait3A_126 = arith.constant 2560 : i32
    %dma_wait3A_127 = tpu.memref_slice %arg5[%dma_wait3A_126] : memref<8192xi32, #tpu.memory_space<vmem>> -> memref<256xi32, #tpu.memory_space<vmem>>
    %dma_wait3A_128 = arith.constant 0 : i32
    %dma_wait3A_129 = arith.constant 0 : i32
    %dma_wait3A_130 = tpu.memref_slice %arg2[%dma_wait3A_128, %dma_wait3A_129] : memref<8192x128xf32, #tpu.memory_space<hbm>> -> memref<8192x128xf32, #tpu.memory_space<hbm>>
    tpu.wait_indirect_dma semaphore(%arg8 : memref<!tpu.dma_semaphore, #tpu.memory_space<semaphore_mem>>) src(%dma_wait3A_130 : memref<8192x128xf32, #tpu.memory_space<hbm>>) dst(%arg6 : memref<256x128xf32, #tpu.memory_space<vmem>>)
    %dma_start3A_131 = arith.constant 2816 : i32
    %dma_start3A_132 = tpu.memref_slice %arg5[%dma_start3A_131] : memref<8192xi32, #tpu.memory_space<vmem>> -> memref<256xi32, #tpu.memory_space<vmem>>
    %dma_start3A_133 = arith.constant 0 : i32
    %dma_start3A_134 = arith.constant 0 : i32
    %dma_start3A_135 = tpu.memref_slice %arg2[%dma_start3A_133, %dma_start3A_134] : memref<8192x128xf32, #tpu.memory_space<hbm>> -> memref<8192x128xf32, #tpu.memory_space<hbm>>
    tpu.enqueue_indirect_dma source(%dma_start3A_135 : memref<8192x128xf32, #tpu.memory_space<hbm>>) target(%arg7 : memref<256x128xf32, #tpu.memory_space<vmem>>) offsets(%dma_start3A_132 : memref<256xi32, #tpu.memory_space<vmem>>) semaphore(%arg9 : memref<!tpu.dma_semaphore, #tpu.memory_space<semaphore_mem>>)
    %add3A_136 = arith.constant 2560 : i32
    %add3A_137 = arith.addi %mul3A_2, %add3A_136 : i32
    "tpu.region"() ({
      %run_scoped3A = tpu.sem_alloc : memref<!tpu.dma_semaphore, #tpu.memory_space<semaphore_mem>>
      %dma_start3A_385 = arith.constant 0 : i32
      %dma_start3A_386 = tpu.memref_slice %arg4[%add3A_137, %dma_start3A_385] : memref<262144x128xf32, #tpu.memory_space<hbm>> -> memref<256x128xf32, #tpu.memory_space<hbm>>
      %dma_start3A_387 = arith.constant 0 : i32
      %dma_start3A_388 = tpu.memref_slice %arg4[%add3A_137, %dma_start3A_387] : memref<262144x128xf32, #tpu.memory_space<hbm>> -> memref<256x128xf32, #tpu.memory_space<hbm>>
      tpu.enqueue_dma source(%arg6 : memref<256x128xf32, #tpu.memory_space<vmem>>) target(%dma_start3A_388 : memref<256x128xf32, #tpu.memory_space<hbm>>) target_semaphore(%run_scoped3A : memref<!tpu.dma_semaphore, #tpu.memory_space<semaphore_mem>>)
      %dma_wait3A_389 = arith.constant 0 : i32
      %dma_wait3A_390 = tpu.memref_slice %arg4[%add3A_137, %dma_wait3A_389] : memref<262144x128xf32, #tpu.memory_space<hbm>> -> memref<256x128xf32, #tpu.memory_space<hbm>>
      %dma_wait3A_391 = arith.constant 0 : i32
      %dma_wait3A_392 = tpu.memref_slice %arg4[%add3A_137, %dma_wait3A_391] : memref<262144x128xf32, #tpu.memory_space<hbm>> -> memref<256x128xf32, #tpu.memory_space<hbm>>
      tpu.wait_dma2 semaphore(%run_scoped3A : memref<!tpu.dma_semaphore, #tpu.memory_space<semaphore_mem>>) src(%arg6 : memref<256x128xf32, #tpu.memory_space<vmem>>) dst(%dma_wait3A_392 : memref<256x128xf32, #tpu.memory_space<hbm>>)
      tpu.yield
    }) : () -> ()
    %dma_wait3A_138 = arith.constant 2816 : i32
    %dma_wait3A_139 = tpu.memref_slice %arg5[%dma_wait3A_138] : memref<8192xi32, #tpu.memory_space<vmem>> -> memref<256xi32, #tpu.memory_space<vmem>>
    %dma_wait3A_140 = arith.constant 0 : i32
    %dma_wait3A_141 = arith.constant 0 : i32
    %dma_wait3A_142 = tpu.memref_slice %arg2[%dma_wait3A_140, %dma_wait3A_141] : memref<8192x128xf32, #tpu.memory_space<hbm>> -> memref<8192x128xf32, #tpu.memory_space<hbm>>
    tpu.wait_indirect_dma semaphore(%arg9 : memref<!tpu.dma_semaphore, #tpu.memory_space<semaphore_mem>>) src(%dma_wait3A_142 : memref<8192x128xf32, #tpu.memory_space<hbm>>) dst(%arg7 : memref<256x128xf32, #tpu.memory_space<vmem>>)
    %dma_start3A_143 = arith.constant 3072 : i32
    %dma_start3A_144 = tpu.memref_slice %arg5[%dma_start3A_143] : memref<8192xi32, #tpu.memory_space<vmem>> -> memref<256xi32, #tpu.memory_space<vmem>>
    %dma_start3A_145 = arith.constant 0 : i32
    %dma_start3A_146 = arith.constant 0 : i32
    %dma_start3A_147 = tpu.memref_slice %arg2[%dma_start3A_145, %dma_start3A_146] : memref<8192x128xf32, #tpu.memory_space<hbm>> -> memref<8192x128xf32, #tpu.memory_space<hbm>>
    tpu.enqueue_indirect_dma source(%dma_start3A_147 : memref<8192x128xf32, #tpu.memory_space<hbm>>) target(%arg6 : memref<256x128xf32, #tpu.memory_space<vmem>>) offsets(%dma_start3A_144 : memref<256xi32, #tpu.memory_space<vmem>>) semaphore(%arg8 : memref<!tpu.dma_semaphore, #tpu.memory_space<semaphore_mem>>)
    %add3A_148 = arith.constant 2816 : i32
    %add3A_149 = arith.addi %mul3A_2, %add3A_148 : i32
    "tpu.region"() ({
      %run_scoped3A = tpu.sem_alloc : memref<!tpu.dma_semaphore, #tpu.memory_space<semaphore_mem>>
      %dma_start3A_385 = arith.constant 0 : i32
      %dma_start3A_386 = tpu.memref_slice %arg4[%add3A_149, %dma_start3A_385] : memref<262144x128xf32, #tpu.memory_space<hbm>> -> memref<256x128xf32, #tpu.memory_space<hbm>>
      %dma_start3A_387 = arith.constant 0 : i32
      %dma_start3A_388 = tpu.memref_slice %arg4[%add3A_149, %dma_start3A_387] : memref<262144x128xf32, #tpu.memory_space<hbm>> -> memref<256x128xf32, #tpu.memory_space<hbm>>
      tpu.enqueue_dma source(%arg7 : memref<256x128xf32, #tpu.memory_space<vmem>>) target(%dma_start3A_388 : memref<256x128xf32, #tpu.memory_space<hbm>>) target_semaphore(%run_scoped3A : memref<!tpu.dma_semaphore, #tpu.memory_space<semaphore_mem>>)
      %dma_wait3A_389 = arith.constant 0 : i32
      %dma_wait3A_390 = tpu.memref_slice %arg4[%add3A_149, %dma_wait3A_389] : memref<262144x128xf32, #tpu.memory_space<hbm>> -> memref<256x128xf32, #tpu.memory_space<hbm>>
      %dma_wait3A_391 = arith.constant 0 : i32
      %dma_wait3A_392 = tpu.memref_slice %arg4[%add3A_149, %dma_wait3A_391] : memref<262144x128xf32, #tpu.memory_space<hbm>> -> memref<256x128xf32, #tpu.memory_space<hbm>>
      tpu.wait_dma2 semaphore(%run_scoped3A : memref<!tpu.dma_semaphore, #tpu.memory_space<semaphore_mem>>) src(%arg7 : memref<256x128xf32, #tpu.memory_space<vmem>>) dst(%dma_wait3A_392 : memref<256x128xf32, #tpu.memory_space<hbm>>)
      tpu.yield
    }) : () -> ()
    %dma_wait3A_150 = arith.constant 3072 : i32
    %dma_wait3A_151 = tpu.memref_slice %arg5[%dma_wait3A_150] : memref<8192xi32, #tpu.memory_space<vmem>> -> memref<256xi32, #tpu.memory_space<vmem>>
    %dma_wait3A_152 = arith.constant 0 : i32
    %dma_wait3A_153 = arith.constant 0 : i32
    %dma_wait3A_154 = tpu.memref_slice %arg2[%dma_wait3A_152, %dma_wait3A_153] : memref<8192x128xf32, #tpu.memory_space<hbm>> -> memref<8192x128xf32, #tpu.memory_space<hbm>>
    tpu.wait_indirect_dma semaphore(%arg8 : memref<!tpu.dma_semaphore, #tpu.memory_space<semaphore_mem>>) src(%dma_wait3A_154 : memref<8192x128xf32, #tpu.memory_space<hbm>>) dst(%arg6 : memref<256x128xf32, #tpu.memory_space<vmem>>)
    %dma_start3A_155 = arith.constant 3328 : i32
    %dma_start3A_156 = tpu.memref_slice %arg5[%dma_start3A_155] : memref<8192xi32, #tpu.memory_space<vmem>> -> memref<256xi32, #tpu.memory_space<vmem>>
    %dma_start3A_157 = arith.constant 0 : i32
    %dma_start3A_158 = arith.constant 0 : i32
    %dma_start3A_159 = tpu.memref_slice %arg2[%dma_start3A_157, %dma_start3A_158] : memref<8192x128xf32, #tpu.memory_space<hbm>> -> memref<8192x128xf32, #tpu.memory_space<hbm>>
    tpu.enqueue_indirect_dma source(%dma_start3A_159 : memref<8192x128xf32, #tpu.memory_space<hbm>>) target(%arg7 : memref<256x128xf32, #tpu.memory_space<vmem>>) offsets(%dma_start3A_156 : memref<256xi32, #tpu.memory_space<vmem>>) semaphore(%arg9 : memref<!tpu.dma_semaphore, #tpu.memory_space<semaphore_mem>>)
    %add3A_160 = arith.constant 3072 : i32
    %add3A_161 = arith.addi %mul3A_2, %add3A_160 : i32
    "tpu.region"() ({
      %run_scoped3A = tpu.sem_alloc : memref<!tpu.dma_semaphore, #tpu.memory_space<semaphore_mem>>
      %dma_start3A_385 = arith.constant 0 : i32
      %dma_start3A_386 = tpu.memref_slice %arg4[%add3A_161, %dma_start3A_385] : memref<262144x128xf32, #tpu.memory_space<hbm>> -> memref<256x128xf32, #tpu.memory_space<hbm>>
      %dma_start3A_387 = arith.constant 0 : i32
      %dma_start3A_388 = tpu.memref_slice %arg4[%add3A_161, %dma_start3A_387] : memref<262144x128xf32, #tpu.memory_space<hbm>> -> memref<256x128xf32, #tpu.memory_space<hbm>>
      tpu.enqueue_dma source(%arg6 : memref<256x128xf32, #tpu.memory_space<vmem>>) target(%dma_start3A_388 : memref<256x128xf32, #tpu.memory_space<hbm>>) target_semaphore(%run_scoped3A : memref<!tpu.dma_semaphore, #tpu.memory_space<semaphore_mem>>)
      %dma_wait3A_389 = arith.constant 0 : i32
      %dma_wait3A_390 = tpu.memref_slice %arg4[%add3A_161, %dma_wait3A_389] : memref<262144x128xf32, #tpu.memory_space<hbm>> -> memref<256x128xf32, #tpu.memory_space<hbm>>
      %dma_wait3A_391 = arith.constant 0 : i32
      %dma_wait3A_392 = tpu.memref_slice %arg4[%add3A_161, %dma_wait3A_391] : memref<262144x128xf32, #tpu.memory_space<hbm>> -> memref<256x128xf32, #tpu.memory_space<hbm>>
      tpu.wait_dma2 semaphore(%run_scoped3A : memref<!tpu.dma_semaphore, #tpu.memory_space<semaphore_mem>>) src(%arg6 : memref<256x128xf32, #tpu.memory_space<vmem>>) dst(%dma_wait3A_392 : memref<256x128xf32, #tpu.memory_space<hbm>>)
      tpu.yield
    }) : () -> ()
    %dma_wait3A_162 = arith.constant 3328 : i32
    %dma_wait3A_163 = tpu.memref_slice %arg5[%dma_wait3A_162] : memref<8192xi32, #tpu.memory_space<vmem>> -> memref<256xi32, #tpu.memory_space<vmem>>
    %dma_wait3A_164 = arith.constant 0 : i32
    %dma_wait3A_165 = arith.constant 0 : i32
    %dma_wait3A_166 = tpu.memref_slice %arg2[%dma_wait3A_164, %dma_wait3A_165] : memref<8192x128xf32, #tpu.memory_space<hbm>> -> memref<8192x128xf32, #tpu.memory_space<hbm>>
    tpu.wait_indirect_dma semaphore(%arg9 : memref<!tpu.dma_semaphore, #tpu.memory_space<semaphore_mem>>) src(%dma_wait3A_166 : memref<8192x128xf32, #tpu.memory_space<hbm>>) dst(%arg7 : memref<256x128xf32, #tpu.memory_space<vmem>>)
    %dma_start3A_167 = arith.constant 3584 : i32
    %dma_start3A_168 = tpu.memref_slice %arg5[%dma_start3A_167] : memref<8192xi32, #tpu.memory_space<vmem>> -> memref<256xi32, #tpu.memory_space<vmem>>
    %dma_start3A_169 = arith.constant 0 : i32
    %dma_start3A_170 = arith.constant 0 : i32
    %dma_start3A_171 = tpu.memref_slice %arg2[%dma_start3A_169, %dma_start3A_170] : memref<8192x128xf32, #tpu.memory_space<hbm>> -> memref<8192x128xf32, #tpu.memory_space<hbm>>
    tpu.enqueue_indirect_dma source(%dma_start3A_171 : memref<8192x128xf32, #tpu.memory_space<hbm>>) target(%arg6 : memref<256x128xf32, #tpu.memory_space<vmem>>) offsets(%dma_start3A_168 : memref<256xi32, #tpu.memory_space<vmem>>) semaphore(%arg8 : memref<!tpu.dma_semaphore, #tpu.memory_space<semaphore_mem>>)
    %add3A_172 = arith.constant 3328 : i32
    %add3A_173 = arith.addi %mul3A_2, %add3A_172 : i32
    "tpu.region"() ({
      %run_scoped3A = tpu.sem_alloc : memref<!tpu.dma_semaphore, #tpu.memory_space<semaphore_mem>>
      %dma_start3A_385 = arith.constant 0 : i32
      %dma_start3A_386 = tpu.memref_slice %arg4[%add3A_173, %dma_start3A_385] : memref<262144x128xf32, #tpu.memory_space<hbm>> -> memref<256x128xf32, #tpu.memory_space<hbm>>
      %dma_start3A_387 = arith.constant 0 : i32
      %dma_start3A_388 = tpu.memref_slice %arg4[%add3A_173, %dma_start3A_387] : memref<262144x128xf32, #tpu.memory_space<hbm>> -> memref<256x128xf32, #tpu.memory_space<hbm>>
      tpu.enqueue_dma source(%arg7 : memref<256x128xf32, #tpu.memory_space<vmem>>) target(%dma_start3A_388 : memref<256x128xf32, #tpu.memory_space<hbm>>) target_semaphore(%run_scoped3A : memref<!tpu.dma_semaphore, #tpu.memory_space<semaphore_mem>>)
      %dma_wait3A_389 = arith.constant 0 : i32
      %dma_wait3A_390 = tpu.memref_slice %arg4[%add3A_173, %dma_wait3A_389] : memref<262144x128xf32, #tpu.memory_space<hbm>> -> memref<256x128xf32, #tpu.memory_space<hbm>>
      %dma_wait3A_391 = arith.constant 0 : i32
      %dma_wait3A_392 = tpu.memref_slice %arg4[%add3A_173, %dma_wait3A_391] : memref<262144x128xf32, #tpu.memory_space<hbm>> -> memref<256x128xf32, #tpu.memory_space<hbm>>
      tpu.wait_dma2 semaphore(%run_scoped3A : memref<!tpu.dma_semaphore, #tpu.memory_space<semaphore_mem>>) src(%arg7 : memref<256x128xf32, #tpu.memory_space<vmem>>) dst(%dma_wait3A_392 : memref<256x128xf32, #tpu.memory_space<hbm>>)
      tpu.yield
    }) : () -> ()
    %dma_wait3A_174 = arith.constant 3584 : i32
    %dma_wait3A_175 = tpu.memref_slice %arg5[%dma_wait3A_174] : memref<8192xi32, #tpu.memory_space<vmem>> -> memref<256xi32, #tpu.memory_space<vmem>>
    %dma_wait3A_176 = arith.constant 0 : i32
    %dma_wait3A_177 = arith.constant 0 : i32
    %dma_wait3A_178 = tpu.memref_slice %arg2[%dma_wait3A_176, %dma_wait3A_177] : memref<8192x128xf32, #tpu.memory_space<hbm>> -> memref<8192x128xf32, #tpu.memory_space<hbm>>
    tpu.wait_indirect_dma semaphore(%arg8 : memref<!tpu.dma_semaphore, #tpu.memory_space<semaphore_mem>>) src(%dma_wait3A_178 : memref<8192x128xf32, #tpu.memory_space<hbm>>) dst(%arg6 : memref<256x128xf32, #tpu.memory_space<vmem>>)
    %dma_start3A_179 = arith.constant 3840 : i32
    %dma_start3A_180 = tpu.memref_slice %arg5[%dma_start3A_179] : memref<8192xi32, #tpu.memory_space<vmem>> -> memref<256xi32, #tpu.memory_space<vmem>>
    %dma_start3A_181 = arith.constant 0 : i32
    %dma_start3A_182 = arith.constant 0 : i32
    %dma_start3A_183 = tpu.memref_slice %arg2[%dma_start3A_181, %dma_start3A_182] : memref<8192x128xf32, #tpu.memory_space<hbm>> -> memref<8192x128xf32, #tpu.memory_space<hbm>>
    tpu.enqueue_indirect_dma source(%dma_start3A_183 : memref<8192x128xf32, #tpu.memory_space<hbm>>) target(%arg7 : memref<256x128xf32, #tpu.memory_space<vmem>>) offsets(%dma_start3A_180 : memref<256xi32, #tpu.memory_space<vmem>>) semaphore(%arg9 : memref<!tpu.dma_semaphore, #tpu.memory_space<semaphore_mem>>)
    %add3A_184 = arith.constant 3584 : i32
    %add3A_185 = arith.addi %mul3A_2, %add3A_184 : i32
    "tpu.region"() ({
      %run_scoped3A = tpu.sem_alloc : memref<!tpu.dma_semaphore, #tpu.memory_space<semaphore_mem>>
      %dma_start3A_385 = arith.constant 0 : i32
      %dma_start3A_386 = tpu.memref_slice %arg4[%add3A_185, %dma_start3A_385] : memref<262144x128xf32, #tpu.memory_space<hbm>> -> memref<256x128xf32, #tpu.memory_space<hbm>>
      %dma_start3A_387 = arith.constant 0 : i32
      %dma_start3A_388 = tpu.memref_slice %arg4[%add3A_185, %dma_start3A_387] : memref<262144x128xf32, #tpu.memory_space<hbm>> -> memref<256x128xf32, #tpu.memory_space<hbm>>
      tpu.enqueue_dma source(%arg6 : memref<256x128xf32, #tpu.memory_space<vmem>>) target(%dma_start3A_388 : memref<256x128xf32, #tpu.memory_space<hbm>>) target_semaphore(%run_scoped3A : memref<!tpu.dma_semaphore, #tpu.memory_space<semaphore_mem>>)
      %dma_wait3A_389 = arith.constant 0 : i32
      %dma_wait3A_390 = tpu.memref_slice %arg4[%add3A_185, %dma_wait3A_389] : memref<262144x128xf32, #tpu.memory_space<hbm>> -> memref<256x128xf32, #tpu.memory_space<hbm>>
      %dma_wait3A_391 = arith.constant 0 : i32
      %dma_wait3A_392 = tpu.memref_slice %arg4[%add3A_185, %dma_wait3A_391] : memref<262144x128xf32, #tpu.memory_space<hbm>> -> memref<256x128xf32, #tpu.memory_space<hbm>>
      tpu.wait_dma2 semaphore(%run_scoped3A : memref<!tpu.dma_semaphore, #tpu.memory_space<semaphore_mem>>) src(%arg6 : memref<256x128xf32, #tpu.memory_space<vmem>>) dst(%dma_wait3A_392 : memref<256x128xf32, #tpu.memory_space<hbm>>)
      tpu.yield
    }) : () -> ()
    %dma_wait3A_186 = arith.constant 3840 : i32
    %dma_wait3A_187 = tpu.memref_slice %arg5[%dma_wait3A_186] : memref<8192xi32, #tpu.memory_space<vmem>> -> memref<256xi32, #tpu.memory_space<vmem>>
    %dma_wait3A_188 = arith.constant 0 : i32
    %dma_wait3A_189 = arith.constant 0 : i32
    %dma_wait3A_190 = tpu.memref_slice %arg2[%dma_wait3A_188, %dma_wait3A_189] : memref<8192x128xf32, #tpu.memory_space<hbm>> -> memref<8192x128xf32, #tpu.memory_space<hbm>>
    tpu.wait_indirect_dma semaphore(%arg9 : memref<!tpu.dma_semaphore, #tpu.memory_space<semaphore_mem>>) src(%dma_wait3A_190 : memref<8192x128xf32, #tpu.memory_space<hbm>>) dst(%arg7 : memref<256x128xf32, #tpu.memory_space<vmem>>)
    %dma_start3A_191 = arith.constant 4096 : i32
    %dma_start3A_192 = tpu.memref_slice %arg5[%dma_start3A_191] : memref<8192xi32, #tpu.memory_space<vmem>> -> memref<256xi32, #tpu.memory_space<vmem>>
    %dma_start3A_193 = arith.constant 0 : i32
    %dma_start3A_194 = arith.constant 0 : i32
    %dma_start3A_195 = tpu.memref_slice %arg2[%dma_start3A_193, %dma_start3A_194] : memref<8192x128xf32, #tpu.memory_space<hbm>> -> memref<8192x128xf32, #tpu.memory_space<hbm>>
    tpu.enqueue_indirect_dma source(%dma_start3A_195 : memref<8192x128xf32, #tpu.memory_space<hbm>>) target(%arg6 : memref<256x128xf32, #tpu.memory_space<vmem>>) offsets(%dma_start3A_192 : memref<256xi32, #tpu.memory_space<vmem>>) semaphore(%arg8 : memref<!tpu.dma_semaphore, #tpu.memory_space<semaphore_mem>>)
    %add3A_196 = arith.constant 3840 : i32
    %add3A_197 = arith.addi %mul3A_2, %add3A_196 : i32
    "tpu.region"() ({
      %run_scoped3A = tpu.sem_alloc : memref<!tpu.dma_semaphore, #tpu.memory_space<semaphore_mem>>
      %dma_start3A_385 = arith.constant 0 : i32
      %dma_start3A_386 = tpu.memref_slice %arg4[%add3A_197, %dma_start3A_385] : memref<262144x128xf32, #tpu.memory_space<hbm>> -> memref<256x128xf32, #tpu.memory_space<hbm>>
      %dma_start3A_387 = arith.constant 0 : i32
      %dma_start3A_388 = tpu.memref_slice %arg4[%add3A_197, %dma_start3A_387] : memref<262144x128xf32, #tpu.memory_space<hbm>> -> memref<256x128xf32, #tpu.memory_space<hbm>>
      tpu.enqueue_dma source(%arg7 : memref<256x128xf32, #tpu.memory_space<vmem>>) target(%dma_start3A_388 : memref<256x128xf32, #tpu.memory_space<hbm>>) target_semaphore(%run_scoped3A : memref<!tpu.dma_semaphore, #tpu.memory_space<semaphore_mem>>)
      %dma_wait3A_389 = arith.constant 0 : i32
      %dma_wait3A_390 = tpu.memref_slice %arg4[%add3A_197, %dma_wait3A_389] : memref<262144x128xf32, #tpu.memory_space<hbm>> -> memref<256x128xf32, #tpu.memory_space<hbm>>
      %dma_wait3A_391 = arith.constant 0 : i32
      %dma_wait3A_392 = tpu.memref_slice %arg4[%add3A_197, %dma_wait3A_391] : memref<262144x128xf32, #tpu.memory_space<hbm>> -> memref<256x128xf32, #tpu.memory_space<hbm>>
      tpu.wait_dma2 semaphore(%run_scoped3A : memref<!tpu.dma_semaphore, #tpu.memory_space<semaphore_mem>>) src(%arg7 : memref<256x128xf32, #tpu.memory_space<vmem>>) dst(%dma_wait3A_392 : memref<256x128xf32, #tpu.memory_space<hbm>>)
      tpu.yield
    }) : () -> ()
    %dma_wait3A_198 = arith.constant 4096 : i32
    %dma_wait3A_199 = tpu.memref_slice %arg5[%dma_wait3A_198] : memref<8192xi32, #tpu.memory_space<vmem>> -> memref<256xi32, #tpu.memory_space<vmem>>
    %dma_wait3A_200 = arith.constant 0 : i32
    %dma_wait3A_201 = arith.constant 0 : i32
    %dma_wait3A_202 = tpu.memref_slice %arg2[%dma_wait3A_200, %dma_wait3A_201] : memref<8192x128xf32, #tpu.memory_space<hbm>> -> memref<8192x128xf32, #tpu.memory_space<hbm>>
    tpu.wait_indirect_dma semaphore(%arg8 : memref<!tpu.dma_semaphore, #tpu.memory_space<semaphore_mem>>) src(%dma_wait3A_202 : memref<8192x128xf32, #tpu.memory_space<hbm>>) dst(%arg6 : memref<256x128xf32, #tpu.memory_space<vmem>>)
    %dma_start3A_203 = arith.constant 4352 : i32
    %dma_start3A_204 = tpu.memref_slice %arg5[%dma_start3A_203] : memref<8192xi32, #tpu.memory_space<vmem>> -> memref<256xi32, #tpu.memory_space<vmem>>
    %dma_start3A_205 = arith.constant 0 : i32
    %dma_start3A_206 = arith.constant 0 : i32
    %dma_start3A_207 = tpu.memref_slice %arg2[%dma_start3A_205, %dma_start3A_206] : memref<8192x128xf32, #tpu.memory_space<hbm>> -> memref<8192x128xf32, #tpu.memory_space<hbm>>
    tpu.enqueue_indirect_dma source(%dma_start3A_207 : memref<8192x128xf32, #tpu.memory_space<hbm>>) target(%arg7 : memref<256x128xf32, #tpu.memory_space<vmem>>) offsets(%dma_start3A_204 : memref<256xi32, #tpu.memory_space<vmem>>) semaphore(%arg9 : memref<!tpu.dma_semaphore, #tpu.memory_space<semaphore_mem>>)
    %add3A_208 = arith.constant 4096 : i32
    %add3A_209 = arith.addi %mul3A_2, %add3A_208 : i32
    "tpu.region"() ({
      %run_scoped3A = tpu.sem_alloc : memref<!tpu.dma_semaphore, #tpu.memory_space<semaphore_mem>>
      %dma_start3A_385 = arith.constant 0 : i32
      %dma_start3A_386 = tpu.memref_slice %arg4[%add3A_209, %dma_start3A_385] : memref<262144x128xf32, #tpu.memory_space<hbm>> -> memref<256x128xf32, #tpu.memory_space<hbm>>
      %dma_start3A_387 = arith.constant 0 : i32
      %dma_start3A_388 = tpu.memref_slice %arg4[%add3A_209, %dma_start3A_387] : memref<262144x128xf32, #tpu.memory_space<hbm>> -> memref<256x128xf32, #tpu.memory_space<hbm>>
      tpu.enqueue_dma source(%arg6 : memref<256x128xf32, #tpu.memory_space<vmem>>) target(%dma_start3A_388 : memref<256x128xf32, #tpu.memory_space<hbm>>) target_semaphore(%run_scoped3A : memref<!tpu.dma_semaphore, #tpu.memory_space<semaphore_mem>>)
      %dma_wait3A_389 = arith.constant 0 : i32
      %dma_wait3A_390 = tpu.memref_slice %arg4[%add3A_209, %dma_wait3A_389] : memref<262144x128xf32, #tpu.memory_space<hbm>> -> memref<256x128xf32, #tpu.memory_space<hbm>>
      %dma_wait3A_391 = arith.constant 0 : i32
      %dma_wait3A_392 = tpu.memref_slice %arg4[%add3A_209, %dma_wait3A_391] : memref<262144x128xf32, #tpu.memory_space<hbm>> -> memref<256x128xf32, #tpu.memory_space<hbm>>
      tpu.wait_dma2 semaphore(%run_scoped3A : memref<!tpu.dma_semaphore, #tpu.memory_space<semaphore_mem>>) src(%arg6 : memref<256x128xf32, #tpu.memory_space<vmem>>) dst(%dma_wait3A_392 : memref<256x128xf32, #tpu.memory_space<hbm>>)
      tpu.yield
    }) : () -> ()
    %dma_wait3A_210 = arith.constant 4352 : i32
    %dma_wait3A_211 = tpu.memref_slice %arg5[%dma_wait3A_210] : memref<8192xi32, #tpu.memory_space<vmem>> -> memref<256xi32, #tpu.memory_space<vmem>>
    %dma_wait3A_212 = arith.constant 0 : i32
    %dma_wait3A_213 = arith.constant 0 : i32
    %dma_wait3A_214 = tpu.memref_slice %arg2[%dma_wait3A_212, %dma_wait3A_213] : memref<8192x128xf32, #tpu.memory_space<hbm>> -> memref<8192x128xf32, #tpu.memory_space<hbm>>
    tpu.wait_indirect_dma semaphore(%arg9 : memref<!tpu.dma_semaphore, #tpu.memory_space<semaphore_mem>>) src(%dma_wait3A_214 : memref<8192x128xf32, #tpu.memory_space<hbm>>) dst(%arg7 : memref<256x128xf32, #tpu.memory_space<vmem>>)
    %dma_start3A_215 = arith.constant 4608 : i32
    %dma_start3A_216 = tpu.memref_slice %arg5[%dma_start3A_215] : memref<8192xi32, #tpu.memory_space<vmem>> -> memref<256xi32, #tpu.memory_space<vmem>>
    %dma_start3A_217 = arith.constant 0 : i32
    %dma_start3A_218 = arith.constant 0 : i32
    %dma_start3A_219 = tpu.memref_slice %arg2[%dma_start3A_217, %dma_start3A_218] : memref<8192x128xf32, #tpu.memory_space<hbm>> -> memref<8192x128xf32, #tpu.memory_space<hbm>>
    tpu.enqueue_indirect_dma source(%dma_start3A_219 : memref<8192x128xf32, #tpu.memory_space<hbm>>) target(%arg6 : memref<256x128xf32, #tpu.memory_space<vmem>>) offsets(%dma_start3A_216 : memref<256xi32, #tpu.memory_space<vmem>>) semaphore(%arg8 : memref<!tpu.dma_semaphore, #tpu.memory_space<semaphore_mem>>)
    %add3A_220 = arith.constant 4352 : i32
    %add3A_221 = arith.addi %mul3A_2, %add3A_220 : i32
    "tpu.region"() ({
      %run_scoped3A = tpu.sem_alloc : memref<!tpu.dma_semaphore, #tpu.memory_space<semaphore_mem>>
      %dma_start3A_385 = arith.constant 0 : i32
      %dma_start3A_386 = tpu.memref_slice %arg4[%add3A_221, %dma_start3A_385] : memref<262144x128xf32, #tpu.memory_space<hbm>> -> memref<256x128xf32, #tpu.memory_space<hbm>>
      %dma_start3A_387 = arith.constant 0 : i32
      %dma_start3A_388 = tpu.memref_slice %arg4[%add3A_221, %dma_start3A_387] : memref<262144x128xf32, #tpu.memory_space<hbm>> -> memref<256x128xf32, #tpu.memory_space<hbm>>
      tpu.enqueue_dma source(%arg7 : memref<256x128xf32, #tpu.memory_space<vmem>>) target(%dma_start3A_388 : memref<256x128xf32, #tpu.memory_space<hbm>>) target_semaphore(%run_scoped3A : memref<!tpu.dma_semaphore, #tpu.memory_space<semaphore_mem>>)
      %dma_wait3A_389 = arith.constant 0 : i32
      %dma_wait3A_390 = tpu.memref_slice %arg4[%add3A_221, %dma_wait3A_389] : memref<262144x128xf32, #tpu.memory_space<hbm>> -> memref<256x128xf32, #tpu.memory_space<hbm>>
      %dma_wait3A_391 = arith.constant 0 : i32
      %dma_wait3A_392 = tpu.memref_slice %arg4[%add3A_221, %dma_wait3A_391] : memref<262144x128xf32, #tpu.memory_space<hbm>> -> memref<256x128xf32, #tpu.memory_space<hbm>>
      tpu.wait_dma2 semaphore(%run_scoped3A : memref<!tpu.dma_semaphore, #tpu.memory_space<semaphore_mem>>) src(%arg7 : memref<256x128xf32, #tpu.memory_space<vmem>>) dst(%dma_wait3A_392 : memref<256x128xf32, #tpu.memory_space<hbm>>)
      tpu.yield
    }) : () -> ()
    %dma_wait3A_222 = arith.constant 4608 : i32
    %dma_wait3A_223 = tpu.memref_slice %arg5[%dma_wait3A_222] : memref<8192xi32, #tpu.memory_space<vmem>> -> memref<256xi32, #tpu.memory_space<vmem>>
    %dma_wait3A_224 = arith.constant 0 : i32
    %dma_wait3A_225 = arith.constant 0 : i32
    %dma_wait3A_226 = tpu.memref_slice %arg2[%dma_wait3A_224, %dma_wait3A_225] : memref<8192x128xf32, #tpu.memory_space<hbm>> -> memref<8192x128xf32, #tpu.memory_space<hbm>>
    tpu.wait_indirect_dma semaphore(%arg8 : memref<!tpu.dma_semaphore, #tpu.memory_space<semaphore_mem>>) src(%dma_wait3A_226 : memref<8192x128xf32, #tpu.memory_space<hbm>>) dst(%arg6 : memref<256x128xf32, #tpu.memory_space<vmem>>)
    %dma_start3A_227 = arith.constant 4864 : i32
    %dma_start3A_228 = tpu.memref_slice %arg5[%dma_start3A_227] : memref<8192xi32, #tpu.memory_space<vmem>> -> memref<256xi32, #tpu.memory_space<vmem>>
    %dma_start3A_229 = arith.constant 0 : i32
    %dma_start3A_230 = arith.constant 0 : i32
    %dma_start3A_231 = tpu.memref_slice %arg2[%dma_start3A_229, %dma_start3A_230] : memref<8192x128xf32, #tpu.memory_space<hbm>> -> memref<8192x128xf32, #tpu.memory_space<hbm>>
    tpu.enqueue_indirect_dma source(%dma_start3A_231 : memref<8192x128xf32, #tpu.memory_space<hbm>>) target(%arg7 : memref<256x128xf32, #tpu.memory_space<vmem>>) offsets(%dma_start3A_228 : memref<256xi32, #tpu.memory_space<vmem>>) semaphore(%arg9 : memref<!tpu.dma_semaphore, #tpu.memory_space<semaphore_mem>>)
    %add3A_232 = arith.constant 4608 : i32
    %add3A_233 = arith.addi %mul3A_2, %add3A_232 : i32
    "tpu.region"() ({
      %run_scoped3A = tpu.sem_alloc : memref<!tpu.dma_semaphore, #tpu.memory_space<semaphore_mem>>
      %dma_start3A_385 = arith.constant 0 : i32
      %dma_start3A_386 = tpu.memref_slice %arg4[%add3A_233, %dma_start3A_385] : memref<262144x128xf32, #tpu.memory_space<hbm>> -> memref<256x128xf32, #tpu.memory_space<hbm>>
      %dma_start3A_387 = arith.constant 0 : i32
      %dma_start3A_388 = tpu.memref_slice %arg4[%add3A_233, %dma_start3A_387] : memref<262144x128xf32, #tpu.memory_space<hbm>> -> memref<256x128xf32, #tpu.memory_space<hbm>>
      tpu.enqueue_dma source(%arg6 : memref<256x128xf32, #tpu.memory_space<vmem>>) target(%dma_start3A_388 : memref<256x128xf32, #tpu.memory_space<hbm>>) target_semaphore(%run_scoped3A : memref<!tpu.dma_semaphore, #tpu.memory_space<semaphore_mem>>)
      %dma_wait3A_389 = arith.constant 0 : i32
      %dma_wait3A_390 = tpu.memref_slice %arg4[%add3A_233, %dma_wait3A_389] : memref<262144x128xf32, #tpu.memory_space<hbm>> -> memref<256x128xf32, #tpu.memory_space<hbm>>
      %dma_wait3A_391 = arith.constant 0 : i32
      %dma_wait3A_392 = tpu.memref_slice %arg4[%add3A_233, %dma_wait3A_391] : memref<262144x128xf32, #tpu.memory_space<hbm>> -> memref<256x128xf32, #tpu.memory_space<hbm>>
      tpu.wait_dma2 semaphore(%run_scoped3A : memref<!tpu.dma_semaphore, #tpu.memory_space<semaphore_mem>>) src(%arg6 : memref<256x128xf32, #tpu.memory_space<vmem>>) dst(%dma_wait3A_392 : memref<256x128xf32, #tpu.memory_space<hbm>>)
      tpu.yield
    }) : () -> ()
    %dma_wait3A_234 = arith.constant 4864 : i32
    %dma_wait3A_235 = tpu.memref_slice %arg5[%dma_wait3A_234] : memref<8192xi32, #tpu.memory_space<vmem>> -> memref<256xi32, #tpu.memory_space<vmem>>
    %dma_wait3A_236 = arith.constant 0 : i32
    %dma_wait3A_237 = arith.constant 0 : i32
    %dma_wait3A_238 = tpu.memref_slice %arg2[%dma_wait3A_236, %dma_wait3A_237] : memref<8192x128xf32, #tpu.memory_space<hbm>> -> memref<8192x128xf32, #tpu.memory_space<hbm>>
    tpu.wait_indirect_dma semaphore(%arg9 : memref<!tpu.dma_semaphore, #tpu.memory_space<semaphore_mem>>) src(%dma_wait3A_238 : memref<8192x128xf32, #tpu.memory_space<hbm>>) dst(%arg7 : memref<256x128xf32, #tpu.memory_space<vmem>>)
    %dma_start3A_239 = arith.constant 5120 : i32
    %dma_start3A_240 = tpu.memref_slice %arg5[%dma_start3A_239] : memref<8192xi32, #tpu.memory_space<vmem>> -> memref<256xi32, #tpu.memory_space<vmem>>
    %dma_start3A_241 = arith.constant 0 : i32
    %dma_start3A_242 = arith.constant 0 : i32
    %dma_start3A_243 = tpu.memref_slice %arg2[%dma_start3A_241, %dma_start3A_242] : memref<8192x128xf32, #tpu.memory_space<hbm>> -> memref<8192x128xf32, #tpu.memory_space<hbm>>
    tpu.enqueue_indirect_dma source(%dma_start3A_243 : memref<8192x128xf32, #tpu.memory_space<hbm>>) target(%arg6 : memref<256x128xf32, #tpu.memory_space<vmem>>) offsets(%dma_start3A_240 : memref<256xi32, #tpu.memory_space<vmem>>) semaphore(%arg8 : memref<!tpu.dma_semaphore, #tpu.memory_space<semaphore_mem>>)
    %add3A_244 = arith.constant 4864 : i32
    %add3A_245 = arith.addi %mul3A_2, %add3A_244 : i32
    "tpu.region"() ({
      %run_scoped3A = tpu.sem_alloc : memref<!tpu.dma_semaphore, #tpu.memory_space<semaphore_mem>>
      %dma_start3A_385 = arith.constant 0 : i32
      %dma_start3A_386 = tpu.memref_slice %arg4[%add3A_245, %dma_start3A_385] : memref<262144x128xf32, #tpu.memory_space<hbm>> -> memref<256x128xf32, #tpu.memory_space<hbm>>
      %dma_start3A_387 = arith.constant 0 : i32
      %dma_start3A_388 = tpu.memref_slice %arg4[%add3A_245, %dma_start3A_387] : memref<262144x128xf32, #tpu.memory_space<hbm>> -> memref<256x128xf32, #tpu.memory_space<hbm>>
      tpu.enqueue_dma source(%arg7 : memref<256x128xf32, #tpu.memory_space<vmem>>) target(%dma_start3A_388 : memref<256x128xf32, #tpu.memory_space<hbm>>) target_semaphore(%run_scoped3A : memref<!tpu.dma_semaphore, #tpu.memory_space<semaphore_mem>>)
      %dma_wait3A_389 = arith.constant 0 : i32
      %dma_wait3A_390 = tpu.memref_slice %arg4[%add3A_245, %dma_wait3A_389] : memref<262144x128xf32, #tpu.memory_space<hbm>> -> memref<256x128xf32, #tpu.memory_space<hbm>>
      %dma_wait3A_391 = arith.constant 0 : i32
      %dma_wait3A_392 = tpu.memref_slice %arg4[%add3A_245, %dma_wait3A_391] : memref<262144x128xf32, #tpu.memory_space<hbm>> -> memref<256x128xf32, #tpu.memory_space<hbm>>
      tpu.wait_dma2 semaphore(%run_scoped3A : memref<!tpu.dma_semaphore, #tpu.memory_space<semaphore_mem>>) src(%arg7 : memref<256x128xf32, #tpu.memory_space<vmem>>) dst(%dma_wait3A_392 : memref<256x128xf32, #tpu.memory_space<hbm>>)
      tpu.yield
    }) : () -> ()
    %dma_wait3A_246 = arith.constant 5120 : i32
    %dma_wait3A_247 = tpu.memref_slice %arg5[%dma_wait3A_246] : memref<8192xi32, #tpu.memory_space<vmem>> -> memref<256xi32, #tpu.memory_space<vmem>>
    %dma_wait3A_248 = arith.constant 0 : i32
    %dma_wait3A_249 = arith.constant 0 : i32
    %dma_wait3A_250 = tpu.memref_slice %arg2[%dma_wait3A_248, %dma_wait3A_249] : memref<8192x128xf32, #tpu.memory_space<hbm>> -> memref<8192x128xf32, #tpu.memory_space<hbm>>
    tpu.wait_indirect_dma semaphore(%arg8 : memref<!tpu.dma_semaphore, #tpu.memory_space<semaphore_mem>>) src(%dma_wait3A_250 : memref<8192x128xf32, #tpu.memory_space<hbm>>) dst(%arg6 : memref<256x128xf32, #tpu.memory_space<vmem>>)
    %dma_start3A_251 = arith.constant 5376 : i32
    %dma_start3A_252 = tpu.memref_slice %arg5[%dma_start3A_251] : memref<8192xi32, #tpu.memory_space<vmem>> -> memref<256xi32, #tpu.memory_space<vmem>>
    %dma_start3A_253 = arith.constant 0 : i32
    %dma_start3A_254 = arith.constant 0 : i32
    %dma_start3A_255 = tpu.memref_slice %arg2[%dma_start3A_253, %dma_start3A_254] : memref<8192x128xf32, #tpu.memory_space<hbm>> -> memref<8192x128xf32, #tpu.memory_space<hbm>>
    tpu.enqueue_indirect_dma source(%dma_start3A_255 : memref<8192x128xf32, #tpu.memory_space<hbm>>) target(%arg7 : memref<256x128xf32, #tpu.memory_space<vmem>>) offsets(%dma_start3A_252 : memref<256xi32, #tpu.memory_space<vmem>>) semaphore(%arg9 : memref<!tpu.dma_semaphore, #tpu.memory_space<semaphore_mem>>)
    %add3A_256 = arith.constant 5120 : i32
    %add3A_257 = arith.addi %mul3A_2, %add3A_256 : i32
    "tpu.region"() ({
      %run_scoped3A = tpu.sem_alloc : memref<!tpu.dma_semaphore, #tpu.memory_space<semaphore_mem>>
      %dma_start3A_385 = arith.constant 0 : i32
      %dma_start3A_386 = tpu.memref_slice %arg4[%add3A_257, %dma_start3A_385] : memref<262144x128xf32, #tpu.memory_space<hbm>> -> memref<256x128xf32, #tpu.memory_space<hbm>>
      %dma_start3A_387 = arith.constant 0 : i32
      %dma_start3A_388 = tpu.memref_slice %arg4[%add3A_257, %dma_start3A_387] : memref<262144x128xf32, #tpu.memory_space<hbm>> -> memref<256x128xf32, #tpu.memory_space<hbm>>
      tpu.enqueue_dma source(%arg6 : memref<256x128xf32, #tpu.memory_space<vmem>>) target(%dma_start3A_388 : memref<256x128xf32, #tpu.memory_space<hbm>>) target_semaphore(%run_scoped3A : memref<!tpu.dma_semaphore, #tpu.memory_space<semaphore_mem>>)
      %dma_wait3A_389 = arith.constant 0 : i32
      %dma_wait3A_390 = tpu.memref_slice %arg4[%add3A_257, %dma_wait3A_389] : memref<262144x128xf32, #tpu.memory_space<hbm>> -> memref<256x128xf32, #tpu.memory_space<hbm>>
      %dma_wait3A_391 = arith.constant 0 : i32
      %dma_wait3A_392 = tpu.memref_slice %arg4[%add3A_257, %dma_wait3A_391] : memref<262144x128xf32, #tpu.memory_space<hbm>> -> memref<256x128xf32, #tpu.memory_space<hbm>>
      tpu.wait_dma2 semaphore(%run_scoped3A : memref<!tpu.dma_semaphore, #tpu.memory_space<semaphore_mem>>) src(%arg6 : memref<256x128xf32, #tpu.memory_space<vmem>>) dst(%dma_wait3A_392 : memref<256x128xf32, #tpu.memory_space<hbm>>)
      tpu.yield
    }) : () -> ()
    %dma_wait3A_258 = arith.constant 5376 : i32
    %dma_wait3A_259 = tpu.memref_slice %arg5[%dma_wait3A_258] : memref<8192xi32, #tpu.memory_space<vmem>> -> memref<256xi32, #tpu.memory_space<vmem>>
    %dma_wait3A_260 = arith.constant 0 : i32
    %dma_wait3A_261 = arith.constant 0 : i32
    %dma_wait3A_262 = tpu.memref_slice %arg2[%dma_wait3A_260, %dma_wait3A_261] : memref<8192x128xf32, #tpu.memory_space<hbm>> -> memref<8192x128xf32, #tpu.memory_space<hbm>>
    tpu.wait_indirect_dma semaphore(%arg9 : memref<!tpu.dma_semaphore, #tpu.memory_space<semaphore_mem>>) src(%dma_wait3A_262 : memref<8192x128xf32, #tpu.memory_space<hbm>>) dst(%arg7 : memref<256x128xf32, #tpu.memory_space<vmem>>)
    %dma_start3A_263 = arith.constant 5632 : i32
    %dma_start3A_264 = tpu.memref_slice %arg5[%dma_start3A_263] : memref<8192xi32, #tpu.memory_space<vmem>> -> memref<256xi32, #tpu.memory_space<vmem>>
    %dma_start3A_265 = arith.constant 0 : i32
    %dma_start3A_266 = arith.constant 0 : i32
    %dma_start3A_267 = tpu.memref_slice %arg2[%dma_start3A_265, %dma_start3A_266] : memref<8192x128xf32, #tpu.memory_space<hbm>> -> memref<8192x128xf32, #tpu.memory_space<hbm>>
    tpu.enqueue_indirect_dma source(%dma_start3A_267 : memref<8192x128xf32, #tpu.memory_space<hbm>>) target(%arg6 : memref<256x128xf32, #tpu.memory_space<vmem>>) offsets(%dma_start3A_264 : memref<256xi32, #tpu.memory_space<vmem>>) semaphore(%arg8 : memref<!tpu.dma_semaphore, #tpu.memory_space<semaphore_mem>>)
    %add3A_268 = arith.constant 5376 : i32
    %add3A_269 = arith.addi %mul3A_2, %add3A_268 : i32
    "tpu.region"() ({
      %run_scoped3A = tpu.sem_alloc : memref<!tpu.dma_semaphore, #tpu.memory_space<semaphore_mem>>
      %dma_start3A_385 = arith.constant 0 : i32
      %dma_start3A_386 = tpu.memref_slice %arg4[%add3A_269, %dma_start3A_385] : memref<262144x128xf32, #tpu.memory_space<hbm>> -> memref<256x128xf32, #tpu.memory_space<hbm>>
      %dma_start3A_387 = arith.constant 0 : i32
      %dma_start3A_388 = tpu.memref_slice %arg4[%add3A_269, %dma_start3A_387] : memref<262144x128xf32, #tpu.memory_space<hbm>> -> memref<256x128xf32, #tpu.memory_space<hbm>>
      tpu.enqueue_dma source(%arg7 : memref<256x128xf32, #tpu.memory_space<vmem>>) target(%dma_start3A_388 : memref<256x128xf32, #tpu.memory_space<hbm>>) target_semaphore(%run_scoped3A : memref<!tpu.dma_semaphore, #tpu.memory_space<semaphore_mem>>)
      %dma_wait3A_389 = arith.constant 0 : i32
      %dma_wait3A_390 = tpu.memref_slice %arg4[%add3A_269, %dma_wait3A_389] : memref<262144x128xf32, #tpu.memory_space<hbm>> -> memref<256x128xf32, #tpu.memory_space<hbm>>
      %dma_wait3A_391 = arith.constant 0 : i32
      %dma_wait3A_392 = tpu.memref_slice %arg4[%add3A_269, %dma_wait3A_391] : memref<262144x128xf32, #tpu.memory_space<hbm>> -> memref<256x128xf32, #tpu.memory_space<hbm>>
      tpu.wait_dma2 semaphore(%run_scoped3A : memref<!tpu.dma_semaphore, #tpu.memory_space<semaphore_mem>>) src(%arg7 : memref<256x128xf32, #tpu.memory_space<vmem>>) dst(%dma_wait3A_392 : memref<256x128xf32, #tpu.memory_space<hbm>>)
      tpu.yield
    }) : () -> ()
    %dma_wait3A_270 = arith.constant 5632 : i32
    %dma_wait3A_271 = tpu.memref_slice %arg5[%dma_wait3A_270] : memref<8192xi32, #tpu.memory_space<vmem>> -> memref<256xi32, #tpu.memory_space<vmem>>
    %dma_wait3A_272 = arith.constant 0 : i32
    %dma_wait3A_273 = arith.constant 0 : i32
    %dma_wait3A_274 = tpu.memref_slice %arg2[%dma_wait3A_272, %dma_wait3A_273] : memref<8192x128xf32, #tpu.memory_space<hbm>> -> memref<8192x128xf32, #tpu.memory_space<hbm>>
    tpu.wait_indirect_dma semaphore(%arg8 : memref<!tpu.dma_semaphore, #tpu.memory_space<semaphore_mem>>) src(%dma_wait3A_274 : memref<8192x128xf32, #tpu.memory_space<hbm>>) dst(%arg6 : memref<256x128xf32, #tpu.memory_space<vmem>>)
    %dma_start3A_275 = arith.constant 5888 : i32
    %dma_start3A_276 = tpu.memref_slice %arg5[%dma_start3A_275] : memref<8192xi32, #tpu.memory_space<vmem>> -> memref<256xi32, #tpu.memory_space<vmem>>
    %dma_start3A_277 = arith.constant 0 : i32
    %dma_start3A_278 = arith.constant 0 : i32
    %dma_start3A_279 = tpu.memref_slice %arg2[%dma_start3A_277, %dma_start3A_278] : memref<8192x128xf32, #tpu.memory_space<hbm>> -> memref<8192x128xf32, #tpu.memory_space<hbm>>
    tpu.enqueue_indirect_dma source(%dma_start3A_279 : memref<8192x128xf32, #tpu.memory_space<hbm>>) target(%arg7 : memref<256x128xf32, #tpu.memory_space<vmem>>) offsets(%dma_start3A_276 : memref<256xi32, #tpu.memory_space<vmem>>) semaphore(%arg9 : memref<!tpu.dma_semaphore, #tpu.memory_space<semaphore_mem>>)
    %add3A_280 = arith.constant 5632 : i32
    %add3A_281 = arith.addi %mul3A_2, %add3A_280 : i32
    "tpu.region"() ({
      %run_scoped3A = tpu.sem_alloc : memref<!tpu.dma_semaphore, #tpu.memory_space<semaphore_mem>>
      %dma_start3A_385 = arith.constant 0 : i32
      %dma_start3A_386 = tpu.memref_slice %arg4[%add3A_281, %dma_start3A_385] : memref<262144x128xf32, #tpu.memory_space<hbm>> -> memref<256x128xf32, #tpu.memory_space<hbm>>
      %dma_start3A_387 = arith.constant 0 : i32
      %dma_start3A_388 = tpu.memref_slice %arg4[%add3A_281, %dma_start3A_387] : memref<262144x128xf32, #tpu.memory_space<hbm>> -> memref<256x128xf32, #tpu.memory_space<hbm>>
      tpu.enqueue_dma source(%arg6 : memref<256x128xf32, #tpu.memory_space<vmem>>) target(%dma_start3A_388 : memref<256x128xf32, #tpu.memory_space<hbm>>) target_semaphore(%run_scoped3A : memref<!tpu.dma_semaphore, #tpu.memory_space<semaphore_mem>>)
      %dma_wait3A_389 = arith.constant 0 : i32
      %dma_wait3A_390 = tpu.memref_slice %arg4[%add3A_281, %dma_wait3A_389] : memref<262144x128xf32, #tpu.memory_space<hbm>> -> memref<256x128xf32, #tpu.memory_space<hbm>>
      %dma_wait3A_391 = arith.constant 0 : i32
      %dma_wait3A_392 = tpu.memref_slice %arg4[%add3A_281, %dma_wait3A_391] : memref<262144x128xf32, #tpu.memory_space<hbm>> -> memref<256x128xf32, #tpu.memory_space<hbm>>
      tpu.wait_dma2 semaphore(%run_scoped3A : memref<!tpu.dma_semaphore, #tpu.memory_space<semaphore_mem>>) src(%arg6 : memref<256x128xf32, #tpu.memory_space<vmem>>) dst(%dma_wait3A_392 : memref<256x128xf32, #tpu.memory_space<hbm>>)
      tpu.yield
    }) : () -> ()
    %dma_wait3A_282 = arith.constant 5888 : i32
    %dma_wait3A_283 = tpu.memref_slice %arg5[%dma_wait3A_282] : memref<8192xi32, #tpu.memory_space<vmem>> -> memref<256xi32, #tpu.memory_space<vmem>>
    %dma_wait3A_284 = arith.constant 0 : i32
    %dma_wait3A_285 = arith.constant 0 : i32
    %dma_wait3A_286 = tpu.memref_slice %arg2[%dma_wait3A_284, %dma_wait3A_285] : memref<8192x128xf32, #tpu.memory_space<hbm>> -> memref<8192x128xf32, #tpu.memory_space<hbm>>
    tpu.wait_indirect_dma semaphore(%arg9 : memref<!tpu.dma_semaphore, #tpu.memory_space<semaphore_mem>>) src(%dma_wait3A_286 : memref<8192x128xf32, #tpu.memory_space<hbm>>) dst(%arg7 : memref<256x128xf32, #tpu.memory_space<vmem>>)
    %dma_start3A_287 = arith.constant 6144 : i32
    %dma_start3A_288 = tpu.memref_slice %arg5[%dma_start3A_287] : memref<8192xi32, #tpu.memory_space<vmem>> -> memref<256xi32, #tpu.memory_space<vmem>>
    %dma_start3A_289 = arith.constant 0 : i32
    %dma_start3A_290 = arith.constant 0 : i32
    %dma_start3A_291 = tpu.memref_slice %arg2[%dma_start3A_289, %dma_start3A_290] : memref<8192x128xf32, #tpu.memory_space<hbm>> -> memref<8192x128xf32, #tpu.memory_space<hbm>>
    tpu.enqueue_indirect_dma source(%dma_start3A_291 : memref<8192x128xf32, #tpu.memory_space<hbm>>) target(%arg6 : memref<256x128xf32, #tpu.memory_space<vmem>>) offsets(%dma_start3A_288 : memref<256xi32, #tpu.memory_space<vmem>>) semaphore(%arg8 : memref<!tpu.dma_semaphore, #tpu.memory_space<semaphore_mem>>)
    %add3A_292 = arith.constant 5888 : i32
    %add3A_293 = arith.addi %mul3A_2, %add3A_292 : i32
    "tpu.region"() ({
      %run_scoped3A = tpu.sem_alloc : memref<!tpu.dma_semaphore, #tpu.memory_space<semaphore_mem>>
      %dma_start3A_385 = arith.constant 0 : i32
      %dma_start3A_386 = tpu.memref_slice %arg4[%add3A_293, %dma_start3A_385] : memref<262144x128xf32, #tpu.memory_space<hbm>> -> memref<256x128xf32, #tpu.memory_space<hbm>>
      %dma_start3A_387 = arith.constant 0 : i32
      %dma_start3A_388 = tpu.memref_slice %arg4[%add3A_293, %dma_start3A_387] : memref<262144x128xf32, #tpu.memory_space<hbm>> -> memref<256x128xf32, #tpu.memory_space<hbm>>
      tpu.enqueue_dma source(%arg7 : memref<256x128xf32, #tpu.memory_space<vmem>>) target(%dma_start3A_388 : memref<256x128xf32, #tpu.memory_space<hbm>>) target_semaphore(%run_scoped3A : memref<!tpu.dma_semaphore, #tpu.memory_space<semaphore_mem>>)
      %dma_wait3A_389 = arith.constant 0 : i32
      %dma_wait3A_390 = tpu.memref_slice %arg4[%add3A_293, %dma_wait3A_389] : memref<262144x128xf32, #tpu.memory_space<hbm>> -> memref<256x128xf32, #tpu.memory_space<hbm>>
      %dma_wait3A_391 = arith.constant 0 : i32
      %dma_wait3A_392 = tpu.memref_slice %arg4[%add3A_293, %dma_wait3A_391] : memref<262144x128xf32, #tpu.memory_space<hbm>> -> memref<256x128xf32, #tpu.memory_space<hbm>>
      tpu.wait_dma2 semaphore(%run_scoped3A : memref<!tpu.dma_semaphore, #tpu.memory_space<semaphore_mem>>) src(%arg7 : memref<256x128xf32, #tpu.memory_space<vmem>>) dst(%dma_wait3A_392 : memref<256x128xf32, #tpu.memory_space<hbm>>)
      tpu.yield
    }) : () -> ()
    %dma_wait3A_294 = arith.constant 6144 : i32
    %dma_wait3A_295 = tpu.memref_slice %arg5[%dma_wait3A_294] : memref<8192xi32, #tpu.memory_space<vmem>> -> memref<256xi32, #tpu.memory_space<vmem>>
    %dma_wait3A_296 = arith.constant 0 : i32
    %dma_wait3A_297 = arith.constant 0 : i32
    %dma_wait3A_298 = tpu.memref_slice %arg2[%dma_wait3A_296, %dma_wait3A_297] : memref<8192x128xf32, #tpu.memory_space<hbm>> -> memref<8192x128xf32, #tpu.memory_space<hbm>>
    tpu.wait_indirect_dma semaphore(%arg8 : memref<!tpu.dma_semaphore, #tpu.memory_space<semaphore_mem>>) src(%dma_wait3A_298 : memref<8192x128xf32, #tpu.memory_space<hbm>>) dst(%arg6 : memref<256x128xf32, #tpu.memory_space<vmem>>)
    %dma_start3A_299 = arith.constant 6400 : i32
    %dma_start3A_300 = tpu.memref_slice %arg5[%dma_start3A_299] : memref<8192xi32, #tpu.memory_space<vmem>> -> memref<256xi32, #tpu.memory_space<vmem>>
    %dma_start3A_301 = arith.constant 0 : i32
    %dma_start3A_302 = arith.constant 0 : i32
    %dma_start3A_303 = tpu.memref_slice %arg2[%dma_start3A_301, %dma_start3A_302] : memref<8192x128xf32, #tpu.memory_space<hbm>> -> memref<8192x128xf32, #tpu.memory_space<hbm>>
    tpu.enqueue_indirect_dma source(%dma_start3A_303 : memref<8192x128xf32, #tpu.memory_space<hbm>>) target(%arg7 : memref<256x128xf32, #tpu.memory_space<vmem>>) offsets(%dma_start3A_300 : memref<256xi32, #tpu.memory_space<vmem>>) semaphore(%arg9 : memref<!tpu.dma_semaphore, #tpu.memory_space<semaphore_mem>>)
    %add3A_304 = arith.constant 6144 : i32
    %add3A_305 = arith.addi %mul3A_2, %add3A_304 : i32
    "tpu.region"() ({
      %run_scoped3A = tpu.sem_alloc : memref<!tpu.dma_semaphore, #tpu.memory_space<semaphore_mem>>
      %dma_start3A_385 = arith.constant 0 : i32
      %dma_start3A_386 = tpu.memref_slice %arg4[%add3A_305, %dma_start3A_385] : memref<262144x128xf32, #tpu.memory_space<hbm>> -> memref<256x128xf32, #tpu.memory_space<hbm>>
      %dma_start3A_387 = arith.constant 0 : i32
      %dma_start3A_388 = tpu.memref_slice %arg4[%add3A_305, %dma_start3A_387] : memref<262144x128xf32, #tpu.memory_space<hbm>> -> memref<256x128xf32, #tpu.memory_space<hbm>>
      tpu.enqueue_dma source(%arg6 : memref<256x128xf32, #tpu.memory_space<vmem>>) target(%dma_start3A_388 : memref<256x128xf32, #tpu.memory_space<hbm>>) target_semaphore(%run_scoped3A : memref<!tpu.dma_semaphore, #tpu.memory_space<semaphore_mem>>)
      %dma_wait3A_389 = arith.constant 0 : i32
      %dma_wait3A_390 = tpu.memref_slice %arg4[%add3A_305, %dma_wait3A_389] : memref<262144x128xf32, #tpu.memory_space<hbm>> -> memref<256x128xf32, #tpu.memory_space<hbm>>
      %dma_wait3A_391 = arith.constant 0 : i32
      %dma_wait3A_392 = tpu.memref_slice %arg4[%add3A_305, %dma_wait3A_391] : memref<262144x128xf32, #tpu.memory_space<hbm>> -> memref<256x128xf32, #tpu.memory_space<hbm>>
      tpu.wait_dma2 semaphore(%run_scoped3A : memref<!tpu.dma_semaphore, #tpu.memory_space<semaphore_mem>>) src(%arg6 : memref<256x128xf32, #tpu.memory_space<vmem>>) dst(%dma_wait3A_392 : memref<256x128xf32, #tpu.memory_space<hbm>>)
      tpu.yield
    }) : () -> ()
    %dma_wait3A_306 = arith.constant 6400 : i32
    %dma_wait3A_307 = tpu.memref_slice %arg5[%dma_wait3A_306] : memref<8192xi32, #tpu.memory_space<vmem>> -> memref<256xi32, #tpu.memory_space<vmem>>
    %dma_wait3A_308 = arith.constant 0 : i32
    %dma_wait3A_309 = arith.constant 0 : i32
    %dma_wait3A_310 = tpu.memref_slice %arg2[%dma_wait3A_308, %dma_wait3A_309] : memref<8192x128xf32, #tpu.memory_space<hbm>> -> memref<8192x128xf32, #tpu.memory_space<hbm>>
    tpu.wait_indirect_dma semaphore(%arg9 : memref<!tpu.dma_semaphore, #tpu.memory_space<semaphore_mem>>) src(%dma_wait3A_310 : memref<8192x128xf32, #tpu.memory_space<hbm>>) dst(%arg7 : memref<256x128xf32, #tpu.memory_space<vmem>>)
    %dma_start3A_311 = arith.constant 6656 : i32
    %dma_start3A_312 = tpu.memref_slice %arg5[%dma_start3A_311] : memref<8192xi32, #tpu.memory_space<vmem>> -> memref<256xi32, #tpu.memory_space<vmem>>
    %dma_start3A_313 = arith.constant 0 : i32
    %dma_start3A_314 = arith.constant 0 : i32
    %dma_start3A_315 = tpu.memref_slice %arg2[%dma_start3A_313, %dma_start3A_314] : memref<8192x128xf32, #tpu.memory_space<hbm>> -> memref<8192x128xf32, #tpu.memory_space<hbm>>
    tpu.enqueue_indirect_dma source(%dma_start3A_315 : memref<8192x128xf32, #tpu.memory_space<hbm>>) target(%arg6 : memref<256x128xf32, #tpu.memory_space<vmem>>) offsets(%dma_start3A_312 : memref<256xi32, #tpu.memory_space<vmem>>) semaphore(%arg8 : memref<!tpu.dma_semaphore, #tpu.memory_space<semaphore_mem>>)
    %add3A_316 = arith.constant 6400 : i32
    %add3A_317 = arith.addi %mul3A_2, %add3A_316 : i32
    "tpu.region"() ({
      %run_scoped3A = tpu.sem_alloc : memref<!tpu.dma_semaphore, #tpu.memory_space<semaphore_mem>>
      %dma_start3A_385 = arith.constant 0 : i32
      %dma_start3A_386 = tpu.memref_slice %arg4[%add3A_317, %dma_start3A_385] : memref<262144x128xf32, #tpu.memory_space<hbm>> -> memref<256x128xf32, #tpu.memory_space<hbm>>
      %dma_start3A_387 = arith.constant 0 : i32
      %dma_start3A_388 = tpu.memref_slice %arg4[%add3A_317, %dma_start3A_387] : memref<262144x128xf32, #tpu.memory_space<hbm>> -> memref<256x128xf32, #tpu.memory_space<hbm>>
      tpu.enqueue_dma source(%arg7 : memref<256x128xf32, #tpu.memory_space<vmem>>) target(%dma_start3A_388 : memref<256x128xf32, #tpu.memory_space<hbm>>) target_semaphore(%run_scoped3A : memref<!tpu.dma_semaphore, #tpu.memory_space<semaphore_mem>>)
      %dma_wait3A_389 = arith.constant 0 : i32
      %dma_wait3A_390 = tpu.memref_slice %arg4[%add3A_317, %dma_wait3A_389] : memref<262144x128xf32, #tpu.memory_space<hbm>> -> memref<256x128xf32, #tpu.memory_space<hbm>>
      %dma_wait3A_391 = arith.constant 0 : i32
      %dma_wait3A_392 = tpu.memref_slice %arg4[%add3A_317, %dma_wait3A_391] : memref<262144x128xf32, #tpu.memory_space<hbm>> -> memref<256x128xf32, #tpu.memory_space<hbm>>
      tpu.wait_dma2 semaphore(%run_scoped3A : memref<!tpu.dma_semaphore, #tpu.memory_space<semaphore_mem>>) src(%arg7 : memref<256x128xf32, #tpu.memory_space<vmem>>) dst(%dma_wait3A_392 : memref<256x128xf32, #tpu.memory_space<hbm>>)
      tpu.yield
    }) : () -> ()
    %dma_wait3A_318 = arith.constant 6656 : i32
    %dma_wait3A_319 = tpu.memref_slice %arg5[%dma_wait3A_318] : memref<8192xi32, #tpu.memory_space<vmem>> -> memref<256xi32, #tpu.memory_space<vmem>>
    %dma_wait3A_320 = arith.constant 0 : i32
    %dma_wait3A_321 = arith.constant 0 : i32
    %dma_wait3A_322 = tpu.memref_slice %arg2[%dma_wait3A_320, %dma_wait3A_321] : memref<8192x128xf32, #tpu.memory_space<hbm>> -> memref<8192x128xf32, #tpu.memory_space<hbm>>
    tpu.wait_indirect_dma semaphore(%arg8 : memref<!tpu.dma_semaphore, #tpu.memory_space<semaphore_mem>>) src(%dma_wait3A_322 : memref<8192x128xf32, #tpu.memory_space<hbm>>) dst(%arg6 : memref<256x128xf32, #tpu.memory_space<vmem>>)
    %dma_start3A_323 = arith.constant 6912 : i32
    %dma_start3A_324 = tpu.memref_slice %arg5[%dma_start3A_323] : memref<8192xi32, #tpu.memory_space<vmem>> -> memref<256xi32, #tpu.memory_space<vmem>>
    %dma_start3A_325 = arith.constant 0 : i32
    %dma_start3A_326 = arith.constant 0 : i32
    %dma_start3A_327 = tpu.memref_slice %arg2[%dma_start3A_325, %dma_start3A_326] : memref<8192x128xf32, #tpu.memory_space<hbm>> -> memref<8192x128xf32, #tpu.memory_space<hbm>>
    tpu.enqueue_indirect_dma source(%dma_start3A_327 : memref<8192x128xf32, #tpu.memory_space<hbm>>) target(%arg7 : memref<256x128xf32, #tpu.memory_space<vmem>>) offsets(%dma_start3A_324 : memref<256xi32, #tpu.memory_space<vmem>>) semaphore(%arg9 : memref<!tpu.dma_semaphore, #tpu.memory_space<semaphore_mem>>)
    %add3A_328 = arith.constant 6656 : i32
    %add3A_329 = arith.addi %mul3A_2, %add3A_328 : i32
    "tpu.region"() ({
      %run_scoped3A = tpu.sem_alloc : memref<!tpu.dma_semaphore, #tpu.memory_space<semaphore_mem>>
      %dma_start3A_385 = arith.constant 0 : i32
      %dma_start3A_386 = tpu.memref_slice %arg4[%add3A_329, %dma_start3A_385] : memref<262144x128xf32, #tpu.memory_space<hbm>> -> memref<256x128xf32, #tpu.memory_space<hbm>>
      %dma_start3A_387 = arith.constant 0 : i32
      %dma_start3A_388 = tpu.memref_slice %arg4[%add3A_329, %dma_start3A_387] : memref<262144x128xf32, #tpu.memory_space<hbm>> -> memref<256x128xf32, #tpu.memory_space<hbm>>
      tpu.enqueue_dma source(%arg6 : memref<256x128xf32, #tpu.memory_space<vmem>>) target(%dma_start3A_388 : memref<256x128xf32, #tpu.memory_space<hbm>>) target_semaphore(%run_scoped3A : memref<!tpu.dma_semaphore, #tpu.memory_space<semaphore_mem>>)
      %dma_wait3A_389 = arith.constant 0 : i32
      %dma_wait3A_390 = tpu.memref_slice %arg4[%add3A_329, %dma_wait3A_389] : memref<262144x128xf32, #tpu.memory_space<hbm>> -> memref<256x128xf32, #tpu.memory_space<hbm>>
      %dma_wait3A_391 = arith.constant 0 : i32
      %dma_wait3A_392 = tpu.memref_slice %arg4[%add3A_329, %dma_wait3A_391] : memref<262144x128xf32, #tpu.memory_space<hbm>> -> memref<256x128xf32, #tpu.memory_space<hbm>>
      tpu.wait_dma2 semaphore(%run_scoped3A : memref<!tpu.dma_semaphore, #tpu.memory_space<semaphore_mem>>) src(%arg6 : memref<256x128xf32, #tpu.memory_space<vmem>>) dst(%dma_wait3A_392 : memref<256x128xf32, #tpu.memory_space<hbm>>)
      tpu.yield
    }) : () -> ()
    %dma_wait3A_330 = arith.constant 6912 : i32
    %dma_wait3A_331 = tpu.memref_slice %arg5[%dma_wait3A_330] : memref<8192xi32, #tpu.memory_space<vmem>> -> memref<256xi32, #tpu.memory_space<vmem>>
    %dma_wait3A_332 = arith.constant 0 : i32
    %dma_wait3A_333 = arith.constant 0 : i32
    %dma_wait3A_334 = tpu.memref_slice %arg2[%dma_wait3A_332, %dma_wait3A_333] : memref<8192x128xf32, #tpu.memory_space<hbm>> -> memref<8192x128xf32, #tpu.memory_space<hbm>>
    tpu.wait_indirect_dma semaphore(%arg9 : memref<!tpu.dma_semaphore, #tpu.memory_space<semaphore_mem>>) src(%dma_wait3A_334 : memref<8192x128xf32, #tpu.memory_space<hbm>>) dst(%arg7 : memref<256x128xf32, #tpu.memory_space<vmem>>)
    %dma_start3A_335 = arith.constant 7168 : i32
    %dma_start3A_336 = tpu.memref_slice %arg5[%dma_start3A_335] : memref<8192xi32, #tpu.memory_space<vmem>> -> memref<256xi32, #tpu.memory_space<vmem>>
    %dma_start3A_337 = arith.constant 0 : i32
    %dma_start3A_338 = arith.constant 0 : i32
    %dma_start3A_339 = tpu.memref_slice %arg2[%dma_start3A_337, %dma_start3A_338] : memref<8192x128xf32, #tpu.memory_space<hbm>> -> memref<8192x128xf32, #tpu.memory_space<hbm>>
    tpu.enqueue_indirect_dma source(%dma_start3A_339 : memref<8192x128xf32, #tpu.memory_space<hbm>>) target(%arg6 : memref<256x128xf32, #tpu.memory_space<vmem>>) offsets(%dma_start3A_336 : memref<256xi32, #tpu.memory_space<vmem>>) semaphore(%arg8 : memref<!tpu.dma_semaphore, #tpu.memory_space<semaphore_mem>>)
    %add3A_340 = arith.constant 6912 : i32
    %add3A_341 = arith.addi %mul3A_2, %add3A_340 : i32
    "tpu.region"() ({
      %run_scoped3A = tpu.sem_alloc : memref<!tpu.dma_semaphore, #tpu.memory_space<semaphore_mem>>
      %dma_start3A_385 = arith.constant 0 : i32
      %dma_start3A_386 = tpu.memref_slice %arg4[%add3A_341, %dma_start3A_385] : memref<262144x128xf32, #tpu.memory_space<hbm>> -> memref<256x128xf32, #tpu.memory_space<hbm>>
      %dma_start3A_387 = arith.constant 0 : i32
      %dma_start3A_388 = tpu.memref_slice %arg4[%add3A_341, %dma_start3A_387] : memref<262144x128xf32, #tpu.memory_space<hbm>> -> memref<256x128xf32, #tpu.memory_space<hbm>>
      tpu.enqueue_dma source(%arg7 : memref<256x128xf32, #tpu.memory_space<vmem>>) target(%dma_start3A_388 : memref<256x128xf32, #tpu.memory_space<hbm>>) target_semaphore(%run_scoped3A : memref<!tpu.dma_semaphore, #tpu.memory_space<semaphore_mem>>)
      %dma_wait3A_389 = arith.constant 0 : i32
      %dma_wait3A_390 = tpu.memref_slice %arg4[%add3A_341, %dma_wait3A_389] : memref<262144x128xf32, #tpu.memory_space<hbm>> -> memref<256x128xf32, #tpu.memory_space<hbm>>
      %dma_wait3A_391 = arith.constant 0 : i32
      %dma_wait3A_392 = tpu.memref_slice %arg4[%add3A_341, %dma_wait3A_391] : memref<262144x128xf32, #tpu.memory_space<hbm>> -> memref<256x128xf32, #tpu.memory_space<hbm>>
      tpu.wait_dma2 semaphore(%run_scoped3A : memref<!tpu.dma_semaphore, #tpu.memory_space<semaphore_mem>>) src(%arg7 : memref<256x128xf32, #tpu.memory_space<vmem>>) dst(%dma_wait3A_392 : memref<256x128xf32, #tpu.memory_space<hbm>>)
      tpu.yield
    }) : () -> ()
    %dma_wait3A_342 = arith.constant 7168 : i32
    %dma_wait3A_343 = tpu.memref_slice %arg5[%dma_wait3A_342] : memref<8192xi32, #tpu.memory_space<vmem>> -> memref<256xi32, #tpu.memory_space<vmem>>
    %dma_wait3A_344 = arith.constant 0 : i32
    %dma_wait3A_345 = arith.constant 0 : i32
    %dma_wait3A_346 = tpu.memref_slice %arg2[%dma_wait3A_344, %dma_wait3A_345] : memref<8192x128xf32, #tpu.memory_space<hbm>> -> memref<8192x128xf32, #tpu.memory_space<hbm>>
    tpu.wait_indirect_dma semaphore(%arg8 : memref<!tpu.dma_semaphore, #tpu.memory_space<semaphore_mem>>) src(%dma_wait3A_346 : memref<8192x128xf32, #tpu.memory_space<hbm>>) dst(%arg6 : memref<256x128xf32, #tpu.memory_space<vmem>>)
    %dma_start3A_347 = arith.constant 7424 : i32
    %dma_start3A_348 = tpu.memref_slice %arg5[%dma_start3A_347] : memref<8192xi32, #tpu.memory_space<vmem>> -> memref<256xi32, #tpu.memory_space<vmem>>
    %dma_start3A_349 = arith.constant 0 : i32
    %dma_start3A_350 = arith.constant 0 : i32
    %dma_start3A_351 = tpu.memref_slice %arg2[%dma_start3A_349, %dma_start3A_350] : memref<8192x128xf32, #tpu.memory_space<hbm>> -> memref<8192x128xf32, #tpu.memory_space<hbm>>
    tpu.enqueue_indirect_dma source(%dma_start3A_351 : memref<8192x128xf32, #tpu.memory_space<hbm>>) target(%arg7 : memref<256x128xf32, #tpu.memory_space<vmem>>) offsets(%dma_start3A_348 : memref<256xi32, #tpu.memory_space<vmem>>) semaphore(%arg9 : memref<!tpu.dma_semaphore, #tpu.memory_space<semaphore_mem>>)
    %add3A_352 = arith.constant 7168 : i32
    %add3A_353 = arith.addi %mul3A_2, %add3A_352 : i32
    "tpu.region"() ({
      %run_scoped3A = tpu.sem_alloc : memref<!tpu.dma_semaphore, #tpu.memory_space<semaphore_mem>>
      %dma_start3A_385 = arith.constant 0 : i32
      %dma_start3A_386 = tpu.memref_slice %arg4[%add3A_353, %dma_start3A_385] : memref<262144x128xf32, #tpu.memory_space<hbm>> -> memref<256x128xf32, #tpu.memory_space<hbm>>
      %dma_start3A_387 = arith.constant 0 : i32
      %dma_start3A_388 = tpu.memref_slice %arg4[%add3A_353, %dma_start3A_387] : memref<262144x128xf32, #tpu.memory_space<hbm>> -> memref<256x128xf32, #tpu.memory_space<hbm>>
      tpu.enqueue_dma source(%arg6 : memref<256x128xf32, #tpu.memory_space<vmem>>) target(%dma_start3A_388 : memref<256x128xf32, #tpu.memory_space<hbm>>) target_semaphore(%run_scoped3A : memref<!tpu.dma_semaphore, #tpu.memory_space<semaphore_mem>>)
      %dma_wait3A_389 = arith.constant 0 : i32
      %dma_wait3A_390 = tpu.memref_slice %arg4[%add3A_353, %dma_wait3A_389] : memref<262144x128xf32, #tpu.memory_space<hbm>> -> memref<256x128xf32, #tpu.memory_space<hbm>>
      %dma_wait3A_391 = arith.constant 0 : i32
      %dma_wait3A_392 = tpu.memref_slice %arg4[%add3A_353, %dma_wait3A_391] : memref<262144x128xf32, #tpu.memory_space<hbm>> -> memref<256x128xf32, #tpu.memory_space<hbm>>
      tpu.wait_dma2 semaphore(%run_scoped3A : memref<!tpu.dma_semaphore, #tpu.memory_space<semaphore_mem>>) src(%arg6 : memref<256x128xf32, #tpu.memory_space<vmem>>) dst(%dma_wait3A_392 : memref<256x128xf32, #tpu.memory_space<hbm>>)
      tpu.yield
    }) : () -> ()
    %dma_wait3A_354 = arith.constant 7424 : i32
    %dma_wait3A_355 = tpu.memref_slice %arg5[%dma_wait3A_354] : memref<8192xi32, #tpu.memory_space<vmem>> -> memref<256xi32, #tpu.memory_space<vmem>>
    %dma_wait3A_356 = arith.constant 0 : i32
    %dma_wait3A_357 = arith.constant 0 : i32
    %dma_wait3A_358 = tpu.memref_slice %arg2[%dma_wait3A_356, %dma_wait3A_357] : memref<8192x128xf32, #tpu.memory_space<hbm>> -> memref<8192x128xf32, #tpu.memory_space<hbm>>
    tpu.wait_indirect_dma semaphore(%arg9 : memref<!tpu.dma_semaphore, #tpu.memory_space<semaphore_mem>>) src(%dma_wait3A_358 : memref<8192x128xf32, #tpu.memory_space<hbm>>) dst(%arg7 : memref<256x128xf32, #tpu.memory_space<vmem>>)
    %dma_start3A_359 = arith.constant 7680 : i32
    %dma_start3A_360 = tpu.memref_slice %arg5[%dma_start3A_359] : memref<8192xi32, #tpu.memory_space<vmem>> -> memref<256xi32, #tpu.memory_space<vmem>>
    %dma_start3A_361 = arith.constant 0 : i32
    %dma_start3A_362 = arith.constant 0 : i32
    %dma_start3A_363 = tpu.memref_slice %arg2[%dma_start3A_361, %dma_start3A_362] : memref<8192x128xf32, #tpu.memory_space<hbm>> -> memref<8192x128xf32, #tpu.memory_space<hbm>>
    tpu.enqueue_indirect_dma source(%dma_start3A_363 : memref<8192x128xf32, #tpu.memory_space<hbm>>) target(%arg6 : memref<256x128xf32, #tpu.memory_space<vmem>>) offsets(%dma_start3A_360 : memref<256xi32, #tpu.memory_space<vmem>>) semaphore(%arg8 : memref<!tpu.dma_semaphore, #tpu.memory_space<semaphore_mem>>)
    %add3A_364 = arith.constant 7424 : i32
    %add3A_365 = arith.addi %mul3A_2, %add3A_364 : i32
    "tpu.region"() ({
      %run_scoped3A = tpu.sem_alloc : memref<!tpu.dma_semaphore, #tpu.memory_space<semaphore_mem>>
      %dma_start3A_385 = arith.constant 0 : i32
      %dma_start3A_386 = tpu.memref_slice %arg4[%add3A_365, %dma_start3A_385] : memref<262144x128xf32, #tpu.memory_space<hbm>> -> memref<256x128xf32, #tpu.memory_space<hbm>>
      %dma_start3A_387 = arith.constant 0 : i32
      %dma_start3A_388 = tpu.memref_slice %arg4[%add3A_365, %dma_start3A_387] : memref<262144x128xf32, #tpu.memory_space<hbm>> -> memref<256x128xf32, #tpu.memory_space<hbm>>
      tpu.enqueue_dma source(%arg7 : memref<256x128xf32, #tpu.memory_space<vmem>>) target(%dma_start3A_388 : memref<256x128xf32, #tpu.memory_space<hbm>>) target_semaphore(%run_scoped3A : memref<!tpu.dma_semaphore, #tpu.memory_space<semaphore_mem>>)
      %dma_wait3A_389 = arith.constant 0 : i32
      %dma_wait3A_390 = tpu.memref_slice %arg4[%add3A_365, %dma_wait3A_389] : memref<262144x128xf32, #tpu.memory_space<hbm>> -> memref<256x128xf32, #tpu.memory_space<hbm>>
      %dma_wait3A_391 = arith.constant 0 : i32
      %dma_wait3A_392 = tpu.memref_slice %arg4[%add3A_365, %dma_wait3A_391] : memref<262144x128xf32, #tpu.memory_space<hbm>> -> memref<256x128xf32, #tpu.memory_space<hbm>>
      tpu.wait_dma2 semaphore(%run_scoped3A : memref<!tpu.dma_semaphore, #tpu.memory_space<semaphore_mem>>) src(%arg7 : memref<256x128xf32, #tpu.memory_space<vmem>>) dst(%dma_wait3A_392 : memref<256x128xf32, #tpu.memory_space<hbm>>)
      tpu.yield
    }) : () -> ()
    %dma_wait3A_366 = arith.constant 7680 : i32
    %dma_wait3A_367 = tpu.memref_slice %arg5[%dma_wait3A_366] : memref<8192xi32, #tpu.memory_space<vmem>> -> memref<256xi32, #tpu.memory_space<vmem>>
    %dma_wait3A_368 = arith.constant 0 : i32
    %dma_wait3A_369 = arith.constant 0 : i32
    %dma_wait3A_370 = tpu.memref_slice %arg2[%dma_wait3A_368, %dma_wait3A_369] : memref<8192x128xf32, #tpu.memory_space<hbm>> -> memref<8192x128xf32, #tpu.memory_space<hbm>>
    tpu.wait_indirect_dma semaphore(%arg8 : memref<!tpu.dma_semaphore, #tpu.memory_space<semaphore_mem>>) src(%dma_wait3A_370 : memref<8192x128xf32, #tpu.memory_space<hbm>>) dst(%arg6 : memref<256x128xf32, #tpu.memory_space<vmem>>)
    %dma_start3A_371 = arith.constant 7936 : i32
    %dma_start3A_372 = tpu.memref_slice %arg5[%dma_start3A_371] : memref<8192xi32, #tpu.memory_space<vmem>> -> memref<256xi32, #tpu.memory_space<vmem>>
    %dma_start3A_373 = arith.constant 0 : i32
    %dma_start3A_374 = arith.constant 0 : i32
    %dma_start3A_375 = tpu.memref_slice %arg2[%dma_start3A_373, %dma_start3A_374] : memref<8192x128xf32, #tpu.memory_space<hbm>> -> memref<8192x128xf32, #tpu.memory_space<hbm>>
    tpu.enqueue_indirect_dma source(%dma_start3A_375 : memref<8192x128xf32, #tpu.memory_space<hbm>>) target(%arg7 : memref<256x128xf32, #tpu.memory_space<vmem>>) offsets(%dma_start3A_372 : memref<256xi32, #tpu.memory_space<vmem>>) semaphore(%arg9 : memref<!tpu.dma_semaphore, #tpu.memory_space<semaphore_mem>>)
    %add3A_376 = arith.constant 7680 : i32
    %add3A_377 = arith.addi %mul3A_2, %add3A_376 : i32
    "tpu.region"() ({
      %run_scoped3A = tpu.sem_alloc : memref<!tpu.dma_semaphore, #tpu.memory_space<semaphore_mem>>
      %dma_start3A_385 = arith.constant 0 : i32
      %dma_start3A_386 = tpu.memref_slice %arg4[%add3A_377, %dma_start3A_385] : memref<262144x128xf32, #tpu.memory_space<hbm>> -> memref<256x128xf32, #tpu.memory_space<hbm>>
      %dma_start3A_387 = arith.constant 0 : i32
      %dma_start3A_388 = tpu.memref_slice %arg4[%add3A_377, %dma_start3A_387] : memref<262144x128xf32, #tpu.memory_space<hbm>> -> memref<256x128xf32, #tpu.memory_space<hbm>>
      tpu.enqueue_dma source(%arg6 : memref<256x128xf32, #tpu.memory_space<vmem>>) target(%dma_start3A_388 : memref<256x128xf32, #tpu.memory_space<hbm>>) target_semaphore(%run_scoped3A : memref<!tpu.dma_semaphore, #tpu.memory_space<semaphore_mem>>)
      %dma_wait3A_389 = arith.constant 0 : i32
      %dma_wait3A_390 = tpu.memref_slice %arg4[%add3A_377, %dma_wait3A_389] : memref<262144x128xf32, #tpu.memory_space<hbm>> -> memref<256x128xf32, #tpu.memory_space<hbm>>
      %dma_wait3A_391 = arith.constant 0 : i32
      %dma_wait3A_392 = tpu.memref_slice %arg4[%add3A_377, %dma_wait3A_391] : memref<262144x128xf32, #tpu.memory_space<hbm>> -> memref<256x128xf32, #tpu.memory_space<hbm>>
      tpu.wait_dma2 semaphore(%run_scoped3A : memref<!tpu.dma_semaphore, #tpu.memory_space<semaphore_mem>>) src(%arg6 : memref<256x128xf32, #tpu.memory_space<vmem>>) dst(%dma_wait3A_392 : memref<256x128xf32, #tpu.memory_space<hbm>>)
      tpu.yield
    }) : () -> ()
    %dma_wait3A_378 = arith.constant 7936 : i32
    %dma_wait3A_379 = tpu.memref_slice %arg5[%dma_wait3A_378] : memref<8192xi32, #tpu.memory_space<vmem>> -> memref<256xi32, #tpu.memory_space<vmem>>
    %dma_wait3A_380 = arith.constant 0 : i32
    %dma_wait3A_381 = arith.constant 0 : i32
    %dma_wait3A_382 = tpu.memref_slice %arg2[%dma_wait3A_380, %dma_wait3A_381] : memref<8192x128xf32, #tpu.memory_space<hbm>> -> memref<8192x128xf32, #tpu.memory_space<hbm>>
    tpu.wait_indirect_dma semaphore(%arg9 : memref<!tpu.dma_semaphore, #tpu.memory_space<semaphore_mem>>) src(%dma_wait3A_382 : memref<8192x128xf32, #tpu.memory_space<hbm>>) dst(%arg7 : memref<256x128xf32, #tpu.memory_space<vmem>>)
    %add3A_383 = arith.constant 7936 : i32
    %add3A_384 = arith.addi %mul3A_2, %add3A_383 : i32
    "tpu.region"() ({
      %run_scoped3A = tpu.sem_alloc : memref<!tpu.dma_semaphore, #tpu.memory_space<semaphore_mem>>
      %dma_start3A_385 = arith.constant 0 : i32
      %dma_start3A_386 = tpu.memref_slice %arg4[%add3A_384, %dma_start3A_385] : memref<262144x128xf32, #tpu.memory_space<hbm>> -> memref<256x128xf32, #tpu.memory_space<hbm>>
      %dma_start3A_387 = arith.constant 0 : i32
      %dma_start3A_388 = tpu.memref_slice %arg4[%add3A_384, %dma_start3A_387] : memref<262144x128xf32, #tpu.memory_space<hbm>> -> memref<256x128xf32, #tpu.memory_space<hbm>>
      tpu.enqueue_dma source(%arg7 : memref<256x128xf32, #tpu.memory_space<vmem>>) target(%dma_start3A_388 : memref<256x128xf32, #tpu.memory_space<hbm>>) target_semaphore(%run_scoped3A : memref<!tpu.dma_semaphore, #tpu.memory_space<semaphore_mem>>)
      %dma_wait3A_389 = arith.constant 0 : i32
      %dma_wait3A_390 = tpu.memref_slice %arg4[%add3A_384, %dma_wait3A_389] : memref<262144x128xf32, #tpu.memory_space<hbm>> -> memref<256x128xf32, #tpu.memory_space<hbm>>
      %dma_wait3A_391 = arith.constant 0 : i32
      %dma_wait3A_392 = tpu.memref_slice %arg4[%add3A_384, %dma_wait3A_391] : memref<262144x128xf32, #tpu.memory_space<hbm>> -> memref<256x128xf32, #tpu.memory_space<hbm>>
      tpu.wait_dma2 semaphore(%run_scoped3A : memref<!tpu.dma_semaphore, #tpu.memory_space<semaphore_mem>>) src(%arg7 : memref<256x128xf32, #tpu.memory_space<vmem>>) dst(%dma_wait3A_392 : memref<256x128xf32, #tpu.memory_space<hbm>>)
      tpu.yield
    }) : () -> ()
    return
  }
}

module attributes {stable_mosaic.version = 14 : i64} {
  func.func @_sel_body(%arg0: i32, %arg1: memref<1x64x256xf32, #tpu.memory_space<vmem>>, %arg2: memref<1x64x256xf32, #tpu.memory_space<vmem>>, %arg3: memref<1x64x256xf32, #tpu.memory_space<vmem>>, %arg4: memref<1x32x128xf32, #tpu.memory_space<vmem>>, %arg5: memref<1x32x128xf32, #tpu.memory_space<vmem>>, %arg6: memref<1x32x128xf32, #tpu.memory_space<vmem>>, %arg7: memref<1x8x64x256xi32, #tpu.memory_space<vmem>>, %arg8: memref<1x8x64x256xf32, #tpu.memory_space<vmem>>) attributes {dimension_semantics = [#tpu.dimension_semantics<arbitrary>], iteration_bounds = array<i64: 2>, scalar_prefetch = 0 : i64, scratch_operands = 0 : i64, tpu.core_type = #tpu.core_type<tc>, window_params = [{transform_indices = @transform_0, window_bounds = array<i64: 1, 64, 256>}, {transform_indices = @transform_1, window_bounds = array<i64: 1, 64, 256>}, {transform_indices = @transform_2, window_bounds = array<i64: 1, 64, 256>}, {transform_indices = @transform_3, window_bounds = array<i64: 1, 32, 128>}, {transform_indices = @transform_4, window_bounds = array<i64: 1, 32, 128>}, {transform_indices = @transform_5, window_bounds = array<i64: 1, 32, 128>}, {transform_indices = @transform_6, window_bounds = array<i64: 1, 8, 64, 256>}, {transform_indices = @transform_7, window_bounds = array<i64: 1, 8, 64, 256>}]} {
    %get3A = arith.constant 0 : index
    %get3A_0 = arith.constant 0 : index
    %get3A_1 = arith.constant 0 : index
    %get3A_2 = vector.load %arg1[%get3A, %get3A_0, %get3A_1] : memref<1x64x256xf32, #tpu.memory_space<vmem>>, vector<1x64x256xf32>
    %get3A_3 = vector.shape_cast %get3A_2 : vector<1x64x256xf32> to vector<64x256xf32>
    %get3A_4 = arith.constant 0 : index
    %get3A_5 = arith.constant 0 : index
    %get3A_6 = arith.constant 0 : index
    %get3A_7 = vector.load %arg2[%get3A_4, %get3A_5, %get3A_6] : memref<1x64x256xf32, #tpu.memory_space<vmem>>, vector<1x64x256xf32>
    %get3A_8 = vector.shape_cast %get3A_7 : vector<1x64x256xf32> to vector<64x256xf32>
    %get3A_9 = arith.constant 0 : index
    %get3A_10 = arith.constant 0 : index
    %get3A_11 = arith.constant 0 : index
    %get3A_12 = vector.load %arg3[%get3A_9, %get3A_10, %get3A_11] : memref<1x64x256xf32, #tpu.memory_space<vmem>>, vector<1x64x256xf32>
    %get3A_13 = vector.shape_cast %get3A_12 : vector<1x64x256xf32> to vector<64x256xf32>
    %get3A_14 = arith.constant 0 : index
    %get3A_15 = arith.constant 0 : index
    %get3A_16 = arith.constant 0 : index
    %get3A_17 = vector.load %arg4[%get3A_14, %get3A_15, %get3A_16] : memref<1x32x128xf32, #tpu.memory_space<vmem>>, vector<1x32x128xf32>
    %get3A_18 = vector.shape_cast %get3A_17 : vector<1x32x128xf32> to vector<32x128xf32>
    %get3A_19 = arith.constant 0 : index
    %get3A_20 = arith.constant 0 : index
    %get3A_21 = arith.constant 0 : index
    %get3A_22 = vector.load %arg5[%get3A_19, %get3A_20, %get3A_21] : memref<1x32x128xf32, #tpu.memory_space<vmem>>, vector<1x32x128xf32>
    %get3A_23 = vector.shape_cast %get3A_22 : vector<1x32x128xf32> to vector<32x128xf32>
    %get3A_24 = arith.constant 0 : index
    %get3A_25 = arith.constant 0 : index
    %get3A_26 = arith.constant 0 : index
    %get3A_27 = vector.load %arg6[%get3A_24, %get3A_25, %get3A_26] : memref<1x32x128xf32, #tpu.memory_space<vmem>>, vector<1x32x128xf32>
    %get3A_28 = vector.shape_cast %get3A_27 : vector<1x32x128xf32> to vector<32x128xf32>
    %iota3A = tpu.iota {dimensions = array<i32: 0>} : vector<64x256xi32>
    %iota3A_29 = tpu.iota {dimensions = array<i32: 1>} : vector<64x256xi32>
    %jit3A = arith.constant 2 : i32
    %div3A = vector.broadcast %jit3A : i32 to vector<64x256xi32>
    %div3A_30 = arith.divsi %iota3A, %div3A : vector<64x256xi32>
    %sign3A = arith.constant 0 : i32
    %sign3A_31 = vector.broadcast %sign3A : i32 to vector<64x256xi32>
    %sign3A_32 = arith.cmpi sgt, %iota3A, %sign3A_31 : vector<64x256xi32>
    %sign3A_33 = arith.extui %sign3A_32 : vector<64x256xi1> to vector<64x256xi32>
    %sign3A_34 = arith.constant 0 : i32
    %sign3A_35 = vector.broadcast %sign3A_34 : i32 to vector<64x256xi32>
    %sign3A_36 = arith.cmpi slt, %iota3A, %sign3A_35 : vector<64x256xi32>
    %sign3A_37 = arith.extui %sign3A_36 : vector<64x256xi1> to vector<64x256xi32>
    %sign3A_38 = arith.subi %sign3A_33, %sign3A_37 : vector<64x256xi32>
    %sign3A_39 = arith.constant 0 : i32
    %sign3A_40 = arith.cmpi sgt, %jit3A, %sign3A_39 : i32
    %sign3A_41 = arith.extui %sign3A_40 : i1 to i32
    %sign3A_42 = arith.constant 0 : i32
    %sign3A_43 = arith.cmpi slt, %jit3A, %sign3A_42 : i32
    %sign3A_44 = arith.extui %sign3A_43 : i1 to i32
    %sign3A_45 = arith.subi %sign3A_41, %sign3A_44 : i32
    %ne3A = vector.broadcast %sign3A_45 : i32 to vector<64x256xi32>
    %ne3A_46 = arith.cmpi ne, %sign3A_38, %ne3A : vector<64x256xi32>
    %rem3A = vector.broadcast %jit3A : i32 to vector<64x256xi32>
    %rem3A_47 = arith.remsi %iota3A, %rem3A : vector<64x256xi32>
    %ne3A_48 = arith.constant 0 : i32
    %ne3A_49 = vector.broadcast %ne3A_48 : i32 to vector<64x256xi32>
    %ne3A_50 = arith.cmpi ne, %rem3A_47, %ne3A_49 : vector<64x256xi32>
    %and3A = arith.andi %ne3A_46, %ne3A_50 : vector<64x256xi1>
    %sub3A = arith.constant 1 : i32
    %sub3A_51 = vector.broadcast %sub3A : i32 to vector<64x256xi32>
    %sub3A_52 = arith.subi %div3A_30, %sub3A_51 : vector<64x256xi32>
    %select_n3A = arith.select %and3A, %sub3A_52, %div3A_30 : vector<64x256xi1>, vector<64x256xi32>
    %jit3A_53 = arith.constant 2 : i32
    %div3A_54 = vector.broadcast %jit3A_53 : i32 to vector<64x256xi32>
    %div3A_55 = arith.divsi %iota3A_29, %div3A_54 : vector<64x256xi32>
    %sign3A_56 = arith.constant 0 : i32
    %sign3A_57 = vector.broadcast %sign3A_56 : i32 to vector<64x256xi32>
    %sign3A_58 = arith.cmpi sgt, %iota3A_29, %sign3A_57 : vector<64x256xi32>
    %sign3A_59 = arith.extui %sign3A_58 : vector<64x256xi1> to vector<64x256xi32>
    %sign3A_60 = arith.constant 0 : i32
    %sign3A_61 = vector.broadcast %sign3A_60 : i32 to vector<64x256xi32>
    %sign3A_62 = arith.cmpi slt, %iota3A_29, %sign3A_61 : vector<64x256xi32>
    %sign3A_63 = arith.extui %sign3A_62 : vector<64x256xi1> to vector<64x256xi32>
    %sign3A_64 = arith.subi %sign3A_59, %sign3A_63 : vector<64x256xi32>
    %sign3A_65 = arith.constant 0 : i32
    %sign3A_66 = arith.cmpi sgt, %jit3A_53, %sign3A_65 : i32
    %sign3A_67 = arith.extui %sign3A_66 : i1 to i32
    %sign3A_68 = arith.constant 0 : i32
    %sign3A_69 = arith.cmpi slt, %jit3A_53, %sign3A_68 : i32
    %sign3A_70 = arith.extui %sign3A_69 : i1 to i32
    %sign3A_71 = arith.subi %sign3A_67, %sign3A_70 : i32
    %ne3A_72 = vector.broadcast %sign3A_71 : i32 to vector<64x256xi32>
    %ne3A_73 = arith.cmpi ne, %sign3A_64, %ne3A_72 : vector<64x256xi32>
    %rem3A_74 = vector.broadcast %jit3A_53 : i32 to vector<64x256xi32>
    %rem3A_75 = arith.remsi %iota3A_29, %rem3A_74 : vector<64x256xi32>
    %ne3A_76 = arith.constant 0 : i32
    %ne3A_77 = vector.broadcast %ne3A_76 : i32 to vector<64x256xi32>
    %ne3A_78 = arith.cmpi ne, %rem3A_75, %ne3A_77 : vector<64x256xi32>
    %and3A_79 = arith.andi %ne3A_73, %ne3A_78 : vector<64x256xi1>
    %sub3A_80 = arith.constant 1 : i32
    %sub3A_81 = vector.broadcast %sub3A_80 : i32 to vector<64x256xi32>
    %sub3A_82 = arith.subi %div3A_55, %sub3A_81 : vector<64x256xi32>
    %select_n3A_83 = arith.select %and3A_79, %sub3A_82, %div3A_55 : vector<64x256xi1>, vector<64x256xi32>
    %add3A = arith.constant -2 : i32
    %add3A_84 = vector.broadcast %add3A : i32 to vector<64x256xi32>
    %add3A_85 = arith.addi %select_n3A, %add3A_84 : vector<64x256xi32>
    %ge3A = arith.constant 0 : i32
    %ge3A_86 = vector.broadcast %ge3A : i32 to vector<64x256xi32>
    %ge3A_87 = arith.cmpi sge, %add3A_85, %ge3A_86 : vector<64x256xi32>
    %add3A_88 = arith.constant -2 : i32
    %add3A_89 = vector.broadcast %add3A_88 : i32 to vector<64x256xi32>
    %add3A_90 = arith.addi %select_n3A, %add3A_89 : vector<64x256xi32>
    %lt3A = arith.constant 32 : i32
    %lt3A_91 = vector.broadcast %lt3A : i32 to vector<64x256xi32>
    %lt3A_92 = arith.cmpi slt, %add3A_90, %lt3A_91 : vector<64x256xi32>
    %and3A_93 = arith.andi %ge3A_87, %lt3A_92 : vector<64x256xi1>
    %slice3A = vector.extract_strided_slice %get3A_18 {offsets = [30, 0], sizes = [2, 128], strides = [1, 1]} : vector<32x128xf32> to vector<2x128xf32>
    %slice3A_94 = vector.extract_strided_slice %get3A_18 {offsets = [0, 0], sizes = [30, 128], strides = [1, 1]} : vector<32x128xf32> to vector<30x128xf32>
    %concatenate3A = tpu.concatenate %slice3A, %slice3A_94 in 0 : vector<2x128xf32>, vector<30x128xf32> -> vector<32x128xf32>
    %broadcast_in_dim3A = vector.shape_cast %concatenate3A : vector<32x128xf32> to vector<32x1x128xf32>
    %broadcast_in_dim3A_95 = vector.shape_cast %broadcast_in_dim3A : vector<32x1x128xf32> to vector<32x1x128xf32>
    %broadcast_in_dim3A_96 = vector.broadcast %broadcast_in_dim3A_95 : vector<32x1x128xf32> to vector<32x2x128xf32>
    %reshape3A = vector.shape_cast %broadcast_in_dim3A_96 : vector<32x2x128xf32> to vector<64x128xf32>
    %broadcast_in_dim3A_97 = vector.shape_cast %reshape3A : vector<64x128xf32> to vector<64x128x1xf32>
    %broadcast_in_dim3A_98 = vector.shape_cast %broadcast_in_dim3A_97 : vector<64x128x1xf32> to vector<64x128x1xf32>
    %broadcast_in_dim3A_99 = vector.broadcast %broadcast_in_dim3A_98 : vector<64x128x1xf32> to vector<64x128x2xf32>
    %reshape3A_100 = vector.shape_cast %broadcast_in_dim3A_99 : vector<64x128x2xf32> to vector<64x256xf32>
    %slice3A_101 = vector.extract_strided_slice %get3A_23 {offsets = [30, 0], sizes = [2, 128], strides = [1, 1]} : vector<32x128xf32> to vector<2x128xf32>
    %slice3A_102 = vector.extract_strided_slice %get3A_23 {offsets = [0, 0], sizes = [30, 128], strides = [1, 1]} : vector<32x128xf32> to vector<30x128xf32>
    %concatenate3A_103 = tpu.concatenate %slice3A_101, %slice3A_102 in 0 : vector<2x128xf32>, vector<30x128xf32> -> vector<32x128xf32>
    %broadcast_in_dim3A_104 = vector.shape_cast %concatenate3A_103 : vector<32x128xf32> to vector<32x1x128xf32>
    %broadcast_in_dim3A_105 = vector.shape_cast %broadcast_in_dim3A_104 : vector<32x1x128xf32> to vector<32x1x128xf32>
    %broadcast_in_dim3A_106 = vector.broadcast %broadcast_in_dim3A_105 : vector<32x1x128xf32> to vector<32x2x128xf32>
    %reshape3A_107 = vector.shape_cast %broadcast_in_dim3A_106 : vector<32x2x128xf32> to vector<64x128xf32>
    %broadcast_in_dim3A_108 = vector.shape_cast %reshape3A_107 : vector<64x128xf32> to vector<64x128x1xf32>
    %broadcast_in_dim3A_109 = vector.shape_cast %broadcast_in_dim3A_108 : vector<64x128x1xf32> to vector<64x128x1xf32>
    %broadcast_in_dim3A_110 = vector.broadcast %broadcast_in_dim3A_109 : vector<64x128x1xf32> to vector<64x128x2xf32>
    %reshape3A_111 = vector.shape_cast %broadcast_in_dim3A_110 : vector<64x128x2xf32> to vector<64x256xf32>
    %slice3A_112 = vector.extract_strided_slice %get3A_28 {offsets = [30, 0], sizes = [2, 128], strides = [1, 1]} : vector<32x128xf32> to vector<2x128xf32>
    %slice3A_113 = vector.extract_strided_slice %get3A_28 {offsets = [0, 0], sizes = [30, 128], strides = [1, 1]} : vector<32x128xf32> to vector<30x128xf32>
    %concatenate3A_114 = tpu.concatenate %slice3A_112, %slice3A_113 in 0 : vector<2x128xf32>, vector<30x128xf32> -> vector<32x128xf32>
    %broadcast_in_dim3A_115 = vector.shape_cast %concatenate3A_114 : vector<32x128xf32> to vector<32x1x128xf32>
    %broadcast_in_dim3A_116 = vector.shape_cast %broadcast_in_dim3A_115 : vector<32x1x128xf32> to vector<32x1x128xf32>
    %broadcast_in_dim3A_117 = vector.broadcast %broadcast_in_dim3A_116 : vector<32x1x128xf32> to vector<32x2x128xf32>
    %reshape3A_118 = vector.shape_cast %broadcast_in_dim3A_117 : vector<32x2x128xf32> to vector<64x128xf32>
    %broadcast_in_dim3A_119 = vector.shape_cast %reshape3A_118 : vector<64x128xf32> to vector<64x128x1xf32>
    %broadcast_in_dim3A_120 = vector.shape_cast %broadcast_in_dim3A_119 : vector<64x128x1xf32> to vector<64x128x1xf32>
    %broadcast_in_dim3A_121 = vector.broadcast %broadcast_in_dim3A_120 : vector<64x128x1xf32> to vector<64x128x2xf32>
    %reshape3A_122 = vector.shape_cast %broadcast_in_dim3A_121 : vector<64x128x2xf32> to vector<64x256xf32>
    %add3A_123 = arith.constant -4 : i32
    %add3A_124 = vector.broadcast %add3A_123 : i32 to vector<64x256xi32>
    %add3A_125 = arith.addi %select_n3A_83, %add3A_124 : vector<64x256xi32>
    %ge3A_126 = arith.constant 0 : i32
    %ge3A_127 = vector.broadcast %ge3A_126 : i32 to vector<64x256xi32>
    %ge3A_128 = arith.cmpi sge, %add3A_125, %ge3A_127 : vector<64x256xi32>
    %add3A_129 = arith.constant -4 : i32
    %add3A_130 = vector.broadcast %add3A_129 : i32 to vector<64x256xi32>
    %add3A_131 = arith.addi %select_n3A_83, %add3A_130 : vector<64x256xi32>
    %lt3A_132 = arith.constant 128 : i32
    %lt3A_133 = vector.broadcast %lt3A_132 : i32 to vector<64x256xi32>
    %lt3A_134 = arith.cmpi slt, %add3A_131, %lt3A_133 : vector<64x256xi32>
    %and3A_135 = arith.andi %ge3A_128, %lt3A_134 : vector<64x256xi1>
    %slice3A_136 = vector.extract_strided_slice %reshape3A_100 {offsets = [0, 248], sizes = [64, 8], strides = [1, 1]} : vector<64x256xf32> to vector<64x8xf32>
    %slice3A_137 = vector.extract_strided_slice %reshape3A_100 {offsets = [0, 0], sizes = [64, 248], strides = [1, 1]} : vector<64x256xf32> to vector<64x248xf32>
    %concatenate3A_138 = tpu.concatenate %slice3A_136, %slice3A_137 in 1 : vector<64x8xf32>, vector<64x248xf32> -> vector<64x256xf32>
    %slice3A_139 = vector.extract_strided_slice %reshape3A_111 {offsets = [0, 248], sizes = [64, 8], strides = [1, 1]} : vector<64x256xf32> to vector<64x8xf32>
    %slice3A_140 = vector.extract_strided_slice %reshape3A_111 {offsets = [0, 0], sizes = [64, 248], strides = [1, 1]} : vector<64x256xf32> to vector<64x248xf32>
    %concatenate3A_141 = tpu.concatenate %slice3A_139, %slice3A_140 in 1 : vector<64x8xf32>, vector<64x248xf32> -> vector<64x256xf32>
    %slice3A_142 = vector.extract_strided_slice %reshape3A_122 {offsets = [0, 248], sizes = [64, 8], strides = [1, 1]} : vector<64x256xf32> to vector<64x8xf32>
    %slice3A_143 = vector.extract_strided_slice %reshape3A_122 {offsets = [0, 0], sizes = [64, 248], strides = [1, 1]} : vector<64x256xf32> to vector<64x248xf32>
    %concatenate3A_144 = tpu.concatenate %slice3A_142, %slice3A_143 in 1 : vector<64x8xf32>, vector<64x248xf32> -> vector<64x256xf32>
    %sub3A_145 = arith.subf %concatenate3A_138, %get3A_3 : vector<64x256xf32>
    %sub3A_146 = arith.subf %concatenate3A_141, %get3A_8 : vector<64x256xf32>
    %sub3A_147 = arith.subf %concatenate3A_144, %get3A_13 : vector<64x256xf32>
    %mul3A = arith.mulf %sub3A_145, %sub3A_145 : vector<64x256xf32>
    %mul3A_148 = arith.mulf %sub3A_146, %sub3A_146 : vector<64x256xf32>
    %add3A_149 = arith.addf %mul3A, %mul3A_148 : vector<64x256xf32>
    %mul3A_150 = arith.mulf %sub3A_147, %sub3A_147 : vector<64x256xf32>
    %add3A_151 = arith.addf %add3A_149, %mul3A_150 : vector<64x256xf32>
    %and3A_152 = arith.andi %and3A_93, %and3A_135 : vector<64x256xi1>
    %jit3A_153 = arith.constant 0x7F800000 : f32
    %broadcast_in_dim3A_154 = vector.broadcast %jit3A_153 : f32 to vector<64x256xf32>
    %select_n3A_155 = arith.select %and3A_152, %add3A_151, %broadcast_in_dim3A_154 : vector<64x256xi1>, vector<64x256xf32>
    %add3A_156 = arith.constant -3 : i32
    %add3A_157 = vector.broadcast %add3A_156 : i32 to vector<64x256xi32>
    %add3A_158 = arith.addi %select_n3A_83, %add3A_157 : vector<64x256xi32>
    %ge3A_159 = arith.constant 0 : i32
    %ge3A_160 = vector.broadcast %ge3A_159 : i32 to vector<64x256xi32>
    %ge3A_161 = arith.cmpi sge, %add3A_158, %ge3A_160 : vector<64x256xi32>
    %add3A_162 = arith.constant -3 : i32
    %add3A_163 = vector.broadcast %add3A_162 : i32 to vector<64x256xi32>
    %add3A_164 = arith.addi %select_n3A_83, %add3A_163 : vector<64x256xi32>
    %lt3A_165 = arith.constant 128 : i32
    %lt3A_166 = vector.broadcast %lt3A_165 : i32 to vector<64x256xi32>
    %lt3A_167 = arith.cmpi slt, %add3A_164, %lt3A_166 : vector<64x256xi32>
    %and3A_168 = arith.andi %ge3A_161, %lt3A_167 : vector<64x256xi1>
    %slice3A_169 = vector.extract_strided_slice %reshape3A_100 {offsets = [0, 250], sizes = [64, 6], strides = [1, 1]} : vector<64x256xf32> to vector<64x6xf32>
    %slice3A_170 = vector.extract_strided_slice %reshape3A_100 {offsets = [0, 0], sizes = [64, 250], strides = [1, 1]} : vector<64x256xf32> to vector<64x250xf32>
    %concatenate3A_171 = tpu.concatenate %slice3A_169, %slice3A_170 in 1 : vector<64x6xf32>, vector<64x250xf32> -> vector<64x256xf32>
    %slice3A_172 = vector.extract_strided_slice %reshape3A_111 {offsets = [0, 250], sizes = [64, 6], strides = [1, 1]} : vector<64x256xf32> to vector<64x6xf32>
    %slice3A_173 = vector.extract_strided_slice %reshape3A_111 {offsets = [0, 0], sizes = [64, 250], strides = [1, 1]} : vector<64x256xf32> to vector<64x250xf32>
    %concatenate3A_174 = tpu.concatenate %slice3A_172, %slice3A_173 in 1 : vector<64x6xf32>, vector<64x250xf32> -> vector<64x256xf32>
    %slice3A_175 = vector.extract_strided_slice %reshape3A_122 {offsets = [0, 250], sizes = [64, 6], strides = [1, 1]} : vector<64x256xf32> to vector<64x6xf32>
    %slice3A_176 = vector.extract_strided_slice %reshape3A_122 {offsets = [0, 0], sizes = [64, 250], strides = [1, 1]} : vector<64x256xf32> to vector<64x250xf32>
    %concatenate3A_177 = tpu.concatenate %slice3A_175, %slice3A_176 in 1 : vector<64x6xf32>, vector<64x250xf32> -> vector<64x256xf32>
    %sub3A_178 = arith.subf %concatenate3A_171, %get3A_3 : vector<64x256xf32>
    %sub3A_179 = arith.subf %concatenate3A_174, %get3A_8 : vector<64x256xf32>
    %sub3A_180 = arith.subf %concatenate3A_177, %get3A_13 : vector<64x256xf32>
    %mul3A_181 = arith.mulf %sub3A_178, %sub3A_178 : vector<64x256xf32>
    %mul3A_182 = arith.mulf %sub3A_179, %sub3A_179 : vector<64x256xf32>
    %add3A_183 = arith.addf %mul3A_181, %mul3A_182 : vector<64x256xf32>
    %mul3A_184 = arith.mulf %sub3A_180, %sub3A_180 : vector<64x256xf32>
    %add3A_185 = arith.addf %add3A_183, %mul3A_184 : vector<64x256xf32>
    %and3A_186 = arith.andi %and3A_93, %and3A_168 : vector<64x256xi1>
    %jit3A_187 = arith.constant 0x7F800000 : f32
    %broadcast_in_dim3A_188 = vector.broadcast %jit3A_187 : f32 to vector<64x256xf32>
    %select_n3A_189 = arith.select %and3A_186, %add3A_185, %broadcast_in_dim3A_188 : vector<64x256xi1>, vector<64x256xf32>
    %add3A_190 = arith.constant -2 : i32
    %add3A_191 = vector.broadcast %add3A_190 : i32 to vector<64x256xi32>
    %add3A_192 = arith.addi %select_n3A_83, %add3A_191 : vector<64x256xi32>
    %ge3A_193 = arith.constant 0 : i32
    %ge3A_194 = vector.broadcast %ge3A_193 : i32 to vector<64x256xi32>
    %ge3A_195 = arith.cmpi sge, %add3A_192, %ge3A_194 : vector<64x256xi32>
    %add3A_196 = arith.constant -2 : i32
    %add3A_197 = vector.broadcast %add3A_196 : i32 to vector<64x256xi32>
    %add3A_198 = arith.addi %select_n3A_83, %add3A_197 : vector<64x256xi32>
    %lt3A_199 = arith.constant 128 : i32
    %lt3A_200 = vector.broadcast %lt3A_199 : i32 to vector<64x256xi32>
    %lt3A_201 = arith.cmpi slt, %add3A_198, %lt3A_200 : vector<64x256xi32>
    %and3A_202 = arith.andi %ge3A_195, %lt3A_201 : vector<64x256xi1>
    %slice3A_203 = vector.extract_strided_slice %reshape3A_100 {offsets = [0, 252], sizes = [64, 4], strides = [1, 1]} : vector<64x256xf32> to vector<64x4xf32>
    %slice3A_204 = vector.extract_strided_slice %reshape3A_100 {offsets = [0, 0], sizes = [64, 252], strides = [1, 1]} : vector<64x256xf32> to vector<64x252xf32>
    %concatenate3A_205 = tpu.concatenate %slice3A_203, %slice3A_204 in 1 : vector<64x4xf32>, vector<64x252xf32> -> vector<64x256xf32>
    %slice3A_206 = vector.extract_strided_slice %reshape3A_111 {offsets = [0, 252], sizes = [64, 4], strides = [1, 1]} : vector<64x256xf32> to vector<64x4xf32>
    %slice3A_207 = vector.extract_strided_slice %reshape3A_111 {offsets = [0, 0], sizes = [64, 252], strides = [1, 1]} : vector<64x256xf32> to vector<64x252xf32>
    %concatenate3A_208 = tpu.concatenate %slice3A_206, %slice3A_207 in 1 : vector<64x4xf32>, vector<64x252xf32> -> vector<64x256xf32>
    %slice3A_209 = vector.extract_strided_slice %reshape3A_122 {offsets = [0, 252], sizes = [64, 4], strides = [1, 1]} : vector<64x256xf32> to vector<64x4xf32>
    %slice3A_210 = vector.extract_strided_slice %reshape3A_122 {offsets = [0, 0], sizes = [64, 252], strides = [1, 1]} : vector<64x256xf32> to vector<64x252xf32>
    %concatenate3A_211 = tpu.concatenate %slice3A_209, %slice3A_210 in 1 : vector<64x4xf32>, vector<64x252xf32> -> vector<64x256xf32>
    %sub3A_212 = arith.subf %concatenate3A_205, %get3A_3 : vector<64x256xf32>
    %sub3A_213 = arith.subf %concatenate3A_208, %get3A_8 : vector<64x256xf32>
    %sub3A_214 = arith.subf %concatenate3A_211, %get3A_13 : vector<64x256xf32>
    %mul3A_215 = arith.mulf %sub3A_212, %sub3A_212 : vector<64x256xf32>
    %mul3A_216 = arith.mulf %sub3A_213, %sub3A_213 : vector<64x256xf32>
    %add3A_217 = arith.addf %mul3A_215, %mul3A_216 : vector<64x256xf32>
    %mul3A_218 = arith.mulf %sub3A_214, %sub3A_214 : vector<64x256xf32>
    %add3A_219 = arith.addf %add3A_217, %mul3A_218 : vector<64x256xf32>
    %and3A_220 = arith.andi %and3A_93, %and3A_202 : vector<64x256xi1>
    %jit3A_221 = arith.constant 0x7F800000 : f32
    %broadcast_in_dim3A_222 = vector.broadcast %jit3A_221 : f32 to vector<64x256xf32>
    %select_n3A_223 = arith.select %and3A_220, %add3A_219, %broadcast_in_dim3A_222 : vector<64x256xi1>, vector<64x256xf32>
    %add3A_224 = arith.constant -1 : i32
    %add3A_225 = vector.broadcast %add3A_224 : i32 to vector<64x256xi32>
    %add3A_226 = arith.addi %select_n3A_83, %add3A_225 : vector<64x256xi32>
    %ge3A_227 = arith.constant 0 : i32
    %ge3A_228 = vector.broadcast %ge3A_227 : i32 to vector<64x256xi32>
    %ge3A_229 = arith.cmpi sge, %add3A_226, %ge3A_228 : vector<64x256xi32>
    %add3A_230 = arith.constant -1 : i32
    %add3A_231 = vector.broadcast %add3A_230 : i32 to vector<64x256xi32>
    %add3A_232 = arith.addi %select_n3A_83, %add3A_231 : vector<64x256xi32>
    %lt3A_233 = arith.constant 128 : i32
    %lt3A_234 = vector.broadcast %lt3A_233 : i32 to vector<64x256xi32>
    %lt3A_235 = arith.cmpi slt, %add3A_232, %lt3A_234 : vector<64x256xi32>
    %and3A_236 = arith.andi %ge3A_229, %lt3A_235 : vector<64x256xi1>
    %slice3A_237 = vector.extract_strided_slice %reshape3A_100 {offsets = [0, 254], sizes = [64, 2], strides = [1, 1]} : vector<64x256xf32> to vector<64x2xf32>
    %slice3A_238 = vector.extract_strided_slice %reshape3A_100 {offsets = [0, 0], sizes = [64, 254], strides = [1, 1]} : vector<64x256xf32> to vector<64x254xf32>
    %concatenate3A_239 = tpu.concatenate %slice3A_237, %slice3A_238 in 1 : vector<64x2xf32>, vector<64x254xf32> -> vector<64x256xf32>
    %slice3A_240 = vector.extract_strided_slice %reshape3A_111 {offsets = [0, 254], sizes = [64, 2], strides = [1, 1]} : vector<64x256xf32> to vector<64x2xf32>
    %slice3A_241 = vector.extract_strided_slice %reshape3A_111 {offsets = [0, 0], sizes = [64, 254], strides = [1, 1]} : vector<64x256xf32> to vector<64x254xf32>
    %concatenate3A_242 = tpu.concatenate %slice3A_240, %slice3A_241 in 1 : vector<64x2xf32>, vector<64x254xf32> -> vector<64x256xf32>
    %slice3A_243 = vector.extract_strided_slice %reshape3A_122 {offsets = [0, 254], sizes = [64, 2], strides = [1, 1]} : vector<64x256xf32> to vector<64x2xf32>
    %slice3A_244 = vector.extract_strided_slice %reshape3A_122 {offsets = [0, 0], sizes = [64, 254], strides = [1, 1]} : vector<64x256xf32> to vector<64x254xf32>
    %concatenate3A_245 = tpu.concatenate %slice3A_243, %slice3A_244 in 1 : vector<64x2xf32>, vector<64x254xf32> -> vector<64x256xf32>
    %sub3A_246 = arith.subf %concatenate3A_239, %get3A_3 : vector<64x256xf32>
    %sub3A_247 = arith.subf %concatenate3A_242, %get3A_8 : vector<64x256xf32>
    %sub3A_248 = arith.subf %concatenate3A_245, %get3A_13 : vector<64x256xf32>
    %mul3A_249 = arith.mulf %sub3A_246, %sub3A_246 : vector<64x256xf32>
    %mul3A_250 = arith.mulf %sub3A_247, %sub3A_247 : vector<64x256xf32>
    %add3A_251 = arith.addf %mul3A_249, %mul3A_250 : vector<64x256xf32>
    %mul3A_252 = arith.mulf %sub3A_248, %sub3A_248 : vector<64x256xf32>
    %add3A_253 = arith.addf %add3A_251, %mul3A_252 : vector<64x256xf32>
    %and3A_254 = arith.andi %and3A_93, %and3A_236 : vector<64x256xi1>
    %jit3A_255 = arith.constant 0x7F800000 : f32
    %broadcast_in_dim3A_256 = vector.broadcast %jit3A_255 : f32 to vector<64x256xf32>
    %select_n3A_257 = arith.select %and3A_254, %add3A_253, %broadcast_in_dim3A_256 : vector<64x256xi1>, vector<64x256xf32>
    %add3A_258 = arith.constant 0 : i32
    %add3A_259 = vector.broadcast %add3A_258 : i32 to vector<64x256xi32>
    %add3A_260 = arith.addi %select_n3A_83, %add3A_259 : vector<64x256xi32>
    %ge3A_261 = arith.constant 0 : i32
    %ge3A_262 = vector.broadcast %ge3A_261 : i32 to vector<64x256xi32>
    %ge3A_263 = arith.cmpi sge, %add3A_260, %ge3A_262 : vector<64x256xi32>
    %add3A_264 = arith.constant 0 : i32
    %add3A_265 = vector.broadcast %add3A_264 : i32 to vector<64x256xi32>
    %add3A_266 = arith.addi %select_n3A_83, %add3A_265 : vector<64x256xi32>
    %lt3A_267 = arith.constant 128 : i32
    %lt3A_268 = vector.broadcast %lt3A_267 : i32 to vector<64x256xi32>
    %lt3A_269 = arith.cmpi slt, %add3A_266, %lt3A_268 : vector<64x256xi32>
    %and3A_270 = arith.andi %ge3A_263, %lt3A_269 : vector<64x256xi1>
    %sub3A_271 = arith.subf %reshape3A_100, %get3A_3 : vector<64x256xf32>
    %sub3A_272 = arith.subf %reshape3A_111, %get3A_8 : vector<64x256xf32>
    %sub3A_273 = arith.subf %reshape3A_122, %get3A_13 : vector<64x256xf32>
    %mul3A_274 = arith.mulf %sub3A_271, %sub3A_271 : vector<64x256xf32>
    %mul3A_275 = arith.mulf %sub3A_272, %sub3A_272 : vector<64x256xf32>
    %add3A_276 = arith.addf %mul3A_274, %mul3A_275 : vector<64x256xf32>
    %mul3A_277 = arith.mulf %sub3A_273, %sub3A_273 : vector<64x256xf32>
    %add3A_278 = arith.addf %add3A_276, %mul3A_277 : vector<64x256xf32>
    %and3A_279 = arith.andi %and3A_93, %and3A_270 : vector<64x256xi1>
    %jit3A_280 = arith.constant 0x7F800000 : f32
    %broadcast_in_dim3A_281 = vector.broadcast %jit3A_280 : f32 to vector<64x256xf32>
    %select_n3A_282 = arith.select %and3A_279, %add3A_278, %broadcast_in_dim3A_281 : vector<64x256xi1>, vector<64x256xf32>
    %add3A_283 = arith.constant 1 : i32
    %add3A_284 = vector.broadcast %add3A_283 : i32 to vector<64x256xi32>
    %add3A_285 = arith.addi %select_n3A_83, %add3A_284 : vector<64x256xi32>
    %ge3A_286 = arith.constant 0 : i32
    %ge3A_287 = vector.broadcast %ge3A_286 : i32 to vector<64x256xi32>
    %ge3A_288 = arith.cmpi sge, %add3A_285, %ge3A_287 : vector<64x256xi32>
    %add3A_289 = arith.constant 1 : i32
    %add3A_290 = vector.broadcast %add3A_289 : i32 to vector<64x256xi32>
    %add3A_291 = arith.addi %select_n3A_83, %add3A_290 : vector<64x256xi32>
    %lt3A_292 = arith.constant 128 : i32
    %lt3A_293 = vector.broadcast %lt3A_292 : i32 to vector<64x256xi32>
    %lt3A_294 = arith.cmpi slt, %add3A_291, %lt3A_293 : vector<64x256xi32>
    %and3A_295 = arith.andi %ge3A_288, %lt3A_294 : vector<64x256xi1>
    %slice3A_296 = vector.extract_strided_slice %reshape3A_100 {offsets = [0, 2], sizes = [64, 254], strides = [1, 1]} : vector<64x256xf32> to vector<64x254xf32>
    %slice3A_297 = vector.extract_strided_slice %reshape3A_100 {offsets = [0, 0], sizes = [64, 2], strides = [1, 1]} : vector<64x256xf32> to vector<64x2xf32>
    %concatenate3A_298 = tpu.concatenate %slice3A_296, %slice3A_297 in 1 : vector<64x254xf32>, vector<64x2xf32> -> vector<64x256xf32>
    %slice3A_299 = vector.extract_strided_slice %reshape3A_111 {offsets = [0, 2], sizes = [64, 254], strides = [1, 1]} : vector<64x256xf32> to vector<64x254xf32>
    %slice3A_300 = vector.extract_strided_slice %reshape3A_111 {offsets = [0, 0], sizes = [64, 2], strides = [1, 1]} : vector<64x256xf32> to vector<64x2xf32>
    %concatenate3A_301 = tpu.concatenate %slice3A_299, %slice3A_300 in 1 : vector<64x254xf32>, vector<64x2xf32> -> vector<64x256xf32>
    %slice3A_302 = vector.extract_strided_slice %reshape3A_122 {offsets = [0, 2], sizes = [64, 254], strides = [1, 1]} : vector<64x256xf32> to vector<64x254xf32>
    %slice3A_303 = vector.extract_strided_slice %reshape3A_122 {offsets = [0, 0], sizes = [64, 2], strides = [1, 1]} : vector<64x256xf32> to vector<64x2xf32>
    %concatenate3A_304 = tpu.concatenate %slice3A_302, %slice3A_303 in 1 : vector<64x254xf32>, vector<64x2xf32> -> vector<64x256xf32>
    %sub3A_305 = arith.subf %concatenate3A_298, %get3A_3 : vector<64x256xf32>
    %sub3A_306 = arith.subf %concatenate3A_301, %get3A_8 : vector<64x256xf32>
    %sub3A_307 = arith.subf %concatenate3A_304, %get3A_13 : vector<64x256xf32>
    %mul3A_308 = arith.mulf %sub3A_305, %sub3A_305 : vector<64x256xf32>
    %mul3A_309 = arith.mulf %sub3A_306, %sub3A_306 : vector<64x256xf32>
    %add3A_310 = arith.addf %mul3A_308, %mul3A_309 : vector<64x256xf32>
    %mul3A_311 = arith.mulf %sub3A_307, %sub3A_307 : vector<64x256xf32>
    %add3A_312 = arith.addf %add3A_310, %mul3A_311 : vector<64x256xf32>
    %and3A_313 = arith.andi %and3A_93, %and3A_295 : vector<64x256xi1>
    %jit3A_314 = arith.constant 0x7F800000 : f32
    %broadcast_in_dim3A_315 = vector.broadcast %jit3A_314 : f32 to vector<64x256xf32>
    %select_n3A_316 = arith.select %and3A_313, %add3A_312, %broadcast_in_dim3A_315 : vector<64x256xi1>, vector<64x256xf32>
    %add3A_317 = arith.constant 2 : i32
    %add3A_318 = vector.broadcast %add3A_317 : i32 to vector<64x256xi32>
    %add3A_319 = arith.addi %select_n3A_83, %add3A_318 : vector<64x256xi32>
    %ge3A_320 = arith.constant 0 : i32
    %ge3A_321 = vector.broadcast %ge3A_320 : i32 to vector<64x256xi32>
    %ge3A_322 = arith.cmpi sge, %add3A_319, %ge3A_321 : vector<64x256xi32>
    %add3A_323 = arith.constant 2 : i32
    %add3A_324 = vector.broadcast %add3A_323 : i32 to vector<64x256xi32>
    %add3A_325 = arith.addi %select_n3A_83, %add3A_324 : vector<64x256xi32>
    %lt3A_326 = arith.constant 128 : i32
    %lt3A_327 = vector.broadcast %lt3A_326 : i32 to vector<64x256xi32>
    %lt3A_328 = arith.cmpi slt, %add3A_325, %lt3A_327 : vector<64x256xi32>
    %and3A_329 = arith.andi %ge3A_322, %lt3A_328 : vector<64x256xi1>
    %slice3A_330 = vector.extract_strided_slice %reshape3A_100 {offsets = [0, 4], sizes = [64, 252], strides = [1, 1]} : vector<64x256xf32> to vector<64x252xf32>
    %slice3A_331 = vector.extract_strided_slice %reshape3A_100 {offsets = [0, 0], sizes = [64, 4], strides = [1, 1]} : vector<64x256xf32> to vector<64x4xf32>
    %concatenate3A_332 = tpu.concatenate %slice3A_330, %slice3A_331 in 1 : vector<64x252xf32>, vector<64x4xf32> -> vector<64x256xf32>
    %slice3A_333 = vector.extract_strided_slice %reshape3A_111 {offsets = [0, 4], sizes = [64, 252], strides = [1, 1]} : vector<64x256xf32> to vector<64x252xf32>
    %slice3A_334 = vector.extract_strided_slice %reshape3A_111 {offsets = [0, 0], sizes = [64, 4], strides = [1, 1]} : vector<64x256xf32> to vector<64x4xf32>
    %concatenate3A_335 = tpu.concatenate %slice3A_333, %slice3A_334 in 1 : vector<64x252xf32>, vector<64x4xf32> -> vector<64x256xf32>
    %slice3A_336 = vector.extract_strided_slice %reshape3A_122 {offsets = [0, 4], sizes = [64, 252], strides = [1, 1]} : vector<64x256xf32> to vector<64x252xf32>
    %slice3A_337 = vector.extract_strided_slice %reshape3A_122 {offsets = [0, 0], sizes = [64, 4], strides = [1, 1]} : vector<64x256xf32> to vector<64x4xf32>
    %concatenate3A_338 = tpu.concatenate %slice3A_336, %slice3A_337 in 1 : vector<64x252xf32>, vector<64x4xf32> -> vector<64x256xf32>
    %sub3A_339 = arith.subf %concatenate3A_332, %get3A_3 : vector<64x256xf32>
    %sub3A_340 = arith.subf %concatenate3A_335, %get3A_8 : vector<64x256xf32>
    %sub3A_341 = arith.subf %concatenate3A_338, %get3A_13 : vector<64x256xf32>
    %mul3A_342 = arith.mulf %sub3A_339, %sub3A_339 : vector<64x256xf32>
    %mul3A_343 = arith.mulf %sub3A_340, %sub3A_340 : vector<64x256xf32>
    %add3A_344 = arith.addf %mul3A_342, %mul3A_343 : vector<64x256xf32>
    %mul3A_345 = arith.mulf %sub3A_341, %sub3A_341 : vector<64x256xf32>
    %add3A_346 = arith.addf %add3A_344, %mul3A_345 : vector<64x256xf32>
    %and3A_347 = arith.andi %and3A_93, %and3A_329 : vector<64x256xi1>
    %jit3A_348 = arith.constant 0x7F800000 : f32
    %broadcast_in_dim3A_349 = vector.broadcast %jit3A_348 : f32 to vector<64x256xf32>
    %select_n3A_350 = arith.select %and3A_347, %add3A_346, %broadcast_in_dim3A_349 : vector<64x256xi1>, vector<64x256xf32>
    %add3A_351 = arith.constant 3 : i32
    %add3A_352 = vector.broadcast %add3A_351 : i32 to vector<64x256xi32>
    %add3A_353 = arith.addi %select_n3A_83, %add3A_352 : vector<64x256xi32>
    %ge3A_354 = arith.constant 0 : i32
    %ge3A_355 = vector.broadcast %ge3A_354 : i32 to vector<64x256xi32>
    %ge3A_356 = arith.cmpi sge, %add3A_353, %ge3A_355 : vector<64x256xi32>
    %add3A_357 = arith.constant 3 : i32
    %add3A_358 = vector.broadcast %add3A_357 : i32 to vector<64x256xi32>
    %add3A_359 = arith.addi %select_n3A_83, %add3A_358 : vector<64x256xi32>
    %lt3A_360 = arith.constant 128 : i32
    %lt3A_361 = vector.broadcast %lt3A_360 : i32 to vector<64x256xi32>
    %lt3A_362 = arith.cmpi slt, %add3A_359, %lt3A_361 : vector<64x256xi32>
    %and3A_363 = arith.andi %ge3A_356, %lt3A_362 : vector<64x256xi1>
    %slice3A_364 = vector.extract_strided_slice %reshape3A_100 {offsets = [0, 6], sizes = [64, 250], strides = [1, 1]} : vector<64x256xf32> to vector<64x250xf32>
    %slice3A_365 = vector.extract_strided_slice %reshape3A_100 {offsets = [0, 0], sizes = [64, 6], strides = [1, 1]} : vector<64x256xf32> to vector<64x6xf32>
    %concatenate3A_366 = tpu.concatenate %slice3A_364, %slice3A_365 in 1 : vector<64x250xf32>, vector<64x6xf32> -> vector<64x256xf32>
    %slice3A_367 = vector.extract_strided_slice %reshape3A_111 {offsets = [0, 6], sizes = [64, 250], strides = [1, 1]} : vector<64x256xf32> to vector<64x250xf32>
    %slice3A_368 = vector.extract_strided_slice %reshape3A_111 {offsets = [0, 0], sizes = [64, 6], strides = [1, 1]} : vector<64x256xf32> to vector<64x6xf32>
    %concatenate3A_369 = tpu.concatenate %slice3A_367, %slice3A_368 in 1 : vector<64x250xf32>, vector<64x6xf32> -> vector<64x256xf32>
    %slice3A_370 = vector.extract_strided_slice %reshape3A_122 {offsets = [0, 6], sizes = [64, 250], strides = [1, 1]} : vector<64x256xf32> to vector<64x250xf32>
    %slice3A_371 = vector.extract_strided_slice %reshape3A_122 {offsets = [0, 0], sizes = [64, 6], strides = [1, 1]} : vector<64x256xf32> to vector<64x6xf32>
    %concatenate3A_372 = tpu.concatenate %slice3A_370, %slice3A_371 in 1 : vector<64x250xf32>, vector<64x6xf32> -> vector<64x256xf32>
    %sub3A_373 = arith.subf %concatenate3A_366, %get3A_3 : vector<64x256xf32>
    %sub3A_374 = arith.subf %concatenate3A_369, %get3A_8 : vector<64x256xf32>
    %sub3A_375 = arith.subf %concatenate3A_372, %get3A_13 : vector<64x256xf32>
    %mul3A_376 = arith.mulf %sub3A_373, %sub3A_373 : vector<64x256xf32>
    %mul3A_377 = arith.mulf %sub3A_374, %sub3A_374 : vector<64x256xf32>
    %add3A_378 = arith.addf %mul3A_376, %mul3A_377 : vector<64x256xf32>
    %mul3A_379 = arith.mulf %sub3A_375, %sub3A_375 : vector<64x256xf32>
    %add3A_380 = arith.addf %add3A_378, %mul3A_379 : vector<64x256xf32>
    %and3A_381 = arith.andi %and3A_93, %and3A_363 : vector<64x256xi1>
    %jit3A_382 = arith.constant 0x7F800000 : f32
    %broadcast_in_dim3A_383 = vector.broadcast %jit3A_382 : f32 to vector<64x256xf32>
    %select_n3A_384 = arith.select %and3A_381, %add3A_380, %broadcast_in_dim3A_383 : vector<64x256xi1>, vector<64x256xf32>
    %add3A_385 = arith.constant -1 : i32
    %add3A_386 = vector.broadcast %add3A_385 : i32 to vector<64x256xi32>
    %add3A_387 = arith.addi %select_n3A, %add3A_386 : vector<64x256xi32>
    %ge3A_388 = arith.constant 0 : i32
    %ge3A_389 = vector.broadcast %ge3A_388 : i32 to vector<64x256xi32>
    %ge3A_390 = arith.cmpi sge, %add3A_387, %ge3A_389 : vector<64x256xi32>
    %add3A_391 = arith.constant -1 : i32
    %add3A_392 = vector.broadcast %add3A_391 : i32 to vector<64x256xi32>
    %add3A_393 = arith.addi %select_n3A, %add3A_392 : vector<64x256xi32>
    %lt3A_394 = arith.constant 32 : i32
    %lt3A_395 = vector.broadcast %lt3A_394 : i32 to vector<64x256xi32>
    %lt3A_396 = arith.cmpi slt, %add3A_393, %lt3A_395 : vector<64x256xi32>
    %and3A_397 = arith.andi %ge3A_390, %lt3A_396 : vector<64x256xi1>
    %slice3A_398 = vector.extract_strided_slice %get3A_18 {offsets = [31, 0], sizes = [1, 128], strides = [1, 1]} : vector<32x128xf32> to vector<1x128xf32>
    %slice3A_399 = vector.extract_strided_slice %get3A_18 {offsets = [0, 0], sizes = [31, 128], strides = [1, 1]} : vector<32x128xf32> to vector<31x128xf32>
    %concatenate3A_400 = tpu.concatenate %slice3A_398, %slice3A_399 in 0 : vector<1x128xf32>, vector<31x128xf32> -> vector<32x128xf32>
    %broadcast_in_dim3A_401 = vector.shape_cast %concatenate3A_400 : vector<32x128xf32> to vector<32x1x128xf32>
    %broadcast_in_dim3A_402 = vector.shape_cast %broadcast_in_dim3A_401 : vector<32x1x128xf32> to vector<32x1x128xf32>
    %broadcast_in_dim3A_403 = vector.broadcast %broadcast_in_dim3A_402 : vector<32x1x128xf32> to vector<32x2x128xf32>
    %reshape3A_404 = vector.shape_cast %broadcast_in_dim3A_403 : vector<32x2x128xf32> to vector<64x128xf32>
    %broadcast_in_dim3A_405 = vector.shape_cast %reshape3A_404 : vector<64x128xf32> to vector<64x128x1xf32>
    %broadcast_in_dim3A_406 = vector.shape_cast %broadcast_in_dim3A_405 : vector<64x128x1xf32> to vector<64x128x1xf32>
    %broadcast_in_dim3A_407 = vector.broadcast %broadcast_in_dim3A_406 : vector<64x128x1xf32> to vector<64x128x2xf32>
    %reshape3A_408 = vector.shape_cast %broadcast_in_dim3A_407 : vector<64x128x2xf32> to vector<64x256xf32>
    %slice3A_409 = vector.extract_strided_slice %get3A_23 {offsets = [31, 0], sizes = [1, 128], strides = [1, 1]} : vector<32x128xf32> to vector<1x128xf32>
    %slice3A_410 = vector.extract_strided_slice %get3A_23 {offsets = [0, 0], sizes = [31, 128], strides = [1, 1]} : vector<32x128xf32> to vector<31x128xf32>
    %concatenate3A_411 = tpu.concatenate %slice3A_409, %slice3A_410 in 0 : vector<1x128xf32>, vector<31x128xf32> -> vector<32x128xf32>
    %broadcast_in_dim3A_412 = vector.shape_cast %concatenate3A_411 : vector<32x128xf32> to vector<32x1x128xf32>
    %broadcast_in_dim3A_413 = vector.shape_cast %broadcast_in_dim3A_412 : vector<32x1x128xf32> to vector<32x1x128xf32>
    %broadcast_in_dim3A_414 = vector.broadcast %broadcast_in_dim3A_413 : vector<32x1x128xf32> to vector<32x2x128xf32>
    %reshape3A_415 = vector.shape_cast %broadcast_in_dim3A_414 : vector<32x2x128xf32> to vector<64x128xf32>
    %broadcast_in_dim3A_416 = vector.shape_cast %reshape3A_415 : vector<64x128xf32> to vector<64x128x1xf32>
    %broadcast_in_dim3A_417 = vector.shape_cast %broadcast_in_dim3A_416 : vector<64x128x1xf32> to vector<64x128x1xf32>
    %broadcast_in_dim3A_418 = vector.broadcast %broadcast_in_dim3A_417 : vector<64x128x1xf32> to vector<64x128x2xf32>
    %reshape3A_419 = vector.shape_cast %broadcast_in_dim3A_418 : vector<64x128x2xf32> to vector<64x256xf32>
    %slice3A_420 = vector.extract_strided_slice %get3A_28 {offsets = [31, 0], sizes = [1, 128], strides = [1, 1]} : vector<32x128xf32> to vector<1x128xf32>
    %slice3A_421 = vector.extract_strided_slice %get3A_28 {offsets = [0, 0], sizes = [31, 128], strides = [1, 1]} : vector<32x128xf32> to vector<31x128xf32>
    %concatenate3A_422 = tpu.concatenate %slice3A_420, %slice3A_421 in 0 : vector<1x128xf32>, vector<31x128xf32> -> vector<32x128xf32>
    %broadcast_in_dim3A_423 = vector.shape_cast %concatenate3A_422 : vector<32x128xf32> to vector<32x1x128xf32>
    %broadcast_in_dim3A_424 = vector.shape_cast %broadcast_in_dim3A_423 : vector<32x1x128xf32> to vector<32x1x128xf32>
    %broadcast_in_dim3A_425 = vector.broadcast %broadcast_in_dim3A_424 : vector<32x1x128xf32> to vector<32x2x128xf32>
    %reshape3A_426 = vector.shape_cast %broadcast_in_dim3A_425 : vector<32x2x128xf32> to vector<64x128xf32>
    %broadcast_in_dim3A_427 = vector.shape_cast %reshape3A_426 : vector<64x128xf32> to vector<64x128x1xf32>
    %broadcast_in_dim3A_428 = vector.shape_cast %broadcast_in_dim3A_427 : vector<64x128x1xf32> to vector<64x128x1xf32>
    %broadcast_in_dim3A_429 = vector.broadcast %broadcast_in_dim3A_428 : vector<64x128x1xf32> to vector<64x128x2xf32>
    %reshape3A_430 = vector.shape_cast %broadcast_in_dim3A_429 : vector<64x128x2xf32> to vector<64x256xf32>
    %add3A_431 = arith.constant -4 : i32
    %add3A_432 = vector.broadcast %add3A_431 : i32 to vector<64x256xi32>
    %add3A_433 = arith.addi %select_n3A_83, %add3A_432 : vector<64x256xi32>
    %ge3A_434 = arith.constant 0 : i32
    %ge3A_435 = vector.broadcast %ge3A_434 : i32 to vector<64x256xi32>
    %ge3A_436 = arith.cmpi sge, %add3A_433, %ge3A_435 : vector<64x256xi32>
    %add3A_437 = arith.constant -4 : i32
    %add3A_438 = vector.broadcast %add3A_437 : i32 to vector<64x256xi32>
    %add3A_439 = arith.addi %select_n3A_83, %add3A_438 : vector<64x256xi32>
    %lt3A_440 = arith.constant 128 : i32
    %lt3A_441 = vector.broadcast %lt3A_440 : i32 to vector<64x256xi32>
    %lt3A_442 = arith.cmpi slt, %add3A_439, %lt3A_441 : vector<64x256xi32>
    %and3A_443 = arith.andi %ge3A_436, %lt3A_442 : vector<64x256xi1>
    %slice3A_444 = vector.extract_strided_slice %reshape3A_408 {offsets = [0, 248], sizes = [64, 8], strides = [1, 1]} : vector<64x256xf32> to vector<64x8xf32>
    %slice3A_445 = vector.extract_strided_slice %reshape3A_408 {offsets = [0, 0], sizes = [64, 248], strides = [1, 1]} : vector<64x256xf32> to vector<64x248xf32>
    %concatenate3A_446 = tpu.concatenate %slice3A_444, %slice3A_445 in 1 : vector<64x8xf32>, vector<64x248xf32> -> vector<64x256xf32>
    %slice3A_447 = vector.extract_strided_slice %reshape3A_419 {offsets = [0, 248], sizes = [64, 8], strides = [1, 1]} : vector<64x256xf32> to vector<64x8xf32>
    %slice3A_448 = vector.extract_strided_slice %reshape3A_419 {offsets = [0, 0], sizes = [64, 248], strides = [1, 1]} : vector<64x256xf32> to vector<64x248xf32>
    %concatenate3A_449 = tpu.concatenate %slice3A_447, %slice3A_448 in 1 : vector<64x8xf32>, vector<64x248xf32> -> vector<64x256xf32>
    %slice3A_450 = vector.extract_strided_slice %reshape3A_430 {offsets = [0, 248], sizes = [64, 8], strides = [1, 1]} : vector<64x256xf32> to vector<64x8xf32>
    %slice3A_451 = vector.extract_strided_slice %reshape3A_430 {offsets = [0, 0], sizes = [64, 248], strides = [1, 1]} : vector<64x256xf32> to vector<64x248xf32>
    %concatenate3A_452 = tpu.concatenate %slice3A_450, %slice3A_451 in 1 : vector<64x8xf32>, vector<64x248xf32> -> vector<64x256xf32>
    %sub3A_453 = arith.subf %concatenate3A_446, %get3A_3 : vector<64x256xf32>
    %sub3A_454 = arith.subf %concatenate3A_449, %get3A_8 : vector<64x256xf32>
    %sub3A_455 = arith.subf %concatenate3A_452, %get3A_13 : vector<64x256xf32>
    %mul3A_456 = arith.mulf %sub3A_453, %sub3A_453 : vector<64x256xf32>
    %mul3A_457 = arith.mulf %sub3A_454, %sub3A_454 : vector<64x256xf32>
    %add3A_458 = arith.addf %mul3A_456, %mul3A_457 : vector<64x256xf32>
    %mul3A_459 = arith.mulf %sub3A_455, %sub3A_455 : vector<64x256xf32>
    %add3A_460 = arith.addf %add3A_458, %mul3A_459 : vector<64x256xf32>
    %and3A_461 = arith.andi %and3A_397, %and3A_443 : vector<64x256xi1>
    %jit3A_462 = arith.constant 0x7F800000 : f32
    %broadcast_in_dim3A_463 = vector.broadcast %jit3A_462 : f32 to vector<64x256xf32>
    %select_n3A_464 = arith.select %and3A_461, %add3A_460, %broadcast_in_dim3A_463 : vector<64x256xi1>, vector<64x256xf32>
    %add3A_465 = arith.constant -3 : i32
    %add3A_466 = vector.broadcast %add3A_465 : i32 to vector<64x256xi32>
    %add3A_467 = arith.addi %select_n3A_83, %add3A_466 : vector<64x256xi32>
    %ge3A_468 = arith.constant 0 : i32
    %ge3A_469 = vector.broadcast %ge3A_468 : i32 to vector<64x256xi32>
    %ge3A_470 = arith.cmpi sge, %add3A_467, %ge3A_469 : vector<64x256xi32>
    %add3A_471 = arith.constant -3 : i32
    %add3A_472 = vector.broadcast %add3A_471 : i32 to vector<64x256xi32>
    %add3A_473 = arith.addi %select_n3A_83, %add3A_472 : vector<64x256xi32>
    %lt3A_474 = arith.constant 128 : i32
    %lt3A_475 = vector.broadcast %lt3A_474 : i32 to vector<64x256xi32>
    %lt3A_476 = arith.cmpi slt, %add3A_473, %lt3A_475 : vector<64x256xi32>
    %and3A_477 = arith.andi %ge3A_470, %lt3A_476 : vector<64x256xi1>
    %slice3A_478 = vector.extract_strided_slice %reshape3A_408 {offsets = [0, 250], sizes = [64, 6], strides = [1, 1]} : vector<64x256xf32> to vector<64x6xf32>
    %slice3A_479 = vector.extract_strided_slice %reshape3A_408 {offsets = [0, 0], sizes = [64, 250], strides = [1, 1]} : vector<64x256xf32> to vector<64x250xf32>
    %concatenate3A_480 = tpu.concatenate %slice3A_478, %slice3A_479 in 1 : vector<64x6xf32>, vector<64x250xf32> -> vector<64x256xf32>
    %slice3A_481 = vector.extract_strided_slice %reshape3A_419 {offsets = [0, 250], sizes = [64, 6], strides = [1, 1]} : vector<64x256xf32> to vector<64x6xf32>
    %slice3A_482 = vector.extract_strided_slice %reshape3A_419 {offsets = [0, 0], sizes = [64, 250], strides = [1, 1]} : vector<64x256xf32> to vector<64x250xf32>
    %concatenate3A_483 = tpu.concatenate %slice3A_481, %slice3A_482 in 1 : vector<64x6xf32>, vector<64x250xf32> -> vector<64x256xf32>
    %slice3A_484 = vector.extract_strided_slice %reshape3A_430 {offsets = [0, 250], sizes = [64, 6], strides = [1, 1]} : vector<64x256xf32> to vector<64x6xf32>
    %slice3A_485 = vector.extract_strided_slice %reshape3A_430 {offsets = [0, 0], sizes = [64, 250], strides = [1, 1]} : vector<64x256xf32> to vector<64x250xf32>
    %concatenate3A_486 = tpu.concatenate %slice3A_484, %slice3A_485 in 1 : vector<64x6xf32>, vector<64x250xf32> -> vector<64x256xf32>
    %sub3A_487 = arith.subf %concatenate3A_480, %get3A_3 : vector<64x256xf32>
    %sub3A_488 = arith.subf %concatenate3A_483, %get3A_8 : vector<64x256xf32>
    %sub3A_489 = arith.subf %concatenate3A_486, %get3A_13 : vector<64x256xf32>
    %mul3A_490 = arith.mulf %sub3A_487, %sub3A_487 : vector<64x256xf32>
    %mul3A_491 = arith.mulf %sub3A_488, %sub3A_488 : vector<64x256xf32>
    %add3A_492 = arith.addf %mul3A_490, %mul3A_491 : vector<64x256xf32>
    %mul3A_493 = arith.mulf %sub3A_489, %sub3A_489 : vector<64x256xf32>
    %add3A_494 = arith.addf %add3A_492, %mul3A_493 : vector<64x256xf32>
    %and3A_495 = arith.andi %and3A_397, %and3A_477 : vector<64x256xi1>
    %jit3A_496 = arith.constant 0x7F800000 : f32
    %broadcast_in_dim3A_497 = vector.broadcast %jit3A_496 : f32 to vector<64x256xf32>
    %select_n3A_498 = arith.select %and3A_495, %add3A_494, %broadcast_in_dim3A_497 : vector<64x256xi1>, vector<64x256xf32>
    %add3A_499 = arith.constant -2 : i32
    %add3A_500 = vector.broadcast %add3A_499 : i32 to vector<64x256xi32>
    %add3A_501 = arith.addi %select_n3A_83, %add3A_500 : vector<64x256xi32>
    %ge3A_502 = arith.constant 0 : i32
    %ge3A_503 = vector.broadcast %ge3A_502 : i32 to vector<64x256xi32>
    %ge3A_504 = arith.cmpi sge, %add3A_501, %ge3A_503 : vector<64x256xi32>
    %add3A_505 = arith.constant -2 : i32
    %add3A_506 = vector.broadcast %add3A_505 : i32 to vector<64x256xi32>
    %add3A_507 = arith.addi %select_n3A_83, %add3A_506 : vector<64x256xi32>
    %lt3A_508 = arith.constant 128 : i32
    %lt3A_509 = vector.broadcast %lt3A_508 : i32 to vector<64x256xi32>
    %lt3A_510 = arith.cmpi slt, %add3A_507, %lt3A_509 : vector<64x256xi32>
    %and3A_511 = arith.andi %ge3A_504, %lt3A_510 : vector<64x256xi1>
    %slice3A_512 = vector.extract_strided_slice %reshape3A_408 {offsets = [0, 252], sizes = [64, 4], strides = [1, 1]} : vector<64x256xf32> to vector<64x4xf32>
    %slice3A_513 = vector.extract_strided_slice %reshape3A_408 {offsets = [0, 0], sizes = [64, 252], strides = [1, 1]} : vector<64x256xf32> to vector<64x252xf32>
    %concatenate3A_514 = tpu.concatenate %slice3A_512, %slice3A_513 in 1 : vector<64x4xf32>, vector<64x252xf32> -> vector<64x256xf32>
    %slice3A_515 = vector.extract_strided_slice %reshape3A_419 {offsets = [0, 252], sizes = [64, 4], strides = [1, 1]} : vector<64x256xf32> to vector<64x4xf32>
    %slice3A_516 = vector.extract_strided_slice %reshape3A_419 {offsets = [0, 0], sizes = [64, 252], strides = [1, 1]} : vector<64x256xf32> to vector<64x252xf32>
    %concatenate3A_517 = tpu.concatenate %slice3A_515, %slice3A_516 in 1 : vector<64x4xf32>, vector<64x252xf32> -> vector<64x256xf32>
    %slice3A_518 = vector.extract_strided_slice %reshape3A_430 {offsets = [0, 252], sizes = [64, 4], strides = [1, 1]} : vector<64x256xf32> to vector<64x4xf32>
    %slice3A_519 = vector.extract_strided_slice %reshape3A_430 {offsets = [0, 0], sizes = [64, 252], strides = [1, 1]} : vector<64x256xf32> to vector<64x252xf32>
    %concatenate3A_520 = tpu.concatenate %slice3A_518, %slice3A_519 in 1 : vector<64x4xf32>, vector<64x252xf32> -> vector<64x256xf32>
    %sub3A_521 = arith.subf %concatenate3A_514, %get3A_3 : vector<64x256xf32>
    %sub3A_522 = arith.subf %concatenate3A_517, %get3A_8 : vector<64x256xf32>
    %sub3A_523 = arith.subf %concatenate3A_520, %get3A_13 : vector<64x256xf32>
    %mul3A_524 = arith.mulf %sub3A_521, %sub3A_521 : vector<64x256xf32>
    %mul3A_525 = arith.mulf %sub3A_522, %sub3A_522 : vector<64x256xf32>
    %add3A_526 = arith.addf %mul3A_524, %mul3A_525 : vector<64x256xf32>
    %mul3A_527 = arith.mulf %sub3A_523, %sub3A_523 : vector<64x256xf32>
    %add3A_528 = arith.addf %add3A_526, %mul3A_527 : vector<64x256xf32>
    %and3A_529 = arith.andi %and3A_397, %and3A_511 : vector<64x256xi1>
    %jit3A_530 = arith.constant 0x7F800000 : f32
    %broadcast_in_dim3A_531 = vector.broadcast %jit3A_530 : f32 to vector<64x256xf32>
    %select_n3A_532 = arith.select %and3A_529, %add3A_528, %broadcast_in_dim3A_531 : vector<64x256xi1>, vector<64x256xf32>
    %add3A_533 = arith.constant -1 : i32
    %add3A_534 = vector.broadcast %add3A_533 : i32 to vector<64x256xi32>
    %add3A_535 = arith.addi %select_n3A_83, %add3A_534 : vector<64x256xi32>
    %ge3A_536 = arith.constant 0 : i32
    %ge3A_537 = vector.broadcast %ge3A_536 : i32 to vector<64x256xi32>
    %ge3A_538 = arith.cmpi sge, %add3A_535, %ge3A_537 : vector<64x256xi32>
    %add3A_539 = arith.constant -1 : i32
    %add3A_540 = vector.broadcast %add3A_539 : i32 to vector<64x256xi32>
    %add3A_541 = arith.addi %select_n3A_83, %add3A_540 : vector<64x256xi32>
    %lt3A_542 = arith.constant 128 : i32
    %lt3A_543 = vector.broadcast %lt3A_542 : i32 to vector<64x256xi32>
    %lt3A_544 = arith.cmpi slt, %add3A_541, %lt3A_543 : vector<64x256xi32>
    %and3A_545 = arith.andi %ge3A_538, %lt3A_544 : vector<64x256xi1>
    %slice3A_546 = vector.extract_strided_slice %reshape3A_408 {offsets = [0, 254], sizes = [64, 2], strides = [1, 1]} : vector<64x256xf32> to vector<64x2xf32>
    %slice3A_547 = vector.extract_strided_slice %reshape3A_408 {offsets = [0, 0], sizes = [64, 254], strides = [1, 1]} : vector<64x256xf32> to vector<64x254xf32>
    %concatenate3A_548 = tpu.concatenate %slice3A_546, %slice3A_547 in 1 : vector<64x2xf32>, vector<64x254xf32> -> vector<64x256xf32>
    %slice3A_549 = vector.extract_strided_slice %reshape3A_419 {offsets = [0, 254], sizes = [64, 2], strides = [1, 1]} : vector<64x256xf32> to vector<64x2xf32>
    %slice3A_550 = vector.extract_strided_slice %reshape3A_419 {offsets = [0, 0], sizes = [64, 254], strides = [1, 1]} : vector<64x256xf32> to vector<64x254xf32>
    %concatenate3A_551 = tpu.concatenate %slice3A_549, %slice3A_550 in 1 : vector<64x2xf32>, vector<64x254xf32> -> vector<64x256xf32>
    %slice3A_552 = vector.extract_strided_slice %reshape3A_430 {offsets = [0, 254], sizes = [64, 2], strides = [1, 1]} : vector<64x256xf32> to vector<64x2xf32>
    %slice3A_553 = vector.extract_strided_slice %reshape3A_430 {offsets = [0, 0], sizes = [64, 254], strides = [1, 1]} : vector<64x256xf32> to vector<64x254xf32>
    %concatenate3A_554 = tpu.concatenate %slice3A_552, %slice3A_553 in 1 : vector<64x2xf32>, vector<64x254xf32> -> vector<64x256xf32>
    %sub3A_555 = arith.subf %concatenate3A_548, %get3A_3 : vector<64x256xf32>
    %sub3A_556 = arith.subf %concatenate3A_551, %get3A_8 : vector<64x256xf32>
    %sub3A_557 = arith.subf %concatenate3A_554, %get3A_13 : vector<64x256xf32>
    %mul3A_558 = arith.mulf %sub3A_555, %sub3A_555 : vector<64x256xf32>
    %mul3A_559 = arith.mulf %sub3A_556, %sub3A_556 : vector<64x256xf32>
    %add3A_560 = arith.addf %mul3A_558, %mul3A_559 : vector<64x256xf32>
    %mul3A_561 = arith.mulf %sub3A_557, %sub3A_557 : vector<64x256xf32>
    %add3A_562 = arith.addf %add3A_560, %mul3A_561 : vector<64x256xf32>
    %and3A_563 = arith.andi %and3A_397, %and3A_545 : vector<64x256xi1>
    %jit3A_564 = arith.constant 0x7F800000 : f32
    %broadcast_in_dim3A_565 = vector.broadcast %jit3A_564 : f32 to vector<64x256xf32>
    %select_n3A_566 = arith.select %and3A_563, %add3A_562, %broadcast_in_dim3A_565 : vector<64x256xi1>, vector<64x256xf32>
    %add3A_567 = arith.constant 0 : i32
    %add3A_568 = vector.broadcast %add3A_567 : i32 to vector<64x256xi32>
    %add3A_569 = arith.addi %select_n3A_83, %add3A_568 : vector<64x256xi32>
    %ge3A_570 = arith.constant 0 : i32
    %ge3A_571 = vector.broadcast %ge3A_570 : i32 to vector<64x256xi32>
    %ge3A_572 = arith.cmpi sge, %add3A_569, %ge3A_571 : vector<64x256xi32>
    %add3A_573 = arith.constant 0 : i32
    %add3A_574 = vector.broadcast %add3A_573 : i32 to vector<64x256xi32>
    %add3A_575 = arith.addi %select_n3A_83, %add3A_574 : vector<64x256xi32>
    %lt3A_576 = arith.constant 128 : i32
    %lt3A_577 = vector.broadcast %lt3A_576 : i32 to vector<64x256xi32>
    %lt3A_578 = arith.cmpi slt, %add3A_575, %lt3A_577 : vector<64x256xi32>
    %and3A_579 = arith.andi %ge3A_572, %lt3A_578 : vector<64x256xi1>
    %sub3A_580 = arith.subf %reshape3A_408, %get3A_3 : vector<64x256xf32>
    %sub3A_581 = arith.subf %reshape3A_419, %get3A_8 : vector<64x256xf32>
    %sub3A_582 = arith.subf %reshape3A_430, %get3A_13 : vector<64x256xf32>
    %mul3A_583 = arith.mulf %sub3A_580, %sub3A_580 : vector<64x256xf32>
    %mul3A_584 = arith.mulf %sub3A_581, %sub3A_581 : vector<64x256xf32>
    %add3A_585 = arith.addf %mul3A_583, %mul3A_584 : vector<64x256xf32>
    %mul3A_586 = arith.mulf %sub3A_582, %sub3A_582 : vector<64x256xf32>
    %add3A_587 = arith.addf %add3A_585, %mul3A_586 : vector<64x256xf32>
    %and3A_588 = arith.andi %and3A_397, %and3A_579 : vector<64x256xi1>
    %jit3A_589 = arith.constant 0x7F800000 : f32
    %broadcast_in_dim3A_590 = vector.broadcast %jit3A_589 : f32 to vector<64x256xf32>
    %select_n3A_591 = arith.select %and3A_588, %add3A_587, %broadcast_in_dim3A_590 : vector<64x256xi1>, vector<64x256xf32>
    %add3A_592 = arith.constant 1 : i32
    %add3A_593 = vector.broadcast %add3A_592 : i32 to vector<64x256xi32>
    %add3A_594 = arith.addi %select_n3A_83, %add3A_593 : vector<64x256xi32>
    %ge3A_595 = arith.constant 0 : i32
    %ge3A_596 = vector.broadcast %ge3A_595 : i32 to vector<64x256xi32>
    %ge3A_597 = arith.cmpi sge, %add3A_594, %ge3A_596 : vector<64x256xi32>
    %add3A_598 = arith.constant 1 : i32
    %add3A_599 = vector.broadcast %add3A_598 : i32 to vector<64x256xi32>
    %add3A_600 = arith.addi %select_n3A_83, %add3A_599 : vector<64x256xi32>
    %lt3A_601 = arith.constant 128 : i32
    %lt3A_602 = vector.broadcast %lt3A_601 : i32 to vector<64x256xi32>
    %lt3A_603 = arith.cmpi slt, %add3A_600, %lt3A_602 : vector<64x256xi32>
    %and3A_604 = arith.andi %ge3A_597, %lt3A_603 : vector<64x256xi1>
    %slice3A_605 = vector.extract_strided_slice %reshape3A_408 {offsets = [0, 2], sizes = [64, 254], strides = [1, 1]} : vector<64x256xf32> to vector<64x254xf32>
    %slice3A_606 = vector.extract_strided_slice %reshape3A_408 {offsets = [0, 0], sizes = [64, 2], strides = [1, 1]} : vector<64x256xf32> to vector<64x2xf32>
    %concatenate3A_607 = tpu.concatenate %slice3A_605, %slice3A_606 in 1 : vector<64x254xf32>, vector<64x2xf32> -> vector<64x256xf32>
    %slice3A_608 = vector.extract_strided_slice %reshape3A_419 {offsets = [0, 2], sizes = [64, 254], strides = [1, 1]} : vector<64x256xf32> to vector<64x254xf32>
    %slice3A_609 = vector.extract_strided_slice %reshape3A_419 {offsets = [0, 0], sizes = [64, 2], strides = [1, 1]} : vector<64x256xf32> to vector<64x2xf32>
    %concatenate3A_610 = tpu.concatenate %slice3A_608, %slice3A_609 in 1 : vector<64x254xf32>, vector<64x2xf32> -> vector<64x256xf32>
    %slice3A_611 = vector.extract_strided_slice %reshape3A_430 {offsets = [0, 2], sizes = [64, 254], strides = [1, 1]} : vector<64x256xf32> to vector<64x254xf32>
    %slice3A_612 = vector.extract_strided_slice %reshape3A_430 {offsets = [0, 0], sizes = [64, 2], strides = [1, 1]} : vector<64x256xf32> to vector<64x2xf32>
    %concatenate3A_613 = tpu.concatenate %slice3A_611, %slice3A_612 in 1 : vector<64x254xf32>, vector<64x2xf32> -> vector<64x256xf32>
    %sub3A_614 = arith.subf %concatenate3A_607, %get3A_3 : vector<64x256xf32>
    %sub3A_615 = arith.subf %concatenate3A_610, %get3A_8 : vector<64x256xf32>
    %sub3A_616 = arith.subf %concatenate3A_613, %get3A_13 : vector<64x256xf32>
    %mul3A_617 = arith.mulf %sub3A_614, %sub3A_614 : vector<64x256xf32>
    %mul3A_618 = arith.mulf %sub3A_615, %sub3A_615 : vector<64x256xf32>
    %add3A_619 = arith.addf %mul3A_617, %mul3A_618 : vector<64x256xf32>
    %mul3A_620 = arith.mulf %sub3A_616, %sub3A_616 : vector<64x256xf32>
    %add3A_621 = arith.addf %add3A_619, %mul3A_620 : vector<64x256xf32>
    %and3A_622 = arith.andi %and3A_397, %and3A_604 : vector<64x256xi1>
    %jit3A_623 = arith.constant 0x7F800000 : f32
    %broadcast_in_dim3A_624 = vector.broadcast %jit3A_623 : f32 to vector<64x256xf32>
    %select_n3A_625 = arith.select %and3A_622, %add3A_621, %broadcast_in_dim3A_624 : vector<64x256xi1>, vector<64x256xf32>
    %add3A_626 = arith.constant 2 : i32
    %add3A_627 = vector.broadcast %add3A_626 : i32 to vector<64x256xi32>
    %add3A_628 = arith.addi %select_n3A_83, %add3A_627 : vector<64x256xi32>
    %ge3A_629 = arith.constant 0 : i32
    %ge3A_630 = vector.broadcast %ge3A_629 : i32 to vector<64x256xi32>
    %ge3A_631 = arith.cmpi sge, %add3A_628, %ge3A_630 : vector<64x256xi32>
    %add3A_632 = arith.constant 2 : i32
    %add3A_633 = vector.broadcast %add3A_632 : i32 to vector<64x256xi32>
    %add3A_634 = arith.addi %select_n3A_83, %add3A_633 : vector<64x256xi32>
    %lt3A_635 = arith.constant 128 : i32
    %lt3A_636 = vector.broadcast %lt3A_635 : i32 to vector<64x256xi32>
    %lt3A_637 = arith.cmpi slt, %add3A_634, %lt3A_636 : vector<64x256xi32>
    %and3A_638 = arith.andi %ge3A_631, %lt3A_637 : vector<64x256xi1>
    %slice3A_639 = vector.extract_strided_slice %reshape3A_408 {offsets = [0, 4], sizes = [64, 252], strides = [1, 1]} : vector<64x256xf32> to vector<64x252xf32>
    %slice3A_640 = vector.extract_strided_slice %reshape3A_408 {offsets = [0, 0], sizes = [64, 4], strides = [1, 1]} : vector<64x256xf32> to vector<64x4xf32>
    %concatenate3A_641 = tpu.concatenate %slice3A_639, %slice3A_640 in 1 : vector<64x252xf32>, vector<64x4xf32> -> vector<64x256xf32>
    %slice3A_642 = vector.extract_strided_slice %reshape3A_419 {offsets = [0, 4], sizes = [64, 252], strides = [1, 1]} : vector<64x256xf32> to vector<64x252xf32>
    %slice3A_643 = vector.extract_strided_slice %reshape3A_419 {offsets = [0, 0], sizes = [64, 4], strides = [1, 1]} : vector<64x256xf32> to vector<64x4xf32>
    %concatenate3A_644 = tpu.concatenate %slice3A_642, %slice3A_643 in 1 : vector<64x252xf32>, vector<64x4xf32> -> vector<64x256xf32>
    %slice3A_645 = vector.extract_strided_slice %reshape3A_430 {offsets = [0, 4], sizes = [64, 252], strides = [1, 1]} : vector<64x256xf32> to vector<64x252xf32>
    %slice3A_646 = vector.extract_strided_slice %reshape3A_430 {offsets = [0, 0], sizes = [64, 4], strides = [1, 1]} : vector<64x256xf32> to vector<64x4xf32>
    %concatenate3A_647 = tpu.concatenate %slice3A_645, %slice3A_646 in 1 : vector<64x252xf32>, vector<64x4xf32> -> vector<64x256xf32>
    %sub3A_648 = arith.subf %concatenate3A_641, %get3A_3 : vector<64x256xf32>
    %sub3A_649 = arith.subf %concatenate3A_644, %get3A_8 : vector<64x256xf32>
    %sub3A_650 = arith.subf %concatenate3A_647, %get3A_13 : vector<64x256xf32>
    %mul3A_651 = arith.mulf %sub3A_648, %sub3A_648 : vector<64x256xf32>
    %mul3A_652 = arith.mulf %sub3A_649, %sub3A_649 : vector<64x256xf32>
    %add3A_653 = arith.addf %mul3A_651, %mul3A_652 : vector<64x256xf32>
    %mul3A_654 = arith.mulf %sub3A_650, %sub3A_650 : vector<64x256xf32>
    %add3A_655 = arith.addf %add3A_653, %mul3A_654 : vector<64x256xf32>
    %and3A_656 = arith.andi %and3A_397, %and3A_638 : vector<64x256xi1>
    %jit3A_657 = arith.constant 0x7F800000 : f32
    %broadcast_in_dim3A_658 = vector.broadcast %jit3A_657 : f32 to vector<64x256xf32>
    %select_n3A_659 = arith.select %and3A_656, %add3A_655, %broadcast_in_dim3A_658 : vector<64x256xi1>, vector<64x256xf32>
    %add3A_660 = arith.constant 3 : i32
    %add3A_661 = vector.broadcast %add3A_660 : i32 to vector<64x256xi32>
    %add3A_662 = arith.addi %select_n3A_83, %add3A_661 : vector<64x256xi32>
    %ge3A_663 = arith.constant 0 : i32
    %ge3A_664 = vector.broadcast %ge3A_663 : i32 to vector<64x256xi32>
    %ge3A_665 = arith.cmpi sge, %add3A_662, %ge3A_664 : vector<64x256xi32>
    %add3A_666 = arith.constant 3 : i32
    %add3A_667 = vector.broadcast %add3A_666 : i32 to vector<64x256xi32>
    %add3A_668 = arith.addi %select_n3A_83, %add3A_667 : vector<64x256xi32>
    %lt3A_669 = arith.constant 128 : i32
    %lt3A_670 = vector.broadcast %lt3A_669 : i32 to vector<64x256xi32>
    %lt3A_671 = arith.cmpi slt, %add3A_668, %lt3A_670 : vector<64x256xi32>
    %and3A_672 = arith.andi %ge3A_665, %lt3A_671 : vector<64x256xi1>
    %slice3A_673 = vector.extract_strided_slice %reshape3A_408 {offsets = [0, 6], sizes = [64, 250], strides = [1, 1]} : vector<64x256xf32> to vector<64x250xf32>
    %slice3A_674 = vector.extract_strided_slice %reshape3A_408 {offsets = [0, 0], sizes = [64, 6], strides = [1, 1]} : vector<64x256xf32> to vector<64x6xf32>
    %concatenate3A_675 = tpu.concatenate %slice3A_673, %slice3A_674 in 1 : vector<64x250xf32>, vector<64x6xf32> -> vector<64x256xf32>
    %slice3A_676 = vector.extract_strided_slice %reshape3A_419 {offsets = [0, 6], sizes = [64, 250], strides = [1, 1]} : vector<64x256xf32> to vector<64x250xf32>
    %slice3A_677 = vector.extract_strided_slice %reshape3A_419 {offsets = [0, 0], sizes = [64, 6], strides = [1, 1]} : vector<64x256xf32> to vector<64x6xf32>
    %concatenate3A_678 = tpu.concatenate %slice3A_676, %slice3A_677 in 1 : vector<64x250xf32>, vector<64x6xf32> -> vector<64x256xf32>
    %slice3A_679 = vector.extract_strided_slice %reshape3A_430 {offsets = [0, 6], sizes = [64, 250], strides = [1, 1]} : vector<64x256xf32> to vector<64x250xf32>
    %slice3A_680 = vector.extract_strided_slice %reshape3A_430 {offsets = [0, 0], sizes = [64, 6], strides = [1, 1]} : vector<64x256xf32> to vector<64x6xf32>
    %concatenate3A_681 = tpu.concatenate %slice3A_679, %slice3A_680 in 1 : vector<64x250xf32>, vector<64x6xf32> -> vector<64x256xf32>
    %sub3A_682 = arith.subf %concatenate3A_675, %get3A_3 : vector<64x256xf32>
    %sub3A_683 = arith.subf %concatenate3A_678, %get3A_8 : vector<64x256xf32>
    %sub3A_684 = arith.subf %concatenate3A_681, %get3A_13 : vector<64x256xf32>
    %mul3A_685 = arith.mulf %sub3A_682, %sub3A_682 : vector<64x256xf32>
    %mul3A_686 = arith.mulf %sub3A_683, %sub3A_683 : vector<64x256xf32>
    %add3A_687 = arith.addf %mul3A_685, %mul3A_686 : vector<64x256xf32>
    %mul3A_688 = arith.mulf %sub3A_684, %sub3A_684 : vector<64x256xf32>
    %add3A_689 = arith.addf %add3A_687, %mul3A_688 : vector<64x256xf32>
    %and3A_690 = arith.andi %and3A_397, %and3A_672 : vector<64x256xi1>
    %jit3A_691 = arith.constant 0x7F800000 : f32
    %broadcast_in_dim3A_692 = vector.broadcast %jit3A_691 : f32 to vector<64x256xf32>
    %select_n3A_693 = arith.select %and3A_690, %add3A_689, %broadcast_in_dim3A_692 : vector<64x256xi1>, vector<64x256xf32>
    %add3A_694 = arith.constant 0 : i32
    %add3A_695 = vector.broadcast %add3A_694 : i32 to vector<64x256xi32>
    %add3A_696 = arith.addi %select_n3A, %add3A_695 : vector<64x256xi32>
    %ge3A_697 = arith.constant 0 : i32
    %ge3A_698 = vector.broadcast %ge3A_697 : i32 to vector<64x256xi32>
    %ge3A_699 = arith.cmpi sge, %add3A_696, %ge3A_698 : vector<64x256xi32>
    %add3A_700 = arith.constant 0 : i32
    %add3A_701 = vector.broadcast %add3A_700 : i32 to vector<64x256xi32>
    %add3A_702 = arith.addi %select_n3A, %add3A_701 : vector<64x256xi32>
    %lt3A_703 = arith.constant 32 : i32
    %lt3A_704 = vector.broadcast %lt3A_703 : i32 to vector<64x256xi32>
    %lt3A_705 = arith.cmpi slt, %add3A_702, %lt3A_704 : vector<64x256xi32>
    %and3A_706 = arith.andi %ge3A_699, %lt3A_705 : vector<64x256xi1>
    %broadcast_in_dim3A_707 = vector.shape_cast %get3A_18 : vector<32x128xf32> to vector<32x1x128xf32>
    %broadcast_in_dim3A_708 = vector.shape_cast %broadcast_in_dim3A_707 : vector<32x1x128xf32> to vector<32x1x128xf32>
    %broadcast_in_dim3A_709 = vector.broadcast %broadcast_in_dim3A_708 : vector<32x1x128xf32> to vector<32x2x128xf32>
    %reshape3A_710 = vector.shape_cast %broadcast_in_dim3A_709 : vector<32x2x128xf32> to vector<64x128xf32>
    %broadcast_in_dim3A_711 = vector.shape_cast %reshape3A_710 : vector<64x128xf32> to vector<64x128x1xf32>
    %broadcast_in_dim3A_712 = vector.shape_cast %broadcast_in_dim3A_711 : vector<64x128x1xf32> to vector<64x128x1xf32>
    %broadcast_in_dim3A_713 = vector.broadcast %broadcast_in_dim3A_712 : vector<64x128x1xf32> to vector<64x128x2xf32>
    %reshape3A_714 = vector.shape_cast %broadcast_in_dim3A_713 : vector<64x128x2xf32> to vector<64x256xf32>
    %broadcast_in_dim3A_715 = vector.shape_cast %get3A_23 : vector<32x128xf32> to vector<32x1x128xf32>
    %broadcast_in_dim3A_716 = vector.shape_cast %broadcast_in_dim3A_715 : vector<32x1x128xf32> to vector<32x1x128xf32>
    %broadcast_in_dim3A_717 = vector.broadcast %broadcast_in_dim3A_716 : vector<32x1x128xf32> to vector<32x2x128xf32>
    %reshape3A_718 = vector.shape_cast %broadcast_in_dim3A_717 : vector<32x2x128xf32> to vector<64x128xf32>
    %broadcast_in_dim3A_719 = vector.shape_cast %reshape3A_718 : vector<64x128xf32> to vector<64x128x1xf32>
    %broadcast_in_dim3A_720 = vector.shape_cast %broadcast_in_dim3A_719 : vector<64x128x1xf32> to vector<64x128x1xf32>
    %broadcast_in_dim3A_721 = vector.broadcast %broadcast_in_dim3A_720 : vector<64x128x1xf32> to vector<64x128x2xf32>
    %reshape3A_722 = vector.shape_cast %broadcast_in_dim3A_721 : vector<64x128x2xf32> to vector<64x256xf32>
    %broadcast_in_dim3A_723 = vector.shape_cast %get3A_28 : vector<32x128xf32> to vector<32x1x128xf32>
    %broadcast_in_dim3A_724 = vector.shape_cast %broadcast_in_dim3A_723 : vector<32x1x128xf32> to vector<32x1x128xf32>
    %broadcast_in_dim3A_725 = vector.broadcast %broadcast_in_dim3A_724 : vector<32x1x128xf32> to vector<32x2x128xf32>
    %reshape3A_726 = vector.shape_cast %broadcast_in_dim3A_725 : vector<32x2x128xf32> to vector<64x128xf32>
    %broadcast_in_dim3A_727 = vector.shape_cast %reshape3A_726 : vector<64x128xf32> to vector<64x128x1xf32>
    %broadcast_in_dim3A_728 = vector.shape_cast %broadcast_in_dim3A_727 : vector<64x128x1xf32> to vector<64x128x1xf32>
    %broadcast_in_dim3A_729 = vector.broadcast %broadcast_in_dim3A_728 : vector<64x128x1xf32> to vector<64x128x2xf32>
    %reshape3A_730 = vector.shape_cast %broadcast_in_dim3A_729 : vector<64x128x2xf32> to vector<64x256xf32>
    %add3A_731 = arith.constant -4 : i32
    %add3A_732 = vector.broadcast %add3A_731 : i32 to vector<64x256xi32>
    %add3A_733 = arith.addi %select_n3A_83, %add3A_732 : vector<64x256xi32>
    %ge3A_734 = arith.constant 0 : i32
    %ge3A_735 = vector.broadcast %ge3A_734 : i32 to vector<64x256xi32>
    %ge3A_736 = arith.cmpi sge, %add3A_733, %ge3A_735 : vector<64x256xi32>
    %add3A_737 = arith.constant -4 : i32
    %add3A_738 = vector.broadcast %add3A_737 : i32 to vector<64x256xi32>
    %add3A_739 = arith.addi %select_n3A_83, %add3A_738 : vector<64x256xi32>
    %lt3A_740 = arith.constant 128 : i32
    %lt3A_741 = vector.broadcast %lt3A_740 : i32 to vector<64x256xi32>
    %lt3A_742 = arith.cmpi slt, %add3A_739, %lt3A_741 : vector<64x256xi32>
    %and3A_743 = arith.andi %ge3A_736, %lt3A_742 : vector<64x256xi1>
    %slice3A_744 = vector.extract_strided_slice %reshape3A_714 {offsets = [0, 248], sizes = [64, 8], strides = [1, 1]} : vector<64x256xf32> to vector<64x8xf32>
    %slice3A_745 = vector.extract_strided_slice %reshape3A_714 {offsets = [0, 0], sizes = [64, 248], strides = [1, 1]} : vector<64x256xf32> to vector<64x248xf32>
    %concatenate3A_746 = tpu.concatenate %slice3A_744, %slice3A_745 in 1 : vector<64x8xf32>, vector<64x248xf32> -> vector<64x256xf32>
    %slice3A_747 = vector.extract_strided_slice %reshape3A_722 {offsets = [0, 248], sizes = [64, 8], strides = [1, 1]} : vector<64x256xf32> to vector<64x8xf32>
    %slice3A_748 = vector.extract_strided_slice %reshape3A_722 {offsets = [0, 0], sizes = [64, 248], strides = [1, 1]} : vector<64x256xf32> to vector<64x248xf32>
    %concatenate3A_749 = tpu.concatenate %slice3A_747, %slice3A_748 in 1 : vector<64x8xf32>, vector<64x248xf32> -> vector<64x256xf32>
    %slice3A_750 = vector.extract_strided_slice %reshape3A_730 {offsets = [0, 248], sizes = [64, 8], strides = [1, 1]} : vector<64x256xf32> to vector<64x8xf32>
    %slice3A_751 = vector.extract_strided_slice %reshape3A_730 {offsets = [0, 0], sizes = [64, 248], strides = [1, 1]} : vector<64x256xf32> to vector<64x248xf32>
    %concatenate3A_752 = tpu.concatenate %slice3A_750, %slice3A_751 in 1 : vector<64x8xf32>, vector<64x248xf32> -> vector<64x256xf32>
    %sub3A_753 = arith.subf %concatenate3A_746, %get3A_3 : vector<64x256xf32>
    %sub3A_754 = arith.subf %concatenate3A_749, %get3A_8 : vector<64x256xf32>
    %sub3A_755 = arith.subf %concatenate3A_752, %get3A_13 : vector<64x256xf32>
    %mul3A_756 = arith.mulf %sub3A_753, %sub3A_753 : vector<64x256xf32>
    %mul3A_757 = arith.mulf %sub3A_754, %sub3A_754 : vector<64x256xf32>
    %add3A_758 = arith.addf %mul3A_756, %mul3A_757 : vector<64x256xf32>
    %mul3A_759 = arith.mulf %sub3A_755, %sub3A_755 : vector<64x256xf32>
    %add3A_760 = arith.addf %add3A_758, %mul3A_759 : vector<64x256xf32>
    %and3A_761 = arith.andi %and3A_706, %and3A_743 : vector<64x256xi1>
    %jit3A_762 = arith.constant 0x7F800000 : f32
    %broadcast_in_dim3A_763 = vector.broadcast %jit3A_762 : f32 to vector<64x256xf32>
    %select_n3A_764 = arith.select %and3A_761, %add3A_760, %broadcast_in_dim3A_763 : vector<64x256xi1>, vector<64x256xf32>
    %add3A_765 = arith.constant -3 : i32
    %add3A_766 = vector.broadcast %add3A_765 : i32 to vector<64x256xi32>
    %add3A_767 = arith.addi %select_n3A_83, %add3A_766 : vector<64x256xi32>
    %ge3A_768 = arith.constant 0 : i32
    %ge3A_769 = vector.broadcast %ge3A_768 : i32 to vector<64x256xi32>
    %ge3A_770 = arith.cmpi sge, %add3A_767, %ge3A_769 : vector<64x256xi32>
    %add3A_771 = arith.constant -3 : i32
    %add3A_772 = vector.broadcast %add3A_771 : i32 to vector<64x256xi32>
    %add3A_773 = arith.addi %select_n3A_83, %add3A_772 : vector<64x256xi32>
    %lt3A_774 = arith.constant 128 : i32
    %lt3A_775 = vector.broadcast %lt3A_774 : i32 to vector<64x256xi32>
    %lt3A_776 = arith.cmpi slt, %add3A_773, %lt3A_775 : vector<64x256xi32>
    %and3A_777 = arith.andi %ge3A_770, %lt3A_776 : vector<64x256xi1>
    %slice3A_778 = vector.extract_strided_slice %reshape3A_714 {offsets = [0, 250], sizes = [64, 6], strides = [1, 1]} : vector<64x256xf32> to vector<64x6xf32>
    %slice3A_779 = vector.extract_strided_slice %reshape3A_714 {offsets = [0, 0], sizes = [64, 250], strides = [1, 1]} : vector<64x256xf32> to vector<64x250xf32>
    %concatenate3A_780 = tpu.concatenate %slice3A_778, %slice3A_779 in 1 : vector<64x6xf32>, vector<64x250xf32> -> vector<64x256xf32>
    %slice3A_781 = vector.extract_strided_slice %reshape3A_722 {offsets = [0, 250], sizes = [64, 6], strides = [1, 1]} : vector<64x256xf32> to vector<64x6xf32>
    %slice3A_782 = vector.extract_strided_slice %reshape3A_722 {offsets = [0, 0], sizes = [64, 250], strides = [1, 1]} : vector<64x256xf32> to vector<64x250xf32>
    %concatenate3A_783 = tpu.concatenate %slice3A_781, %slice3A_782 in 1 : vector<64x6xf32>, vector<64x250xf32> -> vector<64x256xf32>
    %slice3A_784 = vector.extract_strided_slice %reshape3A_730 {offsets = [0, 250], sizes = [64, 6], strides = [1, 1]} : vector<64x256xf32> to vector<64x6xf32>
    %slice3A_785 = vector.extract_strided_slice %reshape3A_730 {offsets = [0, 0], sizes = [64, 250], strides = [1, 1]} : vector<64x256xf32> to vector<64x250xf32>
    %concatenate3A_786 = tpu.concatenate %slice3A_784, %slice3A_785 in 1 : vector<64x6xf32>, vector<64x250xf32> -> vector<64x256xf32>
    %sub3A_787 = arith.subf %concatenate3A_780, %get3A_3 : vector<64x256xf32>
    %sub3A_788 = arith.subf %concatenate3A_783, %get3A_8 : vector<64x256xf32>
    %sub3A_789 = arith.subf %concatenate3A_786, %get3A_13 : vector<64x256xf32>
    %mul3A_790 = arith.mulf %sub3A_787, %sub3A_787 : vector<64x256xf32>
    %mul3A_791 = arith.mulf %sub3A_788, %sub3A_788 : vector<64x256xf32>
    %add3A_792 = arith.addf %mul3A_790, %mul3A_791 : vector<64x256xf32>
    %mul3A_793 = arith.mulf %sub3A_789, %sub3A_789 : vector<64x256xf32>
    %add3A_794 = arith.addf %add3A_792, %mul3A_793 : vector<64x256xf32>
    %and3A_795 = arith.andi %and3A_706, %and3A_777 : vector<64x256xi1>
    %jit3A_796 = arith.constant 0x7F800000 : f32
    %broadcast_in_dim3A_797 = vector.broadcast %jit3A_796 : f32 to vector<64x256xf32>
    %select_n3A_798 = arith.select %and3A_795, %add3A_794, %broadcast_in_dim3A_797 : vector<64x256xi1>, vector<64x256xf32>
    %add3A_799 = arith.constant -2 : i32
    %add3A_800 = vector.broadcast %add3A_799 : i32 to vector<64x256xi32>
    %add3A_801 = arith.addi %select_n3A_83, %add3A_800 : vector<64x256xi32>
    %ge3A_802 = arith.constant 0 : i32
    %ge3A_803 = vector.broadcast %ge3A_802 : i32 to vector<64x256xi32>
    %ge3A_804 = arith.cmpi sge, %add3A_801, %ge3A_803 : vector<64x256xi32>
    %add3A_805 = arith.constant -2 : i32
    %add3A_806 = vector.broadcast %add3A_805 : i32 to vector<64x256xi32>
    %add3A_807 = arith.addi %select_n3A_83, %add3A_806 : vector<64x256xi32>
    %lt3A_808 = arith.constant 128 : i32
    %lt3A_809 = vector.broadcast %lt3A_808 : i32 to vector<64x256xi32>
    %lt3A_810 = arith.cmpi slt, %add3A_807, %lt3A_809 : vector<64x256xi32>
    %and3A_811 = arith.andi %ge3A_804, %lt3A_810 : vector<64x256xi1>
    %slice3A_812 = vector.extract_strided_slice %reshape3A_714 {offsets = [0, 252], sizes = [64, 4], strides = [1, 1]} : vector<64x256xf32> to vector<64x4xf32>
    %slice3A_813 = vector.extract_strided_slice %reshape3A_714 {offsets = [0, 0], sizes = [64, 252], strides = [1, 1]} : vector<64x256xf32> to vector<64x252xf32>
    %concatenate3A_814 = tpu.concatenate %slice3A_812, %slice3A_813 in 1 : vector<64x4xf32>, vector<64x252xf32> -> vector<64x256xf32>
    %slice3A_815 = vector.extract_strided_slice %reshape3A_722 {offsets = [0, 252], sizes = [64, 4], strides = [1, 1]} : vector<64x256xf32> to vector<64x4xf32>
    %slice3A_816 = vector.extract_strided_slice %reshape3A_722 {offsets = [0, 0], sizes = [64, 252], strides = [1, 1]} : vector<64x256xf32> to vector<64x252xf32>
    %concatenate3A_817 = tpu.concatenate %slice3A_815, %slice3A_816 in 1 : vector<64x4xf32>, vector<64x252xf32> -> vector<64x256xf32>
    %slice3A_818 = vector.extract_strided_slice %reshape3A_730 {offsets = [0, 252], sizes = [64, 4], strides = [1, 1]} : vector<64x256xf32> to vector<64x4xf32>
    %slice3A_819 = vector.extract_strided_slice %reshape3A_730 {offsets = [0, 0], sizes = [64, 252], strides = [1, 1]} : vector<64x256xf32> to vector<64x252xf32>
    %concatenate3A_820 = tpu.concatenate %slice3A_818, %slice3A_819 in 1 : vector<64x4xf32>, vector<64x252xf32> -> vector<64x256xf32>
    %sub3A_821 = arith.subf %concatenate3A_814, %get3A_3 : vector<64x256xf32>
    %sub3A_822 = arith.subf %concatenate3A_817, %get3A_8 : vector<64x256xf32>
    %sub3A_823 = arith.subf %concatenate3A_820, %get3A_13 : vector<64x256xf32>
    %mul3A_824 = arith.mulf %sub3A_821, %sub3A_821 : vector<64x256xf32>
    %mul3A_825 = arith.mulf %sub3A_822, %sub3A_822 : vector<64x256xf32>
    %add3A_826 = arith.addf %mul3A_824, %mul3A_825 : vector<64x256xf32>
    %mul3A_827 = arith.mulf %sub3A_823, %sub3A_823 : vector<64x256xf32>
    %add3A_828 = arith.addf %add3A_826, %mul3A_827 : vector<64x256xf32>
    %and3A_829 = arith.andi %and3A_706, %and3A_811 : vector<64x256xi1>
    %jit3A_830 = arith.constant 0x7F800000 : f32
    %broadcast_in_dim3A_831 = vector.broadcast %jit3A_830 : f32 to vector<64x256xf32>
    %select_n3A_832 = arith.select %and3A_829, %add3A_828, %broadcast_in_dim3A_831 : vector<64x256xi1>, vector<64x256xf32>
    %add3A_833 = arith.constant -1 : i32
    %add3A_834 = vector.broadcast %add3A_833 : i32 to vector<64x256xi32>
    %add3A_835 = arith.addi %select_n3A_83, %add3A_834 : vector<64x256xi32>
    %ge3A_836 = arith.constant 0 : i32
    %ge3A_837 = vector.broadcast %ge3A_836 : i32 to vector<64x256xi32>
    %ge3A_838 = arith.cmpi sge, %add3A_835, %ge3A_837 : vector<64x256xi32>
    %add3A_839 = arith.constant -1 : i32
    %add3A_840 = vector.broadcast %add3A_839 : i32 to vector<64x256xi32>
    %add3A_841 = arith.addi %select_n3A_83, %add3A_840 : vector<64x256xi32>
    %lt3A_842 = arith.constant 128 : i32
    %lt3A_843 = vector.broadcast %lt3A_842 : i32 to vector<64x256xi32>
    %lt3A_844 = arith.cmpi slt, %add3A_841, %lt3A_843 : vector<64x256xi32>
    %and3A_845 = arith.andi %ge3A_838, %lt3A_844 : vector<64x256xi1>
    %slice3A_846 = vector.extract_strided_slice %reshape3A_714 {offsets = [0, 254], sizes = [64, 2], strides = [1, 1]} : vector<64x256xf32> to vector<64x2xf32>
    %slice3A_847 = vector.extract_strided_slice %reshape3A_714 {offsets = [0, 0], sizes = [64, 254], strides = [1, 1]} : vector<64x256xf32> to vector<64x254xf32>
    %concatenate3A_848 = tpu.concatenate %slice3A_846, %slice3A_847 in 1 : vector<64x2xf32>, vector<64x254xf32> -> vector<64x256xf32>
    %slice3A_849 = vector.extract_strided_slice %reshape3A_722 {offsets = [0, 254], sizes = [64, 2], strides = [1, 1]} : vector<64x256xf32> to vector<64x2xf32>
    %slice3A_850 = vector.extract_strided_slice %reshape3A_722 {offsets = [0, 0], sizes = [64, 254], strides = [1, 1]} : vector<64x256xf32> to vector<64x254xf32>
    %concatenate3A_851 = tpu.concatenate %slice3A_849, %slice3A_850 in 1 : vector<64x2xf32>, vector<64x254xf32> -> vector<64x256xf32>
    %slice3A_852 = vector.extract_strided_slice %reshape3A_730 {offsets = [0, 254], sizes = [64, 2], strides = [1, 1]} : vector<64x256xf32> to vector<64x2xf32>
    %slice3A_853 = vector.extract_strided_slice %reshape3A_730 {offsets = [0, 0], sizes = [64, 254], strides = [1, 1]} : vector<64x256xf32> to vector<64x254xf32>
    %concatenate3A_854 = tpu.concatenate %slice3A_852, %slice3A_853 in 1 : vector<64x2xf32>, vector<64x254xf32> -> vector<64x256xf32>
    %sub3A_855 = arith.subf %concatenate3A_848, %get3A_3 : vector<64x256xf32>
    %sub3A_856 = arith.subf %concatenate3A_851, %get3A_8 : vector<64x256xf32>
    %sub3A_857 = arith.subf %concatenate3A_854, %get3A_13 : vector<64x256xf32>
    %mul3A_858 = arith.mulf %sub3A_855, %sub3A_855 : vector<64x256xf32>
    %mul3A_859 = arith.mulf %sub3A_856, %sub3A_856 : vector<64x256xf32>
    %add3A_860 = arith.addf %mul3A_858, %mul3A_859 : vector<64x256xf32>
    %mul3A_861 = arith.mulf %sub3A_857, %sub3A_857 : vector<64x256xf32>
    %add3A_862 = arith.addf %add3A_860, %mul3A_861 : vector<64x256xf32>
    %and3A_863 = arith.andi %and3A_706, %and3A_845 : vector<64x256xi1>
    %jit3A_864 = arith.constant 0x7F800000 : f32
    %broadcast_in_dim3A_865 = vector.broadcast %jit3A_864 : f32 to vector<64x256xf32>
    %select_n3A_866 = arith.select %and3A_863, %add3A_862, %broadcast_in_dim3A_865 : vector<64x256xi1>, vector<64x256xf32>
    %add3A_867 = arith.constant 0 : i32
    %add3A_868 = vector.broadcast %add3A_867 : i32 to vector<64x256xi32>
    %add3A_869 = arith.addi %select_n3A_83, %add3A_868 : vector<64x256xi32>
    %ge3A_870 = arith.constant 0 : i32
    %ge3A_871 = vector.broadcast %ge3A_870 : i32 to vector<64x256xi32>
    %ge3A_872 = arith.cmpi sge, %add3A_869, %ge3A_871 : vector<64x256xi32>
    %add3A_873 = arith.constant 0 : i32
    %add3A_874 = vector.broadcast %add3A_873 : i32 to vector<64x256xi32>
    %add3A_875 = arith.addi %select_n3A_83, %add3A_874 : vector<64x256xi32>
    %lt3A_876 = arith.constant 128 : i32
    %lt3A_877 = vector.broadcast %lt3A_876 : i32 to vector<64x256xi32>
    %lt3A_878 = arith.cmpi slt, %add3A_875, %lt3A_877 : vector<64x256xi32>
    %and3A_879 = arith.andi %ge3A_872, %lt3A_878 : vector<64x256xi1>
    %sub3A_880 = arith.subf %reshape3A_714, %get3A_3 : vector<64x256xf32>
    %sub3A_881 = arith.subf %reshape3A_722, %get3A_8 : vector<64x256xf32>
    %sub3A_882 = arith.subf %reshape3A_730, %get3A_13 : vector<64x256xf32>
    %mul3A_883 = arith.mulf %sub3A_880, %sub3A_880 : vector<64x256xf32>
    %mul3A_884 = arith.mulf %sub3A_881, %sub3A_881 : vector<64x256xf32>
    %add3A_885 = arith.addf %mul3A_883, %mul3A_884 : vector<64x256xf32>
    %mul3A_886 = arith.mulf %sub3A_882, %sub3A_882 : vector<64x256xf32>
    %add3A_887 = arith.addf %add3A_885, %mul3A_886 : vector<64x256xf32>
    %and3A_888 = arith.andi %and3A_706, %and3A_879 : vector<64x256xi1>
    %jit3A_889 = arith.constant 0x7F800000 : f32
    %broadcast_in_dim3A_890 = vector.broadcast %jit3A_889 : f32 to vector<64x256xf32>
    %select_n3A_891 = arith.select %and3A_888, %add3A_887, %broadcast_in_dim3A_890 : vector<64x256xi1>, vector<64x256xf32>
    %add3A_892 = arith.constant 1 : i32
    %add3A_893 = vector.broadcast %add3A_892 : i32 to vector<64x256xi32>
    %add3A_894 = arith.addi %select_n3A_83, %add3A_893 : vector<64x256xi32>
    %ge3A_895 = arith.constant 0 : i32
    %ge3A_896 = vector.broadcast %ge3A_895 : i32 to vector<64x256xi32>
    %ge3A_897 = arith.cmpi sge, %add3A_894, %ge3A_896 : vector<64x256xi32>
    %add3A_898 = arith.constant 1 : i32
    %add3A_899 = vector.broadcast %add3A_898 : i32 to vector<64x256xi32>
    %add3A_900 = arith.addi %select_n3A_83, %add3A_899 : vector<64x256xi32>
    %lt3A_901 = arith.constant 128 : i32
    %lt3A_902 = vector.broadcast %lt3A_901 : i32 to vector<64x256xi32>
    %lt3A_903 = arith.cmpi slt, %add3A_900, %lt3A_902 : vector<64x256xi32>
    %and3A_904 = arith.andi %ge3A_897, %lt3A_903 : vector<64x256xi1>
    %slice3A_905 = vector.extract_strided_slice %reshape3A_714 {offsets = [0, 2], sizes = [64, 254], strides = [1, 1]} : vector<64x256xf32> to vector<64x254xf32>
    %slice3A_906 = vector.extract_strided_slice %reshape3A_714 {offsets = [0, 0], sizes = [64, 2], strides = [1, 1]} : vector<64x256xf32> to vector<64x2xf32>
    %concatenate3A_907 = tpu.concatenate %slice3A_905, %slice3A_906 in 1 : vector<64x254xf32>, vector<64x2xf32> -> vector<64x256xf32>
    %slice3A_908 = vector.extract_strided_slice %reshape3A_722 {offsets = [0, 2], sizes = [64, 254], strides = [1, 1]} : vector<64x256xf32> to vector<64x254xf32>
    %slice3A_909 = vector.extract_strided_slice %reshape3A_722 {offsets = [0, 0], sizes = [64, 2], strides = [1, 1]} : vector<64x256xf32> to vector<64x2xf32>
    %concatenate3A_910 = tpu.concatenate %slice3A_908, %slice3A_909 in 1 : vector<64x254xf32>, vector<64x2xf32> -> vector<64x256xf32>
    %slice3A_911 = vector.extract_strided_slice %reshape3A_730 {offsets = [0, 2], sizes = [64, 254], strides = [1, 1]} : vector<64x256xf32> to vector<64x254xf32>
    %slice3A_912 = vector.extract_strided_slice %reshape3A_730 {offsets = [0, 0], sizes = [64, 2], strides = [1, 1]} : vector<64x256xf32> to vector<64x2xf32>
    %concatenate3A_913 = tpu.concatenate %slice3A_911, %slice3A_912 in 1 : vector<64x254xf32>, vector<64x2xf32> -> vector<64x256xf32>
    %sub3A_914 = arith.subf %concatenate3A_907, %get3A_3 : vector<64x256xf32>
    %sub3A_915 = arith.subf %concatenate3A_910, %get3A_8 : vector<64x256xf32>
    %sub3A_916 = arith.subf %concatenate3A_913, %get3A_13 : vector<64x256xf32>
    %mul3A_917 = arith.mulf %sub3A_914, %sub3A_914 : vector<64x256xf32>
    %mul3A_918 = arith.mulf %sub3A_915, %sub3A_915 : vector<64x256xf32>
    %add3A_919 = arith.addf %mul3A_917, %mul3A_918 : vector<64x256xf32>
    %mul3A_920 = arith.mulf %sub3A_916, %sub3A_916 : vector<64x256xf32>
    %add3A_921 = arith.addf %add3A_919, %mul3A_920 : vector<64x256xf32>
    %and3A_922 = arith.andi %and3A_706, %and3A_904 : vector<64x256xi1>
    %jit3A_923 = arith.constant 0x7F800000 : f32
    %broadcast_in_dim3A_924 = vector.broadcast %jit3A_923 : f32 to vector<64x256xf32>
    %select_n3A_925 = arith.select %and3A_922, %add3A_921, %broadcast_in_dim3A_924 : vector<64x256xi1>, vector<64x256xf32>
    %add3A_926 = arith.constant 2 : i32
    %add3A_927 = vector.broadcast %add3A_926 : i32 to vector<64x256xi32>
    %add3A_928 = arith.addi %select_n3A_83, %add3A_927 : vector<64x256xi32>
    %ge3A_929 = arith.constant 0 : i32
    %ge3A_930 = vector.broadcast %ge3A_929 : i32 to vector<64x256xi32>
    %ge3A_931 = arith.cmpi sge, %add3A_928, %ge3A_930 : vector<64x256xi32>
    %add3A_932 = arith.constant 2 : i32
    %add3A_933 = vector.broadcast %add3A_932 : i32 to vector<64x256xi32>
    %add3A_934 = arith.addi %select_n3A_83, %add3A_933 : vector<64x256xi32>
    %lt3A_935 = arith.constant 128 : i32
    %lt3A_936 = vector.broadcast %lt3A_935 : i32 to vector<64x256xi32>
    %lt3A_937 = arith.cmpi slt, %add3A_934, %lt3A_936 : vector<64x256xi32>
    %and3A_938 = arith.andi %ge3A_931, %lt3A_937 : vector<64x256xi1>
    %slice3A_939 = vector.extract_strided_slice %reshape3A_714 {offsets = [0, 4], sizes = [64, 252], strides = [1, 1]} : vector<64x256xf32> to vector<64x252xf32>
    %slice3A_940 = vector.extract_strided_slice %reshape3A_714 {offsets = [0, 0], sizes = [64, 4], strides = [1, 1]} : vector<64x256xf32> to vector<64x4xf32>
    %concatenate3A_941 = tpu.concatenate %slice3A_939, %slice3A_940 in 1 : vector<64x252xf32>, vector<64x4xf32> -> vector<64x256xf32>
    %slice3A_942 = vector.extract_strided_slice %reshape3A_722 {offsets = [0, 4], sizes = [64, 252], strides = [1, 1]} : vector<64x256xf32> to vector<64x252xf32>
    %slice3A_943 = vector.extract_strided_slice %reshape3A_722 {offsets = [0, 0], sizes = [64, 4], strides = [1, 1]} : vector<64x256xf32> to vector<64x4xf32>
    %concatenate3A_944 = tpu.concatenate %slice3A_942, %slice3A_943 in 1 : vector<64x252xf32>, vector<64x4xf32> -> vector<64x256xf32>
    %slice3A_945 = vector.extract_strided_slice %reshape3A_730 {offsets = [0, 4], sizes = [64, 252], strides = [1, 1]} : vector<64x256xf32> to vector<64x252xf32>
    %slice3A_946 = vector.extract_strided_slice %reshape3A_730 {offsets = [0, 0], sizes = [64, 4], strides = [1, 1]} : vector<64x256xf32> to vector<64x4xf32>
    %concatenate3A_947 = tpu.concatenate %slice3A_945, %slice3A_946 in 1 : vector<64x252xf32>, vector<64x4xf32> -> vector<64x256xf32>
    %sub3A_948 = arith.subf %concatenate3A_941, %get3A_3 : vector<64x256xf32>
    %sub3A_949 = arith.subf %concatenate3A_944, %get3A_8 : vector<64x256xf32>
    %sub3A_950 = arith.subf %concatenate3A_947, %get3A_13 : vector<64x256xf32>
    %mul3A_951 = arith.mulf %sub3A_948, %sub3A_948 : vector<64x256xf32>
    %mul3A_952 = arith.mulf %sub3A_949, %sub3A_949 : vector<64x256xf32>
    %add3A_953 = arith.addf %mul3A_951, %mul3A_952 : vector<64x256xf32>
    %mul3A_954 = arith.mulf %sub3A_950, %sub3A_950 : vector<64x256xf32>
    %add3A_955 = arith.addf %add3A_953, %mul3A_954 : vector<64x256xf32>
    %and3A_956 = arith.andi %and3A_706, %and3A_938 : vector<64x256xi1>
    %jit3A_957 = arith.constant 0x7F800000 : f32
    %broadcast_in_dim3A_958 = vector.broadcast %jit3A_957 : f32 to vector<64x256xf32>
    %select_n3A_959 = arith.select %and3A_956, %add3A_955, %broadcast_in_dim3A_958 : vector<64x256xi1>, vector<64x256xf32>
    %add3A_960 = arith.constant 3 : i32
    %add3A_961 = vector.broadcast %add3A_960 : i32 to vector<64x256xi32>
    %add3A_962 = arith.addi %select_n3A_83, %add3A_961 : vector<64x256xi32>
    %ge3A_963 = arith.constant 0 : i32
    %ge3A_964 = vector.broadcast %ge3A_963 : i32 to vector<64x256xi32>
    %ge3A_965 = arith.cmpi sge, %add3A_962, %ge3A_964 : vector<64x256xi32>
    %add3A_966 = arith.constant 3 : i32
    %add3A_967 = vector.broadcast %add3A_966 : i32 to vector<64x256xi32>
    %add3A_968 = arith.addi %select_n3A_83, %add3A_967 : vector<64x256xi32>
    %lt3A_969 = arith.constant 128 : i32
    %lt3A_970 = vector.broadcast %lt3A_969 : i32 to vector<64x256xi32>
    %lt3A_971 = arith.cmpi slt, %add3A_968, %lt3A_970 : vector<64x256xi32>
    %and3A_972 = arith.andi %ge3A_965, %lt3A_971 : vector<64x256xi1>
    %slice3A_973 = vector.extract_strided_slice %reshape3A_714 {offsets = [0, 6], sizes = [64, 250], strides = [1, 1]} : vector<64x256xf32> to vector<64x250xf32>
    %slice3A_974 = vector.extract_strided_slice %reshape3A_714 {offsets = [0, 0], sizes = [64, 6], strides = [1, 1]} : vector<64x256xf32> to vector<64x6xf32>
    %concatenate3A_975 = tpu.concatenate %slice3A_973, %slice3A_974 in 1 : vector<64x250xf32>, vector<64x6xf32> -> vector<64x256xf32>
    %slice3A_976 = vector.extract_strided_slice %reshape3A_722 {offsets = [0, 6], sizes = [64, 250], strides = [1, 1]} : vector<64x256xf32> to vector<64x250xf32>
    %slice3A_977 = vector.extract_strided_slice %reshape3A_722 {offsets = [0, 0], sizes = [64, 6], strides = [1, 1]} : vector<64x256xf32> to vector<64x6xf32>
    %concatenate3A_978 = tpu.concatenate %slice3A_976, %slice3A_977 in 1 : vector<64x250xf32>, vector<64x6xf32> -> vector<64x256xf32>
    %slice3A_979 = vector.extract_strided_slice %reshape3A_730 {offsets = [0, 6], sizes = [64, 250], strides = [1, 1]} : vector<64x256xf32> to vector<64x250xf32>
    %slice3A_980 = vector.extract_strided_slice %reshape3A_730 {offsets = [0, 0], sizes = [64, 6], strides = [1, 1]} : vector<64x256xf32> to vector<64x6xf32>
    %concatenate3A_981 = tpu.concatenate %slice3A_979, %slice3A_980 in 1 : vector<64x250xf32>, vector<64x6xf32> -> vector<64x256xf32>
    %sub3A_982 = arith.subf %concatenate3A_975, %get3A_3 : vector<64x256xf32>
    %sub3A_983 = arith.subf %concatenate3A_978, %get3A_8 : vector<64x256xf32>
    %sub3A_984 = arith.subf %concatenate3A_981, %get3A_13 : vector<64x256xf32>
    %mul3A_985 = arith.mulf %sub3A_982, %sub3A_982 : vector<64x256xf32>
    %mul3A_986 = arith.mulf %sub3A_983, %sub3A_983 : vector<64x256xf32>
    %add3A_987 = arith.addf %mul3A_985, %mul3A_986 : vector<64x256xf32>
    %mul3A_988 = arith.mulf %sub3A_984, %sub3A_984 : vector<64x256xf32>
    %add3A_989 = arith.addf %add3A_987, %mul3A_988 : vector<64x256xf32>
    %and3A_990 = arith.andi %and3A_706, %and3A_972 : vector<64x256xi1>
    %jit3A_991 = arith.constant 0x7F800000 : f32
    %broadcast_in_dim3A_992 = vector.broadcast %jit3A_991 : f32 to vector<64x256xf32>
    %select_n3A_993 = arith.select %and3A_990, %add3A_989, %broadcast_in_dim3A_992 : vector<64x256xi1>, vector<64x256xf32>
    %add3A_994 = arith.constant 1 : i32
    %add3A_995 = vector.broadcast %add3A_994 : i32 to vector<64x256xi32>
    %add3A_996 = arith.addi %select_n3A, %add3A_995 : vector<64x256xi32>
    %ge3A_997 = arith.constant 0 : i32
    %ge3A_998 = vector.broadcast %ge3A_997 : i32 to vector<64x256xi32>
    %ge3A_999 = arith.cmpi sge, %add3A_996, %ge3A_998 : vector<64x256xi32>
    %add3A_1000 = arith.constant 1 : i32
    %add3A_1001 = vector.broadcast %add3A_1000 : i32 to vector<64x256xi32>
    %add3A_1002 = arith.addi %select_n3A, %add3A_1001 : vector<64x256xi32>
    %lt3A_1003 = arith.constant 32 : i32
    %lt3A_1004 = vector.broadcast %lt3A_1003 : i32 to vector<64x256xi32>
    %lt3A_1005 = arith.cmpi slt, %add3A_1002, %lt3A_1004 : vector<64x256xi32>
    %and3A_1006 = arith.andi %ge3A_999, %lt3A_1005 : vector<64x256xi1>
    %slice3A_1007 = vector.extract_strided_slice %get3A_18 {offsets = [1, 0], sizes = [31, 128], strides = [1, 1]} : vector<32x128xf32> to vector<31x128xf32>
    %slice3A_1008 = vector.extract_strided_slice %get3A_18 {offsets = [0, 0], sizes = [1, 128], strides = [1, 1]} : vector<32x128xf32> to vector<1x128xf32>
    %concatenate3A_1009 = tpu.concatenate %slice3A_1007, %slice3A_1008 in 0 : vector<31x128xf32>, vector<1x128xf32> -> vector<32x128xf32>
    %broadcast_in_dim3A_1010 = vector.shape_cast %concatenate3A_1009 : vector<32x128xf32> to vector<32x1x128xf32>
    %broadcast_in_dim3A_1011 = vector.shape_cast %broadcast_in_dim3A_1010 : vector<32x1x128xf32> to vector<32x1x128xf32>
    %broadcast_in_dim3A_1012 = vector.broadcast %broadcast_in_dim3A_1011 : vector<32x1x128xf32> to vector<32x2x128xf32>
    %reshape3A_1013 = vector.shape_cast %broadcast_in_dim3A_1012 : vector<32x2x128xf32> to vector<64x128xf32>
    %broadcast_in_dim3A_1014 = vector.shape_cast %reshape3A_1013 : vector<64x128xf32> to vector<64x128x1xf32>
    %broadcast_in_dim3A_1015 = vector.shape_cast %broadcast_in_dim3A_1014 : vector<64x128x1xf32> to vector<64x128x1xf32>
    %broadcast_in_dim3A_1016 = vector.broadcast %broadcast_in_dim3A_1015 : vector<64x128x1xf32> to vector<64x128x2xf32>
    %reshape3A_1017 = vector.shape_cast %broadcast_in_dim3A_1016 : vector<64x128x2xf32> to vector<64x256xf32>
    %slice3A_1018 = vector.extract_strided_slice %get3A_23 {offsets = [1, 0], sizes = [31, 128], strides = [1, 1]} : vector<32x128xf32> to vector<31x128xf32>
    %slice3A_1019 = vector.extract_strided_slice %get3A_23 {offsets = [0, 0], sizes = [1, 128], strides = [1, 1]} : vector<32x128xf32> to vector<1x128xf32>
    %concatenate3A_1020 = tpu.concatenate %slice3A_1018, %slice3A_1019 in 0 : vector<31x128xf32>, vector<1x128xf32> -> vector<32x128xf32>
    %broadcast_in_dim3A_1021 = vector.shape_cast %concatenate3A_1020 : vector<32x128xf32> to vector<32x1x128xf32>
    %broadcast_in_dim3A_1022 = vector.shape_cast %broadcast_in_dim3A_1021 : vector<32x1x128xf32> to vector<32x1x128xf32>
    %broadcast_in_dim3A_1023 = vector.broadcast %broadcast_in_dim3A_1022 : vector<32x1x128xf32> to vector<32x2x128xf32>
    %reshape3A_1024 = vector.shape_cast %broadcast_in_dim3A_1023 : vector<32x2x128xf32> to vector<64x128xf32>
    %broadcast_in_dim3A_1025 = vector.shape_cast %reshape3A_1024 : vector<64x128xf32> to vector<64x128x1xf32>
    %broadcast_in_dim3A_1026 = vector.shape_cast %broadcast_in_dim3A_1025 : vector<64x128x1xf32> to vector<64x128x1xf32>
    %broadcast_in_dim3A_1027 = vector.broadcast %broadcast_in_dim3A_1026 : vector<64x128x1xf32> to vector<64x128x2xf32>
    %reshape3A_1028 = vector.shape_cast %broadcast_in_dim3A_1027 : vector<64x128x2xf32> to vector<64x256xf32>
    %slice3A_1029 = vector.extract_strided_slice %get3A_28 {offsets = [1, 0], sizes = [31, 128], strides = [1, 1]} : vector<32x128xf32> to vector<31x128xf32>
    %slice3A_1030 = vector.extract_strided_slice %get3A_28 {offsets = [0, 0], sizes = [1, 128], strides = [1, 1]} : vector<32x128xf32> to vector<1x128xf32>
    %concatenate3A_1031 = tpu.concatenate %slice3A_1029, %slice3A_1030 in 0 : vector<31x128xf32>, vector<1x128xf32> -> vector<32x128xf32>
    %broadcast_in_dim3A_1032 = vector.shape_cast %concatenate3A_1031 : vector<32x128xf32> to vector<32x1x128xf32>
    %broadcast_in_dim3A_1033 = vector.shape_cast %broadcast_in_dim3A_1032 : vector<32x1x128xf32> to vector<32x1x128xf32>
    %broadcast_in_dim3A_1034 = vector.broadcast %broadcast_in_dim3A_1033 : vector<32x1x128xf32> to vector<32x2x128xf32>
    %reshape3A_1035 = vector.shape_cast %broadcast_in_dim3A_1034 : vector<32x2x128xf32> to vector<64x128xf32>
    %broadcast_in_dim3A_1036 = vector.shape_cast %reshape3A_1035 : vector<64x128xf32> to vector<64x128x1xf32>
    %broadcast_in_dim3A_1037 = vector.shape_cast %broadcast_in_dim3A_1036 : vector<64x128x1xf32> to vector<64x128x1xf32>
    %broadcast_in_dim3A_1038 = vector.broadcast %broadcast_in_dim3A_1037 : vector<64x128x1xf32> to vector<64x128x2xf32>
    %reshape3A_1039 = vector.shape_cast %broadcast_in_dim3A_1038 : vector<64x128x2xf32> to vector<64x256xf32>
    %add3A_1040 = arith.constant -4 : i32
    %add3A_1041 = vector.broadcast %add3A_1040 : i32 to vector<64x256xi32>
    %add3A_1042 = arith.addi %select_n3A_83, %add3A_1041 : vector<64x256xi32>
    %ge3A_1043 = arith.constant 0 : i32
    %ge3A_1044 = vector.broadcast %ge3A_1043 : i32 to vector<64x256xi32>
    %ge3A_1045 = arith.cmpi sge, %add3A_1042, %ge3A_1044 : vector<64x256xi32>
    %add3A_1046 = arith.constant -4 : i32
    %add3A_1047 = vector.broadcast %add3A_1046 : i32 to vector<64x256xi32>
    %add3A_1048 = arith.addi %select_n3A_83, %add3A_1047 : vector<64x256xi32>
    %lt3A_1049 = arith.constant 128 : i32
    %lt3A_1050 = vector.broadcast %lt3A_1049 : i32 to vector<64x256xi32>
    %lt3A_1051 = arith.cmpi slt, %add3A_1048, %lt3A_1050 : vector<64x256xi32>
    %and3A_1052 = arith.andi %ge3A_1045, %lt3A_1051 : vector<64x256xi1>
    %slice3A_1053 = vector.extract_strided_slice %reshape3A_1017 {offsets = [0, 248], sizes = [64, 8], strides = [1, 1]} : vector<64x256xf32> to vector<64x8xf32>
    %slice3A_1054 = vector.extract_strided_slice %reshape3A_1017 {offsets = [0, 0], sizes = [64, 248], strides = [1, 1]} : vector<64x256xf32> to vector<64x248xf32>
    %concatenate3A_1055 = tpu.concatenate %slice3A_1053, %slice3A_1054 in 1 : vector<64x8xf32>, vector<64x248xf32> -> vector<64x256xf32>
    %slice3A_1056 = vector.extract_strided_slice %reshape3A_1028 {offsets = [0, 248], sizes = [64, 8], strides = [1, 1]} : vector<64x256xf32> to vector<64x8xf32>
    %slice3A_1057 = vector.extract_strided_slice %reshape3A_1028 {offsets = [0, 0], sizes = [64, 248], strides = [1, 1]} : vector<64x256xf32> to vector<64x248xf32>
    %concatenate3A_1058 = tpu.concatenate %slice3A_1056, %slice3A_1057 in 1 : vector<64x8xf32>, vector<64x248xf32> -> vector<64x256xf32>
    %slice3A_1059 = vector.extract_strided_slice %reshape3A_1039 {offsets = [0, 248], sizes = [64, 8], strides = [1, 1]} : vector<64x256xf32> to vector<64x8xf32>
    %slice3A_1060 = vector.extract_strided_slice %reshape3A_1039 {offsets = [0, 0], sizes = [64, 248], strides = [1, 1]} : vector<64x256xf32> to vector<64x248xf32>
    %concatenate3A_1061 = tpu.concatenate %slice3A_1059, %slice3A_1060 in 1 : vector<64x8xf32>, vector<64x248xf32> -> vector<64x256xf32>
    %sub3A_1062 = arith.subf %concatenate3A_1055, %get3A_3 : vector<64x256xf32>
    %sub3A_1063 = arith.subf %concatenate3A_1058, %get3A_8 : vector<64x256xf32>
    %sub3A_1064 = arith.subf %concatenate3A_1061, %get3A_13 : vector<64x256xf32>
    %mul3A_1065 = arith.mulf %sub3A_1062, %sub3A_1062 : vector<64x256xf32>
    %mul3A_1066 = arith.mulf %sub3A_1063, %sub3A_1063 : vector<64x256xf32>
    %add3A_1067 = arith.addf %mul3A_1065, %mul3A_1066 : vector<64x256xf32>
    %mul3A_1068 = arith.mulf %sub3A_1064, %sub3A_1064 : vector<64x256xf32>
    %add3A_1069 = arith.addf %add3A_1067, %mul3A_1068 : vector<64x256xf32>
    %and3A_1070 = arith.andi %and3A_1006, %and3A_1052 : vector<64x256xi1>
    %jit3A_1071 = arith.constant 0x7F800000 : f32
    %broadcast_in_dim3A_1072 = vector.broadcast %jit3A_1071 : f32 to vector<64x256xf32>
    %select_n3A_1073 = arith.select %and3A_1070, %add3A_1069, %broadcast_in_dim3A_1072 : vector<64x256xi1>, vector<64x256xf32>
    %add3A_1074 = arith.constant -3 : i32
    %add3A_1075 = vector.broadcast %add3A_1074 : i32 to vector<64x256xi32>
    %add3A_1076 = arith.addi %select_n3A_83, %add3A_1075 : vector<64x256xi32>
    %ge3A_1077 = arith.constant 0 : i32
    %ge3A_1078 = vector.broadcast %ge3A_1077 : i32 to vector<64x256xi32>
    %ge3A_1079 = arith.cmpi sge, %add3A_1076, %ge3A_1078 : vector<64x256xi32>
    %add3A_1080 = arith.constant -3 : i32
    %add3A_1081 = vector.broadcast %add3A_1080 : i32 to vector<64x256xi32>
    %add3A_1082 = arith.addi %select_n3A_83, %add3A_1081 : vector<64x256xi32>
    %lt3A_1083 = arith.constant 128 : i32
    %lt3A_1084 = vector.broadcast %lt3A_1083 : i32 to vector<64x256xi32>
    %lt3A_1085 = arith.cmpi slt, %add3A_1082, %lt3A_1084 : vector<64x256xi32>
    %and3A_1086 = arith.andi %ge3A_1079, %lt3A_1085 : vector<64x256xi1>
    %slice3A_1087 = vector.extract_strided_slice %reshape3A_1017 {offsets = [0, 250], sizes = [64, 6], strides = [1, 1]} : vector<64x256xf32> to vector<64x6xf32>
    %slice3A_1088 = vector.extract_strided_slice %reshape3A_1017 {offsets = [0, 0], sizes = [64, 250], strides = [1, 1]} : vector<64x256xf32> to vector<64x250xf32>
    %concatenate3A_1089 = tpu.concatenate %slice3A_1087, %slice3A_1088 in 1 : vector<64x6xf32>, vector<64x250xf32> -> vector<64x256xf32>
    %slice3A_1090 = vector.extract_strided_slice %reshape3A_1028 {offsets = [0, 250], sizes = [64, 6], strides = [1, 1]} : vector<64x256xf32> to vector<64x6xf32>
    %slice3A_1091 = vector.extract_strided_slice %reshape3A_1028 {offsets = [0, 0], sizes = [64, 250], strides = [1, 1]} : vector<64x256xf32> to vector<64x250xf32>
    %concatenate3A_1092 = tpu.concatenate %slice3A_1090, %slice3A_1091 in 1 : vector<64x6xf32>, vector<64x250xf32> -> vector<64x256xf32>
    %slice3A_1093 = vector.extract_strided_slice %reshape3A_1039 {offsets = [0, 250], sizes = [64, 6], strides = [1, 1]} : vector<64x256xf32> to vector<64x6xf32>
    %slice3A_1094 = vector.extract_strided_slice %reshape3A_1039 {offsets = [0, 0], sizes = [64, 250], strides = [1, 1]} : vector<64x256xf32> to vector<64x250xf32>
    %concatenate3A_1095 = tpu.concatenate %slice3A_1093, %slice3A_1094 in 1 : vector<64x6xf32>, vector<64x250xf32> -> vector<64x256xf32>
    %sub3A_1096 = arith.subf %concatenate3A_1089, %get3A_3 : vector<64x256xf32>
    %sub3A_1097 = arith.subf %concatenate3A_1092, %get3A_8 : vector<64x256xf32>
    %sub3A_1098 = arith.subf %concatenate3A_1095, %get3A_13 : vector<64x256xf32>
    %mul3A_1099 = arith.mulf %sub3A_1096, %sub3A_1096 : vector<64x256xf32>
    %mul3A_1100 = arith.mulf %sub3A_1097, %sub3A_1097 : vector<64x256xf32>
    %add3A_1101 = arith.addf %mul3A_1099, %mul3A_1100 : vector<64x256xf32>
    %mul3A_1102 = arith.mulf %sub3A_1098, %sub3A_1098 : vector<64x256xf32>
    %add3A_1103 = arith.addf %add3A_1101, %mul3A_1102 : vector<64x256xf32>
    %and3A_1104 = arith.andi %and3A_1006, %and3A_1086 : vector<64x256xi1>
    %jit3A_1105 = arith.constant 0x7F800000 : f32
    %broadcast_in_dim3A_1106 = vector.broadcast %jit3A_1105 : f32 to vector<64x256xf32>
    %select_n3A_1107 = arith.select %and3A_1104, %add3A_1103, %broadcast_in_dim3A_1106 : vector<64x256xi1>, vector<64x256xf32>
    %add3A_1108 = arith.constant -2 : i32
    %add3A_1109 = vector.broadcast %add3A_1108 : i32 to vector<64x256xi32>
    %add3A_1110 = arith.addi %select_n3A_83, %add3A_1109 : vector<64x256xi32>
    %ge3A_1111 = arith.constant 0 : i32
    %ge3A_1112 = vector.broadcast %ge3A_1111 : i32 to vector<64x256xi32>
    %ge3A_1113 = arith.cmpi sge, %add3A_1110, %ge3A_1112 : vector<64x256xi32>
    %add3A_1114 = arith.constant -2 : i32
    %add3A_1115 = vector.broadcast %add3A_1114 : i32 to vector<64x256xi32>
    %add3A_1116 = arith.addi %select_n3A_83, %add3A_1115 : vector<64x256xi32>
    %lt3A_1117 = arith.constant 128 : i32
    %lt3A_1118 = vector.broadcast %lt3A_1117 : i32 to vector<64x256xi32>
    %lt3A_1119 = arith.cmpi slt, %add3A_1116, %lt3A_1118 : vector<64x256xi32>
    %and3A_1120 = arith.andi %ge3A_1113, %lt3A_1119 : vector<64x256xi1>
    %slice3A_1121 = vector.extract_strided_slice %reshape3A_1017 {offsets = [0, 252], sizes = [64, 4], strides = [1, 1]} : vector<64x256xf32> to vector<64x4xf32>
    %slice3A_1122 = vector.extract_strided_slice %reshape3A_1017 {offsets = [0, 0], sizes = [64, 252], strides = [1, 1]} : vector<64x256xf32> to vector<64x252xf32>
    %concatenate3A_1123 = tpu.concatenate %slice3A_1121, %slice3A_1122 in 1 : vector<64x4xf32>, vector<64x252xf32> -> vector<64x256xf32>
    %slice3A_1124 = vector.extract_strided_slice %reshape3A_1028 {offsets = [0, 252], sizes = [64, 4], strides = [1, 1]} : vector<64x256xf32> to vector<64x4xf32>
    %slice3A_1125 = vector.extract_strided_slice %reshape3A_1028 {offsets = [0, 0], sizes = [64, 252], strides = [1, 1]} : vector<64x256xf32> to vector<64x252xf32>
    %concatenate3A_1126 = tpu.concatenate %slice3A_1124, %slice3A_1125 in 1 : vector<64x4xf32>, vector<64x252xf32> -> vector<64x256xf32>
    %slice3A_1127 = vector.extract_strided_slice %reshape3A_1039 {offsets = [0, 252], sizes = [64, 4], strides = [1, 1]} : vector<64x256xf32> to vector<64x4xf32>
    %slice3A_1128 = vector.extract_strided_slice %reshape3A_1039 {offsets = [0, 0], sizes = [64, 252], strides = [1, 1]} : vector<64x256xf32> to vector<64x252xf32>
    %concatenate3A_1129 = tpu.concatenate %slice3A_1127, %slice3A_1128 in 1 : vector<64x4xf32>, vector<64x252xf32> -> vector<64x256xf32>
    %sub3A_1130 = arith.subf %concatenate3A_1123, %get3A_3 : vector<64x256xf32>
    %sub3A_1131 = arith.subf %concatenate3A_1126, %get3A_8 : vector<64x256xf32>
    %sub3A_1132 = arith.subf %concatenate3A_1129, %get3A_13 : vector<64x256xf32>
    %mul3A_1133 = arith.mulf %sub3A_1130, %sub3A_1130 : vector<64x256xf32>
    %mul3A_1134 = arith.mulf %sub3A_1131, %sub3A_1131 : vector<64x256xf32>
    %add3A_1135 = arith.addf %mul3A_1133, %mul3A_1134 : vector<64x256xf32>
    %mul3A_1136 = arith.mulf %sub3A_1132, %sub3A_1132 : vector<64x256xf32>
    %add3A_1137 = arith.addf %add3A_1135, %mul3A_1136 : vector<64x256xf32>
    %and3A_1138 = arith.andi %and3A_1006, %and3A_1120 : vector<64x256xi1>
    %jit3A_1139 = arith.constant 0x7F800000 : f32
    %broadcast_in_dim3A_1140 = vector.broadcast %jit3A_1139 : f32 to vector<64x256xf32>
    %select_n3A_1141 = arith.select %and3A_1138, %add3A_1137, %broadcast_in_dim3A_1140 : vector<64x256xi1>, vector<64x256xf32>
    %add3A_1142 = arith.constant -1 : i32
    %add3A_1143 = vector.broadcast %add3A_1142 : i32 to vector<64x256xi32>
    %add3A_1144 = arith.addi %select_n3A_83, %add3A_1143 : vector<64x256xi32>
    %ge3A_1145 = arith.constant 0 : i32
    %ge3A_1146 = vector.broadcast %ge3A_1145 : i32 to vector<64x256xi32>
    %ge3A_1147 = arith.cmpi sge, %add3A_1144, %ge3A_1146 : vector<64x256xi32>
    %add3A_1148 = arith.constant -1 : i32
    %add3A_1149 = vector.broadcast %add3A_1148 : i32 to vector<64x256xi32>
    %add3A_1150 = arith.addi %select_n3A_83, %add3A_1149 : vector<64x256xi32>
    %lt3A_1151 = arith.constant 128 : i32
    %lt3A_1152 = vector.broadcast %lt3A_1151 : i32 to vector<64x256xi32>
    %lt3A_1153 = arith.cmpi slt, %add3A_1150, %lt3A_1152 : vector<64x256xi32>
    %and3A_1154 = arith.andi %ge3A_1147, %lt3A_1153 : vector<64x256xi1>
    %slice3A_1155 = vector.extract_strided_slice %reshape3A_1017 {offsets = [0, 254], sizes = [64, 2], strides = [1, 1]} : vector<64x256xf32> to vector<64x2xf32>
    %slice3A_1156 = vector.extract_strided_slice %reshape3A_1017 {offsets = [0, 0], sizes = [64, 254], strides = [1, 1]} : vector<64x256xf32> to vector<64x254xf32>
    %concatenate3A_1157 = tpu.concatenate %slice3A_1155, %slice3A_1156 in 1 : vector<64x2xf32>, vector<64x254xf32> -> vector<64x256xf32>
    %slice3A_1158 = vector.extract_strided_slice %reshape3A_1028 {offsets = [0, 254], sizes = [64, 2], strides = [1, 1]} : vector<64x256xf32> to vector<64x2xf32>
    %slice3A_1159 = vector.extract_strided_slice %reshape3A_1028 {offsets = [0, 0], sizes = [64, 254], strides = [1, 1]} : vector<64x256xf32> to vector<64x254xf32>
    %concatenate3A_1160 = tpu.concatenate %slice3A_1158, %slice3A_1159 in 1 : vector<64x2xf32>, vector<64x254xf32> -> vector<64x256xf32>
    %slice3A_1161 = vector.extract_strided_slice %reshape3A_1039 {offsets = [0, 254], sizes = [64, 2], strides = [1, 1]} : vector<64x256xf32> to vector<64x2xf32>
    %slice3A_1162 = vector.extract_strided_slice %reshape3A_1039 {offsets = [0, 0], sizes = [64, 254], strides = [1, 1]} : vector<64x256xf32> to vector<64x254xf32>
    %concatenate3A_1163 = tpu.concatenate %slice3A_1161, %slice3A_1162 in 1 : vector<64x2xf32>, vector<64x254xf32> -> vector<64x256xf32>
    %sub3A_1164 = arith.subf %concatenate3A_1157, %get3A_3 : vector<64x256xf32>
    %sub3A_1165 = arith.subf %concatenate3A_1160, %get3A_8 : vector<64x256xf32>
    %sub3A_1166 = arith.subf %concatenate3A_1163, %get3A_13 : vector<64x256xf32>
    %mul3A_1167 = arith.mulf %sub3A_1164, %sub3A_1164 : vector<64x256xf32>
    %mul3A_1168 = arith.mulf %sub3A_1165, %sub3A_1165 : vector<64x256xf32>
    %add3A_1169 = arith.addf %mul3A_1167, %mul3A_1168 : vector<64x256xf32>
    %mul3A_1170 = arith.mulf %sub3A_1166, %sub3A_1166 : vector<64x256xf32>
    %add3A_1171 = arith.addf %add3A_1169, %mul3A_1170 : vector<64x256xf32>
    %and3A_1172 = arith.andi %and3A_1006, %and3A_1154 : vector<64x256xi1>
    %jit3A_1173 = arith.constant 0x7F800000 : f32
    %broadcast_in_dim3A_1174 = vector.broadcast %jit3A_1173 : f32 to vector<64x256xf32>
    %select_n3A_1175 = arith.select %and3A_1172, %add3A_1171, %broadcast_in_dim3A_1174 : vector<64x256xi1>, vector<64x256xf32>
    %add3A_1176 = arith.constant 0 : i32
    %add3A_1177 = vector.broadcast %add3A_1176 : i32 to vector<64x256xi32>
    %add3A_1178 = arith.addi %select_n3A_83, %add3A_1177 : vector<64x256xi32>
    %ge3A_1179 = arith.constant 0 : i32
    %ge3A_1180 = vector.broadcast %ge3A_1179 : i32 to vector<64x256xi32>
    %ge3A_1181 = arith.cmpi sge, %add3A_1178, %ge3A_1180 : vector<64x256xi32>
    %add3A_1182 = arith.constant 0 : i32
    %add3A_1183 = vector.broadcast %add3A_1182 : i32 to vector<64x256xi32>
    %add3A_1184 = arith.addi %select_n3A_83, %add3A_1183 : vector<64x256xi32>
    %lt3A_1185 = arith.constant 128 : i32
    %lt3A_1186 = vector.broadcast %lt3A_1185 : i32 to vector<64x256xi32>
    %lt3A_1187 = arith.cmpi slt, %add3A_1184, %lt3A_1186 : vector<64x256xi32>
    %and3A_1188 = arith.andi %ge3A_1181, %lt3A_1187 : vector<64x256xi1>
    %sub3A_1189 = arith.subf %reshape3A_1017, %get3A_3 : vector<64x256xf32>
    %sub3A_1190 = arith.subf %reshape3A_1028, %get3A_8 : vector<64x256xf32>
    %sub3A_1191 = arith.subf %reshape3A_1039, %get3A_13 : vector<64x256xf32>
    %mul3A_1192 = arith.mulf %sub3A_1189, %sub3A_1189 : vector<64x256xf32>
    %mul3A_1193 = arith.mulf %sub3A_1190, %sub3A_1190 : vector<64x256xf32>
    %add3A_1194 = arith.addf %mul3A_1192, %mul3A_1193 : vector<64x256xf32>
    %mul3A_1195 = arith.mulf %sub3A_1191, %sub3A_1191 : vector<64x256xf32>
    %add3A_1196 = arith.addf %add3A_1194, %mul3A_1195 : vector<64x256xf32>
    %and3A_1197 = arith.andi %and3A_1006, %and3A_1188 : vector<64x256xi1>
    %jit3A_1198 = arith.constant 0x7F800000 : f32
    %broadcast_in_dim3A_1199 = vector.broadcast %jit3A_1198 : f32 to vector<64x256xf32>
    %select_n3A_1200 = arith.select %and3A_1197, %add3A_1196, %broadcast_in_dim3A_1199 : vector<64x256xi1>, vector<64x256xf32>
    %add3A_1201 = arith.constant 1 : i32
    %add3A_1202 = vector.broadcast %add3A_1201 : i32 to vector<64x256xi32>
    %add3A_1203 = arith.addi %select_n3A_83, %add3A_1202 : vector<64x256xi32>
    %ge3A_1204 = arith.constant 0 : i32
    %ge3A_1205 = vector.broadcast %ge3A_1204 : i32 to vector<64x256xi32>
    %ge3A_1206 = arith.cmpi sge, %add3A_1203, %ge3A_1205 : vector<64x256xi32>
    %add3A_1207 = arith.constant 1 : i32
    %add3A_1208 = vector.broadcast %add3A_1207 : i32 to vector<64x256xi32>
    %add3A_1209 = arith.addi %select_n3A_83, %add3A_1208 : vector<64x256xi32>
    %lt3A_1210 = arith.constant 128 : i32
    %lt3A_1211 = vector.broadcast %lt3A_1210 : i32 to vector<64x256xi32>
    %lt3A_1212 = arith.cmpi slt, %add3A_1209, %lt3A_1211 : vector<64x256xi32>
    %and3A_1213 = arith.andi %ge3A_1206, %lt3A_1212 : vector<64x256xi1>
    %slice3A_1214 = vector.extract_strided_slice %reshape3A_1017 {offsets = [0, 2], sizes = [64, 254], strides = [1, 1]} : vector<64x256xf32> to vector<64x254xf32>
    %slice3A_1215 = vector.extract_strided_slice %reshape3A_1017 {offsets = [0, 0], sizes = [64, 2], strides = [1, 1]} : vector<64x256xf32> to vector<64x2xf32>
    %concatenate3A_1216 = tpu.concatenate %slice3A_1214, %slice3A_1215 in 1 : vector<64x254xf32>, vector<64x2xf32> -> vector<64x256xf32>
    %slice3A_1217 = vector.extract_strided_slice %reshape3A_1028 {offsets = [0, 2], sizes = [64, 254], strides = [1, 1]} : vector<64x256xf32> to vector<64x254xf32>
    %slice3A_1218 = vector.extract_strided_slice %reshape3A_1028 {offsets = [0, 0], sizes = [64, 2], strides = [1, 1]} : vector<64x256xf32> to vector<64x2xf32>
    %concatenate3A_1219 = tpu.concatenate %slice3A_1217, %slice3A_1218 in 1 : vector<64x254xf32>, vector<64x2xf32> -> vector<64x256xf32>
    %slice3A_1220 = vector.extract_strided_slice %reshape3A_1039 {offsets = [0, 2], sizes = [64, 254], strides = [1, 1]} : vector<64x256xf32> to vector<64x254xf32>
    %slice3A_1221 = vector.extract_strided_slice %reshape3A_1039 {offsets = [0, 0], sizes = [64, 2], strides = [1, 1]} : vector<64x256xf32> to vector<64x2xf32>
    %concatenate3A_1222 = tpu.concatenate %slice3A_1220, %slice3A_1221 in 1 : vector<64x254xf32>, vector<64x2xf32> -> vector<64x256xf32>
    %sub3A_1223 = arith.subf %concatenate3A_1216, %get3A_3 : vector<64x256xf32>
    %sub3A_1224 = arith.subf %concatenate3A_1219, %get3A_8 : vector<64x256xf32>
    %sub3A_1225 = arith.subf %concatenate3A_1222, %get3A_13 : vector<64x256xf32>
    %mul3A_1226 = arith.mulf %sub3A_1223, %sub3A_1223 : vector<64x256xf32>
    %mul3A_1227 = arith.mulf %sub3A_1224, %sub3A_1224 : vector<64x256xf32>
    %add3A_1228 = arith.addf %mul3A_1226, %mul3A_1227 : vector<64x256xf32>
    %mul3A_1229 = arith.mulf %sub3A_1225, %sub3A_1225 : vector<64x256xf32>
    %add3A_1230 = arith.addf %add3A_1228, %mul3A_1229 : vector<64x256xf32>
    %and3A_1231 = arith.andi %and3A_1006, %and3A_1213 : vector<64x256xi1>
    %jit3A_1232 = arith.constant 0x7F800000 : f32
    %broadcast_in_dim3A_1233 = vector.broadcast %jit3A_1232 : f32 to vector<64x256xf32>
    %select_n3A_1234 = arith.select %and3A_1231, %add3A_1230, %broadcast_in_dim3A_1233 : vector<64x256xi1>, vector<64x256xf32>
    %add3A_1235 = arith.constant 2 : i32
    %add3A_1236 = vector.broadcast %add3A_1235 : i32 to vector<64x256xi32>
    %add3A_1237 = arith.addi %select_n3A_83, %add3A_1236 : vector<64x256xi32>
    %ge3A_1238 = arith.constant 0 : i32
    %ge3A_1239 = vector.broadcast %ge3A_1238 : i32 to vector<64x256xi32>
    %ge3A_1240 = arith.cmpi sge, %add3A_1237, %ge3A_1239 : vector<64x256xi32>
    %add3A_1241 = arith.constant 2 : i32
    %add3A_1242 = vector.broadcast %add3A_1241 : i32 to vector<64x256xi32>
    %add3A_1243 = arith.addi %select_n3A_83, %add3A_1242 : vector<64x256xi32>
    %lt3A_1244 = arith.constant 128 : i32
    %lt3A_1245 = vector.broadcast %lt3A_1244 : i32 to vector<64x256xi32>
    %lt3A_1246 = arith.cmpi slt, %add3A_1243, %lt3A_1245 : vector<64x256xi32>
    %and3A_1247 = arith.andi %ge3A_1240, %lt3A_1246 : vector<64x256xi1>
    %slice3A_1248 = vector.extract_strided_slice %reshape3A_1017 {offsets = [0, 4], sizes = [64, 252], strides = [1, 1]} : vector<64x256xf32> to vector<64x252xf32>
    %slice3A_1249 = vector.extract_strided_slice %reshape3A_1017 {offsets = [0, 0], sizes = [64, 4], strides = [1, 1]} : vector<64x256xf32> to vector<64x4xf32>
    %concatenate3A_1250 = tpu.concatenate %slice3A_1248, %slice3A_1249 in 1 : vector<64x252xf32>, vector<64x4xf32> -> vector<64x256xf32>
    %slice3A_1251 = vector.extract_strided_slice %reshape3A_1028 {offsets = [0, 4], sizes = [64, 252], strides = [1, 1]} : vector<64x256xf32> to vector<64x252xf32>
    %slice3A_1252 = vector.extract_strided_slice %reshape3A_1028 {offsets = [0, 0], sizes = [64, 4], strides = [1, 1]} : vector<64x256xf32> to vector<64x4xf32>
    %concatenate3A_1253 = tpu.concatenate %slice3A_1251, %slice3A_1252 in 1 : vector<64x252xf32>, vector<64x4xf32> -> vector<64x256xf32>
    %slice3A_1254 = vector.extract_strided_slice %reshape3A_1039 {offsets = [0, 4], sizes = [64, 252], strides = [1, 1]} : vector<64x256xf32> to vector<64x252xf32>
    %slice3A_1255 = vector.extract_strided_slice %reshape3A_1039 {offsets = [0, 0], sizes = [64, 4], strides = [1, 1]} : vector<64x256xf32> to vector<64x4xf32>
    %concatenate3A_1256 = tpu.concatenate %slice3A_1254, %slice3A_1255 in 1 : vector<64x252xf32>, vector<64x4xf32> -> vector<64x256xf32>
    %sub3A_1257 = arith.subf %concatenate3A_1250, %get3A_3 : vector<64x256xf32>
    %sub3A_1258 = arith.subf %concatenate3A_1253, %get3A_8 : vector<64x256xf32>
    %sub3A_1259 = arith.subf %concatenate3A_1256, %get3A_13 : vector<64x256xf32>
    %mul3A_1260 = arith.mulf %sub3A_1257, %sub3A_1257 : vector<64x256xf32>
    %mul3A_1261 = arith.mulf %sub3A_1258, %sub3A_1258 : vector<64x256xf32>
    %add3A_1262 = arith.addf %mul3A_1260, %mul3A_1261 : vector<64x256xf32>
    %mul3A_1263 = arith.mulf %sub3A_1259, %sub3A_1259 : vector<64x256xf32>
    %add3A_1264 = arith.addf %add3A_1262, %mul3A_1263 : vector<64x256xf32>
    %and3A_1265 = arith.andi %and3A_1006, %and3A_1247 : vector<64x256xi1>
    %jit3A_1266 = arith.constant 0x7F800000 : f32
    %broadcast_in_dim3A_1267 = vector.broadcast %jit3A_1266 : f32 to vector<64x256xf32>
    %select_n3A_1268 = arith.select %and3A_1265, %add3A_1264, %broadcast_in_dim3A_1267 : vector<64x256xi1>, vector<64x256xf32>
    %add3A_1269 = arith.constant 3 : i32
    %add3A_1270 = vector.broadcast %add3A_1269 : i32 to vector<64x256xi32>
    %add3A_1271 = arith.addi %select_n3A_83, %add3A_1270 : vector<64x256xi32>
    %ge3A_1272 = arith.constant 0 : i32
    %ge3A_1273 = vector.broadcast %ge3A_1272 : i32 to vector<64x256xi32>
    %ge3A_1274 = arith.cmpi sge, %add3A_1271, %ge3A_1273 : vector<64x256xi32>
    %add3A_1275 = arith.constant 3 : i32
    %add3A_1276 = vector.broadcast %add3A_1275 : i32 to vector<64x256xi32>
    %add3A_1277 = arith.addi %select_n3A_83, %add3A_1276 : vector<64x256xi32>
    %lt3A_1278 = arith.constant 128 : i32
    %lt3A_1279 = vector.broadcast %lt3A_1278 : i32 to vector<64x256xi32>
    %lt3A_1280 = arith.cmpi slt, %add3A_1277, %lt3A_1279 : vector<64x256xi32>
    %and3A_1281 = arith.andi %ge3A_1274, %lt3A_1280 : vector<64x256xi1>
    %slice3A_1282 = vector.extract_strided_slice %reshape3A_1017 {offsets = [0, 6], sizes = [64, 250], strides = [1, 1]} : vector<64x256xf32> to vector<64x250xf32>
    %slice3A_1283 = vector.extract_strided_slice %reshape3A_1017 {offsets = [0, 0], sizes = [64, 6], strides = [1, 1]} : vector<64x256xf32> to vector<64x6xf32>
    %concatenate3A_1284 = tpu.concatenate %slice3A_1282, %slice3A_1283 in 1 : vector<64x250xf32>, vector<64x6xf32> -> vector<64x256xf32>
    %slice3A_1285 = vector.extract_strided_slice %reshape3A_1028 {offsets = [0, 6], sizes = [64, 250], strides = [1, 1]} : vector<64x256xf32> to vector<64x250xf32>
    %slice3A_1286 = vector.extract_strided_slice %reshape3A_1028 {offsets = [0, 0], sizes = [64, 6], strides = [1, 1]} : vector<64x256xf32> to vector<64x6xf32>
    %concatenate3A_1287 = tpu.concatenate %slice3A_1285, %slice3A_1286 in 1 : vector<64x250xf32>, vector<64x6xf32> -> vector<64x256xf32>
    %slice3A_1288 = vector.extract_strided_slice %reshape3A_1039 {offsets = [0, 6], sizes = [64, 250], strides = [1, 1]} : vector<64x256xf32> to vector<64x250xf32>
    %slice3A_1289 = vector.extract_strided_slice %reshape3A_1039 {offsets = [0, 0], sizes = [64, 6], strides = [1, 1]} : vector<64x256xf32> to vector<64x6xf32>
    %concatenate3A_1290 = tpu.concatenate %slice3A_1288, %slice3A_1289 in 1 : vector<64x250xf32>, vector<64x6xf32> -> vector<64x256xf32>
    %sub3A_1291 = arith.subf %concatenate3A_1284, %get3A_3 : vector<64x256xf32>
    %sub3A_1292 = arith.subf %concatenate3A_1287, %get3A_8 : vector<64x256xf32>
    %sub3A_1293 = arith.subf %concatenate3A_1290, %get3A_13 : vector<64x256xf32>
    %mul3A_1294 = arith.mulf %sub3A_1291, %sub3A_1291 : vector<64x256xf32>
    %mul3A_1295 = arith.mulf %sub3A_1292, %sub3A_1292 : vector<64x256xf32>
    %add3A_1296 = arith.addf %mul3A_1294, %mul3A_1295 : vector<64x256xf32>
    %mul3A_1297 = arith.mulf %sub3A_1293, %sub3A_1293 : vector<64x256xf32>
    %add3A_1298 = arith.addf %add3A_1296, %mul3A_1297 : vector<64x256xf32>
    %and3A_1299 = arith.andi %and3A_1006, %and3A_1281 : vector<64x256xi1>
    %jit3A_1300 = arith.constant 0x7F800000 : f32
    %broadcast_in_dim3A_1301 = vector.broadcast %jit3A_1300 : f32 to vector<64x256xf32>
    %select_n3A_1302 = arith.select %and3A_1299, %add3A_1298, %broadcast_in_dim3A_1301 : vector<64x256xi1>, vector<64x256xf32>
    %stack3A = vector.shape_cast %select_n3A_155 : vector<64x256xf32> to vector<1x64x256xf32>
    %stack3A_1303 = vector.shape_cast %select_n3A_189 : vector<64x256xf32> to vector<1x64x256xf32>
    %stack3A_1304 = vector.shape_cast %select_n3A_223 : vector<64x256xf32> to vector<1x64x256xf32>
    %stack3A_1305 = vector.shape_cast %select_n3A_257 : vector<64x256xf32> to vector<1x64x256xf32>
    %stack3A_1306 = vector.shape_cast %select_n3A_282 : vector<64x256xf32> to vector<1x64x256xf32>
    %stack3A_1307 = vector.shape_cast %select_n3A_316 : vector<64x256xf32> to vector<1x64x256xf32>
    %stack3A_1308 = vector.shape_cast %select_n3A_350 : vector<64x256xf32> to vector<1x64x256xf32>
    %stack3A_1309 = vector.shape_cast %select_n3A_384 : vector<64x256xf32> to vector<1x64x256xf32>
    %stack3A_1310 = vector.shape_cast %select_n3A_464 : vector<64x256xf32> to vector<1x64x256xf32>
    %stack3A_1311 = vector.shape_cast %select_n3A_498 : vector<64x256xf32> to vector<1x64x256xf32>
    %stack3A_1312 = vector.shape_cast %select_n3A_532 : vector<64x256xf32> to vector<1x64x256xf32>
    %stack3A_1313 = vector.shape_cast %select_n3A_566 : vector<64x256xf32> to vector<1x64x256xf32>
    %stack3A_1314 = vector.shape_cast %select_n3A_591 : vector<64x256xf32> to vector<1x64x256xf32>
    %stack3A_1315 = vector.shape_cast %select_n3A_625 : vector<64x256xf32> to vector<1x64x256xf32>
    %stack3A_1316 = vector.shape_cast %select_n3A_659 : vector<64x256xf32> to vector<1x64x256xf32>
    %stack3A_1317 = vector.shape_cast %select_n3A_693 : vector<64x256xf32> to vector<1x64x256xf32>
    %stack3A_1318 = vector.shape_cast %select_n3A_764 : vector<64x256xf32> to vector<1x64x256xf32>
    %stack3A_1319 = vector.shape_cast %select_n3A_798 : vector<64x256xf32> to vector<1x64x256xf32>
    %stack3A_1320 = vector.shape_cast %select_n3A_832 : vector<64x256xf32> to vector<1x64x256xf32>
    %stack3A_1321 = vector.shape_cast %select_n3A_866 : vector<64x256xf32> to vector<1x64x256xf32>
    %stack3A_1322 = vector.shape_cast %select_n3A_891 : vector<64x256xf32> to vector<1x64x256xf32>
    %stack3A_1323 = vector.shape_cast %select_n3A_925 : vector<64x256xf32> to vector<1x64x256xf32>
    %stack3A_1324 = vector.shape_cast %select_n3A_959 : vector<64x256xf32> to vector<1x64x256xf32>
    %stack3A_1325 = vector.shape_cast %select_n3A_993 : vector<64x256xf32> to vector<1x64x256xf32>
    %stack3A_1326 = vector.shape_cast %select_n3A_1073 : vector<64x256xf32> to vector<1x64x256xf32>
    %stack3A_1327 = vector.shape_cast %select_n3A_1107 : vector<64x256xf32> to vector<1x64x256xf32>
    %stack3A_1328 = vector.shape_cast %select_n3A_1141 : vector<64x256xf32> to vector<1x64x256xf32>
    %stack3A_1329 = vector.shape_cast %select_n3A_1175 : vector<64x256xf32> to vector<1x64x256xf32>
    %stack3A_1330 = vector.shape_cast %select_n3A_1200 : vector<64x256xf32> to vector<1x64x256xf32>
    %stack3A_1331 = vector.shape_cast %select_n3A_1234 : vector<64x256xf32> to vector<1x64x256xf32>
    %stack3A_1332 = vector.shape_cast %select_n3A_1268 : vector<64x256xf32> to vector<1x64x256xf32>
    %stack3A_1333 = vector.shape_cast %select_n3A_1302 : vector<64x256xf32> to vector<1x64x256xf32>
    %stack3A_1334 = tpu.concatenate %stack3A, %stack3A_1303, %stack3A_1304, %stack3A_1305, %stack3A_1306, %stack3A_1307, %stack3A_1308, %stack3A_1309, %stack3A_1310, %stack3A_1311, %stack3A_1312, %stack3A_1313, %stack3A_1314, %stack3A_1315, %stack3A_1316, %stack3A_1317, %stack3A_1318, %stack3A_1319, %stack3A_1320, %stack3A_1321, %stack3A_1322, %stack3A_1323, %stack3A_1324, %stack3A_1325, %stack3A_1326, %stack3A_1327, %stack3A_1328, %stack3A_1329, %stack3A_1330, %stack3A_1331, %stack3A_1332, %stack3A_1333 in 0 : vector<1x64x256xf32>, vector<1x64x256xf32>, vector<1x64x256xf32>, vector<1x64x256xf32>, vector<1x64x256xf32>, vector<1x64x256xf32>, vector<1x64x256xf32>, vector<1x64x256xf32>, vector<1x64x256xf32>, vector<1x64x256xf32>, vector<1x64x256xf32>, vector<1x64x256xf32>, vector<1x64x256xf32>, vector<1x64x256xf32>, vector<1x64x256xf32>, vector<1x64x256xf32>, vector<1x64x256xf32>, vector<1x64x256xf32>, vector<1x64x256xf32>, vector<1x64x256xf32>, vector<1x64x256xf32>, vector<1x64x256xf32>, vector<1x64x256xf32>, vector<1x64x256xf32>, vector<1x64x256xf32>, vector<1x64x256xf32>, vector<1x64x256xf32>, vector<1x64x256xf32>, vector<1x64x256xf32>, vector<1x64x256xf32>, vector<1x64x256xf32>, vector<1x64x256xf32> -> vector<32x64x256xf32>
    %iota3A_1335 = tpu.iota {dimensions = array<i32: 0>} : vector<32x64x256xi32>
    %reduce_min3A = arith.constant dense<0x7F800000> : vector<64x256xf32>
    %reduce_min3A_1336 = vector.multi_reduction <minimumf>, %stack3A_1334, %reduce_min3A [0] : vector<32x64x256xf32> to vector<64x256xf32>
    %broadcast_in_dim3A_1337 = vector.shape_cast %reduce_min3A_1336 : vector<64x256xf32> to vector<1x64x256xf32>
    %eq3A = vector.broadcast %broadcast_in_dim3A_1337 : vector<1x64x256xf32> to vector<32x64x256xf32>
    %eq3A_1338 = arith.cmpf oeq, %stack3A_1334, %eq3A : vector<32x64x256xf32>
    %jit3A_1339 = arith.constant 32 : i32
    %broadcast_in_dim3A_1340 = vector.broadcast %jit3A_1339 : i32 to vector<32x64x256xi32>
    %select_n3A_1341 = arith.select %eq3A_1338, %iota3A_1335, %broadcast_in_dim3A_1340 : vector<32x64x256xi1>, vector<32x64x256xi32>
    %reduce_min3A_1342 = arith.constant dense<2147483647> : vector<64x256xi32>
    %reduce_min3A_1343 = vector.multi_reduction <minsi>, %select_n3A_1341, %reduce_min3A_1342 [0] : vector<32x64x256xi32> to vector<64x256xi32>
    %broadcast_in_dim3A_1344 = vector.shape_cast %reduce_min3A_1343 : vector<64x256xi32> to vector<1x64x256xi32>
    %eq3A_1345 = vector.broadcast %broadcast_in_dim3A_1344 : vector<1x64x256xi32> to vector<32x64x256xi32>
    %eq3A_1346 = arith.cmpi eq, %iota3A_1335, %eq3A_1345 : vector<32x64x256xi32>
    %jit3A_1347 = arith.constant 0x7F800000 : f32
    %broadcast_in_dim3A_1348 = vector.broadcast %jit3A_1347 : f32 to vector<32x64x256xf32>
    %select_n3A_1349 = arith.select %eq3A_1346, %broadcast_in_dim3A_1348, %stack3A_1334 : vector<32x64x256xi1>, vector<32x64x256xf32>
    %jit3A_1350 = arith.constant 8 : i32
    %div3A_1351 = vector.broadcast %jit3A_1350 : i32 to vector<64x256xi32>
    %div3A_1352 = arith.divsi %reduce_min3A_1343, %div3A_1351 : vector<64x256xi32>
    %sign3A_1353 = arith.constant 0 : i32
    %sign3A_1354 = vector.broadcast %sign3A_1353 : i32 to vector<64x256xi32>
    %sign3A_1355 = arith.cmpi sgt, %reduce_min3A_1343, %sign3A_1354 : vector<64x256xi32>
    %sign3A_1356 = arith.extui %sign3A_1355 : vector<64x256xi1> to vector<64x256xi32>
    %sign3A_1357 = arith.constant 0 : i32
    %sign3A_1358 = vector.broadcast %sign3A_1357 : i32 to vector<64x256xi32>
    %sign3A_1359 = arith.cmpi slt, %reduce_min3A_1343, %sign3A_1358 : vector<64x256xi32>
    %sign3A_1360 = arith.extui %sign3A_1359 : vector<64x256xi1> to vector<64x256xi32>
    %sign3A_1361 = arith.subi %sign3A_1356, %sign3A_1360 : vector<64x256xi32>
    %sign3A_1362 = arith.constant 0 : i32
    %sign3A_1363 = arith.cmpi sgt, %jit3A_1350, %sign3A_1362 : i32
    %sign3A_1364 = arith.extui %sign3A_1363 : i1 to i32
    %sign3A_1365 = arith.constant 0 : i32
    %sign3A_1366 = arith.cmpi slt, %jit3A_1350, %sign3A_1365 : i32
    %sign3A_1367 = arith.extui %sign3A_1366 : i1 to i32
    %sign3A_1368 = arith.subi %sign3A_1364, %sign3A_1367 : i32
    %ne3A_1369 = vector.broadcast %sign3A_1368 : i32 to vector<64x256xi32>
    %ne3A_1370 = arith.cmpi ne, %sign3A_1361, %ne3A_1369 : vector<64x256xi32>
    %rem3A_1371 = vector.broadcast %jit3A_1350 : i32 to vector<64x256xi32>
    %rem3A_1372 = arith.remsi %reduce_min3A_1343, %rem3A_1371 : vector<64x256xi32>
    %ne3A_1373 = arith.constant 0 : i32
    %ne3A_1374 = vector.broadcast %ne3A_1373 : i32 to vector<64x256xi32>
    %ne3A_1375 = arith.cmpi ne, %rem3A_1372, %ne3A_1374 : vector<64x256xi32>
    %and3A_1376 = arith.andi %ne3A_1370, %ne3A_1375 : vector<64x256xi1>
    %sub3A_1377 = arith.constant 1 : i32
    %sub3A_1378 = vector.broadcast %sub3A_1377 : i32 to vector<64x256xi32>
    %sub3A_1379 = arith.subi %div3A_1352, %sub3A_1378 : vector<64x256xi32>
    %select_n3A_1380 = arith.select %and3A_1376, %sub3A_1379, %div3A_1352 : vector<64x256xi1>, vector<64x256xi32>
    %jit3A_1381 = arith.constant 8 : i32
    %eq3A_1382 = arith.constant 0 : i32
    %eq3A_1383 = arith.cmpi eq, %jit3A_1381, %eq3A_1382 : i32
    %jit3A_1384 = arith.constant 1 : i32
    %select_n3A_1385 = arith.select %eq3A_1383, %jit3A_1384, %jit3A_1381 : i32
    %rem3A_1386 = vector.broadcast %select_n3A_1385 : i32 to vector<64x256xi32>
    %rem3A_1387 = arith.remsi %reduce_min3A_1343, %rem3A_1386 : vector<64x256xi32>
    %ne3A_1388 = arith.constant 0 : i32
    %ne3A_1389 = vector.broadcast %ne3A_1388 : i32 to vector<64x256xi32>
    %ne3A_1390 = arith.cmpi ne, %rem3A_1387, %ne3A_1389 : vector<64x256xi32>
    %lt3A_1391 = arith.constant 0 : i32
    %lt3A_1392 = vector.broadcast %lt3A_1391 : i32 to vector<64x256xi32>
    %lt3A_1393 = arith.cmpi slt, %rem3A_1387, %lt3A_1392 : vector<64x256xi32>
    %lt3A_1394 = arith.constant 0 : i32
    %lt3A_1395 = arith.cmpi slt, %select_n3A_1385, %lt3A_1394 : i32
    %ne3A_1396 = vector.broadcast %lt3A_1395 : i1 to vector<64x256xi1>
    %ne3A_1397 = vector.broadcast %ne3A_1396 : vector<64x256xi1> to vector<64x256xi1>
    %ne3A_1398 = arith.xori %lt3A_1393, %ne3A_1397 : vector<64x256xi1>
    %and3A_1399 = arith.andi %ne3A_1398, %ne3A_1390 : vector<64x256xi1>
    %add3A_1400 = vector.broadcast %select_n3A_1385 : i32 to vector<64x256xi32>
    %add3A_1401 = arith.addi %rem3A_1387, %add3A_1400 : vector<64x256xi32>
    %select_n3A_1402 = arith.select %and3A_1399, %add3A_1401, %rem3A_1387 : vector<64x256xi1>, vector<64x256xi32>
    %add3A_1403 = arith.addi %select_n3A, %select_n3A_1380 : vector<64x256xi32>
    %sub3A_1404 = arith.constant 2 : i32
    %sub3A_1405 = vector.broadcast %sub3A_1404 : i32 to vector<64x256xi32>
    %sub3A_1406 = arith.subi %add3A_1403, %sub3A_1405 : vector<64x256xi32>
    %jit3A_1407 = arith.constant 0 : i32
    %jit3A_1408 = arith.constant 31 : i32
    %max3A = vector.broadcast %jit3A_1407 : i32 to vector<64x256xi32>
    %max3A_1409 = arith.maxsi %max3A, %sub3A_1406 : vector<64x256xi32>
    %min3A = vector.broadcast %jit3A_1408 : i32 to vector<64x256xi32>
    %min3A_1410 = arith.minsi %min3A, %max3A_1409 : vector<64x256xi32>
    %add3A_1411 = arith.addi %select_n3A_83, %select_n3A_1402 : vector<64x256xi32>
    %sub3A_1412 = arith.constant 4 : i32
    %sub3A_1413 = vector.broadcast %sub3A_1412 : i32 to vector<64x256xi32>
    %sub3A_1414 = arith.subi %add3A_1411, %sub3A_1413 : vector<64x256xi32>
    %jit3A_1415 = arith.constant 0 : i32
    %jit3A_1416 = arith.constant 127 : i32
    %max3A_1417 = vector.broadcast %jit3A_1415 : i32 to vector<64x256xi32>
    %max3A_1418 = arith.maxsi %max3A_1417, %sub3A_1414 : vector<64x256xi32>
    %min3A_1419 = vector.broadcast %jit3A_1416 : i32 to vector<64x256xi32>
    %min3A_1420 = arith.minsi %min3A_1419, %max3A_1418 : vector<64x256xi32>
    %mul3A_1421 = arith.constant 4096 : i32
    %mul3A_1422 = arith.muli %arg0, %mul3A_1421 : i32
    %mul3A_1423 = arith.constant 128 : i32
    %mul3A_1424 = vector.broadcast %mul3A_1423 : i32 to vector<64x256xi32>
    %mul3A_1425 = arith.muli %min3A_1410, %mul3A_1424 : vector<64x256xi32>
    %add3A_1426 = vector.broadcast %mul3A_1422 : i32 to vector<64x256xi32>
    %add3A_1427 = arith.addi %add3A_1426, %mul3A_1425 : vector<64x256xi32>
    %add3A_1428 = arith.addi %add3A_1427, %min3A_1420 : vector<64x256xi32>
    %swap3A = arith.constant 0 : index
    %swap3A_1429 = arith.constant 0 : index
    %swap3A_1430 = arith.constant 0 : index
    %swap3A_1431 = arith.constant 0 : index
    %swap3A_1432 = vector.load %arg7[%swap3A, %swap3A_1429, %swap3A_1430, %swap3A_1431] : memref<1x8x64x256xi32, #tpu.memory_space<vmem>>, vector<1x1x64x256xi32>
    %swap3A_1433 = vector.shape_cast %swap3A_1432 : vector<1x1x64x256xi32> to vector<64x256xi32>
    %swap3A_1434 = vector.shape_cast %add3A_1428 : vector<64x256xi32> to vector<1x1x64x256xi32>
    tpu.vector_store %arg7[%swap3A, %swap3A_1429, %swap3A_1430, %swap3A_1431], %swap3A_1434 {strides = array<i32>} : memref<1x8x64x256xi32, #tpu.memory_space<vmem>>, vector<1x1x64x256xi32>,
    %lt3A_1435 = arith.constant 1.000000e+04 : f32
    %lt3A_1436 = vector.broadcast %lt3A_1435 : f32 to vector<64x256xf32>
    %lt3A_1437 = arith.cmpf olt, %reduce_min3A_1336, %lt3A_1436 : vector<64x256xf32>
    %convert_element_type3A = arith.extui %lt3A_1437 : vector<64x256xi1> to vector<64x256xi32>
    %convert_element_type3A_1438 = arith.sitofp %convert_element_type3A : vector<64x256xi32> to vector<64x256xf32>
    %swap3A_1439 = arith.constant 0 : index
    %swap3A_1440 = arith.constant 0 : index
    %swap3A_1441 = arith.constant 0 : index
    %swap3A_1442 = arith.constant 0 : index
    %swap3A_1443 = vector.load %arg8[%swap3A_1439, %swap3A_1440, %swap3A_1441, %swap3A_1442] : memref<1x8x64x256xf32, #tpu.memory_space<vmem>>, vector<1x1x64x256xf32>
    %swap3A_1444 = vector.shape_cast %swap3A_1443 : vector<1x1x64x256xf32> to vector<64x256xf32>
    %swap3A_1445 = vector.shape_cast %convert_element_type3A_1438 : vector<64x256xf32> to vector<1x1x64x256xf32>
    tpu.vector_store %arg8[%swap3A_1439, %swap3A_1440, %swap3A_1441, %swap3A_1442], %swap3A_1445 {strides = array<i32>} : memref<1x8x64x256xf32, #tpu.memory_space<vmem>>, vector<1x1x64x256xf32>,
    %reduce_min3A_1446 = arith.constant dense<0x7F800000> : vector<64x256xf32>
    %reduce_min3A_1447 = vector.multi_reduction <minimumf>, %select_n3A_1349, %reduce_min3A_1446 [0] : vector<32x64x256xf32> to vector<64x256xf32>
    %broadcast_in_dim3A_1448 = vector.shape_cast %reduce_min3A_1447 : vector<64x256xf32> to vector<1x64x256xf32>
    %eq3A_1449 = vector.broadcast %broadcast_in_dim3A_1448 : vector<1x64x256xf32> to vector<32x64x256xf32>
    %eq3A_1450 = arith.cmpf oeq, %select_n3A_1349, %eq3A_1449 : vector<32x64x256xf32>
    %jit3A_1451 = arith.constant 32 : i32
    %broadcast_in_dim3A_1452 = vector.broadcast %jit3A_1451 : i32 to vector<32x64x256xi32>
    %select_n3A_1453 = arith.select %eq3A_1450, %iota3A_1335, %broadcast_in_dim3A_1452 : vector<32x64x256xi1>, vector<32x64x256xi32>
    %reduce_min3A_1454 = arith.constant dense<2147483647> : vector<64x256xi32>
    %reduce_min3A_1455 = vector.multi_reduction <minsi>, %select_n3A_1453, %reduce_min3A_1454 [0] : vector<32x64x256xi32> to vector<64x256xi32>
    %broadcast_in_dim3A_1456 = vector.shape_cast %reduce_min3A_1455 : vector<64x256xi32> to vector<1x64x256xi32>
    %eq3A_1457 = vector.broadcast %broadcast_in_dim3A_1456 : vector<1x64x256xi32> to vector<32x64x256xi32>
    %eq3A_1458 = arith.cmpi eq, %iota3A_1335, %eq3A_1457 : vector<32x64x256xi32>
    %jit3A_1459 = arith.constant 0x7F800000 : f32
    %broadcast_in_dim3A_1460 = vector.broadcast %jit3A_1459 : f32 to vector<32x64x256xf32>
    %select_n3A_1461 = arith.select %eq3A_1458, %broadcast_in_dim3A_1460, %select_n3A_1349 : vector<32x64x256xi1>, vector<32x64x256xf32>
    %jit3A_1462 = arith.constant 8 : i32
    %div3A_1463 = vector.broadcast %jit3A_1462 : i32 to vector<64x256xi32>
    %div3A_1464 = arith.divsi %reduce_min3A_1455, %div3A_1463 : vector<64x256xi32>
    %sign3A_1465 = arith.constant 0 : i32
    %sign3A_1466 = vector.broadcast %sign3A_1465 : i32 to vector<64x256xi32>
    %sign3A_1467 = arith.cmpi sgt, %reduce_min3A_1455, %sign3A_1466 : vector<64x256xi32>
    %sign3A_1468 = arith.extui %sign3A_1467 : vector<64x256xi1> to vector<64x256xi32>
    %sign3A_1469 = arith.constant 0 : i32
    %sign3A_1470 = vector.broadcast %sign3A_1469 : i32 to vector<64x256xi32>
    %sign3A_1471 = arith.cmpi slt, %reduce_min3A_1455, %sign3A_1470 : vector<64x256xi32>
    %sign3A_1472 = arith.extui %sign3A_1471 : vector<64x256xi1> to vector<64x256xi32>
    %sign3A_1473 = arith.subi %sign3A_1468, %sign3A_1472 : vector<64x256xi32>
    %sign3A_1474 = arith.constant 0 : i32
    %sign3A_1475 = arith.cmpi sgt, %jit3A_1462, %sign3A_1474 : i32
    %sign3A_1476 = arith.extui %sign3A_1475 : i1 to i32
    %sign3A_1477 = arith.constant 0 : i32
    %sign3A_1478 = arith.cmpi slt, %jit3A_1462, %sign3A_1477 : i32
    %sign3A_1479 = arith.extui %sign3A_1478 : i1 to i32
    %sign3A_1480 = arith.subi %sign3A_1476, %sign3A_1479 : i32
    %ne3A_1481 = vector.broadcast %sign3A_1480 : i32 to vector<64x256xi32>
    %ne3A_1482 = arith.cmpi ne, %sign3A_1473, %ne3A_1481 : vector<64x256xi32>
    %rem3A_1483 = vector.broadcast %jit3A_1462 : i32 to vector<64x256xi32>
    %rem3A_1484 = arith.remsi %reduce_min3A_1455, %rem3A_1483 : vector<64x256xi32>
    %ne3A_1485 = arith.constant 0 : i32
    %ne3A_1486 = vector.broadcast %ne3A_1485 : i32 to vector<64x256xi32>
    %ne3A_1487 = arith.cmpi ne, %rem3A_1484, %ne3A_1486 : vector<64x256xi32>
    %and3A_1488 = arith.andi %ne3A_1482, %ne3A_1487 : vector<64x256xi1>
    %sub3A_1489 = arith.constant 1 : i32
    %sub3A_1490 = vector.broadcast %sub3A_1489 : i32 to vector<64x256xi32>
    %sub3A_1491 = arith.subi %div3A_1464, %sub3A_1490 : vector<64x256xi32>
    %select_n3A_1492 = arith.select %and3A_1488, %sub3A_1491, %div3A_1464 : vector<64x256xi1>, vector<64x256xi32>
    %jit3A_1493 = arith.constant 8 : i32
    %eq3A_1494 = arith.constant 0 : i32
    %eq3A_1495 = arith.cmpi eq, %jit3A_1493, %eq3A_1494 : i32
    %jit3A_1496 = arith.constant 1 : i32
    %select_n3A_1497 = arith.select %eq3A_1495, %jit3A_1496, %jit3A_1493 : i32
    %rem3A_1498 = vector.broadcast %select_n3A_1497 : i32 to vector<64x256xi32>
    %rem3A_1499 = arith.remsi %reduce_min3A_1455, %rem3A_1498 : vector<64x256xi32>
    %ne3A_1500 = arith.constant 0 : i32
    %ne3A_1501 = vector.broadcast %ne3A_1500 : i32 to vector<64x256xi32>
    %ne3A_1502 = arith.cmpi ne, %rem3A_1499, %ne3A_1501 : vector<64x256xi32>
    %lt3A_1503 = arith.constant 0 : i32
    %lt3A_1504 = vector.broadcast %lt3A_1503 : i32 to vector<64x256xi32>
    %lt3A_1505 = arith.cmpi slt, %rem3A_1499, %lt3A_1504 : vector<64x256xi32>
    %lt3A_1506 = arith.constant 0 : i32
    %lt3A_1507 = arith.cmpi slt, %select_n3A_1497, %lt3A_1506 : i32
    %ne3A_1508 = vector.broadcast %lt3A_1507 : i1 to vector<64x256xi1>
    %ne3A_1509 = vector.broadcast %ne3A_1508 : vector<64x256xi1> to vector<64x256xi1>
    %ne3A_1510 = arith.xori %lt3A_1505, %ne3A_1509 : vector<64x256xi1>
    %and3A_1511 = arith.andi %ne3A_1510, %ne3A_1502 : vector<64x256xi1>
    %add3A_1512 = vector.broadcast %select_n3A_1497 : i32 to vector<64x256xi32>
    %add3A_1513 = arith.addi %rem3A_1499, %add3A_1512 : vector<64x256xi32>
    %select_n3A_1514 = arith.select %and3A_1511, %add3A_1513, %rem3A_1499 : vector<64x256xi1>, vector<64x256xi32>
    %add3A_1515 = arith.addi %select_n3A, %select_n3A_1492 : vector<64x256xi32>
    %sub3A_1516 = arith.constant 2 : i32
    %sub3A_1517 = vector.broadcast %sub3A_1516 : i32 to vector<64x256xi32>
    %sub3A_1518 = arith.subi %add3A_1515, %sub3A_1517 : vector<64x256xi32>
    %jit3A_1519 = arith.constant 0 : i32
    %jit3A_1520 = arith.constant 31 : i32
    %max3A_1521 = vector.broadcast %jit3A_1519 : i32 to vector<64x256xi32>
    %max3A_1522 = arith.maxsi %max3A_1521, %sub3A_1518 : vector<64x256xi32>
    %min3A_1523 = vector.broadcast %jit3A_1520 : i32 to vector<64x256xi32>
    %min3A_1524 = arith.minsi %min3A_1523, %max3A_1522 : vector<64x256xi32>
    %add3A_1525 = arith.addi %select_n3A_83, %select_n3A_1514 : vector<64x256xi32>
    %sub3A_1526 = arith.constant 4 : i32
    %sub3A_1527 = vector.broadcast %sub3A_1526 : i32 to vector<64x256xi32>
    %sub3A_1528 = arith.subi %add3A_1525, %sub3A_1527 : vector<64x256xi32>
    %jit3A_1529 = arith.constant 0 : i32
    %jit3A_1530 = arith.constant 127 : i32
    %max3A_1531 = vector.broadcast %jit3A_1529 : i32 to vector<64x256xi32>
    %max3A_1532 = arith.maxsi %max3A_1531, %sub3A_1528 : vector<64x256xi32>
    %min3A_1533 = vector.broadcast %jit3A_1530 : i32 to vector<64x256xi32>
    %min3A_1534 = arith.minsi %min3A_1533, %max3A_1532 : vector<64x256xi32>
    %mul3A_1535 = arith.constant 4096 : i32
    %mul3A_1536 = arith.muli %arg0, %mul3A_1535 : i32
    %mul3A_1537 = arith.constant 128 : i32
    %mul3A_1538 = vector.broadcast %mul3A_1537 : i32 to vector<64x256xi32>
    %mul3A_1539 = arith.muli %min3A_1524, %mul3A_1538 : vector<64x256xi32>
    %add3A_1540 = vector.broadcast %mul3A_1536 : i32 to vector<64x256xi32>
    %add3A_1541 = arith.addi %add3A_1540, %mul3A_1539 : vector<64x256xi32>
    %add3A_1542 = arith.addi %add3A_1541, %min3A_1534 : vector<64x256xi32>
    %swap3A_1543 = arith.constant 0 : index
    %swap3A_1544 = arith.constant 1 : index
    %swap3A_1545 = arith.constant 0 : index
    %swap3A_1546 = arith.constant 0 : index
    %swap3A_1547 = vector.load %arg7[%swap3A_1543, %swap3A_1544, %swap3A_1545, %swap3A_1546] : memref<1x8x64x256xi32, #tpu.memory_space<vmem>>, vector<1x1x64x256xi32>
    %swap3A_1548 = vector.shape_cast %swap3A_1547 : vector<1x1x64x256xi32> to vector<64x256xi32>
    %swap3A_1549 = vector.shape_cast %add3A_1542 : vector<64x256xi32> to vector<1x1x64x256xi32>
    tpu.vector_store %arg7[%swap3A_1543, %swap3A_1544, %swap3A_1545, %swap3A_1546], %swap3A_1549 {strides = array<i32>} : memref<1x8x64x256xi32, #tpu.memory_space<vmem>>, vector<1x1x64x256xi32>,
    %lt3A_1550 = arith.constant 1.000000e+04 : f32
    %lt3A_1551 = vector.broadcast %lt3A_1550 : f32 to vector<64x256xf32>
    %lt3A_1552 = arith.cmpf olt, %reduce_min3A_1447, %lt3A_1551 : vector<64x256xf32>
    %convert_element_type3A_1553 = arith.extui %lt3A_1552 : vector<64x256xi1> to vector<64x256xi32>
    %convert_element_type3A_1554 = arith.sitofp %convert_element_type3A_1553 : vector<64x256xi32> to vector<64x256xf32>
    %swap3A_1555 = arith.constant 0 : index
    %swap3A_1556 = arith.constant 1 : index
    %swap3A_1557 = arith.constant 0 : index
    %swap3A_1558 = arith.constant 0 : index
    %swap3A_1559 = vector.load %arg8[%swap3A_1555, %swap3A_1556, %swap3A_1557, %swap3A_1558] : memref<1x8x64x256xf32, #tpu.memory_space<vmem>>, vector<1x1x64x256xf32>
    %swap3A_1560 = vector.shape_cast %swap3A_1559 : vector<1x1x64x256xf32> to vector<64x256xf32>
    %swap3A_1561 = vector.shape_cast %convert_element_type3A_1554 : vector<64x256xf32> to vector<1x1x64x256xf32>
    tpu.vector_store %arg8[%swap3A_1555, %swap3A_1556, %swap3A_1557, %swap3A_1558], %swap3A_1561 {strides = array<i32>} : memref<1x8x64x256xf32, #tpu.memory_space<vmem>>, vector<1x1x64x256xf32>,
    %reduce_min3A_1562 = arith.constant dense<0x7F800000> : vector<64x256xf32>
    %reduce_min3A_1563 = vector.multi_reduction <minimumf>, %select_n3A_1461, %reduce_min3A_1562 [0] : vector<32x64x256xf32> to vector<64x256xf32>
    %broadcast_in_dim3A_1564 = vector.shape_cast %reduce_min3A_1563 : vector<64x256xf32> to vector<1x64x256xf32>
    %eq3A_1565 = vector.broadcast %broadcast_in_dim3A_1564 : vector<1x64x256xf32> to vector<32x64x256xf32>
    %eq3A_1566 = arith.cmpf oeq, %select_n3A_1461, %eq3A_1565 : vector<32x64x256xf32>
    %jit3A_1567 = arith.constant 32 : i32
    %broadcast_in_dim3A_1568 = vector.broadcast %jit3A_1567 : i32 to vector<32x64x256xi32>
    %select_n3A_1569 = arith.select %eq3A_1566, %iota3A_1335, %broadcast_in_dim3A_1568 : vector<32x64x256xi1>, vector<32x64x256xi32>
    %reduce_min3A_1570 = arith.constant dense<2147483647> : vector<64x256xi32>
    %reduce_min3A_1571 = vector.multi_reduction <minsi>, %select_n3A_1569, %reduce_min3A_1570 [0] : vector<32x64x256xi32> to vector<64x256xi32>
    %broadcast_in_dim3A_1572 = vector.shape_cast %reduce_min3A_1571 : vector<64x256xi32> to vector<1x64x256xi32>
    %eq3A_1573 = vector.broadcast %broadcast_in_dim3A_1572 : vector<1x64x256xi32> to vector<32x64x256xi32>
    %eq3A_1574 = arith.cmpi eq, %iota3A_1335, %eq3A_1573 : vector<32x64x256xi32>
    %jit3A_1575 = arith.constant 0x7F800000 : f32
    %broadcast_in_dim3A_1576 = vector.broadcast %jit3A_1575 : f32 to vector<32x64x256xf32>
    %select_n3A_1577 = arith.select %eq3A_1574, %broadcast_in_dim3A_1576, %select_n3A_1461 : vector<32x64x256xi1>, vector<32x64x256xf32>
    %jit3A_1578 = arith.constant 8 : i32
    %div3A_1579 = vector.broadcast %jit3A_1578 : i32 to vector<64x256xi32>
    %div3A_1580 = arith.divsi %reduce_min3A_1571, %div3A_1579 : vector<64x256xi32>
    %sign3A_1581 = arith.constant 0 : i32
    %sign3A_1582 = vector.broadcast %sign3A_1581 : i32 to vector<64x256xi32>
    %sign3A_1583 = arith.cmpi sgt, %reduce_min3A_1571, %sign3A_1582 : vector<64x256xi32>
    %sign3A_1584 = arith.extui %sign3A_1583 : vector<64x256xi1> to vector<64x256xi32>
    %sign3A_1585 = arith.constant 0 : i32
    %sign3A_1586 = vector.broadcast %sign3A_1585 : i32 to vector<64x256xi32>
    %sign3A_1587 = arith.cmpi slt, %reduce_min3A_1571, %sign3A_1586 : vector<64x256xi32>
    %sign3A_1588 = arith.extui %sign3A_1587 : vector<64x256xi1> to vector<64x256xi32>
    %sign3A_1589 = arith.subi %sign3A_1584, %sign3A_1588 : vector<64x256xi32>
    %sign3A_1590 = arith.constant 0 : i32
    %sign3A_1591 = arith.cmpi sgt, %jit3A_1578, %sign3A_1590 : i32
    %sign3A_1592 = arith.extui %sign3A_1591 : i1 to i32
    %sign3A_1593 = arith.constant 0 : i32
    %sign3A_1594 = arith.cmpi slt, %jit3A_1578, %sign3A_1593 : i32
    %sign3A_1595 = arith.extui %sign3A_1594 : i1 to i32
    %sign3A_1596 = arith.subi %sign3A_1592, %sign3A_1595 : i32
    %ne3A_1597 = vector.broadcast %sign3A_1596 : i32 to vector<64x256xi32>
    %ne3A_1598 = arith.cmpi ne, %sign3A_1589, %ne3A_1597 : vector<64x256xi32>
    %rem3A_1599 = vector.broadcast %jit3A_1578 : i32 to vector<64x256xi32>
    %rem3A_1600 = arith.remsi %reduce_min3A_1571, %rem3A_1599 : vector<64x256xi32>
    %ne3A_1601 = arith.constant 0 : i32
    %ne3A_1602 = vector.broadcast %ne3A_1601 : i32 to vector<64x256xi32>
    %ne3A_1603 = arith.cmpi ne, %rem3A_1600, %ne3A_1602 : vector<64x256xi32>
    %and3A_1604 = arith.andi %ne3A_1598, %ne3A_1603 : vector<64x256xi1>
    %sub3A_1605 = arith.constant 1 : i32
    %sub3A_1606 = vector.broadcast %sub3A_1605 : i32 to vector<64x256xi32>
    %sub3A_1607 = arith.subi %div3A_1580, %sub3A_1606 : vector<64x256xi32>
    %select_n3A_1608 = arith.select %and3A_1604, %sub3A_1607, %div3A_1580 : vector<64x256xi1>, vector<64x256xi32>
    %jit3A_1609 = arith.constant 8 : i32
    %eq3A_1610 = arith.constant 0 : i32
    %eq3A_1611 = arith.cmpi eq, %jit3A_1609, %eq3A_1610 : i32
    %jit3A_1612 = arith.constant 1 : i32
    %select_n3A_1613 = arith.select %eq3A_1611, %jit3A_1612, %jit3A_1609 : i32
    %rem3A_1614 = vector.broadcast %select_n3A_1613 : i32 to vector<64x256xi32>
    %rem3A_1615 = arith.remsi %reduce_min3A_1571, %rem3A_1614 : vector<64x256xi32>
    %ne3A_1616 = arith.constant 0 : i32
    %ne3A_1617 = vector.broadcast %ne3A_1616 : i32 to vector<64x256xi32>
    %ne3A_1618 = arith.cmpi ne, %rem3A_1615, %ne3A_1617 : vector<64x256xi32>
    %lt3A_1619 = arith.constant 0 : i32
    %lt3A_1620 = vector.broadcast %lt3A_1619 : i32 to vector<64x256xi32>
    %lt3A_1621 = arith.cmpi slt, %rem3A_1615, %lt3A_1620 : vector<64x256xi32>
    %lt3A_1622 = arith.constant 0 : i32
    %lt3A_1623 = arith.cmpi slt, %select_n3A_1613, %lt3A_1622 : i32
    %ne3A_1624 = vector.broadcast %lt3A_1623 : i1 to vector<64x256xi1>
    %ne3A_1625 = vector.broadcast %ne3A_1624 : vector<64x256xi1> to vector<64x256xi1>
    %ne3A_1626 = arith.xori %lt3A_1621, %ne3A_1625 : vector<64x256xi1>
    %and3A_1627 = arith.andi %ne3A_1626, %ne3A_1618 : vector<64x256xi1>
    %add3A_1628 = vector.broadcast %select_n3A_1613 : i32 to vector<64x256xi32>
    %add3A_1629 = arith.addi %rem3A_1615, %add3A_1628 : vector<64x256xi32>
    %select_n3A_1630 = arith.select %and3A_1627, %add3A_1629, %rem3A_1615 : vector<64x256xi1>, vector<64x256xi32>
    %add3A_1631 = arith.addi %select_n3A, %select_n3A_1608 : vector<64x256xi32>
    %sub3A_1632 = arith.constant 2 : i32
    %sub3A_1633 = vector.broadcast %sub3A_1632 : i32 to vector<64x256xi32>
    %sub3A_1634 = arith.subi %add3A_1631, %sub3A_1633 : vector<64x256xi32>
    %jit3A_1635 = arith.constant 0 : i32
    %jit3A_1636 = arith.constant 31 : i32
    %max3A_1637 = vector.broadcast %jit3A_1635 : i32 to vector<64x256xi32>
    %max3A_1638 = arith.maxsi %max3A_1637, %sub3A_1634 : vector<64x256xi32>
    %min3A_1639 = vector.broadcast %jit3A_1636 : i32 to vector<64x256xi32>
    %min3A_1640 = arith.minsi %min3A_1639, %max3A_1638 : vector<64x256xi32>
    %add3A_1641 = arith.addi %select_n3A_83, %select_n3A_1630 : vector<64x256xi32>
    %sub3A_1642 = arith.constant 4 : i32
    %sub3A_1643 = vector.broadcast %sub3A_1642 : i32 to vector<64x256xi32>
    %sub3A_1644 = arith.subi %add3A_1641, %sub3A_1643 : vector<64x256xi32>
    %jit3A_1645 = arith.constant 0 : i32
    %jit3A_1646 = arith.constant 127 : i32
    %max3A_1647 = vector.broadcast %jit3A_1645 : i32 to vector<64x256xi32>
    %max3A_1648 = arith.maxsi %max3A_1647, %sub3A_1644 : vector<64x256xi32>
    %min3A_1649 = vector.broadcast %jit3A_1646 : i32 to vector<64x256xi32>
    %min3A_1650 = arith.minsi %min3A_1649, %max3A_1648 : vector<64x256xi32>
    %mul3A_1651 = arith.constant 4096 : i32
    %mul3A_1652 = arith.muli %arg0, %mul3A_1651 : i32
    %mul3A_1653 = arith.constant 128 : i32
    %mul3A_1654 = vector.broadcast %mul3A_1653 : i32 to vector<64x256xi32>
    %mul3A_1655 = arith.muli %min3A_1640, %mul3A_1654 : vector<64x256xi32>
    %add3A_1656 = vector.broadcast %mul3A_1652 : i32 to vector<64x256xi32>
    %add3A_1657 = arith.addi %add3A_1656, %mul3A_1655 : vector<64x256xi32>
    %add3A_1658 = arith.addi %add3A_1657, %min3A_1650 : vector<64x256xi32>
    %swap3A_1659 = arith.constant 0 : index
    %swap3A_1660 = arith.constant 2 : index
    %swap3A_1661 = arith.constant 0 : index
    %swap3A_1662 = arith.constant 0 : index
    %swap3A_1663 = vector.load %arg7[%swap3A_1659, %swap3A_1660, %swap3A_1661, %swap3A_1662] : memref<1x8x64x256xi32, #tpu.memory_space<vmem>>, vector<1x1x64x256xi32>
    %swap3A_1664 = vector.shape_cast %swap3A_1663 : vector<1x1x64x256xi32> to vector<64x256xi32>
    %swap3A_1665 = vector.shape_cast %add3A_1658 : vector<64x256xi32> to vector<1x1x64x256xi32>
    tpu.vector_store %arg7[%swap3A_1659, %swap3A_1660, %swap3A_1661, %swap3A_1662], %swap3A_1665 {strides = array<i32>} : memref<1x8x64x256xi32, #tpu.memory_space<vmem>>, vector<1x1x64x256xi32>,
    %lt3A_1666 = arith.constant 1.000000e+04 : f32
    %lt3A_1667 = vector.broadcast %lt3A_1666 : f32 to vector<64x256xf32>
    %lt3A_1668 = arith.cmpf olt, %reduce_min3A_1563, %lt3A_1667 : vector<64x256xf32>
    %convert_element_type3A_1669 = arith.extui %lt3A_1668 : vector<64x256xi1> to vector<64x256xi32>
    %convert_element_type3A_1670 = arith.sitofp %convert_element_type3A_1669 : vector<64x256xi32> to vector<64x256xf32>
    %swap3A_1671 = arith.constant 0 : index
    %swap3A_1672 = arith.constant 2 : index
    %swap3A_1673 = arith.constant 0 : index
    %swap3A_1674 = arith.constant 0 : index
    %swap3A_1675 = vector.load %arg8[%swap3A_1671, %swap3A_1672, %swap3A_1673, %swap3A_1674] : memref<1x8x64x256xf32, #tpu.memory_space<vmem>>, vector<1x1x64x256xf32>
    %swap3A_1676 = vector.shape_cast %swap3A_1675 : vector<1x1x64x256xf32> to vector<64x256xf32>
    %swap3A_1677 = vector.shape_cast %convert_element_type3A_1670 : vector<64x256xf32> to vector<1x1x64x256xf32>
    tpu.vector_store %arg8[%swap3A_1671, %swap3A_1672, %swap3A_1673, %swap3A_1674], %swap3A_1677 {strides = array<i32>} : memref<1x8x64x256xf32, #tpu.memory_space<vmem>>, vector<1x1x64x256xf32>,
    %reduce_min3A_1678 = arith.constant dense<0x7F800000> : vector<64x256xf32>
    %reduce_min3A_1679 = vector.multi_reduction <minimumf>, %select_n3A_1577, %reduce_min3A_1678 [0] : vector<32x64x256xf32> to vector<64x256xf32>
    %broadcast_in_dim3A_1680 = vector.shape_cast %reduce_min3A_1679 : vector<64x256xf32> to vector<1x64x256xf32>
    %eq3A_1681 = vector.broadcast %broadcast_in_dim3A_1680 : vector<1x64x256xf32> to vector<32x64x256xf32>
    %eq3A_1682 = arith.cmpf oeq, %select_n3A_1577, %eq3A_1681 : vector<32x64x256xf32>
    %jit3A_1683 = arith.constant 32 : i32
    %broadcast_in_dim3A_1684 = vector.broadcast %jit3A_1683 : i32 to vector<32x64x256xi32>
    %select_n3A_1685 = arith.select %eq3A_1682, %iota3A_1335, %broadcast_in_dim3A_1684 : vector<32x64x256xi1>, vector<32x64x256xi32>
    %reduce_min3A_1686 = arith.constant dense<2147483647> : vector<64x256xi32>
    %reduce_min3A_1687 = vector.multi_reduction <minsi>, %select_n3A_1685, %reduce_min3A_1686 [0] : vector<32x64x256xi32> to vector<64x256xi32>
    %broadcast_in_dim3A_1688 = vector.shape_cast %reduce_min3A_1687 : vector<64x256xi32> to vector<1x64x256xi32>
    %eq3A_1689 = vector.broadcast %broadcast_in_dim3A_1688 : vector<1x64x256xi32> to vector<32x64x256xi32>
    %eq3A_1690 = arith.cmpi eq, %iota3A_1335, %eq3A_1689 : vector<32x64x256xi32>
    %jit3A_1691 = arith.constant 0x7F800000 : f32
    %broadcast_in_dim3A_1692 = vector.broadcast %jit3A_1691 : f32 to vector<32x64x256xf32>
    %select_n3A_1693 = arith.select %eq3A_1690, %broadcast_in_dim3A_1692, %select_n3A_1577 : vector<32x64x256xi1>, vector<32x64x256xf32>
    %jit3A_1694 = arith.constant 8 : i32
    %div3A_1695 = vector.broadcast %jit3A_1694 : i32 to vector<64x256xi32>
    %div3A_1696 = arith.divsi %reduce_min3A_1687, %div3A_1695 : vector<64x256xi32>
    %sign3A_1697 = arith.constant 0 : i32
    %sign3A_1698 = vector.broadcast %sign3A_1697 : i32 to vector<64x256xi32>
    %sign3A_1699 = arith.cmpi sgt, %reduce_min3A_1687, %sign3A_1698 : vector<64x256xi32>
    %sign3A_1700 = arith.extui %sign3A_1699 : vector<64x256xi1> to vector<64x256xi32>
    %sign3A_1701 = arith.constant 0 : i32
    %sign3A_1702 = vector.broadcast %sign3A_1701 : i32 to vector<64x256xi32>
    %sign3A_1703 = arith.cmpi slt, %reduce_min3A_1687, %sign3A_1702 : vector<64x256xi32>
    %sign3A_1704 = arith.extui %sign3A_1703 : vector<64x256xi1> to vector<64x256xi32>
    %sign3A_1705 = arith.subi %sign3A_1700, %sign3A_1704 : vector<64x256xi32>
    %sign3A_1706 = arith.constant 0 : i32
    %sign3A_1707 = arith.cmpi sgt, %jit3A_1694, %sign3A_1706 : i32
    %sign3A_1708 = arith.extui %sign3A_1707 : i1 to i32
    %sign3A_1709 = arith.constant 0 : i32
    %sign3A_1710 = arith.cmpi slt, %jit3A_1694, %sign3A_1709 : i32
    %sign3A_1711 = arith.extui %sign3A_1710 : i1 to i32
    %sign3A_1712 = arith.subi %sign3A_1708, %sign3A_1711 : i32
    %ne3A_1713 = vector.broadcast %sign3A_1712 : i32 to vector<64x256xi32>
    %ne3A_1714 = arith.cmpi ne, %sign3A_1705, %ne3A_1713 : vector<64x256xi32>
    %rem3A_1715 = vector.broadcast %jit3A_1694 : i32 to vector<64x256xi32>
    %rem3A_1716 = arith.remsi %reduce_min3A_1687, %rem3A_1715 : vector<64x256xi32>
    %ne3A_1717 = arith.constant 0 : i32
    %ne3A_1718 = vector.broadcast %ne3A_1717 : i32 to vector<64x256xi32>
    %ne3A_1719 = arith.cmpi ne, %rem3A_1716, %ne3A_1718 : vector<64x256xi32>
    %and3A_1720 = arith.andi %ne3A_1714, %ne3A_1719 : vector<64x256xi1>
    %sub3A_1721 = arith.constant 1 : i32
    %sub3A_1722 = vector.broadcast %sub3A_1721 : i32 to vector<64x256xi32>
    %sub3A_1723 = arith.subi %div3A_1696, %sub3A_1722 : vector<64x256xi32>
    %select_n3A_1724 = arith.select %and3A_1720, %sub3A_1723, %div3A_1696 : vector<64x256xi1>, vector<64x256xi32>
    %jit3A_1725 = arith.constant 8 : i32
    %eq3A_1726 = arith.constant 0 : i32
    %eq3A_1727 = arith.cmpi eq, %jit3A_1725, %eq3A_1726 : i32
    %jit3A_1728 = arith.constant 1 : i32
    %select_n3A_1729 = arith.select %eq3A_1727, %jit3A_1728, %jit3A_1725 : i32
    %rem3A_1730 = vector.broadcast %select_n3A_1729 : i32 to vector<64x256xi32>
    %rem3A_1731 = arith.remsi %reduce_min3A_1687, %rem3A_1730 : vector<64x256xi32>
    %ne3A_1732 = arith.constant 0 : i32
    %ne3A_1733 = vector.broadcast %ne3A_1732 : i32 to vector<64x256xi32>
    %ne3A_1734 = arith.cmpi ne, %rem3A_1731, %ne3A_1733 : vector<64x256xi32>
    %lt3A_1735 = arith.constant 0 : i32
    %lt3A_1736 = vector.broadcast %lt3A_1735 : i32 to vector<64x256xi32>
    %lt3A_1737 = arith.cmpi slt, %rem3A_1731, %lt3A_1736 : vector<64x256xi32>
    %lt3A_1738 = arith.constant 0 : i32
    %lt3A_1739 = arith.cmpi slt, %select_n3A_1729, %lt3A_1738 : i32
    %ne3A_1740 = vector.broadcast %lt3A_1739 : i1 to vector<64x256xi1>
    %ne3A_1741 = vector.broadcast %ne3A_1740 : vector<64x256xi1> to vector<64x256xi1>
    %ne3A_1742 = arith.xori %lt3A_1737, %ne3A_1741 : vector<64x256xi1>
    %and3A_1743 = arith.andi %ne3A_1742, %ne3A_1734 : vector<64x256xi1>
    %add3A_1744 = vector.broadcast %select_n3A_1729 : i32 to vector<64x256xi32>
    %add3A_1745 = arith.addi %rem3A_1731, %add3A_1744 : vector<64x256xi32>
    %select_n3A_1746 = arith.select %and3A_1743, %add3A_1745, %rem3A_1731 : vector<64x256xi1>, vector<64x256xi32>
    %add3A_1747 = arith.addi %select_n3A, %select_n3A_1724 : vector<64x256xi32>
    %sub3A_1748 = arith.constant 2 : i32
    %sub3A_1749 = vector.broadcast %sub3A_1748 : i32 to vector<64x256xi32>
    %sub3A_1750 = arith.subi %add3A_1747, %sub3A_1749 : vector<64x256xi32>
    %jit3A_1751 = arith.constant 0 : i32
    %jit3A_1752 = arith.constant 31 : i32
    %max3A_1753 = vector.broadcast %jit3A_1751 : i32 to vector<64x256xi32>
    %max3A_1754 = arith.maxsi %max3A_1753, %sub3A_1750 : vector<64x256xi32>
    %min3A_1755 = vector.broadcast %jit3A_1752 : i32 to vector<64x256xi32>
    %min3A_1756 = arith.minsi %min3A_1755, %max3A_1754 : vector<64x256xi32>
    %add3A_1757 = arith.addi %select_n3A_83, %select_n3A_1746 : vector<64x256xi32>
    %sub3A_1758 = arith.constant 4 : i32
    %sub3A_1759 = vector.broadcast %sub3A_1758 : i32 to vector<64x256xi32>
    %sub3A_1760 = arith.subi %add3A_1757, %sub3A_1759 : vector<64x256xi32>
    %jit3A_1761 = arith.constant 0 : i32
    %jit3A_1762 = arith.constant 127 : i32
    %max3A_1763 = vector.broadcast %jit3A_1761 : i32 to vector<64x256xi32>
    %max3A_1764 = arith.maxsi %max3A_1763, %sub3A_1760 : vector<64x256xi32>
    %min3A_1765 = vector.broadcast %jit3A_1762 : i32 to vector<64x256xi32>
    %min3A_1766 = arith.minsi %min3A_1765, %max3A_1764 : vector<64x256xi32>
    %mul3A_1767 = arith.constant 4096 : i32
    %mul3A_1768 = arith.muli %arg0, %mul3A_1767 : i32
    %mul3A_1769 = arith.constant 128 : i32
    %mul3A_1770 = vector.broadcast %mul3A_1769 : i32 to vector<64x256xi32>
    %mul3A_1771 = arith.muli %min3A_1756, %mul3A_1770 : vector<64x256xi32>
    %add3A_1772 = vector.broadcast %mul3A_1768 : i32 to vector<64x256xi32>
    %add3A_1773 = arith.addi %add3A_1772, %mul3A_1771 : vector<64x256xi32>
    %add3A_1774 = arith.addi %add3A_1773, %min3A_1766 : vector<64x256xi32>
    %swap3A_1775 = arith.constant 0 : index
    %swap3A_1776 = arith.constant 3 : index
    %swap3A_1777 = arith.constant 0 : index
    %swap3A_1778 = arith.constant 0 : index
    %swap3A_1779 = vector.load %arg7[%swap3A_1775, %swap3A_1776, %swap3A_1777, %swap3A_1778] : memref<1x8x64x256xi32, #tpu.memory_space<vmem>>, vector<1x1x64x256xi32>
    %swap3A_1780 = vector.shape_cast %swap3A_1779 : vector<1x1x64x256xi32> to vector<64x256xi32>
    %swap3A_1781 = vector.shape_cast %add3A_1774 : vector<64x256xi32> to vector<1x1x64x256xi32>
    tpu.vector_store %arg7[%swap3A_1775, %swap3A_1776, %swap3A_1777, %swap3A_1778], %swap3A_1781 {strides = array<i32>} : memref<1x8x64x256xi32, #tpu.memory_space<vmem>>, vector<1x1x64x256xi32>,
    %lt3A_1782 = arith.constant 1.000000e+04 : f32
    %lt3A_1783 = vector.broadcast %lt3A_1782 : f32 to vector<64x256xf32>
    %lt3A_1784 = arith.cmpf olt, %reduce_min3A_1679, %lt3A_1783 : vector<64x256xf32>
    %convert_element_type3A_1785 = arith.extui %lt3A_1784 : vector<64x256xi1> to vector<64x256xi32>
    %convert_element_type3A_1786 = arith.sitofp %convert_element_type3A_1785 : vector<64x256xi32> to vector<64x256xf32>
    %swap3A_1787 = arith.constant 0 : index
    %swap3A_1788 = arith.constant 3 : index
    %swap3A_1789 = arith.constant 0 : index
    %swap3A_1790 = arith.constant 0 : index
    %swap3A_1791 = vector.load %arg8[%swap3A_1787, %swap3A_1788, %swap3A_1789, %swap3A_1790] : memref<1x8x64x256xf32, #tpu.memory_space<vmem>>, vector<1x1x64x256xf32>
    %swap3A_1792 = vector.shape_cast %swap3A_1791 : vector<1x1x64x256xf32> to vector<64x256xf32>
    %swap3A_1793 = vector.shape_cast %convert_element_type3A_1786 : vector<64x256xf32> to vector<1x1x64x256xf32>
    tpu.vector_store %arg8[%swap3A_1787, %swap3A_1788, %swap3A_1789, %swap3A_1790], %swap3A_1793 {strides = array<i32>} : memref<1x8x64x256xf32, #tpu.memory_space<vmem>>, vector<1x1x64x256xf32>,
    %reduce_min3A_1794 = arith.constant dense<0x7F800000> : vector<64x256xf32>
    %reduce_min3A_1795 = vector.multi_reduction <minimumf>, %select_n3A_1693, %reduce_min3A_1794 [0] : vector<32x64x256xf32> to vector<64x256xf32>
    %broadcast_in_dim3A_1796 = vector.shape_cast %reduce_min3A_1795 : vector<64x256xf32> to vector<1x64x256xf32>
    %eq3A_1797 = vector.broadcast %broadcast_in_dim3A_1796 : vector<1x64x256xf32> to vector<32x64x256xf32>
    %eq3A_1798 = arith.cmpf oeq, %select_n3A_1693, %eq3A_1797 : vector<32x64x256xf32>
    %jit3A_1799 = arith.constant 32 : i32
    %broadcast_in_dim3A_1800 = vector.broadcast %jit3A_1799 : i32 to vector<32x64x256xi32>
    %select_n3A_1801 = arith.select %eq3A_1798, %iota3A_1335, %broadcast_in_dim3A_1800 : vector<32x64x256xi1>, vector<32x64x256xi32>
    %reduce_min3A_1802 = arith.constant dense<2147483647> : vector<64x256xi32>
    %reduce_min3A_1803 = vector.multi_reduction <minsi>, %select_n3A_1801, %reduce_min3A_1802 [0] : vector<32x64x256xi32> to vector<64x256xi32>
    %broadcast_in_dim3A_1804 = vector.shape_cast %reduce_min3A_1803 : vector<64x256xi32> to vector<1x64x256xi32>
    %eq3A_1805 = vector.broadcast %broadcast_in_dim3A_1804 : vector<1x64x256xi32> to vector<32x64x256xi32>
    %eq3A_1806 = arith.cmpi eq, %iota3A_1335, %eq3A_1805 : vector<32x64x256xi32>
    %jit3A_1807 = arith.constant 0x7F800000 : f32
    %broadcast_in_dim3A_1808 = vector.broadcast %jit3A_1807 : f32 to vector<32x64x256xf32>
    %select_n3A_1809 = arith.select %eq3A_1806, %broadcast_in_dim3A_1808, %select_n3A_1693 : vector<32x64x256xi1>, vector<32x64x256xf32>
    %jit3A_1810 = arith.constant 8 : i32
    %div3A_1811 = vector.broadcast %jit3A_1810 : i32 to vector<64x256xi32>
    %div3A_1812 = arith.divsi %reduce_min3A_1803, %div3A_1811 : vector<64x256xi32>
    %sign3A_1813 = arith.constant 0 : i32
    %sign3A_1814 = vector.broadcast %sign3A_1813 : i32 to vector<64x256xi32>
    %sign3A_1815 = arith.cmpi sgt, %reduce_min3A_1803, %sign3A_1814 : vector<64x256xi32>
    %sign3A_1816 = arith.extui %sign3A_1815 : vector<64x256xi1> to vector<64x256xi32>
    %sign3A_1817 = arith.constant 0 : i32
    %sign3A_1818 = vector.broadcast %sign3A_1817 : i32 to vector<64x256xi32>
    %sign3A_1819 = arith.cmpi slt, %reduce_min3A_1803, %sign3A_1818 : vector<64x256xi32>
    %sign3A_1820 = arith.extui %sign3A_1819 : vector<64x256xi1> to vector<64x256xi32>
    %sign3A_1821 = arith.subi %sign3A_1816, %sign3A_1820 : vector<64x256xi32>
    %sign3A_1822 = arith.constant 0 : i32
    %sign3A_1823 = arith.cmpi sgt, %jit3A_1810, %sign3A_1822 : i32
    %sign3A_1824 = arith.extui %sign3A_1823 : i1 to i32
    %sign3A_1825 = arith.constant 0 : i32
    %sign3A_1826 = arith.cmpi slt, %jit3A_1810, %sign3A_1825 : i32
    %sign3A_1827 = arith.extui %sign3A_1826 : i1 to i32
    %sign3A_1828 = arith.subi %sign3A_1824, %sign3A_1827 : i32
    %ne3A_1829 = vector.broadcast %sign3A_1828 : i32 to vector<64x256xi32>
    %ne3A_1830 = arith.cmpi ne, %sign3A_1821, %ne3A_1829 : vector<64x256xi32>
    %rem3A_1831 = vector.broadcast %jit3A_1810 : i32 to vector<64x256xi32>
    %rem3A_1832 = arith.remsi %reduce_min3A_1803, %rem3A_1831 : vector<64x256xi32>
    %ne3A_1833 = arith.constant 0 : i32
    %ne3A_1834 = vector.broadcast %ne3A_1833 : i32 to vector<64x256xi32>
    %ne3A_1835 = arith.cmpi ne, %rem3A_1832, %ne3A_1834 : vector<64x256xi32>
    %and3A_1836 = arith.andi %ne3A_1830, %ne3A_1835 : vector<64x256xi1>
    %sub3A_1837 = arith.constant 1 : i32
    %sub3A_1838 = vector.broadcast %sub3A_1837 : i32 to vector<64x256xi32>
    %sub3A_1839 = arith.subi %div3A_1812, %sub3A_1838 : vector<64x256xi32>
    %select_n3A_1840 = arith.select %and3A_1836, %sub3A_1839, %div3A_1812 : vector<64x256xi1>, vector<64x256xi32>
    %jit3A_1841 = arith.constant 8 : i32
    %eq3A_1842 = arith.constant 0 : i32
    %eq3A_1843 = arith.cmpi eq, %jit3A_1841, %eq3A_1842 : i32
    %jit3A_1844 = arith.constant 1 : i32
    %select_n3A_1845 = arith.select %eq3A_1843, %jit3A_1844, %jit3A_1841 : i32
    %rem3A_1846 = vector.broadcast %select_n3A_1845 : i32 to vector<64x256xi32>
    %rem3A_1847 = arith.remsi %reduce_min3A_1803, %rem3A_1846 : vector<64x256xi32>
    %ne3A_1848 = arith.constant 0 : i32
    %ne3A_1849 = vector.broadcast %ne3A_1848 : i32 to vector<64x256xi32>
    %ne3A_1850 = arith.cmpi ne, %rem3A_1847, %ne3A_1849 : vector<64x256xi32>
    %lt3A_1851 = arith.constant 0 : i32
    %lt3A_1852 = vector.broadcast %lt3A_1851 : i32 to vector<64x256xi32>
    %lt3A_1853 = arith.cmpi slt, %rem3A_1847, %lt3A_1852 : vector<64x256xi32>
    %lt3A_1854 = arith.constant 0 : i32
    %lt3A_1855 = arith.cmpi slt, %select_n3A_1845, %lt3A_1854 : i32
    %ne3A_1856 = vector.broadcast %lt3A_1855 : i1 to vector<64x256xi1>
    %ne3A_1857 = vector.broadcast %ne3A_1856 : vector<64x256xi1> to vector<64x256xi1>
    %ne3A_1858 = arith.xori %lt3A_1853, %ne3A_1857 : vector<64x256xi1>
    %and3A_1859 = arith.andi %ne3A_1858, %ne3A_1850 : vector<64x256xi1>
    %add3A_1860 = vector.broadcast %select_n3A_1845 : i32 to vector<64x256xi32>
    %add3A_1861 = arith.addi %rem3A_1847, %add3A_1860 : vector<64x256xi32>
    %select_n3A_1862 = arith.select %and3A_1859, %add3A_1861, %rem3A_1847 : vector<64x256xi1>, vector<64x256xi32>
    %add3A_1863 = arith.addi %select_n3A, %select_n3A_1840 : vector<64x256xi32>
    %sub3A_1864 = arith.constant 2 : i32
    %sub3A_1865 = vector.broadcast %sub3A_1864 : i32 to vector<64x256xi32>
    %sub3A_1866 = arith.subi %add3A_1863, %sub3A_1865 : vector<64x256xi32>
    %jit3A_1867 = arith.constant 0 : i32
    %jit3A_1868 = arith.constant 31 : i32
    %max3A_1869 = vector.broadcast %jit3A_1867 : i32 to vector<64x256xi32>
    %max3A_1870 = arith.maxsi %max3A_1869, %sub3A_1866 : vector<64x256xi32>
    %min3A_1871 = vector.broadcast %jit3A_1868 : i32 to vector<64x256xi32>
    %min3A_1872 = arith.minsi %min3A_1871, %max3A_1870 : vector<64x256xi32>
    %add3A_1873 = arith.addi %select_n3A_83, %select_n3A_1862 : vector<64x256xi32>
    %sub3A_1874 = arith.constant 4 : i32
    %sub3A_1875 = vector.broadcast %sub3A_1874 : i32 to vector<64x256xi32>
    %sub3A_1876 = arith.subi %add3A_1873, %sub3A_1875 : vector<64x256xi32>
    %jit3A_1877 = arith.constant 0 : i32
    %jit3A_1878 = arith.constant 127 : i32
    %max3A_1879 = vector.broadcast %jit3A_1877 : i32 to vector<64x256xi32>
    %max3A_1880 = arith.maxsi %max3A_1879, %sub3A_1876 : vector<64x256xi32>
    %min3A_1881 = vector.broadcast %jit3A_1878 : i32 to vector<64x256xi32>
    %min3A_1882 = arith.minsi %min3A_1881, %max3A_1880 : vector<64x256xi32>
    %mul3A_1883 = arith.constant 4096 : i32
    %mul3A_1884 = arith.muli %arg0, %mul3A_1883 : i32
    %mul3A_1885 = arith.constant 128 : i32
    %mul3A_1886 = vector.broadcast %mul3A_1885 : i32 to vector<64x256xi32>
    %mul3A_1887 = arith.muli %min3A_1872, %mul3A_1886 : vector<64x256xi32>
    %add3A_1888 = vector.broadcast %mul3A_1884 : i32 to vector<64x256xi32>
    %add3A_1889 = arith.addi %add3A_1888, %mul3A_1887 : vector<64x256xi32>
    %add3A_1890 = arith.addi %add3A_1889, %min3A_1882 : vector<64x256xi32>
    %swap3A_1891 = arith.constant 0 : index
    %swap3A_1892 = arith.constant 4 : index
    %swap3A_1893 = arith.constant 0 : index
    %swap3A_1894 = arith.constant 0 : index
    %swap3A_1895 = vector.load %arg7[%swap3A_1891, %swap3A_1892, %swap3A_1893, %swap3A_1894] : memref<1x8x64x256xi32, #tpu.memory_space<vmem>>, vector<1x1x64x256xi32>
    %swap3A_1896 = vector.shape_cast %swap3A_1895 : vector<1x1x64x256xi32> to vector<64x256xi32>
    %swap3A_1897 = vector.shape_cast %add3A_1890 : vector<64x256xi32> to vector<1x1x64x256xi32>
    tpu.vector_store %arg7[%swap3A_1891, %swap3A_1892, %swap3A_1893, %swap3A_1894], %swap3A_1897 {strides = array<i32>} : memref<1x8x64x256xi32, #tpu.memory_space<vmem>>, vector<1x1x64x256xi32>,
    %lt3A_1898 = arith.constant 1.000000e+04 : f32
    %lt3A_1899 = vector.broadcast %lt3A_1898 : f32 to vector<64x256xf32>
    %lt3A_1900 = arith.cmpf olt, %reduce_min3A_1795, %lt3A_1899 : vector<64x256xf32>
    %convert_element_type3A_1901 = arith.extui %lt3A_1900 : vector<64x256xi1> to vector<64x256xi32>
    %convert_element_type3A_1902 = arith.sitofp %convert_element_type3A_1901 : vector<64x256xi32> to vector<64x256xf32>
    %swap3A_1903 = arith.constant 0 : index
    %swap3A_1904 = arith.constant 4 : index
    %swap3A_1905 = arith.constant 0 : index
    %swap3A_1906 = arith.constant 0 : index
    %swap3A_1907 = vector.load %arg8[%swap3A_1903, %swap3A_1904, %swap3A_1905, %swap3A_1906] : memref<1x8x64x256xf32, #tpu.memory_space<vmem>>, vector<1x1x64x256xf32>
    %swap3A_1908 = vector.shape_cast %swap3A_1907 : vector<1x1x64x256xf32> to vector<64x256xf32>
    %swap3A_1909 = vector.shape_cast %convert_element_type3A_1902 : vector<64x256xf32> to vector<1x1x64x256xf32>
    tpu.vector_store %arg8[%swap3A_1903, %swap3A_1904, %swap3A_1905, %swap3A_1906], %swap3A_1909 {strides = array<i32>} : memref<1x8x64x256xf32, #tpu.memory_space<vmem>>, vector<1x1x64x256xf32>,
    %reduce_min3A_1910 = arith.constant dense<0x7F800000> : vector<64x256xf32>
    %reduce_min3A_1911 = vector.multi_reduction <minimumf>, %select_n3A_1809, %reduce_min3A_1910 [0] : vector<32x64x256xf32> to vector<64x256xf32>
    %broadcast_in_dim3A_1912 = vector.shape_cast %reduce_min3A_1911 : vector<64x256xf32> to vector<1x64x256xf32>
    %eq3A_1913 = vector.broadcast %broadcast_in_dim3A_1912 : vector<1x64x256xf32> to vector<32x64x256xf32>
    %eq3A_1914 = arith.cmpf oeq, %select_n3A_1809, %eq3A_1913 : vector<32x64x256xf32>
    %jit3A_1915 = arith.constant 32 : i32
    %broadcast_in_dim3A_1916 = vector.broadcast %jit3A_1915 : i32 to vector<32x64x256xi32>
    %select_n3A_1917 = arith.select %eq3A_1914, %iota3A_1335, %broadcast_in_dim3A_1916 : vector<32x64x256xi1>, vector<32x64x256xi32>
    %reduce_min3A_1918 = arith.constant dense<2147483647> : vector<64x256xi32>
    %reduce_min3A_1919 = vector.multi_reduction <minsi>, %select_n3A_1917, %reduce_min3A_1918 [0] : vector<32x64x256xi32> to vector<64x256xi32>
    %broadcast_in_dim3A_1920 = vector.shape_cast %reduce_min3A_1919 : vector<64x256xi32> to vector<1x64x256xi32>
    %eq3A_1921 = vector.broadcast %broadcast_in_dim3A_1920 : vector<1x64x256xi32> to vector<32x64x256xi32>
    %eq3A_1922 = arith.cmpi eq, %iota3A_1335, %eq3A_1921 : vector<32x64x256xi32>
    %jit3A_1923 = arith.constant 0x7F800000 : f32
    %broadcast_in_dim3A_1924 = vector.broadcast %jit3A_1923 : f32 to vector<32x64x256xf32>
    %select_n3A_1925 = arith.select %eq3A_1922, %broadcast_in_dim3A_1924, %select_n3A_1809 : vector<32x64x256xi1>, vector<32x64x256xf32>
    %jit3A_1926 = arith.constant 8 : i32
    %div3A_1927 = vector.broadcast %jit3A_1926 : i32 to vector<64x256xi32>
    %div3A_1928 = arith.divsi %reduce_min3A_1919, %div3A_1927 : vector<64x256xi32>
    %sign3A_1929 = arith.constant 0 : i32
    %sign3A_1930 = vector.broadcast %sign3A_1929 : i32 to vector<64x256xi32>
    %sign3A_1931 = arith.cmpi sgt, %reduce_min3A_1919, %sign3A_1930 : vector<64x256xi32>
    %sign3A_1932 = arith.extui %sign3A_1931 : vector<64x256xi1> to vector<64x256xi32>
    %sign3A_1933 = arith.constant 0 : i32
    %sign3A_1934 = vector.broadcast %sign3A_1933 : i32 to vector<64x256xi32>
    %sign3A_1935 = arith.cmpi slt, %reduce_min3A_1919, %sign3A_1934 : vector<64x256xi32>
    %sign3A_1936 = arith.extui %sign3A_1935 : vector<64x256xi1> to vector<64x256xi32>
    %sign3A_1937 = arith.subi %sign3A_1932, %sign3A_1936 : vector<64x256xi32>
    %sign3A_1938 = arith.constant 0 : i32
    %sign3A_1939 = arith.cmpi sgt, %jit3A_1926, %sign3A_1938 : i32
    %sign3A_1940 = arith.extui %sign3A_1939 : i1 to i32
    %sign3A_1941 = arith.constant 0 : i32
    %sign3A_1942 = arith.cmpi slt, %jit3A_1926, %sign3A_1941 : i32
    %sign3A_1943 = arith.extui %sign3A_1942 : i1 to i32
    %sign3A_1944 = arith.subi %sign3A_1940, %sign3A_1943 : i32
    %ne3A_1945 = vector.broadcast %sign3A_1944 : i32 to vector<64x256xi32>
    %ne3A_1946 = arith.cmpi ne, %sign3A_1937, %ne3A_1945 : vector<64x256xi32>
    %rem3A_1947 = vector.broadcast %jit3A_1926 : i32 to vector<64x256xi32>
    %rem3A_1948 = arith.remsi %reduce_min3A_1919, %rem3A_1947 : vector<64x256xi32>
    %ne3A_1949 = arith.constant 0 : i32
    %ne3A_1950 = vector.broadcast %ne3A_1949 : i32 to vector<64x256xi32>
    %ne3A_1951 = arith.cmpi ne, %rem3A_1948, %ne3A_1950 : vector<64x256xi32>
    %and3A_1952 = arith.andi %ne3A_1946, %ne3A_1951 : vector<64x256xi1>
    %sub3A_1953 = arith.constant 1 : i32
    %sub3A_1954 = vector.broadcast %sub3A_1953 : i32 to vector<64x256xi32>
    %sub3A_1955 = arith.subi %div3A_1928, %sub3A_1954 : vector<64x256xi32>
    %select_n3A_1956 = arith.select %and3A_1952, %sub3A_1955, %div3A_1928 : vector<64x256xi1>, vector<64x256xi32>
    %jit3A_1957 = arith.constant 8 : i32
    %eq3A_1958 = arith.constant 0 : i32
    %eq3A_1959 = arith.cmpi eq, %jit3A_1957, %eq3A_1958 : i32
    %jit3A_1960 = arith.constant 1 : i32
    %select_n3A_1961 = arith.select %eq3A_1959, %jit3A_1960, %jit3A_1957 : i32
    %rem3A_1962 = vector.broadcast %select_n3A_1961 : i32 to vector<64x256xi32>
    %rem3A_1963 = arith.remsi %reduce_min3A_1919, %rem3A_1962 : vector<64x256xi32>
    %ne3A_1964 = arith.constant 0 : i32
    %ne3A_1965 = vector.broadcast %ne3A_1964 : i32 to vector<64x256xi32>
    %ne3A_1966 = arith.cmpi ne, %rem3A_1963, %ne3A_1965 : vector<64x256xi32>
    %lt3A_1967 = arith.constant 0 : i32
    %lt3A_1968 = vector.broadcast %lt3A_1967 : i32 to vector<64x256xi32>
    %lt3A_1969 = arith.cmpi slt, %rem3A_1963, %lt3A_1968 : vector<64x256xi32>
    %lt3A_1970 = arith.constant 0 : i32
    %lt3A_1971 = arith.cmpi slt, %select_n3A_1961, %lt3A_1970 : i32
    %ne3A_1972 = vector.broadcast %lt3A_1971 : i1 to vector<64x256xi1>
    %ne3A_1973 = vector.broadcast %ne3A_1972 : vector<64x256xi1> to vector<64x256xi1>
    %ne3A_1974 = arith.xori %lt3A_1969, %ne3A_1973 : vector<64x256xi1>
    %and3A_1975 = arith.andi %ne3A_1974, %ne3A_1966 : vector<64x256xi1>
    %add3A_1976 = vector.broadcast %select_n3A_1961 : i32 to vector<64x256xi32>
    %add3A_1977 = arith.addi %rem3A_1963, %add3A_1976 : vector<64x256xi32>
    %select_n3A_1978 = arith.select %and3A_1975, %add3A_1977, %rem3A_1963 : vector<64x256xi1>, vector<64x256xi32>
    %add3A_1979 = arith.addi %select_n3A, %select_n3A_1956 : vector<64x256xi32>
    %sub3A_1980 = arith.constant 2 : i32
    %sub3A_1981 = vector.broadcast %sub3A_1980 : i32 to vector<64x256xi32>
    %sub3A_1982 = arith.subi %add3A_1979, %sub3A_1981 : vector<64x256xi32>
    %jit3A_1983 = arith.constant 0 : i32
    %jit3A_1984 = arith.constant 31 : i32
    %max3A_1985 = vector.broadcast %jit3A_1983 : i32 to vector<64x256xi32>
    %max3A_1986 = arith.maxsi %max3A_1985, %sub3A_1982 : vector<64x256xi32>
    %min3A_1987 = vector.broadcast %jit3A_1984 : i32 to vector<64x256xi32>
    %min3A_1988 = arith.minsi %min3A_1987, %max3A_1986 : vector<64x256xi32>
    %add3A_1989 = arith.addi %select_n3A_83, %select_n3A_1978 : vector<64x256xi32>
    %sub3A_1990 = arith.constant 4 : i32
    %sub3A_1991 = vector.broadcast %sub3A_1990 : i32 to vector<64x256xi32>
    %sub3A_1992 = arith.subi %add3A_1989, %sub3A_1991 : vector<64x256xi32>
    %jit3A_1993 = arith.constant 0 : i32
    %jit3A_1994 = arith.constant 127 : i32
    %max3A_1995 = vector.broadcast %jit3A_1993 : i32 to vector<64x256xi32>
    %max3A_1996 = arith.maxsi %max3A_1995, %sub3A_1992 : vector<64x256xi32>
    %min3A_1997 = vector.broadcast %jit3A_1994 : i32 to vector<64x256xi32>
    %min3A_1998 = arith.minsi %min3A_1997, %max3A_1996 : vector<64x256xi32>
    %mul3A_1999 = arith.constant 4096 : i32
    %mul3A_2000 = arith.muli %arg0, %mul3A_1999 : i32
    %mul3A_2001 = arith.constant 128 : i32
    %mul3A_2002 = vector.broadcast %mul3A_2001 : i32 to vector<64x256xi32>
    %mul3A_2003 = arith.muli %min3A_1988, %mul3A_2002 : vector<64x256xi32>
    %add3A_2004 = vector.broadcast %mul3A_2000 : i32 to vector<64x256xi32>
    %add3A_2005 = arith.addi %add3A_2004, %mul3A_2003 : vector<64x256xi32>
    %add3A_2006 = arith.addi %add3A_2005, %min3A_1998 : vector<64x256xi32>
    %swap3A_2007 = arith.constant 0 : index
    %swap3A_2008 = arith.constant 5 : index
    %swap3A_2009 = arith.constant 0 : index
    %swap3A_2010 = arith.constant 0 : index
    %swap3A_2011 = vector.load %arg7[%swap3A_2007, %swap3A_2008, %swap3A_2009, %swap3A_2010] : memref<1x8x64x256xi32, #tpu.memory_space<vmem>>, vector<1x1x64x256xi32>
    %swap3A_2012 = vector.shape_cast %swap3A_2011 : vector<1x1x64x256xi32> to vector<64x256xi32>
    %swap3A_2013 = vector.shape_cast %add3A_2006 : vector<64x256xi32> to vector<1x1x64x256xi32>
    tpu.vector_store %arg7[%swap3A_2007, %swap3A_2008, %swap3A_2009, %swap3A_2010], %swap3A_2013 {strides = array<i32>} : memref<1x8x64x256xi32, #tpu.memory_space<vmem>>, vector<1x1x64x256xi32>,
    %lt3A_2014 = arith.constant 1.000000e+04 : f32
    %lt3A_2015 = vector.broadcast %lt3A_2014 : f32 to vector<64x256xf32>
    %lt3A_2016 = arith.cmpf olt, %reduce_min3A_1911, %lt3A_2015 : vector<64x256xf32>
    %convert_element_type3A_2017 = arith.extui %lt3A_2016 : vector<64x256xi1> to vector<64x256xi32>
    %convert_element_type3A_2018 = arith.sitofp %convert_element_type3A_2017 : vector<64x256xi32> to vector<64x256xf32>
    %swap3A_2019 = arith.constant 0 : index
    %swap3A_2020 = arith.constant 5 : index
    %swap3A_2021 = arith.constant 0 : index
    %swap3A_2022 = arith.constant 0 : index
    %swap3A_2023 = vector.load %arg8[%swap3A_2019, %swap3A_2020, %swap3A_2021, %swap3A_2022] : memref<1x8x64x256xf32, #tpu.memory_space<vmem>>, vector<1x1x64x256xf32>
    %swap3A_2024 = vector.shape_cast %swap3A_2023 : vector<1x1x64x256xf32> to vector<64x256xf32>
    %swap3A_2025 = vector.shape_cast %convert_element_type3A_2018 : vector<64x256xf32> to vector<1x1x64x256xf32>
    tpu.vector_store %arg8[%swap3A_2019, %swap3A_2020, %swap3A_2021, %swap3A_2022], %swap3A_2025 {strides = array<i32>} : memref<1x8x64x256xf32, #tpu.memory_space<vmem>>, vector<1x1x64x256xf32>,
    %reduce_min3A_2026 = arith.constant dense<0x7F800000> : vector<64x256xf32>
    %reduce_min3A_2027 = vector.multi_reduction <minimumf>, %select_n3A_1925, %reduce_min3A_2026 [0] : vector<32x64x256xf32> to vector<64x256xf32>
    %broadcast_in_dim3A_2028 = vector.shape_cast %reduce_min3A_2027 : vector<64x256xf32> to vector<1x64x256xf32>
    %eq3A_2029 = vector.broadcast %broadcast_in_dim3A_2028 : vector<1x64x256xf32> to vector<32x64x256xf32>
    %eq3A_2030 = arith.cmpf oeq, %select_n3A_1925, %eq3A_2029 : vector<32x64x256xf32>
    %jit3A_2031 = arith.constant 32 : i32
    %broadcast_in_dim3A_2032 = vector.broadcast %jit3A_2031 : i32 to vector<32x64x256xi32>
    %select_n3A_2033 = arith.select %eq3A_2030, %iota3A_1335, %broadcast_in_dim3A_2032 : vector<32x64x256xi1>, vector<32x64x256xi32>
    %reduce_min3A_2034 = arith.constant dense<2147483647> : vector<64x256xi32>
    %reduce_min3A_2035 = vector.multi_reduction <minsi>, %select_n3A_2033, %reduce_min3A_2034 [0] : vector<32x64x256xi32> to vector<64x256xi32>
    %broadcast_in_dim3A_2036 = vector.shape_cast %reduce_min3A_2035 : vector<64x256xi32> to vector<1x64x256xi32>
    %eq3A_2037 = vector.broadcast %broadcast_in_dim3A_2036 : vector<1x64x256xi32> to vector<32x64x256xi32>
    %eq3A_2038 = arith.cmpi eq, %iota3A_1335, %eq3A_2037 : vector<32x64x256xi32>
    %jit3A_2039 = arith.constant 0x7F800000 : f32
    %broadcast_in_dim3A_2040 = vector.broadcast %jit3A_2039 : f32 to vector<32x64x256xf32>
    %select_n3A_2041 = arith.select %eq3A_2038, %broadcast_in_dim3A_2040, %select_n3A_1925 : vector<32x64x256xi1>, vector<32x64x256xf32>
    %jit3A_2042 = arith.constant 8 : i32
    %div3A_2043 = vector.broadcast %jit3A_2042 : i32 to vector<64x256xi32>
    %div3A_2044 = arith.divsi %reduce_min3A_2035, %div3A_2043 : vector<64x256xi32>
    %sign3A_2045 = arith.constant 0 : i32
    %sign3A_2046 = vector.broadcast %sign3A_2045 : i32 to vector<64x256xi32>
    %sign3A_2047 = arith.cmpi sgt, %reduce_min3A_2035, %sign3A_2046 : vector<64x256xi32>
    %sign3A_2048 = arith.extui %sign3A_2047 : vector<64x256xi1> to vector<64x256xi32>
    %sign3A_2049 = arith.constant 0 : i32
    %sign3A_2050 = vector.broadcast %sign3A_2049 : i32 to vector<64x256xi32>
    %sign3A_2051 = arith.cmpi slt, %reduce_min3A_2035, %sign3A_2050 : vector<64x256xi32>
    %sign3A_2052 = arith.extui %sign3A_2051 : vector<64x256xi1> to vector<64x256xi32>
    %sign3A_2053 = arith.subi %sign3A_2048, %sign3A_2052 : vector<64x256xi32>
    %sign3A_2054 = arith.constant 0 : i32
    %sign3A_2055 = arith.cmpi sgt, %jit3A_2042, %sign3A_2054 : i32
    %sign3A_2056 = arith.extui %sign3A_2055 : i1 to i32
    %sign3A_2057 = arith.constant 0 : i32
    %sign3A_2058 = arith.cmpi slt, %jit3A_2042, %sign3A_2057 : i32
    %sign3A_2059 = arith.extui %sign3A_2058 : i1 to i32
    %sign3A_2060 = arith.subi %sign3A_2056, %sign3A_2059 : i32
    %ne3A_2061 = vector.broadcast %sign3A_2060 : i32 to vector<64x256xi32>
    %ne3A_2062 = arith.cmpi ne, %sign3A_2053, %ne3A_2061 : vector<64x256xi32>
    %rem3A_2063 = vector.broadcast %jit3A_2042 : i32 to vector<64x256xi32>
    %rem3A_2064 = arith.remsi %reduce_min3A_2035, %rem3A_2063 : vector<64x256xi32>
    %ne3A_2065 = arith.constant 0 : i32
    %ne3A_2066 = vector.broadcast %ne3A_2065 : i32 to vector<64x256xi32>
    %ne3A_2067 = arith.cmpi ne, %rem3A_2064, %ne3A_2066 : vector<64x256xi32>
    %and3A_2068 = arith.andi %ne3A_2062, %ne3A_2067 : vector<64x256xi1>
    %sub3A_2069 = arith.constant 1 : i32
    %sub3A_2070 = vector.broadcast %sub3A_2069 : i32 to vector<64x256xi32>
    %sub3A_2071 = arith.subi %div3A_2044, %sub3A_2070 : vector<64x256xi32>
    %select_n3A_2072 = arith.select %and3A_2068, %sub3A_2071, %div3A_2044 : vector<64x256xi1>, vector<64x256xi32>
    %jit3A_2073 = arith.constant 8 : i32
    %eq3A_2074 = arith.constant 0 : i32
    %eq3A_2075 = arith.cmpi eq, %jit3A_2073, %eq3A_2074 : i32
    %jit3A_2076 = arith.constant 1 : i32
    %select_n3A_2077 = arith.select %eq3A_2075, %jit3A_2076, %jit3A_2073 : i32
    %rem3A_2078 = vector.broadcast %select_n3A_2077 : i32 to vector<64x256xi32>
    %rem3A_2079 = arith.remsi %reduce_min3A_2035, %rem3A_2078 : vector<64x256xi32>
    %ne3A_2080 = arith.constant 0 : i32
    %ne3A_2081 = vector.broadcast %ne3A_2080 : i32 to vector<64x256xi32>
    %ne3A_2082 = arith.cmpi ne, %rem3A_2079, %ne3A_2081 : vector<64x256xi32>
    %lt3A_2083 = arith.constant 0 : i32
    %lt3A_2084 = vector.broadcast %lt3A_2083 : i32 to vector<64x256xi32>
    %lt3A_2085 = arith.cmpi slt, %rem3A_2079, %lt3A_2084 : vector<64x256xi32>
    %lt3A_2086 = arith.constant 0 : i32
    %lt3A_2087 = arith.cmpi slt, %select_n3A_2077, %lt3A_2086 : i32
    %ne3A_2088 = vector.broadcast %lt3A_2087 : i1 to vector<64x256xi1>
    %ne3A_2089 = vector.broadcast %ne3A_2088 : vector<64x256xi1> to vector<64x256xi1>
    %ne3A_2090 = arith.xori %lt3A_2085, %ne3A_2089 : vector<64x256xi1>
    %and3A_2091 = arith.andi %ne3A_2090, %ne3A_2082 : vector<64x256xi1>
    %add3A_2092 = vector.broadcast %select_n3A_2077 : i32 to vector<64x256xi32>
    %add3A_2093 = arith.addi %rem3A_2079, %add3A_2092 : vector<64x256xi32>
    %select_n3A_2094 = arith.select %and3A_2091, %add3A_2093, %rem3A_2079 : vector<64x256xi1>, vector<64x256xi32>
    %add3A_2095 = arith.addi %select_n3A, %select_n3A_2072 : vector<64x256xi32>
    %sub3A_2096 = arith.constant 2 : i32
    %sub3A_2097 = vector.broadcast %sub3A_2096 : i32 to vector<64x256xi32>
    %sub3A_2098 = arith.subi %add3A_2095, %sub3A_2097 : vector<64x256xi32>
    %jit3A_2099 = arith.constant 0 : i32
    %jit3A_2100 = arith.constant 31 : i32
    %max3A_2101 = vector.broadcast %jit3A_2099 : i32 to vector<64x256xi32>
    %max3A_2102 = arith.maxsi %max3A_2101, %sub3A_2098 : vector<64x256xi32>
    %min3A_2103 = vector.broadcast %jit3A_2100 : i32 to vector<64x256xi32>
    %min3A_2104 = arith.minsi %min3A_2103, %max3A_2102 : vector<64x256xi32>
    %add3A_2105 = arith.addi %select_n3A_83, %select_n3A_2094 : vector<64x256xi32>
    %sub3A_2106 = arith.constant 4 : i32
    %sub3A_2107 = vector.broadcast %sub3A_2106 : i32 to vector<64x256xi32>
    %sub3A_2108 = arith.subi %add3A_2105, %sub3A_2107 : vector<64x256xi32>
    %jit3A_2109 = arith.constant 0 : i32
    %jit3A_2110 = arith.constant 127 : i32
    %max3A_2111 = vector.broadcast %jit3A_2109 : i32 to vector<64x256xi32>
    %max3A_2112 = arith.maxsi %max3A_2111, %sub3A_2108 : vector<64x256xi32>
    %min3A_2113 = vector.broadcast %jit3A_2110 : i32 to vector<64x256xi32>
    %min3A_2114 = arith.minsi %min3A_2113, %max3A_2112 : vector<64x256xi32>
    %mul3A_2115 = arith.constant 4096 : i32
    %mul3A_2116 = arith.muli %arg0, %mul3A_2115 : i32
    %mul3A_2117 = arith.constant 128 : i32
    %mul3A_2118 = vector.broadcast %mul3A_2117 : i32 to vector<64x256xi32>
    %mul3A_2119 = arith.muli %min3A_2104, %mul3A_2118 : vector<64x256xi32>
    %add3A_2120 = vector.broadcast %mul3A_2116 : i32 to vector<64x256xi32>
    %add3A_2121 = arith.addi %add3A_2120, %mul3A_2119 : vector<64x256xi32>
    %add3A_2122 = arith.addi %add3A_2121, %min3A_2114 : vector<64x256xi32>
    %swap3A_2123 = arith.constant 0 : index
    %swap3A_2124 = arith.constant 6 : index
    %swap3A_2125 = arith.constant 0 : index
    %swap3A_2126 = arith.constant 0 : index
    %swap3A_2127 = vector.load %arg7[%swap3A_2123, %swap3A_2124, %swap3A_2125, %swap3A_2126] : memref<1x8x64x256xi32, #tpu.memory_space<vmem>>, vector<1x1x64x256xi32>
    %swap3A_2128 = vector.shape_cast %swap3A_2127 : vector<1x1x64x256xi32> to vector<64x256xi32>
    %swap3A_2129 = vector.shape_cast %add3A_2122 : vector<64x256xi32> to vector<1x1x64x256xi32>
    tpu.vector_store %arg7[%swap3A_2123, %swap3A_2124, %swap3A_2125, %swap3A_2126], %swap3A_2129 {strides = array<i32>} : memref<1x8x64x256xi32, #tpu.memory_space<vmem>>, vector<1x1x64x256xi32>,
    %lt3A_2130 = arith.constant 1.000000e+04 : f32
    %lt3A_2131 = vector.broadcast %lt3A_2130 : f32 to vector<64x256xf32>
    %lt3A_2132 = arith.cmpf olt, %reduce_min3A_2027, %lt3A_2131 : vector<64x256xf32>
    %convert_element_type3A_2133 = arith.extui %lt3A_2132 : vector<64x256xi1> to vector<64x256xi32>
    %convert_element_type3A_2134 = arith.sitofp %convert_element_type3A_2133 : vector<64x256xi32> to vector<64x256xf32>
    %swap3A_2135 = arith.constant 0 : index
    %swap3A_2136 = arith.constant 6 : index
    %swap3A_2137 = arith.constant 0 : index
    %swap3A_2138 = arith.constant 0 : index
    %swap3A_2139 = vector.load %arg8[%swap3A_2135, %swap3A_2136, %swap3A_2137, %swap3A_2138] : memref<1x8x64x256xf32, #tpu.memory_space<vmem>>, vector<1x1x64x256xf32>
    %swap3A_2140 = vector.shape_cast %swap3A_2139 : vector<1x1x64x256xf32> to vector<64x256xf32>
    %swap3A_2141 = vector.shape_cast %convert_element_type3A_2134 : vector<64x256xf32> to vector<1x1x64x256xf32>
    tpu.vector_store %arg8[%swap3A_2135, %swap3A_2136, %swap3A_2137, %swap3A_2138], %swap3A_2141 {strides = array<i32>} : memref<1x8x64x256xf32, #tpu.memory_space<vmem>>, vector<1x1x64x256xf32>,
    %reduce_min3A_2142 = arith.constant dense<0x7F800000> : vector<64x256xf32>
    %reduce_min3A_2143 = vector.multi_reduction <minimumf>, %select_n3A_2041, %reduce_min3A_2142 [0] : vector<32x64x256xf32> to vector<64x256xf32>
    %broadcast_in_dim3A_2144 = vector.shape_cast %reduce_min3A_2143 : vector<64x256xf32> to vector<1x64x256xf32>
    %eq3A_2145 = vector.broadcast %broadcast_in_dim3A_2144 : vector<1x64x256xf32> to vector<32x64x256xf32>
    %eq3A_2146 = arith.cmpf oeq, %select_n3A_2041, %eq3A_2145 : vector<32x64x256xf32>
    %jit3A_2147 = arith.constant 32 : i32
    %broadcast_in_dim3A_2148 = vector.broadcast %jit3A_2147 : i32 to vector<32x64x256xi32>
    %select_n3A_2149 = arith.select %eq3A_2146, %iota3A_1335, %broadcast_in_dim3A_2148 : vector<32x64x256xi1>, vector<32x64x256xi32>
    %reduce_min3A_2150 = arith.constant dense<2147483647> : vector<64x256xi32>
    %reduce_min3A_2151 = vector.multi_reduction <minsi>, %select_n3A_2149, %reduce_min3A_2150 [0] : vector<32x64x256xi32> to vector<64x256xi32>
    %jit3A_2152 = arith.constant 8 : i32
    %div3A_2153 = vector.broadcast %jit3A_2152 : i32 to vector<64x256xi32>
    %div3A_2154 = arith.divsi %reduce_min3A_2151, %div3A_2153 : vector<64x256xi32>
    %sign3A_2155 = arith.constant 0 : i32
    %sign3A_2156 = vector.broadcast %sign3A_2155 : i32 to vector<64x256xi32>
    %sign3A_2157 = arith.cmpi sgt, %reduce_min3A_2151, %sign3A_2156 : vector<64x256xi32>
    %sign3A_2158 = arith.extui %sign3A_2157 : vector<64x256xi1> to vector<64x256xi32>
    %sign3A_2159 = arith.constant 0 : i32
    %sign3A_2160 = vector.broadcast %sign3A_2159 : i32 to vector<64x256xi32>
    %sign3A_2161 = arith.cmpi slt, %reduce_min3A_2151, %sign3A_2160 : vector<64x256xi32>
    %sign3A_2162 = arith.extui %sign3A_2161 : vector<64x256xi1> to vector<64x256xi32>
    %sign3A_2163 = arith.subi %sign3A_2158, %sign3A_2162 : vector<64x256xi32>
    %sign3A_2164 = arith.constant 0 : i32
    %sign3A_2165 = arith.cmpi sgt, %jit3A_2152, %sign3A_2164 : i32
    %sign3A_2166 = arith.extui %sign3A_2165 : i1 to i32
    %sign3A_2167 = arith.constant 0 : i32
    %sign3A_2168 = arith.cmpi slt, %jit3A_2152, %sign3A_2167 : i32
    %sign3A_2169 = arith.extui %sign3A_2168 : i1 to i32
    %sign3A_2170 = arith.subi %sign3A_2166, %sign3A_2169 : i32
    %ne3A_2171 = vector.broadcast %sign3A_2170 : i32 to vector<64x256xi32>
    %ne3A_2172 = arith.cmpi ne, %sign3A_2163, %ne3A_2171 : vector<64x256xi32>
    %rem3A_2173 = vector.broadcast %jit3A_2152 : i32 to vector<64x256xi32>
    %rem3A_2174 = arith.remsi %reduce_min3A_2151, %rem3A_2173 : vector<64x256xi32>
    %ne3A_2175 = arith.constant 0 : i32
    %ne3A_2176 = vector.broadcast %ne3A_2175 : i32 to vector<64x256xi32>
    %ne3A_2177 = arith.cmpi ne, %rem3A_2174, %ne3A_2176 : vector<64x256xi32>
    %and3A_2178 = arith.andi %ne3A_2172, %ne3A_2177 : vector<64x256xi1>
    %sub3A_2179 = arith.constant 1 : i32
    %sub3A_2180 = vector.broadcast %sub3A_2179 : i32 to vector<64x256xi32>
    %sub3A_2181 = arith.subi %div3A_2154, %sub3A_2180 : vector<64x256xi32>
    %select_n3A_2182 = arith.select %and3A_2178, %sub3A_2181, %div3A_2154 : vector<64x256xi1>, vector<64x256xi32>
    %jit3A_2183 = arith.constant 8 : i32
    %eq3A_2184 = arith.constant 0 : i32
    %eq3A_2185 = arith.cmpi eq, %jit3A_2183, %eq3A_2184 : i32
    %jit3A_2186 = arith.constant 1 : i32
    %select_n3A_2187 = arith.select %eq3A_2185, %jit3A_2186, %jit3A_2183 : i32
    %rem3A_2188 = vector.broadcast %select_n3A_2187 : i32 to vector<64x256xi32>
    %rem3A_2189 = arith.remsi %reduce_min3A_2151, %rem3A_2188 : vector<64x256xi32>
    %ne3A_2190 = arith.constant 0 : i32
    %ne3A_2191 = vector.broadcast %ne3A_2190 : i32 to vector<64x256xi32>
    %ne3A_2192 = arith.cmpi ne, %rem3A_2189, %ne3A_2191 : vector<64x256xi32>
    %lt3A_2193 = arith.constant 0 : i32
    %lt3A_2194 = vector.broadcast %lt3A_2193 : i32 to vector<64x256xi32>
    %lt3A_2195 = arith.cmpi slt, %rem3A_2189, %lt3A_2194 : vector<64x256xi32>
    %lt3A_2196 = arith.constant 0 : i32
    %lt3A_2197 = arith.cmpi slt, %select_n3A_2187, %lt3A_2196 : i32
    %ne3A_2198 = vector.broadcast %lt3A_2197 : i1 to vector<64x256xi1>
    %ne3A_2199 = vector.broadcast %ne3A_2198 : vector<64x256xi1> to vector<64x256xi1>
    %ne3A_2200 = arith.xori %lt3A_2195, %ne3A_2199 : vector<64x256xi1>
    %and3A_2201 = arith.andi %ne3A_2200, %ne3A_2192 : vector<64x256xi1>
    %add3A_2202 = vector.broadcast %select_n3A_2187 : i32 to vector<64x256xi32>
    %add3A_2203 = arith.addi %rem3A_2189, %add3A_2202 : vector<64x256xi32>
    %select_n3A_2204 = arith.select %and3A_2201, %add3A_2203, %rem3A_2189 : vector<64x256xi1>, vector<64x256xi32>
    %add3A_2205 = arith.addi %select_n3A, %select_n3A_2182 : vector<64x256xi32>
    %sub3A_2206 = arith.constant 2 : i32
    %sub3A_2207 = vector.broadcast %sub3A_2206 : i32 to vector<64x256xi32>
    %sub3A_2208 = arith.subi %add3A_2205, %sub3A_2207 : vector<64x256xi32>
    %jit3A_2209 = arith.constant 0 : i32
    %jit3A_2210 = arith.constant 31 : i32
    %max3A_2211 = vector.broadcast %jit3A_2209 : i32 to vector<64x256xi32>
    %max3A_2212 = arith.maxsi %max3A_2211, %sub3A_2208 : vector<64x256xi32>
    %min3A_2213 = vector.broadcast %jit3A_2210 : i32 to vector<64x256xi32>
    %min3A_2214 = arith.minsi %min3A_2213, %max3A_2212 : vector<64x256xi32>
    %add3A_2215 = arith.addi %select_n3A_83, %select_n3A_2204 : vector<64x256xi32>
    %sub3A_2216 = arith.constant 4 : i32
    %sub3A_2217 = vector.broadcast %sub3A_2216 : i32 to vector<64x256xi32>
    %sub3A_2218 = arith.subi %add3A_2215, %sub3A_2217 : vector<64x256xi32>
    %jit3A_2219 = arith.constant 0 : i32
    %jit3A_2220 = arith.constant 127 : i32
    %max3A_2221 = vector.broadcast %jit3A_2219 : i32 to vector<64x256xi32>
    %max3A_2222 = arith.maxsi %max3A_2221, %sub3A_2218 : vector<64x256xi32>
    %min3A_2223 = vector.broadcast %jit3A_2220 : i32 to vector<64x256xi32>
    %min3A_2224 = arith.minsi %min3A_2223, %max3A_2222 : vector<64x256xi32>
    %mul3A_2225 = arith.constant 4096 : i32
    %mul3A_2226 = arith.muli %arg0, %mul3A_2225 : i32
    %mul3A_2227 = arith.constant 128 : i32
    %mul3A_2228 = vector.broadcast %mul3A_2227 : i32 to vector<64x256xi32>
    %mul3A_2229 = arith.muli %min3A_2214, %mul3A_2228 : vector<64x256xi32>
    %add3A_2230 = vector.broadcast %mul3A_2226 : i32 to vector<64x256xi32>
    %add3A_2231 = arith.addi %add3A_2230, %mul3A_2229 : vector<64x256xi32>
    %add3A_2232 = arith.addi %add3A_2231, %min3A_2224 : vector<64x256xi32>
    %swap3A_2233 = arith.constant 0 : index
    %swap3A_2234 = arith.constant 7 : index
    %swap3A_2235 = arith.constant 0 : index
    %swap3A_2236 = arith.constant 0 : index
    %swap3A_2237 = vector.load %arg7[%swap3A_2233, %swap3A_2234, %swap3A_2235, %swap3A_2236] : memref<1x8x64x256xi32, #tpu.memory_space<vmem>>, vector<1x1x64x256xi32>
    %swap3A_2238 = vector.shape_cast %swap3A_2237 : vector<1x1x64x256xi32> to vector<64x256xi32>
    %swap3A_2239 = vector.shape_cast %add3A_2232 : vector<64x256xi32> to vector<1x1x64x256xi32>
    tpu.vector_store %arg7[%swap3A_2233, %swap3A_2234, %swap3A_2235, %swap3A_2236], %swap3A_2239 {strides = array<i32>} : memref<1x8x64x256xi32, #tpu.memory_space<vmem>>, vector<1x1x64x256xi32>,
    %lt3A_2240 = arith.constant 1.000000e+04 : f32
    %lt3A_2241 = vector.broadcast %lt3A_2240 : f32 to vector<64x256xf32>
    %lt3A_2242 = arith.cmpf olt, %reduce_min3A_2143, %lt3A_2241 : vector<64x256xf32>
    %convert_element_type3A_2243 = arith.extui %lt3A_2242 : vector<64x256xi1> to vector<64x256xi32>
    %convert_element_type3A_2244 = arith.sitofp %convert_element_type3A_2243 : vector<64x256xi32> to vector<64x256xf32>
    %swap3A_2245 = arith.constant 0 : index
    %swap3A_2246 = arith.constant 7 : index
    %swap3A_2247 = arith.constant 0 : index
    %swap3A_2248 = arith.constant 0 : index
    %swap3A_2249 = vector.load %arg8[%swap3A_2245, %swap3A_2246, %swap3A_2247, %swap3A_2248] : memref<1x8x64x256xf32, #tpu.memory_space<vmem>>, vector<1x1x64x256xf32>
    %swap3A_2250 = vector.shape_cast %swap3A_2249 : vector<1x1x64x256xf32> to vector<64x256xf32>
    %swap3A_2251 = vector.shape_cast %convert_element_type3A_2244 : vector<64x256xf32> to vector<1x1x64x256xf32>
    tpu.vector_store %arg8[%swap3A_2245, %swap3A_2246, %swap3A_2247, %swap3A_2248], %swap3A_2251 {strides = array<i32>} : memref<1x8x64x256xf32, #tpu.memory_space<vmem>>, vector<1x1x64x256xf32>,
    return
  }
  func.func @transform_0(%arg0: i32) -> (i32, i32, i32) {
    %c0_i32 = arith.constant 0 : i32
    %c0_i32_0 = arith.constant 0 : i32
    %c0_i32_1 = arith.constant 0 : i32
    return %arg0, %c0_i32, %c0_i32_0 : i32, i32, i32
  }
  func.func @transform_1(%arg0: i32) -> (i32, i32, i32) {
    %c0_i32 = arith.constant 0 : i32
    %c0_i32_0 = arith.constant 0 : i32
    %c0_i32_1 = arith.constant 0 : i32
    return %arg0, %c0_i32, %c0_i32_0 : i32, i32, i32
  }
  func.func @transform_2(%arg0: i32) -> (i32, i32, i32) {
    %c0_i32 = arith.constant 0 : i32
    %c0_i32_0 = arith.constant 0 : i32
    %c0_i32_1 = arith.constant 0 : i32
    return %arg0, %c0_i32, %c0_i32_0 : i32, i32, i32
  }
  func.func @transform_3(%arg0: i32) -> (i32, i32, i32) {
    %c0_i32 = arith.constant 0 : i32
    %c0_i32_0 = arith.constant 0 : i32
    %c0_i32_1 = arith.constant 0 : i32
    return %arg0, %c0_i32, %c0_i32_0 : i32, i32, i32
  }
  func.func @transform_4(%arg0: i32) -> (i32, i32, i32) {
    %c0_i32 = arith.constant 0 : i32
    %c0_i32_0 = arith.constant 0 : i32
    %c0_i32_1 = arith.constant 0 : i32
    return %arg0, %c0_i32, %c0_i32_0 : i32, i32, i32
  }
  func.func @transform_5(%arg0: i32) -> (i32, i32, i32) {
    %c0_i32 = arith.constant 0 : i32
    %c0_i32_0 = arith.constant 0 : i32
    %c0_i32_1 = arith.constant 0 : i32
    return %arg0, %c0_i32, %c0_i32_0 : i32, i32, i32
  }
  func.func @transform_6(%arg0: i32) -> (i32, i32, i32, i32) {
    %c0_i32 = arith.constant 0 : i32
    %c0_i32_0 = arith.constant 0 : i32
    %c0_i32_1 = arith.constant 0 : i32
    %c0_i32_2 = arith.constant 0 : i32
    return %arg0, %c0_i32, %c0_i32_0, %c0_i32_1 : i32, i32, i32, i32
  }
  func.func @transform_7(%arg0: i32) -> (i32, i32, i32, i32) {
    %c0_i32 = arith.constant 0 : i32
    %c0_i32_0 = arith.constant 0 : i32
    %c0_i32_1 = arith.constant 0 : i32
    %c0_i32_2 = arith.constant 0 : i32
    return %arg0, %c0_i32, %c0_i32_0, %c0_i32_1 : i32, i32, i32, i32
  }
}

module attributes {stable_mosaic.version = 14 : i64} {
  func.func @_l0_body(%arg0: i32, %arg1: i32, %arg2: memref<1x8x2048x128xf32, #tpu.memory_space<vmem>>, %arg3: memref<1x8x2048xf32, #tpu.memory_space<vmem>>, %arg4: memref<1x2048x128xf32, #tpu.memory_space<vmem>>, %arg5: memref<128x128xf32, #tpu.memory_space<vmem>>, %arg6: memref<1x128xf32, #tpu.memory_space<vmem>>, %arg7: memref<1x8x2048x128xbf16, #tpu.memory_space<vmem>>, %arg8: memref<2x128xf32, #tpu.memory_space<vmem>>) attributes {dimension_semantics = [#tpu.dimension_semantics<arbitrary>, #tpu.dimension_semantics<arbitrary>], iteration_bounds = array<i64: 2, 8>, scalar_prefetch = 0 : i64, scratch_operands = 0 : i64, tpu.core_type = #tpu.core_type<tc>, window_params = [{transform_indices = @transform_0, window_bounds = array<i64: 1, 8, 2048, 128>}, {transform_indices = @transform_1, window_bounds = array<i64: 1, 8, 2048>}, {transform_indices = @transform_2, window_bounds = array<i64: 1, 2048, 128>}, {pipeline_mode = #tpu.pipeline_mode<synchronous>, transform_indices = @transform_3, window_bounds = array<i64: 128, 128>}, {pipeline_mode = #tpu.pipeline_mode<synchronous>, transform_indices = @transform_4, window_bounds = array<i64: 1, 128>}, {transform_indices = @transform_5, window_bounds = array<i64: 1, 8, 2048, 128>}, {pipeline_mode = #tpu.pipeline_mode<synchronous>, transform_indices = @transform_6, window_bounds = array<i64: 2, 128>}]} {
    %get3A = arith.constant 0 : index
    %get3A_0 = arith.constant 0 : index
    %get3A_1 = arith.constant 0 : index
    %get3A_2 = arith.constant 0 : index
    %get3A_3 = vector.load %arg2[%get3A, %get3A_0, %get3A_1, %get3A_2] : memref<1x8x2048x128xf32, #tpu.memory_space<vmem>>, vector<1x8x2048x128xf32>
    %get3A_4 = vector.shape_cast %get3A_3 : vector<1x8x2048x128xf32> to vector<8x2048x128xf32>
    %get3A_5 = arith.constant 0 : index
    %get3A_6 = arith.constant 0 : index
    %get3A_7 = arith.constant 0 : index
    %get3A_8 = vector.load %arg3[%get3A_5, %get3A_6, %get3A_7] : memref<1x8x2048xf32, #tpu.memory_space<vmem>>, vector<1x8x2048xf32>
    %get3A_9 = vector.shape_cast %get3A_8 : vector<1x8x2048xf32> to vector<8x2048xf32>
    %broadcast_in_dim3A = vector.shape_cast %get3A_9 : vector<8x2048xf32> to vector<8x2048x1xf32>
    %mul3A = vector.broadcast %broadcast_in_dim3A : vector<8x2048x1xf32> to vector<8x2048x128xf32>
    %mul3A_10 = arith.mulf %get3A_4, %mul3A : vector<8x2048x128xf32>
    %get3A_11 = arith.constant 0 : index
    %get3A_12 = arith.constant 0 : index
    %get3A_13 = arith.constant 0 : index
    %get3A_14 = vector.load %arg4[%get3A_11, %get3A_12, %get3A_13] : memref<1x2048x128xf32, #tpu.memory_space<vmem>>, vector<1x2048x128xf32>
    %get3A_15 = vector.shape_cast %get3A_14 : vector<1x2048x128xf32> to vector<2048x128xf32>
    %broadcast_in_dim3A_16 = vector.shape_cast %get3A_15 : vector<2048x128xf32> to vector<1x2048x128xf32>
    %sub3A = vector.broadcast %broadcast_in_dim3A_16 : vector<1x2048x128xf32> to vector<8x2048x128xf32>
    %sub3A_17 = arith.subf %mul3A_10, %sub3A : vector<8x2048x128xf32>
    %reshape3A = vector.shape_cast %sub3A_17 : vector<8x2048x128xf32> to vector<16384x128xf32>
    %get3A_18 = arith.constant 0 : index
    %get3A_19 = arith.constant 0 : index
    %get3A_20 = vector.load %arg5[%get3A_18, %get3A_19] : memref<128x128xf32, #tpu.memory_space<vmem>>, vector<128x128xf32>
    %dot_general3A = arith.constant dense<0.000000e+00> : vector<16384x128xf32>
    %dot_general3A_21 = tpu.matmul %reshape3A, %get3A_20, %dot_general3A {dimension_numbers = #tpu.dot_dimension_numbers<[1], [0], [0], [1], [0, 0, 1, 1], [], []>, transpose_lhs_hint = false} : vector<16384x128xf32>, vector<128x128xf32>, vector<16384x128xf32> -> vector<16384x128xf32>
    %get3A_22 = arith.constant 0 : index
    %get3A_23 = arith.constant 0 : index
    %get3A_24 = vector.load %arg6[%get3A_22, %get3A_23] : memref<1x128xf32, #tpu.memory_space<vmem>>, vector<1x128xf32>
    %get3A_25 = vector.shape_cast %get3A_24 : vector<1x128xf32> to vector<128xf32>
    %broadcast_in_dim3A_26 = vector.shape_cast %get3A_25 : vector<128xf32> to vector<1x128xf32>
    %add3A = vector.broadcast %broadcast_in_dim3A_26 : vector<1x128xf32> to vector<16384x128xf32>
    %add3A_27 = arith.addf %dot_general3A_21, %add3A : vector<16384x128xf32>
    %reshape3A_28 = vector.shape_cast %add3A_27 : vector<16384x128xf32> to vector<8x2048x128xf32>
    %convert_element_type3A = arith.truncf %reshape3A_28 : vector<8x2048x128xf32> to vector<8x2048x128xbf16>
    %swap3A = arith.constant 0 : index
    %swap3A_29 = arith.constant 0 : index
    %swap3A_30 = arith.constant 0 : index
    %swap3A_31 = arith.constant 0 : index
    %swap3A_32 = vector.load %arg7[%swap3A, %swap3A_29, %swap3A_30, %swap3A_31] : memref<1x8x2048x128xbf16, #tpu.memory_space<vmem>>, vector<1x8x2048x128xbf16>
    %swap3A_33 = vector.shape_cast %swap3A_32 : vector<1x8x2048x128xbf16> to vector<8x2048x128xbf16>
    %swap3A_34 = vector.shape_cast %convert_element_type3A : vector<8x2048x128xbf16> to vector<1x8x2048x128xbf16>
    tpu.vector_store %arg7[%swap3A, %swap3A_29, %swap3A_30, %swap3A_31], %swap3A_34 {strides = array<i32>} : memref<1x8x2048x128xbf16, #tpu.memory_space<vmem>>, vector<1x8x2048x128xbf16>,
    %reduce_sum3A = arith.constant dense<0.000000e+00> : vector<128xf32>
    %reduce_sum3A_35 = vector.multi_reduction <add>, %add3A_27, %reduce_sum3A [0] : vector<16384x128xf32> to vector<128xf32>
    %broadcast_in_dim3A_36 = vector.shape_cast %reduce_sum3A_35 : vector<128xf32> to vector<1x128xf32>
    %mul3A_37 = arith.mulf %add3A_27, %add3A_27 : vector<16384x128xf32>
    %reduce_sum3A_38 = arith.constant dense<0.000000e+00> : vector<128xf32>
    %reduce_sum3A_39 = vector.multi_reduction <add>, %mul3A_37, %reduce_sum3A_38 [0] : vector<16384x128xf32> to vector<128xf32>
    %broadcast_in_dim3A_40 = vector.shape_cast %reduce_sum3A_39 : vector<128xf32> to vector<1x128xf32>
    %concatenate3A = tpu.concatenate %broadcast_in_dim3A_36, %broadcast_in_dim3A_40 in 0 : vector<1x128xf32>, vector<1x128xf32> -> vector<2x128xf32>
    %eq3A = arith.constant 0 : i32
    %eq3A_41 = arith.cmpi eq, %arg0, %eq3A : i32
    %eq3A_42 = arith.constant 0 : i32
    %eq3A_43 = arith.cmpi eq, %arg1, %eq3A_42 : i32
    %and3A = arith.andi %eq3A_41, %eq3A_43 : i1
    %convert_element_type3A_44 = arith.extui %and3A : i1 to i32
    %cond3A = arith.constant 0 : i32
    %cond3A_45 = arith.cmpi ne, %convert_element_type3A_44, %cond3A : i32
    scf.if %cond3A_45 {
      %swap3A_50 = arith.constant 0 : index
      %swap3A_51 = arith.constant 0 : index
      %swap3A_52 = vector.load %arg8[%swap3A_50, %swap3A_51] : memref<2x128xf32, #tpu.memory_space<vmem>>, vector<2x128xf32>
      tpu.vector_store %arg8[%swap3A_50, %swap3A_51], %concatenate3A {strides = array<i32>} : memref<2x128xf32, #tpu.memory_space<vmem>>, vector<2x128xf32>,
    } else {
    }
    %not3A = arith.constant true
    %not3A_46 = arith.xori %and3A, %not3A : i1
    %convert_element_type3A_47 = arith.extui %not3A_46 : i1 to i32
    %cond3A_48 = arith.constant 0 : i32
    %cond3A_49 = arith.cmpi ne, %convert_element_type3A_47, %cond3A_48 : i32
    scf.if %cond3A_49 {
      %get3A_50 = arith.constant 0 : index
      %get3A_51 = arith.constant 0 : index
      %get3A_52 = vector.load %arg8[%get3A_50, %get3A_51] : memref<2x128xf32, #tpu.memory_space<vmem>>, vector<2x128xf32>
      %add3A_53 = arith.addf %get3A_52, %concatenate3A : vector<2x128xf32>
      %swap3A_54 = arith.constant 0 : index
      %swap3A_55 = arith.constant 0 : index
      %swap3A_56 = vector.load %arg8[%swap3A_54, %swap3A_55] : memref<2x128xf32, #tpu.memory_space<vmem>>, vector<2x128xf32>
      tpu.vector_store %arg8[%swap3A_54, %swap3A_55], %add3A_53 {strides = array<i32>} : memref<2x128xf32, #tpu.memory_space<vmem>>, vector<2x128xf32>,
    } else {
    }
    return
  }
  func.func @transform_0(%arg0: i32, %arg1: i32) -> (i32, i32, i32, i32) {
    %c0_i32 = arith.constant 0 : i32
    %c0_i32_0 = arith.constant 0 : i32
    %c0_i32_1 = arith.constant 0 : i32
    return %arg0, %c0_i32, %arg1, %c0_i32_0 : i32, i32, i32, i32
  }
  func.func @transform_1(%arg0: i32, %arg1: i32) -> (i32, i32, i32) {
    %c0_i32 = arith.constant 0 : i32
    %c0_i32_0 = arith.constant 0 : i32
    return %arg0, %c0_i32, %arg1 : i32, i32, i32
  }
  func.func @transform_2(%arg0: i32, %arg1: i32) -> (i32, i32, i32) {
    %c0_i32 = arith.constant 0 : i32
    %c0_i32_0 = arith.constant 0 : i32
    return %arg0, %arg1, %c0_i32 : i32, i32, i32
  }
  func.func @transform_3(%arg0: i32, %arg1: i32) -> (i32, i32) {
    %c0_i32 = arith.constant 0 : i32
    %c0_i32_0 = arith.constant 0 : i32
    %c0_i32_1 = arith.constant 0 : i32
    return %c0_i32, %c0_i32_0 : i32, i32
  }
  func.func @transform_4(%arg0: i32, %arg1: i32) -> (i32, i32) {
    %c0_i32 = arith.constant 0 : i32
    %c0_i32_0 = arith.constant 0 : i32
    %c0_i32_1 = arith.constant 0 : i32
    return %c0_i32, %c0_i32_0 : i32, i32
  }
  func.func @transform_5(%arg0: i32, %arg1: i32) -> (i32, i32, i32, i32) {
    %c0_i32 = arith.constant 0 : i32
    %c0_i32_0 = arith.constant 0 : i32
    %c0_i32_1 = arith.constant 0 : i32
    return %arg0, %c0_i32, %arg1, %c0_i32_0 : i32, i32, i32, i32
  }
  func.func @transform_6(%arg0: i32, %arg1: i32) -> (i32, i32) {
    %c0_i32 = arith.constant 0 : i32
    %c0_i32_0 = arith.constant 0 : i32
    %c0_i32_1 = arith.constant 0 : i32
    return %c0_i32, %c0_i32_0 : i32, i32
  }
}

module attributes {stable_mosaic.version = 14 : i64} {
  func.func @_mid_body(%arg0: i32, %arg1: i32, %arg2: memref<1x8x2048x128xbf16, #tpu.memory_space<vmem>>, %arg3: memref<1x128xf32, #tpu.memory_space<vmem>>, %arg4: memref<1x128xf32, #tpu.memory_space<vmem>>, %arg5: memref<128x128xf32, #tpu.memory_space<vmem>>, %arg6: memref<1x128xf32, #tpu.memory_space<vmem>>, %arg7: memref<1x8x2048x128xbf16, #tpu.memory_space<vmem>>, %arg8: memref<2x128xf32, #tpu.memory_space<vmem>>) attributes {dimension_semantics = [#tpu.dimension_semantics<arbitrary>, #tpu.dimension_semantics<arbitrary>], iteration_bounds = array<i64: 2, 8>, scalar_prefetch = 0 : i64, scratch_operands = 0 : i64, tpu.core_type = #tpu.core_type<tc>, window_params = [{transform_indices = @transform_0, window_bounds = array<i64: 1, 8, 2048, 128>}, {pipeline_mode = #tpu.pipeline_mode<synchronous>, transform_indices = @transform_1, window_bounds = array<i64: 1, 128>}, {pipeline_mode = #tpu.pipeline_mode<synchronous>, transform_indices = @transform_2, window_bounds = array<i64: 1, 128>}, {pipeline_mode = #tpu.pipeline_mode<synchronous>, transform_indices = @transform_3, window_bounds = array<i64: 128, 128>}, {pipeline_mode = #tpu.pipeline_mode<synchronous>, transform_indices = @transform_4, window_bounds = array<i64: 1, 128>}, {transform_indices = @transform_5, window_bounds = array<i64: 1, 8, 2048, 128>}, {pipeline_mode = #tpu.pipeline_mode<synchronous>, transform_indices = @transform_6, window_bounds = array<i64: 2, 128>}]} {
    %get3A = arith.constant 0 : index
    %get3A_0 = arith.constant 0 : index
    %get3A_1 = arith.constant 0 : index
    %get3A_2 = arith.constant 0 : index
    %get3A_3 = vector.load %arg2[%get3A, %get3A_0, %get3A_1, %get3A_2] : memref<1x8x2048x128xbf16, #tpu.memory_space<vmem>>, vector<1x8x2048x128xbf16>
    %get3A_4 = vector.shape_cast %get3A_3 : vector<1x8x2048x128xbf16> to vector<8x2048x128xbf16>
    %reshape3A = vector.shape_cast %get3A_4 : vector<8x2048x128xbf16> to vector<16384x128xbf16>
    %convert_element_type3A = arith.extf %reshape3A : vector<16384x128xbf16> to vector<16384x128xf32>
    %get3A_5 = arith.constant 0 : index
    %get3A_6 = arith.constant 0 : index
    %get3A_7 = vector.load %arg3[%get3A_5, %get3A_6] : memref<1x128xf32, #tpu.memory_space<vmem>>, vector<1x128xf32>
    %get3A_8 = vector.shape_cast %get3A_7 : vector<1x128xf32> to vector<128xf32>
    %broadcast_in_dim3A = vector.shape_cast %get3A_8 : vector<128xf32> to vector<1x128xf32>
    %mul3A = vector.broadcast %broadcast_in_dim3A : vector<1x128xf32> to vector<16384x128xf32>
    %mul3A_9 = arith.mulf %convert_element_type3A, %mul3A : vector<16384x128xf32>
    %get3A_10 = arith.constant 0 : index
    %get3A_11 = arith.constant 0 : index
    %get3A_12 = vector.load %arg4[%get3A_10, %get3A_11] : memref<1x128xf32, #tpu.memory_space<vmem>>, vector<1x128xf32>
    %get3A_13 = vector.shape_cast %get3A_12 : vector<1x128xf32> to vector<128xf32>
    %broadcast_in_dim3A_14 = vector.shape_cast %get3A_13 : vector<128xf32> to vector<1x128xf32>
    %add3A = vector.broadcast %broadcast_in_dim3A_14 : vector<1x128xf32> to vector<16384x128xf32>
    %add3A_15 = arith.addf %mul3A_9, %add3A : vector<16384x128xf32>
    %max3A = arith.constant 0.000000e+00 : f32
    %max3A_16 = vector.broadcast %max3A : f32 to vector<16384x128xf32>
    %max3A_17 = arith.maximumf %add3A_15, %max3A_16 : vector<16384x128xf32>
    %get3A_18 = arith.constant 0 : index
    %get3A_19 = arith.constant 0 : index
    %get3A_20 = vector.load %arg5[%get3A_18, %get3A_19] : memref<128x128xf32, #tpu.memory_space<vmem>>, vector<128x128xf32>
    %dot_general3A = arith.constant dense<0.000000e+00> : vector<16384x128xf32>
    %dot_general3A_21 = tpu.matmul %max3A_17, %get3A_20, %dot_general3A {dimension_numbers = #tpu.dot_dimension_numbers<[1], [0], [0], [1], [0, 0, 1, 1], [], []>, transpose_lhs_hint = false} : vector<16384x128xf32>, vector<128x128xf32>, vector<16384x128xf32> -> vector<16384x128xf32>
    %get3A_22 = arith.constant 0 : index
    %get3A_23 = arith.constant 0 : index
    %get3A_24 = vector.load %arg6[%get3A_22, %get3A_23] : memref<1x128xf32, #tpu.memory_space<vmem>>, vector<1x128xf32>
    %get3A_25 = vector.shape_cast %get3A_24 : vector<1x128xf32> to vector<128xf32>
    %broadcast_in_dim3A_26 = vector.shape_cast %get3A_25 : vector<128xf32> to vector<1x128xf32>
    %add3A_27 = vector.broadcast %broadcast_in_dim3A_26 : vector<1x128xf32> to vector<16384x128xf32>
    %add3A_28 = arith.addf %dot_general3A_21, %add3A_27 : vector<16384x128xf32>
    %reshape3A_29 = vector.shape_cast %add3A_28 : vector<16384x128xf32> to vector<8x2048x128xf32>
    %convert_element_type3A_30 = arith.truncf %reshape3A_29 : vector<8x2048x128xf32> to vector<8x2048x128xbf16>
    %swap3A = arith.constant 0 : index
    %swap3A_31 = arith.constant 0 : index
    %swap3A_32 = arith.constant 0 : index
    %swap3A_33 = arith.constant 0 : index
    %swap3A_34 = vector.load %arg7[%swap3A, %swap3A_31, %swap3A_32, %swap3A_33] : memref<1x8x2048x128xbf16, #tpu.memory_space<vmem>>, vector<1x8x2048x128xbf16>
    %swap3A_35 = vector.shape_cast %swap3A_34 : vector<1x8x2048x128xbf16> to vector<8x2048x128xbf16>
    %swap3A_36 = vector.shape_cast %convert_element_type3A_30 : vector<8x2048x128xbf16> to vector<1x8x2048x128xbf16>
    tpu.vector_store %arg7[%swap3A, %swap3A_31, %swap3A_32, %swap3A_33], %swap3A_36 {strides = array<i32>} : memref<1x8x2048x128xbf16, #tpu.memory_space<vmem>>, vector<1x8x2048x128xbf16>,
    %reduce_sum3A = arith.constant dense<0.000000e+00> : vector<128xf32>
    %reduce_sum3A_37 = vector.multi_reduction <add>, %add3A_28, %reduce_sum3A [0] : vector<16384x128xf32> to vector<128xf32>
    %broadcast_in_dim3A_38 = vector.shape_cast %reduce_sum3A_37 : vector<128xf32> to vector<1x128xf32>
    %mul3A_39 = arith.mulf %add3A_28, %add3A_28 : vector<16384x128xf32>
    %reduce_sum3A_40 = arith.constant dense<0.000000e+00> : vector<128xf32>
    %reduce_sum3A_41 = vector.multi_reduction <add>, %mul3A_39, %reduce_sum3A_40 [0] : vector<16384x128xf32> to vector<128xf32>
    %broadcast_in_dim3A_42 = vector.shape_cast %reduce_sum3A_41 : vector<128xf32> to vector<1x128xf32>
    %concatenate3A = tpu.concatenate %broadcast_in_dim3A_38, %broadcast_in_dim3A_42 in 0 : vector<1x128xf32>, vector<1x128xf32> -> vector<2x128xf32>
    %eq3A = arith.constant 0 : i32
    %eq3A_43 = arith.cmpi eq, %arg0, %eq3A : i32
    %eq3A_44 = arith.constant 0 : i32
    %eq3A_45 = arith.cmpi eq, %arg1, %eq3A_44 : i32
    %and3A = arith.andi %eq3A_43, %eq3A_45 : i1
    %convert_element_type3A_46 = arith.extui %and3A : i1 to i32
    %cond3A = arith.constant 0 : i32
    %cond3A_47 = arith.cmpi ne, %convert_element_type3A_46, %cond3A : i32
    scf.if %cond3A_47 {
      %swap3A_52 = arith.constant 0 : index
      %swap3A_53 = arith.constant 0 : index
      %swap3A_54 = vector.load %arg8[%swap3A_52, %swap3A_53] : memref<2x128xf32, #tpu.memory_space<vmem>>, vector<2x128xf32>
      tpu.vector_store %arg8[%swap3A_52, %swap3A_53], %concatenate3A {strides = array<i32>} : memref<2x128xf32, #tpu.memory_space<vmem>>, vector<2x128xf32>,
    } else {
    }
    %not3A = arith.constant true
    %not3A_48 = arith.xori %and3A, %not3A : i1
    %convert_element_type3A_49 = arith.extui %not3A_48 : i1 to i32
    %cond3A_50 = arith.constant 0 : i32
    %cond3A_51 = arith.cmpi ne, %convert_element_type3A_49, %cond3A_50 : i32
    scf.if %cond3A_51 {
      %get3A_52 = arith.constant 0 : index
      %get3A_53 = arith.constant 0 : index
      %get3A_54 = vector.load %arg8[%get3A_52, %get3A_53] : memref<2x128xf32, #tpu.memory_space<vmem>>, vector<2x128xf32>
      %add3A_55 = arith.addf %get3A_54, %concatenate3A : vector<2x128xf32>
      %swap3A_56 = arith.constant 0 : index
      %swap3A_57 = arith.constant 0 : index
      %swap3A_58 = vector.load %arg8[%swap3A_56, %swap3A_57] : memref<2x128xf32, #tpu.memory_space<vmem>>, vector<2x128xf32>
      tpu.vector_store %arg8[%swap3A_56, %swap3A_57], %add3A_55 {strides = array<i32>} : memref<2x128xf32, #tpu.memory_space<vmem>>, vector<2x128xf32>,
    } else {
    }
    return
  }
  func.func @transform_0(%arg0: i32, %arg1: i32) -> (i32, i32, i32, i32) {
    %c0_i32 = arith.constant 0 : i32
    %c0_i32_0 = arith.constant 0 : i32
    %c0_i32_1 = arith.constant 0 : i32
    return %arg0, %c0_i32, %arg1, %c0_i32_0 : i32, i32, i32, i32
  }
  func.func @transform_1(%arg0: i32, %arg1: i32) -> (i32, i32) {
    %c0_i32 = arith.constant 0 : i32
    %c0_i32_0 = arith.constant 0 : i32
    %c0_i32_1 = arith.constant 0 : i32
    return %c0_i32, %c0_i32_0 : i32, i32
  }
  func.func @transform_2(%arg0: i32, %arg1: i32) -> (i32, i32) {
    %c0_i32 = arith.constant 0 : i32
    %c0_i32_0 = arith.constant 0 : i32
    %c0_i32_1 = arith.constant 0 : i32
    return %c0_i32, %c0_i32_0 : i32, i32
  }
  func.func @transform_3(%arg0: i32, %arg1: i32) -> (i32, i32) {
    %c0_i32 = arith.constant 0 : i32
    %c0_i32_0 = arith.constant 0 : i32
    %c0_i32_1 = arith.constant 0 : i32
    return %c0_i32, %c0_i32_0 : i32, i32
  }
  func.func @transform_4(%arg0: i32, %arg1: i32) -> (i32, i32) {
    %c0_i32 = arith.constant 0 : i32
    %c0_i32_0 = arith.constant 0 : i32
    %c0_i32_1 = arith.constant 0 : i32
    return %c0_i32, %c0_i32_0 : i32, i32
  }
  func.func @transform_5(%arg0: i32, %arg1: i32) -> (i32, i32, i32, i32) {
    %c0_i32 = arith.constant 0 : i32
    %c0_i32_0 = arith.constant 0 : i32
    %c0_i32_1 = arith.constant 0 : i32
    return %arg0, %c0_i32, %arg1, %c0_i32_0 : i32, i32, i32, i32
  }
  func.func @transform_6(%arg0: i32, %arg1: i32) -> (i32, i32) {
    %c0_i32 = arith.constant 0 : i32
    %c0_i32_0 = arith.constant 0 : i32
    %c0_i32_1 = arith.constant 0 : i32
    return %c0_i32, %c0_i32_0 : i32, i32
  }
}

module attributes {stable_mosaic.version = 14 : i64} {
  func.func @_l2pool_body(%arg0: i32, %arg1: i32, %arg2: memref<1x8x2048x128xbf16, #tpu.memory_space<vmem>>, %arg3: memref<1x128xf32, #tpu.memory_space<vmem>>, %arg4: memref<1x128xf32, #tpu.memory_space<vmem>>, %arg5: memref<128x256xf32, #tpu.memory_space<vmem>>, %arg6: memref<1x256xf32, #tpu.memory_space<vmem>>, %arg7: memref<1x2048x256xf32, #tpu.memory_space<vmem>>, %arg8: memref<2x256xf32, #tpu.memory_space<vmem>>) attributes {dimension_semantics = [#tpu.dimension_semantics<arbitrary>, #tpu.dimension_semantics<arbitrary>], iteration_bounds = array<i64: 2, 8>, scalar_prefetch = 0 : i64, scratch_operands = 0 : i64, tpu.core_type = #tpu.core_type<tc>, window_params = [{transform_indices = @transform_0, window_bounds = array<i64: 1, 8, 2048, 128>}, {pipeline_mode = #tpu.pipeline_mode<synchronous>, transform_indices = @transform_1, window_bounds = array<i64: 1, 128>}, {pipeline_mode = #tpu.pipeline_mode<synchronous>, transform_indices = @transform_2, window_bounds = array<i64: 1, 128>}, {pipeline_mode = #tpu.pipeline_mode<synchronous>, transform_indices = @transform_3, window_bounds = array<i64: 128, 256>}, {pipeline_mode = #tpu.pipeline_mode<synchronous>, transform_indices = @transform_4, window_bounds = array<i64: 1, 256>}, {transform_indices = @transform_5, window_bounds = array<i64: 1, 2048, 256>}, {pipeline_mode = #tpu.pipeline_mode<synchronous>, transform_indices = @transform_6, window_bounds = array<i64: 2, 256>}]} {
    %get3A = arith.constant 0 : index
    %get3A_0 = arith.constant 0 : index
    %get3A_1 = arith.constant 0 : index
    %get3A_2 = arith.constant 0 : index
    %get3A_3 = vector.load %arg2[%get3A, %get3A_0, %get3A_1, %get3A_2] : memref<1x8x2048x128xbf16, #tpu.memory_space<vmem>>, vector<1x8x2048x128xbf16>
    %get3A_4 = vector.shape_cast %get3A_3 : vector<1x8x2048x128xbf16> to vector<8x2048x128xbf16>
    %reshape3A = vector.shape_cast %get3A_4 : vector<8x2048x128xbf16> to vector<16384x128xbf16>
    %convert_element_type3A = arith.extf %reshape3A : vector<16384x128xbf16> to vector<16384x128xf32>
    %get3A_5 = arith.constant 0 : index
    %get3A_6 = arith.constant 0 : index
    %get3A_7 = vector.load %arg3[%get3A_5, %get3A_6] : memref<1x128xf32, #tpu.memory_space<vmem>>, vector<1x128xf32>
    %get3A_8 = vector.shape_cast %get3A_7 : vector<1x128xf32> to vector<128xf32>
    %broadcast_in_dim3A = vector.shape_cast %get3A_8 : vector<128xf32> to vector<1x128xf32>
    %mul3A = vector.broadcast %broadcast_in_dim3A : vector<1x128xf32> to vector<16384x128xf32>
    %mul3A_9 = arith.mulf %convert_element_type3A, %mul3A : vector<16384x128xf32>
    %get3A_10 = arith.constant 0 : index
    %get3A_11 = arith.constant 0 : index
    %get3A_12 = vector.load %arg4[%get3A_10, %get3A_11] : memref<1x128xf32, #tpu.memory_space<vmem>>, vector<1x128xf32>
    %get3A_13 = vector.shape_cast %get3A_12 : vector<1x128xf32> to vector<128xf32>
    %broadcast_in_dim3A_14 = vector.shape_cast %get3A_13 : vector<128xf32> to vector<1x128xf32>
    %add3A = vector.broadcast %broadcast_in_dim3A_14 : vector<1x128xf32> to vector<16384x128xf32>
    %add3A_15 = arith.addf %mul3A_9, %add3A : vector<16384x128xf32>
    %max3A = arith.constant 0.000000e+00 : f32
    %max3A_16 = vector.broadcast %max3A : f32 to vector<16384x128xf32>
    %max3A_17 = arith.maximumf %add3A_15, %max3A_16 : vector<16384x128xf32>
    %get3A_18 = arith.constant 0 : index
    %get3A_19 = arith.constant 0 : index
    %get3A_20 = vector.load %arg5[%get3A_18, %get3A_19] : memref<128x256xf32, #tpu.memory_space<vmem>>, vector<128x256xf32>
    %dot_general3A = arith.constant dense<0.000000e+00> : vector<16384x256xf32>
    %dot_general3A_21 = tpu.matmul %max3A_17, %get3A_20, %dot_general3A {dimension_numbers = #tpu.dot_dimension_numbers<[1], [0], [0], [1], [0, 0, 1, 1], [], []>, transpose_lhs_hint = false} : vector<16384x128xf32>, vector<128x256xf32>, vector<16384x256xf32> -> vector<16384x256xf32>
    %get3A_22 = arith.constant 0 : index
    %get3A_23 = arith.constant 0 : index
    %get3A_24 = vector.load %arg6[%get3A_22, %get3A_23] : memref<1x256xf32, #tpu.memory_space<vmem>>, vector<1x256xf32>
    %get3A_25 = vector.shape_cast %get3A_24 : vector<1x256xf32> to vector<256xf32>
    %broadcast_in_dim3A_26 = vector.shape_cast %get3A_25 : vector<256xf32> to vector<1x256xf32>
    %add3A_27 = vector.broadcast %broadcast_in_dim3A_26 : vector<1x256xf32> to vector<16384x256xf32>
    %add3A_28 = arith.addf %dot_general3A_21, %add3A_27 : vector<16384x256xf32>
    %reduce_sum3A = arith.constant dense<0.000000e+00> : vector<256xf32>
    %reduce_sum3A_29 = vector.multi_reduction <add>, %add3A_28, %reduce_sum3A [0] : vector<16384x256xf32> to vector<256xf32>
    %broadcast_in_dim3A_30 = vector.shape_cast %reduce_sum3A_29 : vector<256xf32> to vector<1x256xf32>
    %mul3A_31 = arith.mulf %add3A_28, %add3A_28 : vector<16384x256xf32>
    %reduce_sum3A_32 = arith.constant dense<0.000000e+00> : vector<256xf32>
    %reduce_sum3A_33 = vector.multi_reduction <add>, %mul3A_31, %reduce_sum3A_32 [0] : vector<16384x256xf32> to vector<256xf32>
    %broadcast_in_dim3A_34 = vector.shape_cast %reduce_sum3A_33 : vector<256xf32> to vector<1x256xf32>
    %concatenate3A = tpu.concatenate %broadcast_in_dim3A_30, %broadcast_in_dim3A_34 in 0 : vector<1x256xf32>, vector<1x256xf32> -> vector<2x256xf32>
    %eq3A = arith.constant 0 : i32
    %eq3A_35 = arith.cmpi eq, %arg0, %eq3A : i32
    %eq3A_36 = arith.constant 0 : i32
    %eq3A_37 = arith.cmpi eq, %arg1, %eq3A_36 : i32
    %and3A = arith.andi %eq3A_35, %eq3A_37 : i1
    %convert_element_type3A_38 = arith.extui %and3A : i1 to i32
    %cond3A = arith.constant 0 : i32
    %cond3A_39 = arith.cmpi ne, %convert_element_type3A_38, %cond3A : i32
    scf.if %cond3A_39 {
      %swap3A_51 = arith.constant 0 : index
      %swap3A_52 = arith.constant 0 : index
      %swap3A_53 = vector.load %arg8[%swap3A_51, %swap3A_52] : memref<2x256xf32, #tpu.memory_space<vmem>>, vector<2x256xf32>
      tpu.vector_store %arg8[%swap3A_51, %swap3A_52], %concatenate3A {strides = array<i32>} : memref<2x256xf32, #tpu.memory_space<vmem>>, vector<2x256xf32>,
    } else {
    }
    %not3A = arith.constant true
    %not3A_40 = arith.xori %and3A, %not3A : i1
    %convert_element_type3A_41 = arith.extui %not3A_40 : i1 to i32
    %cond3A_42 = arith.constant 0 : i32
    %cond3A_43 = arith.cmpi ne, %convert_element_type3A_41, %cond3A_42 : i32
    scf.if %cond3A_43 {
      %get3A_51 = arith.constant 0 : index
      %get3A_52 = arith.constant 0 : index
      %get3A_53 = vector.load %arg8[%get3A_51, %get3A_52] : memref<2x256xf32, #tpu.memory_space<vmem>>, vector<2x256xf32>
      %add3A_54 = arith.addf %get3A_53, %concatenate3A : vector<2x256xf32>
      %swap3A_55 = arith.constant 0 : index
      %swap3A_56 = arith.constant 0 : index
      %swap3A_57 = vector.load %arg8[%swap3A_55, %swap3A_56] : memref<2x256xf32, #tpu.memory_space<vmem>>, vector<2x256xf32>
      tpu.vector_store %arg8[%swap3A_55, %swap3A_56], %add3A_54 {strides = array<i32>} : memref<2x256xf32, #tpu.memory_space<vmem>>, vector<2x256xf32>,
    } else {
    }
    %reshape3A_44 = vector.shape_cast %add3A_28 : vector<16384x256xf32> to vector<8x2048x256xf32>
    %reduce_max3A = arith.constant dense<0xFF800000> : vector<2048x256xf32>
    %reduce_max3A_45 = vector.multi_reduction <maximumf>, %reshape3A_44, %reduce_max3A [0] : vector<8x2048x256xf32> to vector<2048x256xf32>
    %swap3A = arith.constant 0 : index
    %swap3A_46 = arith.constant 0 : index
    %swap3A_47 = arith.constant 0 : index
    %swap3A_48 = vector.load %arg7[%swap3A, %swap3A_46, %swap3A_47] : memref<1x2048x256xf32, #tpu.memory_space<vmem>>, vector<1x2048x256xf32>
    %swap3A_49 = vector.shape_cast %swap3A_48 : vector<1x2048x256xf32> to vector<2048x256xf32>
    %swap3A_50 = vector.shape_cast %reduce_max3A_45 : vector<2048x256xf32> to vector<1x2048x256xf32>
    tpu.vector_store %arg7[%swap3A, %swap3A_46, %swap3A_47], %swap3A_50 {strides = array<i32>} : memref<1x2048x256xf32, #tpu.memory_space<vmem>>, vector<1x2048x256xf32>,
    return
  }
  func.func @transform_0(%arg0: i32, %arg1: i32) -> (i32, i32, i32, i32) {
    %c0_i32 = arith.constant 0 : i32
    %c0_i32_0 = arith.constant 0 : i32
    %c0_i32_1 = arith.constant 0 : i32
    return %arg0, %c0_i32, %arg1, %c0_i32_0 : i32, i32, i32, i32
  }
  func.func @transform_1(%arg0: i32, %arg1: i32) -> (i32, i32) {
    %c0_i32 = arith.constant 0 : i32
    %c0_i32_0 = arith.constant 0 : i32
    %c0_i32_1 = arith.constant 0 : i32
    return %c0_i32, %c0_i32_0 : i32, i32
  }
  func.func @transform_2(%arg0: i32, %arg1: i32) -> (i32, i32) {
    %c0_i32 = arith.constant 0 : i32
    %c0_i32_0 = arith.constant 0 : i32
    %c0_i32_1 = arith.constant 0 : i32
    return %c0_i32, %c0_i32_0 : i32, i32
  }
  func.func @transform_3(%arg0: i32, %arg1: i32) -> (i32, i32) {
    %c0_i32 = arith.constant 0 : i32
    %c0_i32_0 = arith.constant 0 : i32
    %c0_i32_1 = arith.constant 0 : i32
    return %c0_i32, %c0_i32_0 : i32, i32
  }
  func.func @transform_4(%arg0: i32, %arg1: i32) -> (i32, i32) {
    %c0_i32 = arith.constant 0 : i32
    %c0_i32_0 = arith.constant 0 : i32
    %c0_i32_1 = arith.constant 0 : i32
    return %c0_i32, %c0_i32_0 : i32, i32
  }
  func.func @transform_5(%arg0: i32, %arg1: i32) -> (i32, i32, i32) {
    %c0_i32 = arith.constant 0 : i32
    %c0_i32_0 = arith.constant 0 : i32
    return %arg0, %arg1, %c0_i32 : i32, i32, i32
  }
  func.func @transform_6(%arg0: i32, %arg1: i32) -> (i32, i32) {
    %c0_i32 = arith.constant 0 : i32
    %c0_i32_0 = arith.constant 0 : i32
    %c0_i32_1 = arith.constant 0 : i32
    return %c0_i32, %c0_i32_0 : i32, i32
  }
}

module attributes {stable_mosaic.version = 14 : i64} {
  func.func @_concat_body(%arg0: i32, %arg1: i32, %arg2: memref<1x4096x256xf32, #tpu.memory_space<vmem>>, %arg3: memref<1x256xf32, #tpu.memory_space<vmem>>, %arg4: memref<1x256xf32, #tpu.memory_space<vmem>>, %arg5: memref<1x4096x64xf32, #tpu.memory_space<vmem>>, %arg6: memref<256x256xf32, #tpu.memory_space<vmem>>, %arg7: memref<64x256xf32, #tpu.memory_space<vmem>>, %arg8: memref<1x256xf32, #tpu.memory_space<vmem>>, %arg9: memref<1x4096x256xf32, #tpu.memory_space<vmem>>, %arg10: memref<2x256xf32, #tpu.memory_space<vmem>>) attributes {dimension_semantics = [#tpu.dimension_semantics<arbitrary>, #tpu.dimension_semantics<arbitrary>], iteration_bounds = array<i64: 2, 4>, scalar_prefetch = 0 : i64, scratch_operands = 0 : i64, tpu.core_type = #tpu.core_type<tc>, window_params = [{transform_indices = @transform_0, window_bounds = array<i64: 1, 4096, 256>}, {pipeline_mode = #tpu.pipeline_mode<synchronous>, transform_indices = @transform_1, window_bounds = array<i64: 1, 256>}, {pipeline_mode = #tpu.pipeline_mode<synchronous>, transform_indices = @transform_2, window_bounds = array<i64: 1, 256>}, {transform_indices = @transform_3, window_bounds = array<i64: 1, 4096, 64>}, {pipeline_mode = #tpu.pipeline_mode<synchronous>, transform_indices = @transform_4, window_bounds = array<i64: 256, 256>}, {pipeline_mode = #tpu.pipeline_mode<synchronous>, transform_indices = @transform_5, window_bounds = array<i64: 64, 256>}, {pipeline_mode = #tpu.pipeline_mode<synchronous>, transform_indices = @transform_6, window_bounds = array<i64: 1, 256>}, {transform_indices = @transform_7, window_bounds = array<i64: 1, 4096, 256>}, {pipeline_mode = #tpu.pipeline_mode<synchronous>, transform_indices = @transform_8, window_bounds = array<i64: 2, 256>}]} {
    %get3A = arith.constant 0 : index
    %get3A_0 = arith.constant 0 : index
    %get3A_1 = arith.constant 0 : index
    %get3A_2 = vector.load %arg2[%get3A, %get3A_0, %get3A_1] : memref<1x4096x256xf32, #tpu.memory_space<vmem>>, vector<1x4096x256xf32>
    %get3A_3 = vector.shape_cast %get3A_2 : vector<1x4096x256xf32> to vector<4096x256xf32>
    %get3A_4 = arith.constant 0 : index
    %get3A_5 = arith.constant 0 : index
    %get3A_6 = vector.load %arg3[%get3A_4, %get3A_5] : memref<1x256xf32, #tpu.memory_space<vmem>>, vector<1x256xf32>
    %get3A_7 = vector.shape_cast %get3A_6 : vector<1x256xf32> to vector<256xf32>
    %broadcast_in_dim3A = vector.shape_cast %get3A_7 : vector<256xf32> to vector<1x256xf32>
    %mul3A = vector.broadcast %broadcast_in_dim3A : vector<1x256xf32> to vector<4096x256xf32>
    %mul3A_8 = arith.mulf %get3A_3, %mul3A : vector<4096x256xf32>
    %get3A_9 = arith.constant 0 : index
    %get3A_10 = arith.constant 0 : index
    %get3A_11 = vector.load %arg4[%get3A_9, %get3A_10] : memref<1x256xf32, #tpu.memory_space<vmem>>, vector<1x256xf32>
    %get3A_12 = vector.shape_cast %get3A_11 : vector<1x256xf32> to vector<256xf32>
    %broadcast_in_dim3A_13 = vector.shape_cast %get3A_12 : vector<256xf32> to vector<1x256xf32>
    %add3A = vector.broadcast %broadcast_in_dim3A_13 : vector<1x256xf32> to vector<4096x256xf32>
    %add3A_14 = arith.addf %mul3A_8, %add3A : vector<4096x256xf32>
    %max3A = arith.constant 0.000000e+00 : f32
    %max3A_15 = vector.broadcast %max3A : f32 to vector<4096x256xf32>
    %max3A_16 = arith.maximumf %add3A_14, %max3A_15 : vector<4096x256xf32>
    %get3A_17 = arith.constant 0 : index
    %get3A_18 = arith.constant 0 : index
    %get3A_19 = vector.load %arg6[%get3A_17, %get3A_18] : memref<256x256xf32, #tpu.memory_space<vmem>>, vector<256x256xf32>
    %dot_general3A = arith.constant dense<0.000000e+00> : vector<4096x256xf32>
    %dot_general3A_20 = tpu.matmul %max3A_16, %get3A_19, %dot_general3A {dimension_numbers = #tpu.dot_dimension_numbers<[1], [0], [0], [1], [0, 0, 1, 1], [], []>, transpose_lhs_hint = false} : vector<4096x256xf32>, vector<256x256xf32>, vector<4096x256xf32> -> vector<4096x256xf32>
    %get3A_21 = arith.constant 0 : index
    %get3A_22 = arith.constant 0 : index
    %get3A_23 = arith.constant 0 : index
    %get3A_24 = vector.load %arg5[%get3A_21, %get3A_22, %get3A_23] : memref<1x4096x64xf32, #tpu.memory_space<vmem>>, vector<1x4096x64xf32>
    %get3A_25 = vector.shape_cast %get3A_24 : vector<1x4096x64xf32> to vector<4096x64xf32>
    %get3A_26 = arith.constant 0 : index
    %get3A_27 = arith.constant 0 : index
    %get3A_28 = vector.load %arg7[%get3A_26, %get3A_27] : memref<64x256xf32, #tpu.memory_space<vmem>>, vector<64x256xf32>
    %dot_general3A_29 = arith.constant dense<0.000000e+00> : vector<4096x256xf32>
    %dot_general3A_30 = tpu.matmul %get3A_25, %get3A_28, %dot_general3A_29 {dimension_numbers = #tpu.dot_dimension_numbers<[1], [0], [0], [1], [0, 0, 1, 1], [], []>, transpose_lhs_hint = false} : vector<4096x64xf32>, vector<64x256xf32>, vector<4096x256xf32> -> vector<4096x256xf32>
    %add3A_31 = arith.addf %dot_general3A_20, %dot_general3A_30 : vector<4096x256xf32>
    %get3A_32 = arith.constant 0 : index
    %get3A_33 = arith.constant 0 : index
    %get3A_34 = vector.load %arg8[%get3A_32, %get3A_33] : memref<1x256xf32, #tpu.memory_space<vmem>>, vector<1x256xf32>
    %get3A_35 = vector.shape_cast %get3A_34 : vector<1x256xf32> to vector<256xf32>
    %broadcast_in_dim3A_36 = vector.shape_cast %get3A_35 : vector<256xf32> to vector<1x256xf32>
    %add3A_37 = vector.broadcast %broadcast_in_dim3A_36 : vector<1x256xf32> to vector<4096x256xf32>
    %add3A_38 = arith.addf %add3A_31, %add3A_37 : vector<4096x256xf32>
    %swap3A = arith.constant 0 : index
    %swap3A_39 = arith.constant 0 : index
    %swap3A_40 = arith.constant 0 : index
    %swap3A_41 = vector.load %arg9[%swap3A, %swap3A_39, %swap3A_40] : memref<1x4096x256xf32, #tpu.memory_space<vmem>>, vector<1x4096x256xf32>
    %swap3A_42 = vector.shape_cast %swap3A_41 : vector<1x4096x256xf32> to vector<4096x256xf32>
    %swap3A_43 = vector.shape_cast %add3A_38 : vector<4096x256xf32> to vector<1x4096x256xf32>
    tpu.vector_store %arg9[%swap3A, %swap3A_39, %swap3A_40], %swap3A_43 {strides = array<i32>} : memref<1x4096x256xf32, #tpu.memory_space<vmem>>, vector<1x4096x256xf32>,
    %reduce_sum3A = arith.constant dense<0.000000e+00> : vector<256xf32>
    %reduce_sum3A_44 = vector.multi_reduction <add>, %add3A_38, %reduce_sum3A [0] : vector<4096x256xf32> to vector<256xf32>
    %broadcast_in_dim3A_45 = vector.shape_cast %reduce_sum3A_44 : vector<256xf32> to vector<1x256xf32>
    %mul3A_46 = arith.mulf %add3A_38, %add3A_38 : vector<4096x256xf32>
    %reduce_sum3A_47 = arith.constant dense<0.000000e+00> : vector<256xf32>
    %reduce_sum3A_48 = vector.multi_reduction <add>, %mul3A_46, %reduce_sum3A_47 [0] : vector<4096x256xf32> to vector<256xf32>
    %broadcast_in_dim3A_49 = vector.shape_cast %reduce_sum3A_48 : vector<256xf32> to vector<1x256xf32>
    %concatenate3A = tpu.concatenate %broadcast_in_dim3A_45, %broadcast_in_dim3A_49 in 0 : vector<1x256xf32>, vector<1x256xf32> -> vector<2x256xf32>
    %eq3A = arith.constant 0 : i32
    %eq3A_50 = arith.cmpi eq, %arg0, %eq3A : i32
    %eq3A_51 = arith.constant 0 : i32
    %eq3A_52 = arith.cmpi eq, %arg1, %eq3A_51 : i32
    %and3A = arith.andi %eq3A_50, %eq3A_52 : i1
    %convert_element_type3A = arith.extui %and3A : i1 to i32
    %cond3A = arith.constant 0 : i32
    %cond3A_53 = arith.cmpi ne, %convert_element_type3A, %cond3A : i32
    scf.if %cond3A_53 {
      %swap3A_58 = arith.constant 0 : index
      %swap3A_59 = arith.constant 0 : index
      %swap3A_60 = vector.load %arg10[%swap3A_58, %swap3A_59] : memref<2x256xf32, #tpu.memory_space<vmem>>, vector<2x256xf32>
      tpu.vector_store %arg10[%swap3A_58, %swap3A_59], %concatenate3A {strides = array<i32>} : memref<2x256xf32, #tpu.memory_space<vmem>>, vector<2x256xf32>,
    } else {
    }
    %not3A = arith.constant true
    %not3A_54 = arith.xori %and3A, %not3A : i1
    %convert_element_type3A_55 = arith.extui %not3A_54 : i1 to i32
    %cond3A_56 = arith.constant 0 : i32
    %cond3A_57 = arith.cmpi ne, %convert_element_type3A_55, %cond3A_56 : i32
    scf.if %cond3A_57 {
      %get3A_58 = arith.constant 0 : index
      %get3A_59 = arith.constant 0 : index
      %get3A_60 = vector.load %arg10[%get3A_58, %get3A_59] : memref<2x256xf32, #tpu.memory_space<vmem>>, vector<2x256xf32>
      %add3A_61 = arith.addf %get3A_60, %concatenate3A : vector<2x256xf32>
      %swap3A_62 = arith.constant 0 : index
      %swap3A_63 = arith.constant 0 : index
      %swap3A_64 = vector.load %arg10[%swap3A_62, %swap3A_63] : memref<2x256xf32, #tpu.memory_space<vmem>>, vector<2x256xf32>
      tpu.vector_store %arg10[%swap3A_62, %swap3A_63], %add3A_61 {strides = array<i32>} : memref<2x256xf32, #tpu.memory_space<vmem>>, vector<2x256xf32>,
    } else {
    }
    return
  }
  func.func @transform_0(%arg0: i32, %arg1: i32) -> (i32, i32, i32) {
    %c0_i32 = arith.constant 0 : i32
    %c0_i32_0 = arith.constant 0 : i32
    return %arg0, %arg1, %c0_i32 : i32, i32, i32
  }
  func.func @transform_1(%arg0: i32, %arg1: i32) -> (i32, i32) {
    %c0_i32 = arith.constant 0 : i32
    %c0_i32_0 = arith.constant 0 : i32
    %c0_i32_1 = arith.constant 0 : i32
    return %c0_i32, %c0_i32_0 : i32, i32
  }
  func.func @transform_2(%arg0: i32, %arg1: i32) -> (i32, i32) {
    %c0_i32 = arith.constant 0 : i32
    %c0_i32_0 = arith.constant 0 : i32
    %c0_i32_1 = arith.constant 0 : i32
    return %c0_i32, %c0_i32_0 : i32, i32
  }
  func.func @transform_3(%arg0: i32, %arg1: i32) -> (i32, i32, i32) {
    %c0_i32 = arith.constant 0 : i32
    %c0_i32_0 = arith.constant 0 : i32
    return %arg0, %arg1, %c0_i32 : i32, i32, i32
  }
  func.func @transform_4(%arg0: i32, %arg1: i32) -> (i32, i32) {
    %c0_i32 = arith.constant 0 : i32
    %c0_i32_0 = arith.constant 0 : i32
    %c0_i32_1 = arith.constant 0 : i32
    return %c0_i32, %c0_i32_0 : i32, i32
  }
  func.func @transform_5(%arg0: i32, %arg1: i32) -> (i32, i32) {
    %c0_i32 = arith.constant 0 : i32
    %c0_i32_0 = arith.constant 0 : i32
    %c0_i32_1 = arith.constant 0 : i32
    return %c0_i32, %c0_i32_0 : i32, i32
  }
  func.func @transform_6(%arg0: i32, %arg1: i32) -> (i32, i32) {
    %c0_i32 = arith.constant 0 : i32
    %c0_i32_0 = arith.constant 0 : i32
    %c0_i32_1 = arith.constant 0 : i32
    return %c0_i32, %c0_i32_0 : i32, i32
  }
  func.func @transform_7(%arg0: i32, %arg1: i32) -> (i32, i32, i32) {
    %c0_i32 = arith.constant 0 : i32
    %c0_i32_0 = arith.constant 0 : i32
    return %arg0, %arg1, %c0_i32 : i32, i32, i32
  }
  func.func @transform_8(%arg0: i32, %arg1: i32) -> (i32, i32) {
    %c0_i32 = arith.constant 0 : i32
    %c0_i32_0 = arith.constant 0 : i32
    %c0_i32_1 = arith.constant 0 : i32
    return %c0_i32, %c0_i32_0 : i32, i32
  }
}

module attributes {stable_mosaic.version = 14 : i64} {
  func.func @_final_body(%arg0: i32, %arg1: i32, %arg2: memref<1x4096x256xf32, #tpu.memory_space<vmem>>, %arg3: memref<1x256xf32, #tpu.memory_space<vmem>>, %arg4: memref<1x256xf32, #tpu.memory_space<vmem>>, %arg5: memref<1x4096x256xf32, #tpu.memory_space<vmem>>) attributes {dimension_semantics = [#tpu.dimension_semantics<arbitrary>, #tpu.dimension_semantics<arbitrary>], iteration_bounds = array<i64: 2, 4>, scalar_prefetch = 0 : i64, scratch_operands = 0 : i64, tpu.core_type = #tpu.core_type<tc>, window_params = [{transform_indices = @transform_0, window_bounds = array<i64: 1, 4096, 256>}, {pipeline_mode = #tpu.pipeline_mode<synchronous>, transform_indices = @transform_1, window_bounds = array<i64: 1, 256>}, {pipeline_mode = #tpu.pipeline_mode<synchronous>, transform_indices = @transform_2, window_bounds = array<i64: 1, 256>}, {transform_indices = @transform_3, window_bounds = array<i64: 1, 4096, 256>}]} {
    %get3A = arith.constant 0 : index
    %get3A_0 = arith.constant 0 : index
    %get3A_1 = arith.constant 0 : index
    %get3A_2 = vector.load %arg2[%get3A, %get3A_0, %get3A_1] : memref<1x4096x256xf32, #tpu.memory_space<vmem>>, vector<1x4096x256xf32>
    %get3A_3 = vector.shape_cast %get3A_2 : vector<1x4096x256xf32> to vector<4096x256xf32>
    %get3A_4 = arith.constant 0 : index
    %get3A_5 = arith.constant 0 : index
    %get3A_6 = vector.load %arg3[%get3A_4, %get3A_5] : memref<1x256xf32, #tpu.memory_space<vmem>>, vector<1x256xf32>
    %get3A_7 = vector.shape_cast %get3A_6 : vector<1x256xf32> to vector<256xf32>
    %broadcast_in_dim3A = vector.shape_cast %get3A_7 : vector<256xf32> to vector<1x256xf32>
    %mul3A = vector.broadcast %broadcast_in_dim3A : vector<1x256xf32> to vector<4096x256xf32>
    %mul3A_8 = arith.mulf %get3A_3, %mul3A : vector<4096x256xf32>
    %get3A_9 = arith.constant 0 : index
    %get3A_10 = arith.constant 0 : index
    %get3A_11 = vector.load %arg4[%get3A_9, %get3A_10] : memref<1x256xf32, #tpu.memory_space<vmem>>, vector<1x256xf32>
    %get3A_12 = vector.shape_cast %get3A_11 : vector<1x256xf32> to vector<256xf32>
    %broadcast_in_dim3A_13 = vector.shape_cast %get3A_12 : vector<256xf32> to vector<1x256xf32>
    %add3A = vector.broadcast %broadcast_in_dim3A_13 : vector<1x256xf32> to vector<4096x256xf32>
    %add3A_14 = arith.addf %mul3A_8, %add3A : vector<4096x256xf32>
    %max3A = arith.constant 0.000000e+00 : f32
    %max3A_15 = vector.broadcast %max3A : f32 to vector<4096x256xf32>
    %max3A_16 = arith.maximumf %add3A_14, %max3A_15 : vector<4096x256xf32>
    %swap3A = arith.constant 0 : index
    %swap3A_17 = arith.constant 0 : index
    %swap3A_18 = arith.constant 0 : index
    %swap3A_19 = vector.load %arg5[%swap3A, %swap3A_17, %swap3A_18] : memref<1x4096x256xf32, #tpu.memory_space<vmem>>, vector<1x4096x256xf32>
    %swap3A_20 = vector.shape_cast %swap3A_19 : vector<1x4096x256xf32> to vector<4096x256xf32>
    %swap3A_21 = vector.shape_cast %max3A_16 : vector<4096x256xf32> to vector<1x4096x256xf32>
    tpu.vector_store %arg5[%swap3A, %swap3A_17, %swap3A_18], %swap3A_21 {strides = array<i32>} : memref<1x4096x256xf32, #tpu.memory_space<vmem>>, vector<1x4096x256xf32>,
    return
  }
  func.func @transform_0(%arg0: i32, %arg1: i32) -> (i32, i32, i32) {
    %c0_i32 = arith.constant 0 : i32
    %c0_i32_0 = arith.constant 0 : i32
    return %arg0, %arg1, %c0_i32 : i32, i32, i32
  }
  func.func @transform_1(%arg0: i32, %arg1: i32) -> (i32, i32) {
    %c0_i32 = arith.constant 0 : i32
    %c0_i32_0 = arith.constant 0 : i32
    %c0_i32_1 = arith.constant 0 : i32
    return %c0_i32, %c0_i32_0 : i32, i32
  }
  func.func @transform_2(%arg0: i32, %arg1: i32) -> (i32, i32) {
    %c0_i32 = arith.constant 0 : i32
    %c0_i32_0 = arith.constant 0 : i32
    %c0_i32_1 = arith.constant 0 : i32
    return %c0_i32, %c0_i32_0 : i32, i32
  }
  func.func @transform_3(%arg0: i32, %arg1: i32) -> (i32, i32, i32) {
    %c0_i32 = arith.constant 0 : i32
    %c0_i32_0 = arith.constant 0 : i32
    return %arg0, %arg1, %c0_i32 : i32, i32, i32
  }
}

</mosaic_0001>

<sc_bundles>
// kernel: kernel.9.cloned.1.call-start
scs
__scs_entry_jumppad:
0x0: {  	(pc) =	sbr.rel $0x88, $3  }
0x1: {  	(tag) =	ssettag $0x0;
	lr =	simm.s32 $0x1  }
0x2: {  	[smem:$0x3F8D] =	sst lr;
	_ =	strace $0xD0000000  }
0x3: {  	_ = 	snop  }
0x4: {  	_ = 	snop  }
0x5: {  	_ = 	snop  }
0x6: {  	_ = 	snop  }
0x7: {  	_ = 	snop  }
__scs_overlays_trampoline_lowered:
0x8: {  	[smem:$0x3F9C] =	sst s0  }
0x9: {  	[smem:$0x3F9D] =	sst s1  }
0xa: {  	[smem:$0x3F9E] =	sst s2  }
0xb: {  	[smem:$0x3F9F] =	sst s3  }
0xc: {  	[smem:$0x3FA0] =	sst s4  }
0xd: {  	[smem:$0x3FA1] =	sst s5  }
0xe: {  	[smem:$0x3FA2] =	sst s6  }
0xf: {  	[smem:$0x3FA3] =	sst s7  }
0x10: {  	[smem:$0x3FA4] =	sst s8  }
0x11: {  	[smem:$0x3FA5] =	sst s9;
	s0 =	simm.s32 @!p0 $0x0  }
0x12: {  	s1 =	sld [smem:$0x3F8B];
	s0 =	simm.s32 @p0 $0x1  }
0x13: {  	[smem:$0x3FA6] =	sst s0;
	s0 =	simm.s32 @!p1 $0x0  }
0x14: {  	s2 =	sld [smem:$0x3F8A];
	s0 =	simm.s32 @p1 $0x1  }
0x15: {  	[smem:$0x3FA7] =	sst s0;
	s0 =	simm.s32 @!p2 $0x0  }
0x16: {  	s3 =	sld [smem:$0x3FDB];
	s0 =	simm.s32 @p2 $0x1  }
0x17: {  	s4 =	simm.s32 $0x1BF5;
	[smem:$0x3FA9] =	sst s0  }
0x18: {  	s0 =	sld [smem:$0x3F8C];
	_ =	swait.ge [sflag:s4], $0x0  }
0x19: {  	s7 =	sld [smem:$0x3F8D]  }
0x1a: {  	s8 =	sadd.s32 $0xFFFFE003, lr  }
0x1b: {  	s9 =	sadd.s32 $0xFFFFFEF7, lr;
	s5 =	simm.s32 $0xFFFFFFFF;
	p2 =	slt.u32 s8, $0xFFFFF086  }
0x1c: {  	p1 =	slt.u32 s9, $0xF7A;
	s5 =	simm.s32 @!p2 $0x0  }
0x1d: {  	s5 =	simm.s32 @p1 $0x1;
	p0 =	seq.s32 s7, s2  }
0x1e: {  	s7 =	smul.u32 @!p0 $0xF7A, s2;
	p2 =	seq.s32 @!p0 s5, $0x0  }
0x1f: {  	s9 =	smul.u32 $0xF7A, s1;
	s8 =	simm.s32 @!p0 $0x1BF5;
	p2 =	por !p2, p0  }
0x20: {  	[sflag:s8] =	ssyncset.s32 @!p0 $0xFFFFF086;
	s6 =	sadd.s32 @!p0 s3, s7;
	s7 =	simm.s32 @!p0 $0x108  }
0x21: {  	s3 =	sadd.s32 s3, s9;
	s6 =	sadd.s32 @!p0 $0x88, s6;
	s7 =	simm.s32 @p2 $0x1082  }
0x22: {  	[simem:s7], [sflag:s8] =	dma.local @!p0 [hbm:s6], $0xF7A  }
0x23: {  	s9 =	sor.u32 $0xD0000000, s2;
	s6 =	simm.s32 $0x108;
	_ =	swait.ge @!p0 [sflag:s8], $0x0  }
0x24: {  	s3 =	sadd.s32 $0x88, s3;
	s6 =	simm.s32 @!p1 $0x1082;
	[sflag:s4] =	ssyncset.s32 $0xFFFFF086  }
0x25: {  	[simem:s6], [sflag:s4] =	dma.local [hbm:s3], $0xF7A  }
0x26: {  	[smem:$0x3F8D] =	sst s1;
	(tag) =	ssettag s2;
	_ =	strace s9  }
0x27: {  	s1 =	sld [smem:$0x3F9D]  }
0x28: {  	s2 =	sld [smem:$0x3F9E]  }
0x29: {  	s4 =	sld [smem:$0x3FA0]  }
0x2a: {  	p0 =	seq.s32 s5, $0x0;
	s5 =	sld [smem:$0x3FA1]  }
0x2b: {  	s6 =	sld [smem:$0x3FA2]  }
0x2c: {  	s7 =	sld [smem:$0x3FA3]  }
0x2d: {  	s3 =	simm.s32 $0x108;
	s8 =	sld [smem:$0x3FA4]  }
0x2e: {  	s3 =	simm.s32 @!p0 $0x1082;
	s9 =	sld [smem:$0x3FA5]  }
0x2f: {  	lr =	sadd.s32 s0, s3;
	s0 =	sld [smem:$0x3F9C]  }
0x30: {  	s3 =	sld [smem:$0x3F9F]  }
0x31: {  	[smem:$0x3FA8] =	sst s10  }
0x32: {  	s10 =	sld [smem:$0x3FA6];
	_ =	sdelay $0x3  }
0x33: {  	p0 =	seq.s32 s10, $0x1;
	s10 =	sld [smem:$0x3FA8];
	_ =	sdelay $0x3  }
0x34: {  	[smem:$0x3FA8] =	sst s10  }
0x35: {  	s10 =	sld [smem:$0x3FA7];
	_ =	sdelay $0x3  }
0x36: {  	p1 =	seq.s32 s10, $0x1;
	s10 =	sld [smem:$0x3FA8];
	_ =	sdelay $0x3  }
0x37: {  	[smem:$0x3FA8] =	sst s10  }
0x38: {  	s10 =	sld [smem:$0x3FA9]  }
0x39: {  	_ = 	snop;
	(pc) =	sbr.ind lr, $3  }
0x3a: {  	_ = 	snop  }
0x3b: {  	_ = 	snop  }
0x3c: {  	p2 =	seq.s32 s10, $0x1;
	s10 =	sld [smem:$0x3FA8]  }
0x3d: {  	_ =	shalt  }
0x3e: {  	_ =	shalt  }
0x3f: {  	_ =	shalt  }
0x40: {  	_ =	shalt  }
0x41: {  	_ =	shalt  }
0x42: {  	_ =	shalt  }
0x43: {  	_ =	shalt  }
0x44: {  	_ =	shalt  }
0x45: {  	_ =	shalt  }
0x46: {  	_ =	shalt  }
0x47: {  	_ =	shalt  }
0x48: {  	_ =	shalt  }
0x49: {  	_ =	shalt  }
0x4a: {  	_ =	shalt  }
0x4b: {  	_ =	shalt  }
0x4c: {  	_ =	shalt  }
0x4d: {  	_ =	shalt  }
0x4e: {  	_ =	shalt  }
0x4f: {  	_ =	shalt  }
0x50: {  	_ =	shalt  }
0x51: {  	_ =	shalt  }
0x52: {  	_ =	shalt  }
0x53: {  	_ =	shalt  }
0x54: {  	_ =	shalt  }
0x55: {  	_ =	shalt  }
0x56: {  	_ =	shalt  }
0x57: {  	_ =	shalt  }
0x58: {  	_ =	shalt  }
0x59: {  	_ =	shalt  }
0x5a: {  	_ =	shalt  }
0x5b: {  	_ =	shalt  }
0x5c: {  	_ =	shalt  }
0x5d: {  	_ =	shalt  }
0x5e: {  	_ =	shalt  }
0x5f: {  	_ =	shalt  }
0x60: {  	_ =	shalt  }
0x61: {  	_ =	shalt  }
0x62: {  	_ =	shalt  }
0x63: {  	_ =	shalt  }
0x64: {  	_ =	shalt  }
0x65: {  	_ =	shalt  }
0x66: {  	_ =	shalt  }
0x67: {  	_ =	shalt  }
0x68: {  	_ =	shalt  }
0x69: {  	_ =	shalt  }
0x6a: {  	_ =	shalt  }
0x6b: {  	_ =	shalt  }
0x6c: {  	_ =	shalt  }
0x6d: {  	_ =	shalt  }
0x6e: {  	_ =	shalt  }
0x6f: {  	_ =	shalt  }
0x70: {  	_ =	shalt  }
0x71: {  	_ =	shalt  }
0x72: {  	_ =	shalt  }
0x73: {  	_ =	shalt  }
0x74: {  	_ =	shalt  }
0x75: {  	_ =	shalt  }
0x76: {  	_ =	shalt  }
0x77: {  	_ =	shalt  }
0x78: {  	_ =	shalt  }
0x79: {  	_ =	shalt  }
0x7a: {  	_ =	shalt  }
0x7b: {  	_ =	shalt  }
0x7c: {  	_ =	shalt  }
0x7d: {  	_ =	shalt  }
0x7e: {  	_ =	shalt  }
0x7f: {  	_ =	shalt  }
0x80: {  	_ =	shalt  }
0x81: {  	_ =	shalt  }
0x82: {  	_ =	shalt  }
0x83: {  	_ =	shalt  }
0x84: {  	_ =	shalt  }
0x85: {  	_ =	shalt  }
0x86: {  	_ =	shalt  }
0x87: {  	_ =	shalt  }
.Lfunc_end0:
.L_simem_size_0:
called_computation_lowered:
.L_overlay_start_0:
0x88: {  	s2 =	sld [smem:$0x3FD9]  }
0x89: {  	s3 =	sld [smem:$0x3FFE];
	_ =	sdelay $0x1  }
0x8a: {  	s1 =	srdreg.scid  }
0x8b: {  	s0 =	sand.u32 $0x1, s1  }
0x8c: {  	s16 =	sshll.u32 s0, $0xA;
	s2 =	sadd.s32 s3, s2  }
0x8d: {  	s2 =	sadd.s32 s2, s16  }
0x8e: {  	[smem:$0x3FB4] =	sst s2  }
0x8f: {  	_ = 	snop  }
0x90: {  	(tm) =	ssettm $0x1  }
0x91: {  	s17 =	sld [smem:$0x3FFB];
	_ =	sdelay $0x3  }
0x92: {  	_ =	strace s17  }
0x93: {  	s2 =	sld [smem:$0x3FFC];
	_ =	sdelay $0x3  }
0x94: {  	_ =	strace s2  }
0x95: {  	s2 =	sld [smem:$0x3FFD];
	_ =	sdelay $0x3  }
0x96: {  	_ =	strace s2  }
0x97: {  	_ =	strace $0x8FFFFFFF  }
0x98: {  	s18 =	sld [smem:$0x3FDB];
	_ =	sdelay $0x1  }
0x99: {  	s19 =	simm.s32 $_scs_section_size  }
0x9a: {  	s4 =	simm.s32 $_size__tile_overlayer_lowered;
	s5 =	simm.s32 $_tile_overlayer_lowered  }
0x9b: {  	s22 =	simm.s32 $0x1BFF;
	s21 =	sshll.u32 s5, $0x1;
	s2 =	sadd.s32 s19, s18  }
0x9c: {  	s6 =	simm.s32 $0x0;
	s20 =	sshll.u32 s4, $0x1;
	s4 =	sadd.s32 s21, s2  }
0x9d: {  	[timem:s6], [sflag:s22] =	dma.local [hbm:s4], s20  }
0x9e: {  	_ =	swait.ge [sflag:s22], s20  }
0x9f: {  	s3 =	ssub.s32 $0x0, s20;
	[sflag:s22] =	ssyncset.done $0x0  }
0xa0: {  	[sflag:s22] =	ssyncadd.s32 s3;
	_ =	sdelay $0x1  }
0xa1: {  	s23 =	simm.s32 $0x1B8B  }
0xa2: {  	_ =	swait.ge [sflag:s23], $0x1  }
0xa3: {  	[sflag:s23] =	ssyncset.done $0x0  }
0xa4: {  	s25 =	simm.s32 $0x1B8E;
	s24 =	sld [smem:$0x3FFE];
	[sflag:s23] =	ssyncadd.s32 $0xFFFFFFFF  }
0xa5: {  	s26 =	simm.s32 $execute0_lowered;
	[smem:$0x3FD2] =	sst s25  }
0xa6: {  	s4 =	sshll.u32 s26, $0x1;
	_ =	strace $0x80000046;
	[dreg:$0x1] =	wrdreg $0xFFFFFFFF  }
0xa7: {  	s28 =	simm.s32 $_size_execute0_lowered;
	s2 =	sadd.s32 s2, s4;
	[dreg:$0x0] =	wrdreg $0x0  }
0xa8: {  	s4 =	sshll.u32 s28, $0x1;
	[dreg:$0x2] =	wrdreg s2  }
0xa9: {  	[dreg:$0x3] =	wrdreg s4  }
0xaa: {  	[dreg:$0x4] =	wrdreg $0xC0  }
0xab: {  	_ =	task [dreg:s6], $0x5FFFF  }
0xac: {  	[dreg:$0x1] =	wrdreg $0xFFFFFFFF  }
0xad: {  	[dreg:$0x0] =	wrdreg $0x60  }
0xae: {  	[dreg:$0x2] =	wrdreg s24  }
0xaf: {  	[dreg:$0x3] =	wrdreg $0x9  }
0xb0: {  	_ =	task.clear_ibuf [dreg:s6], $0x4FFFF;
	_ =	strace $0x90000046  }
0xb1: {  	s29 =	simm.s32 $0x9;
	_ =	strace $0x80000048  }
0xb2: {  	_ =	swait.ge [sflag:s29], $0x1  }
0xb3: {  	[sflag:s29] =	ssyncadd.s32 $0xFFFFFFFF  }
0xb4: {  	_ =	strace $0x90000048  }
0xb5: {  	_ =	sfence  }
0xb6: {  	s30 =	sld [smem:$0x0];
	_ =	sdelay $0x2  }
0xb7: {  	s31 =	sshll.u32 s1, $0xD;
	s1 =	sshrl.u32 s1, $0x2  }
0xb8: {  	s3 =	sand.u32 $0x4000, s31;
	s1 =	sadd.s32 s1, s30  }
0xb9: {  	s0 =	sor.u32 s3, s0;
	s1 =	sshll.u32 s1, $0x11  }
0xba: {  	s0 =	sor.u32 s1, s0  }
0xbb: {  	s0 =	sadd.s32 $0x8F2B, s0  }
0xbc: {  	[sflag:s0] =	ssyncadd.remote.s32 $0x1  }
0xbd: {  	_ =	sfence.sel $0xFFFF  }
0xbe: {  	[dreg:$0x0] =	wrdreg $0xFFFFFFFF;
	(pc) =	sbr.abs _section_cstart, $3  }
0xbf: {  	[dreg:$0x1] =	wrdreg $0xFFFFFFFF  }
0xc0: {  	_ =	task.clear_ibuf [dreg:s6], $0x2FFFF;
	_ =	strace $0x9FFFFFFF  }
0xc1: {  	(tm) =	ssettm $0x7FFFFFFF  }
tec
execute0_lowered:
.L_overlay_start_1:
0x0: {  	(tag) =	ssettag $0x1  }
0x1: {  	s0 =	srdreg.scid  }
0x2: {  	s10 =	stileid.u32;
	s1 =	sand.u32 $0x1, s0  }
0x3: {  	s25 =	sshll.u32 s10, $0xE;
	s2 =	sshll.u32 s1, $0xD  }
0x4: {  	s0 =	sor.u32 s2, s25  }
0x5: {  	s3 =	rddreg [dreg:$0x0];
	s4 =	sshrl.u32 s0, $0x3  }
0x6: {  	s2 =	simm.s32 $0x0;
	s0 =	sshll.u32 s0, $0x4;
	s5 =	sadd.s32 s4, s3  }
0x7: {  	[smem:$0x7FF] =	sst s2;
	s4 =	sadd.s32 s0, s3;
	s26 =	sadd.s32 $0xD000, s5  }
0x8: {  	_ =	strace $0x80000047;
	s5 =	sadd.s32 $0x35200, s4;
	[dreg:$0x2] =	wrdreg s26  }
0x9: {  	s6 =	sadd.s32 $0x36200, s4;
	[dreg:$0x3] =	wrdreg s5  }
0xa: {  	s7 =	sadd.s32 $0x37200, s4;
	[dreg:$0x4] =	wrdreg s6  }
0xb: {  	s8 =	sadd.s32 $0x38200, s4;
	[dreg:$0x5] =	wrdreg s7  }
0xc: {  	s9 =	sadd.s32 $0x39200, s4;
	[dreg:$0x6] =	wrdreg s8  }
0xd: {  	s11 =	sadd.s32 $0x3A200, s4;
	[dreg:$0x7] =	wrdreg s9  }
0xe: {  	s12 =	sadd.s32 $0x3B200, s4;
	[dreg:$0x8] =	wrdreg s11  }
0xf: {  	s13 =	sadd.s32 $0x3C200, s4;
	[dreg:$0x9] =	wrdreg s12  }
0x10: {  	s14 =	sadd.s32 $0x3D200, s4;
	[dreg:$0xa] =	wrdreg s13  }
0x11: {  	s15 =	sadd.s32 $0x3E200, s4;
	[dreg:$0xb] =	wrdreg s14  }
0x12: {  	s16 =	sadd.s32 $0x3F200, s4;
	[dreg:$0xc] =	wrdreg s15  }
0x13: {  	s17 =	sadd.s32 $0x40200, s4;
	[dreg:$0xd] =	wrdreg s16  }
0x14: {  	s18 =	sadd.s32 $0x41200, s4;
	[dreg:$0xe] =	wrdreg s17  }
0x15: {  	s19 =	sadd.s32 $0x42200, s4;
	[dreg:$0xf] =	wrdreg s18  }
0x16: {  	s20 =	sadd.s32 $0x43200, s4;
	[dreg:$0x10] =	wrdreg s19  }
0x17: {  	s21 =	sadd.s32 $0x44200, s4;
	[dreg:$0x11] =	wrdreg s20  }
0x18: {  	s22 =	sadd.s32 $0x45200, s4;
	[dreg:$0x12] =	wrdreg s21  }
0x19: {  	s23 =	sadd.s32 $0x46200, s4;
	[dreg:$0x13] =	wrdreg s22  }
0x1a: {  	s24 =	sadd.s32 $0x47200, s4;
	[dreg:$0x14] =	wrdreg s23  }
0x1b: {  	s25 =	sadd.s32 $0x48200, s4;
	[dreg:$0x15] =	wrdreg s24  }
0x1c: {  	[dreg:$0x16] =	wrdreg s25;
	s26 =	sadd.s32 $0x49200, s4  }
0x1d: {  	s5 =	sadd.s32 $0x4A200, s4;
	[dreg:$0x17] =	wrdreg s26  }
0x1e: {  	s6 =	sadd.s32 $0x4B200, s4;
	[dreg:$0x18] =	wrdreg s5  }
0x1f: {  	s7 =	sadd.s32 $0x4C200, s4;
	[dreg:$0x19] =	wrdreg s6  }
0x20: {  	s8 =	sadd.s32 $0x4D200, s4;
	[dreg:$0x1a] =	wrdreg s7  }
0x21: {  	s9 =	sadd.s32 $0x4E200, s4;
	[dreg:$0x1b] =	wrdreg s8  }
0x22: {  	s11 =	sadd.s32 $0x4F200, s4;
	[dreg:$0x1c] =	wrdreg s9  }
0x23: {  	s12 =	sadd.s32 $0x50200, s4;
	[dreg:$0x1d] =	wrdreg s11  }
0x24: {  	s31 =	simm.s32 $0xC00;
	s13 =	sadd.s32 $0x51200, s4;
	[dreg:$0x1e] =	wrdreg s12  }
0x25: {  	s30 =	simm.s32 $0xD00;
	s14 =	sadd.s32 $0x52200, s4;
	[dreg:$0x1f] =	wrdreg s13  }
0x26: {  	s29 =	simm.s32 $0xE00;
	s15 =	sadd.s32 $0x53200, s4;
	[smem:$0x7F2] =	sst s14  }
0x27: {  	s28 =	simm.s32 $0xF00;
	s16 =	sadd.s32 $0x54200, s4;
	[smem:$0x7F3] =	sst s15  }
0x28: {  	p0 =	por $0x0, $0x0;
	s17 =	simm.s32 $0x200;
	[smem:$0x7F4] =	sst s16  }
0x29: {  	s1 =	ssub.s32 $0x2, s1;
	s19 =	simm.s32 $0x300;
	[smem:$0x7F5] =	sst s17  }
0x2a: {  	s3 =	sadd.s32 $0x15200, s3;
	s20 =	simm.s32 $0x400;
	[smem:$0x7F6] =	sst s19  }
0x2b: {  	s18 =	sshrl.u32 s1, $0x1;
	s21 =	simm.s32 $0x500;
	[smem:$0x7F7] =	sst s20  }
0x2c: {  	s4 =	simm.s32 $0x3;
	s22 =	simm.s32 $0x600;
	[smem:$0x7F8] =	sst s21  }
0x2d: {  	s23 =	simm.s32 $0x700;
	s24 =	simm.s32 $0x800;
	[smem:$0x7F9] =	sst s22  }
0x2e: {  	s25 =	simm.s32 $0x900;
	s1 =	ssub.s32 s1, s18;
	[smem:$0x7FA] =	sst s23  }
0x2f: {  	s5 =	simm.s32 $0x100;
	s7 =	simm.s32 $0x2000;
	[smem:$0x7FB] =	sst s24  }
0x30: {  	s9 =	simm.s32 $0x1;
	s6 =	simm.s32 $0xA000;
	[smem:$0x7FC] =	sst s25  }
0x31: {  	s26 =	simm.s32 $0xA00;
	s8 =	simm.s32 $0x2;
	s25 =	simm.s32 $0x1100  }
0x32: {  	s24 =	simm.s32 $0x1200;
	s23 =	simm.s32 $0x1300;
	s1 =	smax.u32 s1, $0x1  }
0x33: {  	s22 =	simm.s32 $0x1400;
	s21 =	simm.s32 $0x1500;
	p1 =	sne.s32 s1, $0x1  }
.Ltmp0:
0x34: {  	s20 =	simm.s32 $0x1600;
	s19 =	simm.s32 $0x1700;
	(pc) =	sbr.rel @!p1 .LBB2_1-.Ltmp0, $4  }
0x35: {  	s18 =	simm.s32 $0x1800;
	s17 =	simm.s32 $0x1900;
	s16 =	simm.s32 $0x1A00  }
0x36: {  	s15 =	simm.s32 $0x1B00;
	s14 =	simm.s32 $0x1C00;
	s13 =	simm.s32 $0x1D00  }
0x37: {  	s12 =	simm.s32 $0x1E00;
	s11 =	simm.s32 $0x1F00;
	s0 =	rddreg [dreg:$0x2]  }
0x38: {  	[smem:$0x7FD] =	sst s26;
	s26 =	simm.s32 $0x1000;
	s1 =	sadd.s32 $0xFFFFFFFF, s1  }
0x39: {  	[tilespmem:s2], [sflag:$0x3] =	stream.linear.gather [hbm4b:s0+s2], $0x2000, $0x38;
	[tilespmem:$0x12000] =	vst v63  }
0x3a: {  	_ =	swait.ge [sflag:s4], $0x2000  }
0x3b: {  	[sflag:s4] =	ssyncset.done $0x0  }
0x3c: {  	[sflag:s4] =	ssyncadd.s32 $0xFFFFE000  }
0x3d: {  	[tilespmem:s7], [sflag:$0x1] =	stream.indirect.gather [hbm4b:s3+s5], $0x80, s2, s5, $0xb8;
	[tilespmem:$0x12000] =	vst v63  }
0x3e: {  	_ =	swait.ge [sflag:s9], $0x8000  }
0x3f: {  	[sflag:s9] =	ssyncset.done $0x0  }
0x40: {  	[sflag:s9] =	ssyncadd.s32 $0xFFFF8000  }
0x41: {  	[tilespmem:s6], [sflag:$0x2] =	stream.indirect.gather [hbm4b:s3+s5], $0x80, s5, s5, $0xb8;
	[tilespmem:$0x12000] =	vst v63  }
0x42: {  	s10 =	rddreg [dreg:$0x3]  }
0x43: {  	[hbm4b:s10+s2] =	stream.linear.scatter [tilespmem:s7], [sflag:$0x3], $0x8000, $0x38;
	[tilespmem:$0x12000] =	vst v63  }
0x44: {  	_ =	swait.ge [sflag:s4], $0x8000  }
0x45: {  	[sflag:s4] =	ssyncset.done $0x0  }
0x46: {  	[sflag:s4] =	ssyncadd.s32 $0xFFFF8000  }
0x47: {  	_ =	swait.ge [sflag:s8], $0x8000  }
0x48: {  	s0 =	sld [smem:$0x7F5]  }
0x49: {  	[sflag:s8] =	ssyncset.done $0x0  }
0x4a: {  	[sflag:s8] =	ssyncadd.s32 $0xFFFF8000  }
0x4b: {  	[tilespmem:s7], [sflag:$0x1] =	stream.indirect.gather [hbm4b:s3+s5], $0x80, s0, s5, $0xb8;
	[tilespmem:$0x12000] =	vst v63  }
0x4c: {  	s10 =	smov.u32 s1;
	s1 =	rddreg [dreg:$0x4]  }
0x4d: {  	[hbm4b:s1+s2] =	stream.linear.scatter [tilespmem:s6], [sflag:$0x3], $0x8000, $0x38;
	[tilespmem:$0x12000] =	vst v63  }
0x4e: {  	_ =	swait.ge [sflag:s4], $0x8000  }
0x4f: {  	[sflag:s4] =	ssyncset.done $0x0  }
0x50: {  	[sflag:s4] =	ssyncadd.s32 $0xFFFF8000  }
0x51: {  	_ =	swait.ge [sflag:s9], $0x8000  }
0x52: {  	s0 =	sld [smem:$0x7F6]  }
0x53: {  	[sflag:s9] =	ssyncset.done $0x0  }
0x54: {  	[sflag:s9] =	ssyncadd.s32 $0xFFFF8000  }
0x55: {  	[tilespmem:s6], [sflag:$0x2] =	stream.indirect.gather [hbm4b:s3+s5], $0x80, s0, s5, $0xb8;
	[tilespmem:$0x12000] =	vst v63  }
0x56: {  	s1 =	rddreg [dreg:$0x5]  }
0x57: {  	[hbm4b:s1+s2] =	stream.linear.scatter [tilespmem:s7], [sflag:$0x3], $0x8000, $0x38;
	[tilespmem:$0x12000] =	vst v63  }
0x58: {  	_ =	swait.ge [sflag:s4], $0x8000  }
0x59: {  	[sflag:s4] =	ssyncset.done $0x0  }
0x5a: {  	[sflag:s4] =	ssyncadd.s32 $0xFFFF8000  }
0x5b: {  	_ =	swait.ge [sflag:s8], $0x8000  }
0x5c: {  	s0 =	sld [smem:$0x7F7]  }
0x5d: {  	[sflag:s8] =	ssyncset.done $0x0  }
0x5e: {  	[sflag:s8] =	ssyncadd.s32 $0xFFFF8000  }
0x5f: {  	[tilespmem:s7], [sflag:$0x1] =	stream.indirect.gather [hbm4b:s3+s5], $0x80, s0, s5, $0xb8;
	[tilespmem:$0x12000] =	vst v63  }
0x60: {  	s1 =	rddreg [dreg:$0x6]  }
0x61: {  	[hbm4b:s1+s2] =	stream.linear.scatter [tilespmem:s6], [sflag:$0x3], $0x8000, $0x38;
	[tilespmem:$0x12000] =	vst v63  }
0x62: {  	_ =	swait.ge [sflag:s4], $0x8000  }
0x63: {  	[sflag:s4] =	ssyncset.done $0x0  }
0x64: {  	[sflag:s4] =	ssyncadd.s32 $0xFFFF8000  }
0x65: {  	_ =	swait.ge [sflag:s9], $0x8000  }
0x66: {  	s0 =	sld [smem:$0x7F8]  }
0x67: {  	[sflag:s9] =	ssyncset.done $0x0  }
0x68: {  	[sflag:s9] =	ssyncadd.s32 $0xFFFF8000  }
0x69: {  	[tilespmem:s6], [sflag:$0x2] =	stream.indirect.gather [hbm4b:s3+s5], $0x80, s0, s5, $0xb8;
	[tilespmem:$0x12000] =	vst v63  }
0x6a: {  	s1 =	rddreg [dreg:$0x7]  }
0x6b: {  	[hbm4b:s1+s2] =	stream.linear.scatter [tilespmem:s7], [sflag:$0x3], $0x8000, $0x38;
	[tilespmem:$0x12000] =	vst v63  }
0x6c: {  	_ =	swait.ge [sflag:s4], $0x8000  }
0x6d: {  	[sflag:s4] =	ssyncset.done $0x0  }
0x6e: {  	[sflag:s4] =	ssyncadd.s32 $0xFFFF8000  }
0x6f: {  	_ =	swait.ge [sflag:s8], $0x8000  }
0x70: {  	s0 =	sld [smem:$0x7F9]  }
0x71: {  	[sflag:s8] =	ssyncset.done $0x0  }
0x72: {  	[sflag:s8] =	ssyncadd.s32 $0xFFFF8000  }
0x73: {  	[tilespmem:s7], [sflag:$0x1] =	stream.indirect.gather [hbm4b:s3+s5], $0x80, s0, s5, $0xb8;
	[tilespmem:$0x12000] =	vst v63  }
0x74: {  	s1 =	rddreg [dreg:$0x8]  }
0x75: {  	[hbm4b:s1+s2] =	stream.linear.scatter [tilespmem:s6], [sflag:$0x3], $0x8000, $0x38;
	[tilespmem:$0x12000] =	vst v63  }
0x76: {  	_ =	swait.ge [sflag:s4], $0x8000  }
0x77: {  	[sflag:s4] =	ssyncset.done $0x0  }
0x78: {  	[sflag:s4] =	ssyncadd.s32 $0xFFFF8000  }
0x79: {  	_ =	swait.ge [sflag:s9], $0x8000  }
0x7a: {  	s0 =	sld [smem:$0x7FA]  }
0x7b: {  	[sflag:s9] =	ssyncset.done $0x0  }
0x7c: {  	[sflag:s9] =	ssyncadd.s32 $0xFFFF8000  }
0x7d: {  	[tilespmem:s6], [sflag:$0x2] =	stream.indirect.gather [hbm4b:s3+s5], $0x80, s0, s5, $0xb8;
	[tilespmem:$0x12000] =	vst v63  }
0x7e: {  	s1 =	rddreg [dreg:$0x9]  }
0x7f: {  	[hbm4b:s1+s2] =	stream.linear.scatter [tilespmem:s7], [sflag:$0x3], $0x8000, $0x38;
	[tilespmem:$0x12000] =	vst v63  }
0x80: {  	_ =	swait.ge [sflag:s4], $0x8000  }
0x81: {  	[sflag:s4] =	ssyncset.done $0x0  }
0x82: {  	[sflag:s4] =	ssyncadd.s32 $0xFFFF8000  }
0x83: {  	_ =	swait.ge [sflag:s8], $0x8000  }
0x84: {  	s0 =	sld [smem:$0x7FB]  }
0x85: {  	[sflag:s8] =	ssyncset.done $0x0  }
0x86: {  	[sflag:s8] =	ssyncadd.s32 $0xFFFF8000  }
0x87: {  	[tilespmem:s7], [sflag:$0x1] =	stream.indirect.gather [hbm4b:s3+s5], $0x80, s0, s5, $0xb8;
	[tilespmem:$0x12000] =	vst v63  }
0x88: {  	s1 =	rddreg [dreg:$0xa]  }
0x89: {  	[hbm4b:s1+s2] =	stream.linear.scatter [tilespmem:s6], [sflag:$0x3], $0x8000, $0x38;
	[tilespmem:$0x12000] =	vst v63  }
0x8a: {  	_ =	swait.ge [sflag:s4], $0x8000  }
0x8b: {  	[sflag:s4] =	ssyncset.done $0x0  }
0x8c: {  	[sflag:s4] =	ssyncadd.s32 $0xFFFF8000  }
0x8d: {  	_ =	swait.ge [sflag:s9], $0x8000  }
0x8e: {  	s0 =	sld [smem:$0x7FC]  }
0x8f: {  	[sflag:s9] =	ssyncset.done $0x0  }
0x90: {  	[sflag:s9] =	ssyncadd.s32 $0xFFFF8000  }
0x91: {  	[tilespmem:s6], [sflag:$0x2] =	stream.indirect.gather [hbm4b:s3+s5], $0x80, s0, s5, $0xb8;
	[tilespmem:$0x12000] =	vst v63  }
0x92: {  	s1 =	rddreg [dreg:$0xb]  }
0x93: {  	[hbm4b:s1+s2] =	stream.linear.scatter [tilespmem:s7], [sflag:$0x3], $0x8000, $0x38;
	[tilespmem:$0x12000] =	vst v63  }
0x94: {  	_ =	swait.ge [sflag:s4], $0x8000  }
0x95: {  	[sflag:s4] =	ssyncset.done $0x0  }
0x96: {  	[sflag:s4] =	ssyncadd.s32 $0xFFFF8000  }
0x97: {  	_ =	swait.ge [sflag:s8], $0x8000  }
0x98: {  	s0 =	sld [smem:$0x7FD]  }
0x99: {  	[sflag:s8] =	ssyncset.done $0x0  }
0x9a: {  	[sflag:s8] =	ssyncadd.s32 $0xFFFF8000  }
0x9b: {  	[tilespmem:s7], [sflag:$0x1] =	stream.indirect.gather [hbm4b:s3+s5], $0x80, s0, s5, $0xb8;
	[tilespmem:$0x12000] =	vst v63  }
0x9c: {  	s1 =	rddreg [dreg:$0xc]  }
0x9d: {  	[hbm4b:s1+s2] =	stream.linear.scatter [tilespmem:s6], [sflag:$0x3], $0x8000, $0x38;
	[tilespmem:$0x12000] =	vst v63  }
0x9e: {  	_ =	swait.ge [sflag:s4], $0x8000  }
0x9f: {  	[sflag:s4] =	ssyncset.done $0x0  }
0xa0: {  	[sflag:s4] =	ssyncadd.s32 $0xFFFF8000  }
0xa1: {  	_ =	swait.ge [sflag:s9], $0x8000  }
0xa2: {  	[sflag:s9] =	ssyncset.done $0x0  }
0xa3: {  	s1 =	simm.s32 $0xB00;
	[sflag:s9] =	ssyncadd.s32 $0xFFFF8000  }
0xa4: {  	[tilespmem:s6], [sflag:$0x2] =	stream.indirect.gather [hbm4b:s3+s5], $0x80, s1, s5, $0xb8;
	[tilespmem:$0x12000] =	vst v63  }
0xa5: {  	s0 =	rddreg [dreg:$0xd]  }
0xa6: {  	[hbm4b:s0+s2] =	stream.linear.scatter [tilespmem:s7], [sflag:$0x3], $0x8000, $0x38;
	[tilespmem:$0x12000] =	vst v63  }
0xa7: {  	_ =	swait.ge [sflag:s4], $0x8000  }
0xa8: {  	[sflag:s4] =	ssyncset.done $0x0  }
0xa9: {  	[sflag:s4] =	ssyncadd.s32 $0xFFFF8000  }
0xaa: {  	_ =	swait.ge [sflag:s8], $0x8000  }
0xab: {  	[sflag:s8] =	ssyncset.done $0x0  }
0xac: {  	[sflag:s8] =	ssyncadd.s32 $0xFFFF8000  }
0xad: {  	[tilespmem:s7], [sflag:$0x1] =	stream.indirect.gather [hbm4b:s3+s5], $0x80, s31, s5, $0xb8;
	[tilespmem:$0x12000] =	vst v63  }
0xae: {  	s1 =	rddreg [dreg:$0xe]  }
0xaf: {  	[hbm4b:s1+s2] =	stream.linear.scatter [tilespmem:s6], [sflag:$0x3], $0x8000, $0x38;
	[tilespmem:$0x12000] =	vst v63  }
0xb0: {  	_ =	swait.ge [sflag:s4], $0x8000  }
0xb1: {  	[sflag:s4] =	ssyncset.done $0x0  }
0xb2: {  	[sflag:s4] =	ssyncadd.s32 $0xFFFF8000  }
0xb3: {  	_ =	swait.ge [sflag:s9], $0x8000  }
0xb4: {  	[sflag:s9] =	ssyncset.done $0x0  }
0xb5: {  	[sflag:s9] =	ssyncadd.s32 $0xFFFF8000  }
0xb6: {  	[tilespmem:s6], [sflag:$0x2] =	stream.indirect.gather [hbm4b:s3+s5], $0x80, s30, s5, $0xb8;
	[tilespmem:$0x12000] =	vst v63  }
0xb7: {  	s1 =	rddreg [dreg:$0xf]  }
0xb8: {  	[hbm4b:s1+s2] =	stream.linear.scatter [tilespmem:s7], [sflag:$0x3], $0x8000, $0x38;
	[tilespmem:$0x12000] =	vst v63  }
0xb9: {  	_ =	swait.ge [sflag:s4], $0x8000  }
0xba: {  	[sflag:s4] =	ssyncset.done $0x0  }
0xbb: {  	[sflag:s4] =	ssyncadd.s32 $0xFFFF8000  }
0xbc: {  	_ =	swait.ge [sflag:s8], $0x8000  }
0xbd: {  	[sflag:s8] =	ssyncset.done $0x0  }
0xbe: {  	[sflag:s8] =	ssyncadd.s32 $0xFFFF8000  }
0xbf: {  	[tilespmem:s7], [sflag:$0x1] =	stream.indirect.gather [hbm4b:s3+s5], $0x80, s29, s5, $0xb8;
	[tilespmem:$0x12000] =	vst v63  }
0xc0: {  	s1 =	rddreg [dreg:$0x10]  }
0xc1: {  	[hbm4b:s1+s2] =	stream.linear.scatter [tilespmem:s6], [sflag:$0x3], $0x8000, $0x38;
	[tilespmem:$0x12000] =	vst v63  }
0xc2: {  	_ =	swait.ge [sflag:s4], $0x8000  }
0xc3: {  	[sflag:s4] =	ssyncset.done $0x0  }
0xc4: {  	[sflag:s4] =	ssyncadd.s32 $0xFFFF8000  }
0xc5: {  	_ =	swait.ge [sflag:s9], $0x8000  }
0xc6: {  	[sflag:s9] =	ssyncset.done $0x0  }
0xc7: {  	[sflag:s9] =	ssyncadd.s32 $0xFFFF8000  }
0xc8: {  	[tilespmem:s6], [sflag:$0x2] =	stream.indirect.gather [hbm4b:s3+s5], $0x80, s28, s5, $0xb8;
	[tilespmem:$0x12000] =	vst v63  }
0xc9: {  	s1 =	rddreg [dreg:$0x11]  }
0xca: {  	[hbm4b:s1+s2] =	stream.linear.scatter [tilespmem:s7], [sflag:$0x3], $0x8000, $0x38;
	[tilespmem:$0x12000] =	vst v63  }
0xcb: {  	_ =	swait.ge [sflag:s4], $0x8000  }
0xcc: {  	[sflag:s4] =	ssyncset.done $0x0  }
0xcd: {  	[sflag:s4] =	ssyncadd.s32 $0xFFFF8000  }
0xce: {  	_ =	swait.ge [sflag:s8], $0x8000  }
0xcf: {  	[sflag:s8] =	ssyncset.done $0x0  }
0xd0: {  	[sflag:s8] =	ssyncadd.s32 $0xFFFF8000  }
0xd1: {  	[tilespmem:s7], [sflag:$0x1] =	stream.indirect.gather [hbm4b:s3+s5], $0x80, s26, s5, $0xb8;
	[tilespmem:$0x12000] =	vst v63  }
0xd2: {  	s1 =	rddreg [dreg:$0x12]  }
0xd3: {  	[hbm4b:s1+s2] =	stream.linear.scatter [tilespmem:s6], [sflag:$0x3], $0x8000, $0x38;
	[tilespmem:$0x12000] =	vst v63  }
0xd4: {  	_ =	swait.ge [sflag:s4], $0x8000  }
0xd5: {  	[sflag:s4] =	ssyncset.done $0x0  }
0xd6: {  	[sflag:s4] =	ssyncadd.s32 $0xFFFF8000  }
0xd7: {  	_ =	swait.ge [sflag:s9], $0x8000  }
0xd8: {  	[sflag:s9] =	ssyncset.done $0x0  }
0xd9: {  	[sflag:s9] =	ssyncadd.s32 $0xFFFF8000  }
0xda: {  	[tilespmem:s6], [sflag:$0x2] =	stream.indirect.gather [hbm4b:s3+s5], $0x80, s25, s5, $0xb8;
	[tilespmem:$0x12000] =	vst v63  }
0xdb: {  	s1 =	rddreg [dreg:$0x13]  }
0xdc: {  	[hbm4b:s1+s2] =	stream.linear.scatter [tilespmem:s7], [sflag:$0x3], $0x8000, $0x38;
	[tilespmem:$0x12000] =	vst v63  }
0xdd: {  	_ =	swait.ge [sflag:s4], $0x8000  }
0xde: {  	[sflag:s4] =	ssyncset.done $0x0  }
0xdf: {  	[sflag:s4] =	ssyncadd.s32 $0xFFFF8000  }
0xe0: {  	_ =	swait.ge [sflag:s8], $0x8000  }
0xe1: {  	[sflag:s8] =	ssyncset.done $0x0  }
0xe2: {  	[sflag:s8] =	ssyncadd.s32 $0xFFFF8000  }
0xe3: {  	[tilespmem:s7], [sflag:$0x1] =	stream.indirect.gather [hbm4b:s3+s5], $0x80, s24, s5, $0xb8;
	[tilespmem:$0x12000] =	vst v63  }
0xe4: {  	s1 =	rddreg [dreg:$0x14]  }
0xe5: {  	[hbm4b:s1+s2] =	stream.linear.scatter [tilespmem:s6], [sflag:$0x3], $0x8000, $0x38;
	[tilespmem:$0x12000] =	vst v63  }
0xe6: {  	_ =	swait.ge [sflag:s4], $0x8000  }
0xe7: {  	[sflag:s4] =	ssyncset.done $0x0  }
0xe8: {  	[sflag:s4] =	ssyncadd.s32 $0xFFFF8000  }
0xe9: {  	_ =	swait.ge [sflag:s9], $0x8000  }
0xea: {  	[sflag:s9] =	ssyncset.done $0x0  }
0xeb: {  	[sflag:s9] =	ssyncadd.s32 $0xFFFF8000  }
0xec: {  	[tilespmem:s6], [sflag:$0x2] =	stream.indirect.gather [hbm4b:s3+s5], $0x80, s23, s5, $0xb8;
	[tilespmem:$0x12000] =	vst v63  }
0xed: {  	s1 =	rddreg [dreg:$0x15]  }
0xee: {  	[hbm4b:s1+s2] =	stream.linear.scatter [tilespmem:s7], [sflag:$0x3], $0x8000, $0x38;
	[tilespmem:$0x12000] =	vst v63  }
0xef: {  	_ =	swait.ge [sflag:s4], $0x8000  }
0xf0: {  	[sflag:s4] =	ssyncset.done $0x0  }
0xf1: {  	[sflag:s4] =	ssyncadd.s32 $0xFFFF8000  }
0xf2: {  	_ =	swait.ge [sflag:s8], $0x8000  }
0xf3: {  	[sflag:s8] =	ssyncset.done $0x0  }
0xf4: {  	[sflag:s8] =	ssyncadd.s32 $0xFFFF8000  }
0xf5: {  	[tilespmem:s7], [sflag:$0x1] =	stream.indirect.gather [hbm4b:s3+s5], $0x80, s22, s5, $0xb8;
	[tilespmem:$0x12000] =	vst v63  }
0xf6: {  	s1 =	rddreg [dreg:$0x16]  }
0xf7: {  	[hbm4b:s1+s2] =	stream.linear.scatter [tilespmem:s6], [sflag:$0x3], $0x8000, $0x38;
	[tilespmem:$0x12000] =	vst v63  }
0xf8: {  	_ =	swait.ge [sflag:s4], $0x8000  }
0xf9: {  	[sflag:s4] =	ssyncset.done $0x0  }
0xfa: {  	[sflag:s4] =	ssyncadd.s32 $0xFFFF8000  }
0xfb: {  	_ =	swait.ge [sflag:s9], $0x8000  }
0xfc: {  	[sflag:s9] =	ssyncset.done $0x0  }
0xfd: {  	[sflag:s9] =	ssyncadd.s32 $0xFFFF8000  }
0xfe: {  	[tilespmem:s6], [sflag:$0x2] =	stream.indirect.gather [hbm4b:s3+s5], $0x80, s21, s5, $0xb8;
	[tilespmem:$0x12000] =	vst v63  }
0xff: {  	s1 =	rddreg [dreg:$0x17]  }
0x100: {  	[hbm4b:s1+s2] =	stream.linear.scatter [tilespmem:s7], [sflag:$0x3], $0x8000, $0x38;
	[tilespmem:$0x12000] =	vst v63  }
0x101: {  	_ =	swait.ge [sflag:s4], $0x8000  }
0x102: {  	[sflag:s4] =	ssyncset.done $0x0  }
0x103: {  	[sflag:s4] =	ssyncadd.s32 $0xFFFF8000  }
0x104: {  	_ =	swait.ge [sflag:s8], $0x8000  }
0x105: {  	[sflag:s8] =	ssyncset.done $0x0  }
0x106: {  	[sflag:s8] =	ssyncadd.s32 $0xFFFF8000  }
0x107: {  	[tilespmem:s7], [sflag:$0x1] =	stream.indirect.gather [hbm4b:s3+s5], $0x80, s20, s5, $0xb8;
	[tilespmem:$0x12000] =	vst v63  }
0x108: {  	s1 =	rddreg [dreg:$0x18]  }
0x109: {  	[hbm4b:s1+s2] =	stream.linear.scatter [tilespmem:s6], [sflag:$0x3], $0x8000, $0x38;
	[tilespmem:$0x12000] =	vst v63  }
0x10a: {  	_ =	swait.ge [sflag:s4], $0x8000  }
0x10b: {  	[sflag:s4] =	ssyncset.done $0x0  }
0x10c: {  	[sflag:s4] =	ssyncadd.s32 $0xFFFF8000  }
0x10d: {  	_ =	swait.ge [sflag:s9], $0x8000  }
0x10e: {  	[sflag:s9] =	ssyncset.done $0x0  }
0x10f: {  	[sflag:s9] =	ssyncadd.s32 $0xFFFF8000  }
0x110: {  	[tilespmem:s6], [sflag:$0x2] =	stream.indirect.gather [hbm4b:s3+s5], $0x80, s19, s5, $0xb8;
	[tilespmem:$0x12000] =	vst v63  }
0x111: {  	s1 =	rddreg [dreg:$0x19]  }
0x112: {  	[hbm4b:s1+s2] =	stream.linear.scatter [tilespmem:s7], [sflag:$0x3], $0x8000, $0x38;
	[tilespmem:$0x12000] =	vst v63  }
0x113: {  	_ =	swait.ge [sflag:s4], $0x8000  }
0x114: {  	[sflag:s4] =	ssyncset.done $0x0  }
0x115: {  	[sflag:s4] =	ssyncadd.s32 $0xFFFF8000  }
0x116: {  	_ =	swait.ge [sflag:s8], $0x8000  }
0x117: {  	[sflag:s8] =	ssyncset.done $0x0  }
0x118: {  	[sflag:s8] =	ssyncadd.s32 $0xFFFF8000  }
0x119: {  	[tilespmem:s7], [sflag:$0x1] =	stream.indirect.gather [hbm4b:s3+s5], $0x80, s18, s5, $0xb8;
	[tilespmem:$0x12000] =	vst v63  }
0x11a: {  	s1 =	rddreg [dreg:$0x1a]  }
0x11b: {  	[hbm4b:s1+s2] =	stream.linear.scatter [tilespmem:s6], [sflag:$0x3], $0x8000, $0x38;
	[tilespmem:$0x12000] =	vst v63  }
0x11c: {  	_ =	swait.ge [sflag:s4], $0x8000  }
0x11d: {  	[sflag:s4] =	ssyncset.done $0x0  }
0x11e: {  	[sflag:s4] =	ssyncadd.s32 $0xFFFF8000  }
0x11f: {  	_ =	swait.ge [sflag:s9], $0x8000  }
0x120: {  	[sflag:s9] =	ssyncset.done $0x0  }
0x121: {  	[sflag:s9] =	ssyncadd.s32 $0xFFFF8000  }
0x122: {  	[tilespmem:s6], [sflag:$0x2] =	stream.indirect.gather [hbm4b:s3+s5], $0x80, s17, s5, $0xb8;
	[tilespmem:$0x12000] =	vst v63  }
0x123: {  	s1 =	rddreg [dreg:$0x1b]  }
0x124: {  	[hbm4b:s1+s2] =	stream.linear.scatter [tilespmem:s7], [sflag:$0x3], $0x8000, $0x38;
	[tilespmem:$0x12000] =	vst v63  }
0x125: {  	_ =	swait.ge [sflag:s4], $0x8000  }
0x126: {  	[sflag:s4] =	ssyncset.done $0x0  }
0x127: {  	[sflag:s4] =	ssyncadd.s32 $0xFFFF8000  }
0x128: {  	_ =	swait.ge [sflag:s8], $0x8000  }
0x129: {  	[sflag:s8] =	ssyncset.done $0x0  }
0x12a: {  	[sflag:s8] =	ssyncadd.s32 $0xFFFF8000  }
0x12b: {  	[tilespmem:s7], [sflag:$0x1] =	stream.indirect.gather [hbm4b:s3+s5], $0x80, s16, s5, $0xb8;
	[tilespmem:$0x12000] =	vst v63  }
0x12c: {  	s1 =	rddreg [dreg:$0x1c]  }
0x12d: {  	[hbm4b:s1+s2] =	stream.linear.scatter [tilespmem:s6], [sflag:$0x3], $0x8000, $0x38;
	[tilespmem:$0x12000] =	vst v63  }
0x12e: {  	_ =	swait.ge [sflag:s4], $0x8000  }
0x12f: {  	[sflag:s4] =	ssyncset.done $0x0  }
0x130: {  	[sflag:s4] =	ssyncadd.s32 $0xFFFF8000  }
0x131: {  	_ =	swait.ge [sflag:s9], $0x8000  }
0x132: {  	[sflag:s9] =	ssyncset.done $0x0  }
0x133: {  	[sflag:s9] =	ssyncadd.s32 $0xFFFF8000  }
0x134: {  	[tilespmem:s6], [sflag:$0x2] =	stream.indirect.gather [hbm4b:s3+s5], $0x80, s15, s5, $0xb8;
	[tilespmem:$0x12000] =	vst v63  }
0x135: {  	s1 =	rddreg [dreg:$0x1d]  }
0x136: {  	[hbm4b:s1+s2] =	stream.linear.scatter [tilespmem:s7], [sflag:$0x3], $0x8000, $0x38;
	[tilespmem:$0x12000] =	vst v63  }
0x137: {  	_ =	swait.ge [sflag:s4], $0x8000  }
0x138: {  	[sflag:s4] =	ssyncset.done $0x0  }
0x139: {  	[sflag:s4] =	ssyncadd.s32 $0xFFFF8000  }
0x13a: {  	_ =	swait.ge [sflag:s8], $0x8000  }
0x13b: {  	[sflag:s8] =	ssyncset.done $0x0  }
0x13c: {  	[sflag:s8] =	ssyncadd.s32 $0xFFFF8000  }
0x13d: {  	[tilespmem:s7], [sflag:$0x1] =	stream.indirect.gather [hbm4b:s3+s5], $0x80, s14, s5, $0xb8;
	[tilespmem:$0x12000] =	vst v63  }
0x13e: {  	s1 =	rddreg [dreg:$0x1e]  }
0x13f: {  	[hbm4b:s1+s2] =	stream.linear.scatter [tilespmem:s6], [sflag:$0x3], $0x8000, $0x38;
	[tilespmem:$0x12000] =	vst v63  }
0x140: {  	_ =	swait.ge [sflag:s4], $0x8000  }
0x141: {  	[sflag:s4] =	ssyncset.done $0x0  }
0x142: {  	[sflag:s4] =	ssyncadd.s32 $0xFFFF8000  }
0x143: {  	_ =	swait.ge [sflag:s9], $0x8000  }
0x144: {  	[sflag:s9] =	ssyncset.done $0x0  }
0x145: {  	[sflag:s9] =	ssyncadd.s32 $0xFFFF8000  }
0x146: {  	[tilespmem:s6], [sflag:$0x2] =	stream.indirect.gather [hbm4b:s3+s5], $0x80, s13, s5, $0xb8;
	[tilespmem:$0x12000] =	vst v63  }
0x147: {  	s1 =	rddreg [dreg:$0x1f]  }
0x148: {  	[hbm4b:s1+s2] =	stream.linear.scatter [tilespmem:s7], [sflag:$0x3], $0x8000, $0x38;
	[tilespmem:$0x12000] =	vst v63  }
0x149: {  	_ =	swait.ge [sflag:s4], $0x8000  }
0x14a: {  	[sflag:s4] =	ssyncset.done $0x0  }
0x14b: {  	[sflag:s4] =	ssyncadd.s32 $0xFFFF8000  }
0x14c: {  	_ =	swait.ge [sflag:s8], $0x8000  }
0x14d: {  	[sflag:s8] =	ssyncset.done $0x0  }
0x14e: {  	s1 =	sld [smem:$0x7F2];
	[sflag:s8] =	ssyncadd.s32 $0xFFFF8000  }
0x14f: {  	[tilespmem:s7], [sflag:$0x1] =	stream.indirect.gather [hbm4b:s3+s5], $0x80, s12, s5, $0xb8;
	[tilespmem:$0x12000] =	vst v63  }
0x150: {  	_ = 	snop  }
0x151: {  	[hbm4b:s1+s2] =	stream.linear.scatter [tilespmem:s6], [sflag:$0x3], $0x8000, $0x38;
	[tilespmem:$0x12000] =	vst v63  }
0x152: {  	_ =	swait.ge [sflag:s4], $0x8000  }
0x153: {  	[sflag:s4] =	ssyncset.done $0x0  }
0x154: {  	[sflag:s4] =	ssyncadd.s32 $0xFFFF8000  }
0x155: {  	_ =	swait.ge [sflag:s9], $0x8000  }
0x156: {  	[sflag:s9] =	ssyncset.done $0x0  }
0x157: {  	s1 =	sld [smem:$0x7F3];
	[sflag:s9] =	ssyncadd.s32 $0xFFFF8000  }
0x158: {  	[tilespmem:s6], [sflag:$0x2] =	stream.indirect.gather [hbm4b:s3+s5], $0x80, s11, s5, $0xb8;
	[tilespmem:$0x12000] =	vst v63  }
0x159: {  	_ = 	snop  }
0x15a: {  	[hbm4b:s1+s2] =	stream.linear.scatter [tilespmem:s7], [sflag:$0x3], $0x8000, $0x38;
	[tilespmem:$0x12000] =	vst v63  }
0x15b: {  	_ =	swait.ge [sflag:s4], $0x8000  }
0x15c: {  	[sflag:s4] =	ssyncset.done $0x0  }
0x15d: {  	[sflag:s4] =	ssyncadd.s32 $0xFFFF8000  }
0x15e: {  	_ =	swait.ge [sflag:s8], $0x8000  }
0x15f: {  	p1 =	sne.s32 s10, $0x1;
	s1 =	sld [smem:$0x7F4]  }
.Ltmp1:
0x160: {  	[sflag:s8] =	ssyncset.done $0x0;
	(pc) =	sbr.rel @!p1 .LBB2_3-.Ltmp1, $4  }
0x161: {  	[sflag:s8] =	ssyncadd.s32 $0xFFFF8000  }
0x162: {  	[hbm4b:s1+s2] =	stream.linear.scatter [tilespmem:s6], [sflag:$0x3], $0x8000, $0x38;
	[tilespmem:$0x12000] =	vst v63  }
0x163: {  	p0 =	por $0x1, $0x1;
	_ =	swait.ge [sflag:s4], $0x8000  }
0x164: {  	s1 =	sadd.s32 $0xFFFFFFFF, s10;
	s0 =	rddreg [dreg:$0x2];
	[sflag:s4] =	ssyncset.done $0x0  }
.LBB2_4:
0x165: {  	[sflag:s4] =	ssyncadd.s32 $0xFFFF8000  }
0x166: {  	[tilespmem:s2], [sflag:$0x3] =	stream.linear.gather [hbm4b:s0+s2], $0x2000, $0x38;
	[tilespmem:$0x12000] =	vst v63  }
0x167: {  	_ =	swait.ge [sflag:s4], $0x2000  }
0x168: {  	[sflag:s4] =	ssyncset.done $0x0  }
0x169: {  	[sflag:s4] =	ssyncadd.s32 $0xFFFFE000  }
0x16a: {  	[tilespmem:s7], [sflag:$0x1] =	stream.indirect.gather [hbm4b:s3+s5], $0x80, s2, s5, $0xb8;
	[tilespmem:$0x12000] =	vst v63  }
0x16b: {  	_ =	swait.ge [sflag:s9], $0x8000  }
0x16c: {  	[sflag:s9] =	ssyncset.done $0x0  }
0x16d: {  	[sflag:s9] =	ssyncadd.s32 $0xFFFF8000  }
0x16e: {  	[tilespmem:s6], [sflag:$0x2] =	stream.indirect.gather [hbm4b:s3+s5], $0x80, s5, s5, $0xb8;
	[tilespmem:$0x12000] =	vst v63  }
0x16f: {  	s10 =	rddreg [dreg:$0x3]  }
0x170: {  	[hbm4b:s10+s2] =	stream.linear.scatter [tilespmem:s7], [sflag:$0x3], $0x8000, $0x38;
	[tilespmem:$0x12000] =	vst v63  }
0x171: {  	_ =	swait.ge [sflag:s4], $0x8000  }
0x172: {  	[sflag:s4] =	ssyncset.done $0x0  }
0x173: {  	[sflag:s4] =	ssyncadd.s32 $0xFFFF8000  }
0x174: {  	_ =	swait.ge [sflag:s8], $0x8000  }
0x175: {  	s0 =	sld [smem:$0x7F5]  }
0x176: {  	[sflag:s8] =	ssyncset.done $0x0  }
0x177: {  	[sflag:s8] =	ssyncadd.s32 $0xFFFF8000  }
0x178: {  	[tilespmem:s7], [sflag:$0x1] =	stream.indirect.gather [hbm4b:s3+s5], $0x80, s0, s5, $0xb8;
	[tilespmem:$0x12000] =	vst v63  }
0x179: {  	s10 =	rddreg [dreg:$0x4]  }
0x17a: {  	[hbm4b:s10+s2] =	stream.linear.scatter [tilespmem:s6], [sflag:$0x3], $0x8000, $0x38;
	[tilespmem:$0x12000] =	vst v63  }
0x17b: {  	_ =	swait.ge [sflag:s4], $0x8000  }
0x17c: {  	[sflag:s4] =	ssyncset.done $0x0  }
0x17d: {  	[sflag:s4] =	ssyncadd.s32 $0xFFFF8000  }
0x17e: {  	_ =	swait.ge [sflag:s9], $0x8000  }
0x17f: {  	s0 =	sld [smem:$0x7F6]  }
0x180: {  	[sflag:s9] =	ssyncset.done $0x0  }
0x181: {  	[sflag:s9] =	ssyncadd.s32 $0xFFFF8000  }
0x182: {  	[tilespmem:s6], [sflag:$0x2] =	stream.indirect.gather [hbm4b:s3+s5], $0x80, s0, s5, $0xb8;
	[tilespmem:$0x12000] =	vst v63  }
0x183: {  	s10 =	rddreg [dreg:$0x5]  }
0x184: {  	[hbm4b:s10+s2] =	stream.linear.scatter [tilespmem:s7], [sflag:$0x3], $0x8000, $0x38;
	[tilespmem:$0x12000] =	vst v63  }
0x185: {  	_ =	swait.ge [sflag:s4], $0x8000  }
0x186: {  	[sflag:s4] =	ssyncset.done $0x0  }
0x187: {  	[sflag:s4] =	ssyncadd.s32 $0xFFFF8000  }
0x188: {  	_ =	swait.ge [sflag:s8], $0x8000  }
0x189: {  	s0 =	sld [smem:$0x7F7]  }
0x18a: {  	[sflag:s8] =	ssyncset.done $0x0  }
0x18b: {  	[sflag:s8] =	ssyncadd.s32 $0xFFFF8000  }
0x18c: {  	[tilespmem:s7], [sflag:$0x1] =	stream.indirect.gather [hbm4b:s3+s5], $0x80, s0, s5, $0xb8;
	[tilespmem:$0x12000] =	vst v63  }
0x18d: {  	s10 =	rddreg [dreg:$0x6]  }
0x18e: {  	[hbm4b:s10+s2] =	stream.linear.scatter [tilespmem:s6], [sflag:$0x3], $0x8000, $0x38;
	[tilespmem:$0x12000] =	vst v63  }
0x18f: {  	_ =	swait.ge [sflag:s4], $0x8000  }
0x190: {  	[sflag:s4] =	ssyncset.done $0x0  }
0x191: {  	[sflag:s4] =	ssyncadd.s32 $0xFFFF8000  }
0x192: {  	_ =	swait.ge [sflag:s9], $0x8000  }
0x193: {  	s0 =	sld [smem:$0x7F8]  }
0x194: {  	[sflag:s9] =	ssyncset.done $0x0  }
0x195: {  	[sflag:s9] =	ssyncadd.s32 $0xFFFF8000  }
0x196: {  	[tilespmem:s6], [sflag:$0x2] =	stream.indirect.gather [hbm4b:s3+s5], $0x80, s0, s5, $0xb8;
	[tilespmem:$0x12000] =	vst v63  }
0x197: {  	s10 =	rddreg [dreg:$0x7]  }
0x198: {  	[hbm4b:s10+s2] =	stream.linear.scatter [tilespmem:s7], [sflag:$0x3], $0x8000, $0x38;
	[tilespmem:$0x12000] =	vst v63  }
0x199: {  	_ =	swait.ge [sflag:s4], $0x8000  }
0x19a: {  	[sflag:s4] =	ssyncset.done $0x0  }
0x19b: {  	[sflag:s4] =	ssyncadd.s32 $0xFFFF8000  }
0x19c: {  	_ =	swait.ge [sflag:s8], $0x8000  }
0x19d: {  	s0 =	sld [smem:$0x7F9]  }
0x19e: {  	[sflag:s8] =	ssyncset.done $0x0  }
0x19f: {  	[sflag:s8] =	ssyncadd.s32 $0xFFFF8000  }
0x1a0: {  	[tilespmem:s7], [sflag:$0x1] =	stream.indirect.gather [hbm4b:s3+s5], $0x80, s0, s5, $0xb8;
	[tilespmem:$0x12000] =	vst v63  }
0x1a1: {  	s10 =	rddreg [dreg:$0x8]  }
0x1a2: {  	[hbm4b:s10+s2] =	stream.linear.scatter [tilespmem:s6], [sflag:$0x3], $0x8000, $0x38;
	[tilespmem:$0x12000] =	vst v63  }
0x1a3: {  	_ =	swait.ge [sflag:s4], $0x8000  }
0x1a4: {  	[sflag:s4] =	ssyncset.done $0x0  }
0x1a5: {  	[sflag:s4] =	ssyncadd.s32 $0xFFFF8000  }
0x1a6: {  	_ =	swait.ge [sflag:s9], $0x8000  }
0x1a7: {  	s0 =	sld [smem:$0x7FA]  }
0x1a8: {  	[sflag:s9] =	ssyncset.done $0x0  }
0x1a9: {  	[sflag:s9] =	ssyncadd.s32 $0xFFFF8000  }
0x1aa: {  	[tilespmem:s6], [sflag:$0x2] =	stream.indirect.gather [hbm4b:s3+s5], $0x80, s0, s5, $0xb8;
	[tilespmem:$0x12000] =	vst v63  }
0x1ab: {  	s10 =	rddreg [dreg:$0x9]  }
0x1ac: {  	[hbm4b:s10+s2] =	stream.linear.scatter [tilespmem:s7], [sflag:$0x3], $0x8000, $0x38;
	[tilespmem:$0x12000] =	vst v63  }
0x1ad: {  	_ =	swait.ge [sflag:s4], $0x8000  }
0x1ae: {  	[sflag:s4] =	ssyncset.done $0x0  }
0x1af: {  	[sflag:s4] =	ssyncadd.s32 $0xFFFF8000  }
0x1b0: {  	_ =	swait.ge [sflag:s8], $0x8000  }
0x1b1: {  	s0 =	sld [smem:$0x7FB]  }
0x1b2: {  	[sflag:s8] =	ssyncset.done $0x0  }
0x1b3: {  	[sflag:s8] =	ssyncadd.s32 $0xFFFF8000  }
0x1b4: {  	[tilespmem:s7], [sflag:$0x1] =	stream.indirect.gather [hbm4b:s3+s5], $0x80, s0, s5, $0xb8;
	[tilespmem:$0x12000] =	vst v63  }
0x1b5: {  	s10 =	rddreg [dreg:$0xa]  }
0x1b6: {  	[hbm4b:s10+s2] =	stream.linear.scatter [tilespmem:s6], [sflag:$0x3], $0x8000, $0x38;
	[tilespmem:$0x12000] =	vst v63  }
0x1b7: {  	_ =	swait.ge [sflag:s4], $0x8000  }
0x1b8: {  	[sflag:s4] =	ssyncset.done $0x0  }
0x1b9: {  	[sflag:s4] =	ssyncadd.s32 $0xFFFF8000  }
0x1ba: {  	_ =	swait.ge [sflag:s9], $0x8000  }
0x1bb: {  	s0 =	sld [smem:$0x7FC]  }
0x1bc: {  	[sflag:s9] =	ssyncset.done $0x0  }
0x1bd: {  	[sflag:s9] =	ssyncadd.s32 $0xFFFF8000  }
0x1be: {  	[tilespmem:s6], [sflag:$0x2] =	stream.indirect.gather [hbm4b:s3+s5], $0x80, s0, s5, $0xb8;
	[tilespmem:$0x12000] =	vst v63  }
0x1bf: {  	s10 =	rddreg [dreg:$0xb]  }
0x1c0: {  	[hbm4b:s10+s2] =	stream.linear.scatter [tilespmem:s7], [sflag:$0x3], $0x8000, $0x38;
	[tilespmem:$0x12000] =	vst v63  }
0x1c1: {  	_ =	swait.ge [sflag:s4], $0x8000  }
0x1c2: {  	[sflag:s4] =	ssyncset.done $0x0  }
0x1c3: {  	[sflag:s4] =	ssyncadd.s32 $0xFFFF8000  }
0x1c4: {  	_ =	swait.ge [sflag:s8], $0x8000  }
0x1c5: {  	s0 =	sld [smem:$0x7FD]  }
0x1c6: {  	[sflag:s8] =	ssyncset.done $0x0  }
0x1c7: {  	[sflag:s8] =	ssyncadd.s32 $0xFFFF8000  }
0x1c8: {  	[tilespmem:s7], [sflag:$0x1] =	stream.indirect.gather [hbm4b:s3+s5], $0x80, s0, s5, $0xb8;
	[tilespmem:$0x12000] =	vst v63  }
0x1c9: {  	s10 =	rddreg [dreg:$0xc]  }
0x1ca: {  	[hbm4b:s10+s2] =	stream.linear.scatter [tilespmem:s6], [sflag:$0x3], $0x8000, $0x38;
	[tilespmem:$0x12000] =	vst v63  }
0x1cb: {  	_ =	swait.ge [sflag:s4], $0x8000  }
0x1cc: {  	[sflag:s4] =	ssyncset.done $0x0  }
0x1cd: {  	[sflag:s4] =	ssyncadd.s32 $0xFFFF8000  }
0x1ce: {  	_ =	swait.ge [sflag:s9], $0x8000  }
0x1cf: {  	[sflag:s9] =	ssyncset.done $0x0  }
0x1d0: {  	s10 =	simm.s32 $0xB00;
	[sflag:s9] =	ssyncadd.s32 $0xFFFF8000  }
0x1d1: {  	[tilespmem:s6], [sflag:$0x2] =	stream.indirect.gather [hbm4b:s3+s5], $0x80, s10, s5, $0xb8;
	[tilespmem:$0x12000] =	vst v63  }
0x1d2: {  	s0 =	rddreg [dreg:$0xd]  }
0x1d3: {  	[hbm4b:s0+s2] =	stream.linear.scatter [tilespmem:s7], [sflag:$0x3], $0x8000, $0x38;
	[tilespmem:$0x12000] =	vst v63  }
0x1d4: {  	_ =	swait.ge [sflag:s4], $0x8000  }
0x1d5: {  	[sflag:s4] =	ssyncset.done $0x0  }
0x1d6: {  	[sflag:s4] =	ssyncadd.s32 $0xFFFF8000  }
0x1d7: {  	_ =	swait.ge [sflag:s8], $0x8000  }
0x1d8: {  	[sflag:s8] =	ssyncset.done $0x0  }
0x1d9: {  	[sflag:s8] =	ssyncadd.s32 $0xFFFF8000  }
0x1da: {  	[tilespmem:s7], [sflag:$0x1] =	stream.indirect.gather [hbm4b:s3+s5], $0x80, s31, s5, $0xb8;
	[tilespmem:$0x12000] =	vst v63  }
0x1db: {  	s10 =	rddreg [dreg:$0xe]  }
0x1dc: {  	[hbm4b:s10+s2] =	stream.linear.scatter [tilespmem:s6], [sflag:$0x3], $0x8000, $0x38;
	[tilespmem:$0x12000] =	vst v63  }
0x1dd: {  	_ =	swait.ge [sflag:s4], $0x8000  }
0x1de: {  	[sflag:s4] =	ssyncset.done $0x0  }
0x1df: {  	[sflag:s4] =	ssyncadd.s32 $0xFFFF8000  }
0x1e0: {  	_ =	swait.ge [sflag:s9], $0x8000  }
0x1e1: {  	[sflag:s9] =	ssyncset.done $0x0  }
0x1e2: {  	[sflag:s9] =	ssyncadd.s32 $0xFFFF8000  }
0x1e3: {  	[tilespmem:s6], [sflag:$0x2] =	stream.indirect.gather [hbm4b:s3+s5], $0x80, s30, s5, $0xb8;
	[tilespmem:$0x12000] =	vst v63  }
0x1e4: {  	s10 =	rddreg [dreg:$0xf]  }
0x1e5: {  	[hbm4b:s10+s2] =	stream.linear.scatter [tilespmem:s7], [sflag:$0x3], $0x8000, $0x38;
	[tilespmem:$0x12000] =	vst v63  }
0x1e6: {  	_ =	swait.ge [sflag:s4], $0x8000  }
0x1e7: {  	[sflag:s4] =	ssyncset.done $0x0  }
0x1e8: {  	[sflag:s4] =	ssyncadd.s32 $0xFFFF8000  }
0x1e9: {  	_ =	swait.ge [sflag:s8], $0x8000  }
0x1ea: {  	[sflag:s8] =	ssyncset.done $0x0  }
0x1eb: {  	[sflag:s8] =	ssyncadd.s32 $0xFFFF8000  }
0x1ec: {  	[tilespmem:s7], [sflag:$0x1] =	stream.indirect.gather [hbm4b:s3+s5], $0x80, s29, s5, $0xb8;
	[tilespmem:$0x12000] =	vst v63  }
0x1ed: {  	s10 =	rddreg [dreg:$0x10]  }
0x1ee: {  	[hbm4b:s10+s2] =	stream.linear.scatter [tilespmem:s6], [sflag:$0x3], $0x8000, $0x38;
	[tilespmem:$0x12000] =	vst v63  }
0x1ef: {  	_ =	swait.ge [sflag:s4], $0x8000  }
0x1f0: {  	[sflag:s4] =	ssyncset.done $0x0  }
0x1f1: {  	[sflag:s4] =	ssyncadd.s32 $0xFFFF8000  }
0x1f2: {  	_ =	swait.ge [sflag:s9], $0x8000  }
0x1f3: {  	[sflag:s9] =	ssyncset.done $0x0  }
0x1f4: {  	[sflag:s9] =	ssyncadd.s32 $0xFFFF8000  }
0x1f5: {  	[tilespmem:s6], [sflag:$0x2] =	stream.indirect.gather [hbm4b:s3+s5], $0x80, s28, s5, $0xb8;
	[tilespmem:$0x12000] =	vst v63  }
0x1f6: {  	s10 =	rddreg [dreg:$0x11]  }
0x1f7: {  	[hbm4b:s10+s2] =	stream.linear.scatter [tilespmem:s7], [sflag:$0x3], $0x8000, $0x38;
	[tilespmem:$0x12000] =	vst v63  }
0x1f8: {  	_ =	swait.ge [sflag:s4], $0x8000  }
0x1f9: {  	[sflag:s4] =	ssyncset.done $0x0  }
0x1fa: {  	[sflag:s4] =	ssyncadd.s32 $0xFFFF8000  }
0x1fb: {  	_ =	swait.ge [sflag:s8], $0x8000  }
0x1fc: {  	[sflag:s8] =	ssyncset.done $0x0  }
0x1fd: {  	[sflag:s8] =	ssyncadd.s32 $0xFFFF8000  }
0x1fe: {  	[tilespmem:s7], [sflag:$0x1] =	stream.indirect.gather [hbm4b:s3+s5], $0x80, s26, s5, $0xb8;
	[tilespmem:$0x12000] =	vst v63  }
0x1ff: {  	s10 =	rddreg [dreg:$0x12]  }
0x200: {  	[hbm4b:s10+s2] =	stream.linear.scatter [tilespmem:s6], [sflag:$0x3], $0x8000, $0x38;
	[tilespmem:$0x12000] =	vst v63  }
0x201: {  	_ =	swait.ge [sflag:s4], $0x8000  }
0x202: {  	[sflag:s4] =	ssyncset.done $0x0  }
0x203: {  	[sflag:s4] =	ssyncadd.s32 $0xFFFF8000  }
0x204: {  	_ =	swait.ge [sflag:s9], $0x8000  }
0x205: {  	[sflag:s9] =	ssyncset.done $0x0  }
0x206: {  	[sflag:s9] =	ssyncadd.s32 $0xFFFF8000  }
0x207: {  	[tilespmem:s6], [sflag:$0x2] =	stream.indirect.gather [hbm4b:s3+s5], $0x80, s25, s5, $0xb8;
	[tilespmem:$0x12000] =	vst v63  }
0x208: {  	s10 =	rddreg [dreg:$0x13]  }
0x209: {  	[hbm4b:s10+s2] =	stream.linear.scatter [tilespmem:s7], [sflag:$0x3], $0x8000, $0x38;
	[tilespmem:$0x12000] =	vst v63  }
0x20a: {  	_ =	swait.ge [sflag:s4], $0x8000  }
0x20b: {  	[sflag:s4] =	ssyncset.done $0x0  }
0x20c: {  	[sflag:s4] =	ssyncadd.s32 $0xFFFF8000  }
0x20d: {  	_ =	swait.ge [sflag:s8], $0x8000  }
0x20e: {  	[sflag:s8] =	ssyncset.done $0x0  }
0x20f: {  	[sflag:s8] =	ssyncadd.s32 $0xFFFF8000  }
0x210: {  	[tilespmem:s7], [sflag:$0x1] =	stream.indirect.gather [hbm4b:s3+s5], $0x80, s24, s5, $0xb8;
	[tilespmem:$0x12000] =	vst v63  }
0x211: {  	s10 =	rddreg [dreg:$0x14]  }
0x212: {  	[hbm4b:s10+s2] =	stream.linear.scatter [tilespmem:s6], [sflag:$0x3], $0x8000, $0x38;
	[tilespmem:$0x12000] =	vst v63  }
0x213: {  	_ =	swait.ge [sflag:s4], $0x8000  }
0x214: {  	[sflag:s4] =	ssyncset.done $0x0  }
0x215: {  	[sflag:s4] =	ssyncadd.s32 $0xFFFF8000  }
0x216: {  	_ =	swait.ge [sflag:s9], $0x8000  }
0x217: {  	[sflag:s9] =	ssyncset.done $0x0  }
0x218: {  	[sflag:s9] =	ssyncadd.s32 $0xFFFF8000  }
0x219: {  	[tilespmem:s6], [sflag:$0x2] =	stream.indirect.gather [hbm4b:s3+s5], $0x80, s23, s5, $0xb8;
	[tilespmem:$0x12000] =	vst v63  }
0x21a: {  	s10 =	rddreg [dreg:$0x15]  }
0x21b: {  	[hbm4b:s10+s2] =	stream.linear.scatter [tilespmem:s7], [sflag:$0x3], $0x8000, $0x38;
	[tilespmem:$0x12000] =	vst v63  }
0x21c: {  	_ =	swait.ge [sflag:s4], $0x8000  }
0x21d: {  	[sflag:s4] =	ssyncset.done $0x0  }
0x21e: {  	[sflag:s4] =	ssyncadd.s32 $0xFFFF8000  }
0x21f: {  	_ =	swait.ge [sflag:s8], $0x8000  }
0x220: {  	[sflag:s8] =	ssyncset.done $0x0  }
0x221: {  	[sflag:s8] =	ssyncadd.s32 $0xFFFF8000  }
0x222: {  	[tilespmem:s7], [sflag:$0x1] =	stream.indirect.gather [hbm4b:s3+s5], $0x80, s22, s5, $0xb8;
	[tilespmem:$0x12000] =	vst v63  }
0x223: {  	s10 =	rddreg [dreg:$0x16]  }
0x224: {  	[hbm4b:s10+s2] =	stream.linear.scatter [tilespmem:s6], [sflag:$0x3], $0x8000, $0x38;
	[tilespmem:$0x12000] =	vst v63  }
0x225: {  	_ =	swait.ge [sflag:s4], $0x8000  }
0x226: {  	[sflag:s4] =	ssyncset.done $0x0  }
0x227: {  	[sflag:s4] =	ssyncadd.s32 $0xFFFF8000  }
0x228: {  	_ =	swait.ge [sflag:s9], $0x8000  }
0x229: {  	[sflag:s9] =	ssyncset.done $0x0  }
0x22a: {  	[sflag:s9] =	ssyncadd.s32 $0xFFFF8000  }
0x22b: {  	[tilespmem:s6], [sflag:$0x2] =	stream.indirect.gather [hbm4b:s3+s5], $0x80, s21, s5, $0xb8;
	[tilespmem:$0x12000] =	vst v63  }
0x22c: {  	s10 =	rddreg [dreg:$0x17]  }
0x22d: {  	[hbm4b:s10+s2] =	stream.linear.scatter [tilespmem:s7], [sflag:$0x3], $0x8000, $0x38;
	[tilespmem:$0x12000] =	vst v63  }
0x22e: {  	_ =	swait.ge [sflag:s4], $0x8000  }
0x22f: {  	[sflag:s4] =	ssyncset.done $0x0  }
0x230: {  	[sflag:s4] =	ssyncadd.s32 $0xFFFF8000  }
0x231: {  	_ =	swait.ge [sflag:s8], $0x8000  }
0x232: {  	[sflag:s8] =	ssyncset.done $0x0  }
0x233: {  	[sflag:s8] =	ssyncadd.s32 $0xFFFF8000  }
0x234: {  	[tilespmem:s7], [sflag:$0x1] =	stream.indirect.gather [hbm4b:s3+s5], $0x80, s20, s5, $0xb8;
	[tilespmem:$0x12000] =	vst v63  }
0x235: {  	s10 =	rddreg [dreg:$0x18]  }
0x236: {  	[hbm4b:s10+s2] =	stream.linear.scatter [tilespmem:s6], [sflag:$0x3], $0x8000, $0x38;
	[tilespmem:$0x12000] =	vst v63  }
0x237: {  	_ =	swait.ge [sflag:s4], $0x8000  }
0x238: {  	[sflag:s4] =	ssyncset.done $0x0  }
0x239: {  	[sflag:s4] =	ssyncadd.s32 $0xFFFF8000  }
0x23a: {  	_ =	swait.ge [sflag:s9], $0x8000  }
0x23b: {  	[sflag:s9] =	ssyncset.done $0x0  }
0x23c: {  	[sflag:s9] =	ssyncadd.s32 $0xFFFF8000  }
0x23d: {  	[tilespmem:s6], [sflag:$0x2] =	stream.indirect.gather [hbm4b:s3+s5], $0x80, s19, s5, $0xb8;
	[tilespmem:$0x12000] =	vst v63  }
0x23e: {  	s10 =	rddreg [dreg:$0x19]  }
0x23f: {  	[hbm4b:s10+s2] =	stream.linear.scatter [tilespmem:s7], [sflag:$0x3], $0x8000, $0x38;
	[tilespmem:$0x12000] =	vst v63  }
0x240: {  	_ =	swait.ge [sflag:s4], $0x8000  }
0x241: {  	[sflag:s4] =	ssyncset.done $0x0  }
0x242: {  	[sflag:s4] =	ssyncadd.s32 $0xFFFF8000  }
0x243: {  	_ =	swait.ge [sflag:s8], $0x8000  }
0x244: {  	[sflag:s8] =	ssyncset.done $0x0  }
0x245: {  	[sflag:s8] =	ssyncadd.s32 $0xFFFF8000  }
0x246: {  	[tilespmem:s7], [sflag:$0x1] =	stream.indirect.gather [hbm4b:s3+s5], $0x80, s18, s5, $0xb8;
	[tilespmem:$0x12000] =	vst v63  }
0x247: {  	s10 =	rddreg [dreg:$0x1a]  }
0x248: {  	[hbm4b:s10+s2] =	stream.linear.scatter [tilespmem:s6], [sflag:$0x3], $0x8000, $0x38;
	[tilespmem:$0x12000] =	vst v63  }
0x249: {  	_ =	swait.ge [sflag:s4], $0x8000  }
0x24a: {  	[sflag:s4] =	ssyncset.done $0x0  }
0x24b: {  	[sflag:s4] =	ssyncadd.s32 $0xFFFF8000  }
0x24c: {  	_ =	swait.ge [sflag:s9], $0x8000  }
0x24d: {  	[sflag:s9] =	ssyncset.done $0x0  }
0x24e: {  	[sflag:s9] =	ssyncadd.s32 $0xFFFF8000  }
0x24f: {  	[tilespmem:s6], [sflag:$0x2] =	stream.indirect.gather [hbm4b:s3+s5], $0x80, s17, s5, $0xb8;
	[tilespmem:$0x12000] =	vst v63  }
0x250: {  	s10 =	rddreg [dreg:$0x1b]  }
0x251: {  	[hbm4b:s10+s2] =	stream.linear.scatter [tilespmem:s7], [sflag:$0x3], $0x8000, $0x38;
	[tilespmem:$0x12000] =	vst v63  }
0x252: {  	_ =	swait.ge [sflag:s4], $0x8000  }
0x253: {  	[sflag:s4] =	ssyncset.done $0x0  }
0x254: {  	[sflag:s4] =	ssyncadd.s32 $0xFFFF8000  }
0x255: {  	_ =	swait.ge [sflag:s8], $0x8000  }
0x256: {  	[sflag:s8] =	ssyncset.done $0x0  }
0x257: {  	[sflag:s8] =	ssyncadd.s32 $0xFFFF8000  }
0x258: {  	[tilespmem:s7], [sflag:$0x1] =	stream.indirect.gather [hbm4b:s3+s5], $0x80, s16, s5, $0xb8;
	[tilespmem:$0x12000] =	vst v63  }
0x259: {  	s10 =	rddreg [dreg:$0x1c]  }
0x25a: {  	[hbm4b:s10+s2] =	stream.linear.scatter [tilespmem:s6], [sflag:$0x3], $0x8000, $0x38;
	[tilespmem:$0x12000] =	vst v63  }
0x25b: {  	_ =	swait.ge [sflag:s4], $0x8000  }
0x25c: {  	[sflag:s4] =	ssyncset.done $0x0  }
0x25d: {  	[sflag:s4] =	ssyncadd.s32 $0xFFFF8000  }
0x25e: {  	_ =	swait.ge [sflag:s9], $0x8000  }
0x25f: {  	[sflag:s9] =	ssyncset.done $0x0  }
0x260: {  	[sflag:s9] =	ssyncadd.s32 $0xFFFF8000  }
0x261: {  	[tilespmem:s6], [sflag:$0x2] =	stream.indirect.gather [hbm4b:s3+s5], $0x80, s15, s5, $0xb8;
	[tilespmem:$0x12000] =	vst v63  }
0x262: {  	s10 =	rddreg [dreg:$0x1d]  }
0x263: {  	[hbm4b:s10+s2] =	stream.linear.scatter [tilespmem:s7], [sflag:$0x3], $0x8000, $0x38;
	[tilespmem:$0x12000] =	vst v63  }
0x264: {  	_ =	swait.ge [sflag:s4], $0x8000  }
0x265: {  	[sflag:s4] =	ssyncset.done $0x0  }
0x266: {  	[sflag:s4] =	ssyncadd.s32 $0xFFFF8000  }
0x267: {  	_ =	swait.ge [sflag:s8], $0x8000  }
0x268: {  	[sflag:s8] =	ssyncset.done $0x0  }
0x269: {  	[sflag:s8] =	ssyncadd.s32 $0xFFFF8000  }
0x26a: {  	[tilespmem:s7], [sflag:$0x1] =	stream.indirect.gather [hbm4b:s3+s5], $0x80, s14, s5, $0xb8;
	[tilespmem:$0x12000] =	vst v63  }
0x26b: {  	s10 =	rddreg [dreg:$0x1e]  }
0x26c: {  	[hbm4b:s10+s2] =	stream.linear.scatter [tilespmem:s6], [sflag:$0x3], $0x8000, $0x38;
	[tilespmem:$0x12000] =	vst v63  }
0x26d: {  	_ =	swait.ge [sflag:s4], $0x8000  }
0x26e: {  	[sflag:s4] =	ssyncset.done $0x0  }
0x26f: {  	[sflag:s4] =	ssyncadd.s32 $0xFFFF8000  }
0x270: {  	_ =	swait.ge [sflag:s9], $0x8000  }
0x271: {  	[sflag:s9] =	ssyncset.done $0x0  }
0x272: {  	[sflag:s9] =	ssyncadd.s32 $0xFFFF8000  }
0x273: {  	[tilespmem:s6], [sflag:$0x2] =	stream.indirect.gather [hbm4b:s3+s5], $0x80, s13, s5, $0xb8;
	[tilespmem:$0x12000] =	vst v63  }
0x274: {  	s10 =	rddreg [dreg:$0x1f]  }
0x275: {  	[hbm4b:s10+s2] =	stream.linear.scatter [tilespmem:s7], [sflag:$0x3], $0x8000, $0x38;
	[tilespmem:$0x12000] =	vst v63  }
0x276: {  	_ =	swait.ge [sflag:s4], $0x8000  }
0x277: {  	[sflag:s4] =	ssyncset.done $0x0  }
0x278: {  	[sflag:s4] =	ssyncadd.s32 $0xFFFF8000  }
0x279: {  	_ =	swait.ge [sflag:s8], $0x8000  }
0x27a: {  	[sflag:s8] =	ssyncset.done $0x0  }
0x27b: {  	s10 =	sld [smem:$0x7F2];
	[sflag:s8] =	ssyncadd.s32 $0xFFFF8000  }
0x27c: {  	[tilespmem:s7], [sflag:$0x1] =	stream.indirect.gather [hbm4b:s3+s5], $0x80, s12, s5, $0xb8;
	[tilespmem:$0x12000] =	vst v63  }
0x27d: {  	_ = 	snop  }
0x27e: {  	[hbm4b:s10+s2] =	stream.linear.scatter [tilespmem:s6], [sflag:$0x3], $0x8000, $0x38;
	[tilespmem:$0x12000] =	vst v63  }
0x27f: {  	_ =	swait.ge [sflag:s4], $0x8000  }
0x280: {  	[sflag:s4] =	ssyncset.done $0x0  }
0x281: {  	[sflag:s4] =	ssyncadd.s32 $0xFFFF8000  }
0x282: {  	_ =	swait.ge [sflag:s9], $0x8000  }
0x283: {  	[sflag:s9] =	ssyncset.done $0x0  }
0x284: {  	s10 =	sld [smem:$0x7F3];
	[sflag:s9] =	ssyncadd.s32 $0xFFFF8000  }
0x285: {  	[tilespmem:s6], [sflag:$0x2] =	stream.indirect.gather [hbm4b:s3+s5], $0x80, s11, s5, $0xb8;
	[tilespmem:$0x12000] =	vst v63  }
0x286: {  	_ = 	snop  }
0x287: {  	[hbm4b:s10+s2] =	stream.linear.scatter [tilespmem:s7], [sflag:$0x3], $0x8000, $0x38;
	[tilespmem:$0x12000] =	vst v63  }
0x288: {  	_ =	swait.ge [sflag:s4], $0x8000  }
0x289: {  	[sflag:s4] =	ssyncset.done $0x0  }
0x28a: {  	[sflag:s4] =	ssyncadd.s32 $0xFFFF8000  }
0x28b: {  	_ =	swait.ge [sflag:s8], $0x8000  }
0x28c: {  	p1 =	sne.s32 s1, $0x1;
	s10 =	sld [smem:$0x7F4]  }
.Ltmp2:
0x28d: {  	[sflag:s8] =	ssyncset.done $0x0;
	(pc) =	sbr.rel @p1 .LBB2_4-.Ltmp2, $4  }
0x28e: {  	[sflag:s8] =	ssyncadd.s32 $0xFFFF8000  }
0x28f: {  	[hbm4b:s10+s2] =	stream.linear.scatter [tilespmem:s6], [sflag:$0x3], $0x8000, $0x38;
	[tilespmem:$0x12000] =	vst v63  }
0x290: {  	_ =	swait.ge [sflag:s4], $0x8000  }
0x291: {  	s1 =	sadd.s32 $0xFFFFFFFF, s1;
	s0 =	rddreg [dreg:$0x2];
	[sflag:s4] =	ssyncset.done $0x0  }
0x292: {  	s11 =	simm.s32 $0xB00;
	s31 =	simm.s32 $0xC00;
	s30 =	simm.s32 $0xD00  }
0x293: {  	s29 =	simm.s32 $0xE00;
	s28 =	simm.s32 $0xF00;
	s26 =	simm.s32 $0x1000  }
0x294: {  	s25 =	simm.s32 $0x1100;
	s24 =	simm.s32 $0x1200;
	s23 =	simm.s32 $0x1300  }
0x295: {  	s22 =	simm.s32 $0x1400;
	s21 =	simm.s32 $0x1500;
	s20 =	simm.s32 $0x1600  }
0x296: {  	s19 =	simm.s32 $0x1700;
	s18 =	simm.s32 $0x1800;
	s17 =	simm.s32 $0x1900  }
0x297: {  	s16 =	simm.s32 $0x1A00;
	s15 =	simm.s32 $0x1B00;
	s14 =	simm.s32 $0x1C00  }
0x298: {  	s13 =	simm.s32 $0x1D00;
	s12 =	simm.s32 $0x1E00;
	s10 =	stileid.u32  }
.LBB2_6:
0x299: {  	[sflag:s4] =	ssyncadd.s32 @p0 $0xFFFF8000  }
0x29a: {  	[tilespmem:s2], [sflag:$0x3] =	stream.linear.gather [hbm4b:s0+s2], $0x2000, $0x38;
	[tilespmem:$0x12000] =	vst v63  }
0x29b: {  	_ =	swait.ge [sflag:s4], $0x2000  }
0x29c: {  	[sflag:s4] =	ssyncset.done $0x0  }
0x29d: {  	[sflag:s4] =	ssyncadd.s32 $0xFFFFE000  }
0x29e: {  	[tilespmem:s7], [sflag:$0x1] =	stream.indirect.gather [hbm4b:s3+s5], $0x80, s2, s5, $0xb8;
	[tilespmem:$0x12000] =	vst v63  }
0x29f: {  	_ =	swait.ge [sflag:s9], $0x8000  }
0x2a0: {  	[sflag:s9] =	ssyncset.done $0x0  }
0x2a1: {  	[sflag:s9] =	ssyncadd.s32 $0xFFFF8000  }
0x2a2: {  	[tilespmem:s6], [sflag:$0x2] =	stream.indirect.gather [hbm4b:s3+s5], $0x80, s5, s5, $0xb8;
	[tilespmem:$0x12000] =	vst v63  }
0x2a3: {  	s1 =	rddreg [dreg:$0x3]  }
0x2a4: {  	[hbm4b:s1+s2] =	stream.linear.scatter [tilespmem:s7], [sflag:$0x3], $0x8000, $0x38;
	[tilespmem:$0x12000] =	vst v63  }
0x2a5: {  	_ =	swait.ge [sflag:s4], $0x8000  }
0x2a6: {  	[sflag:s4] =	ssyncset.done $0x0  }
0x2a7: {  	[sflag:s4] =	ssyncadd.s32 $0xFFFF8000  }
0x2a8: {  	_ =	swait.ge [sflag:s8], $0x8000  }
0x2a9: {  	s0 =	sld [smem:$0x7F5]  }
0x2aa: {  	[sflag:s8] =	ssyncset.done $0x0  }
0x2ab: {  	[sflag:s8] =	ssyncadd.s32 $0xFFFF8000  }
0x2ac: {  	[tilespmem:s7], [sflag:$0x1] =	stream.indirect.gather [hbm4b:s3+s5], $0x80, s0, s5, $0xb8;
	[tilespmem:$0x12000] =	vst v63  }
0x2ad: {  	s1 =	rddreg [dreg:$0x4]  }
0x2ae: {  	[hbm4b:s1+s2] =	stream.linear.scatter [tilespmem:s6], [sflag:$0x3], $0x8000, $0x38;
	[tilespmem:$0x12000] =	vst v63  }
0x2af: {  	_ =	swait.ge [sflag:s4], $0x8000  }
0x2b0: {  	[sflag:s4] =	ssyncset.done $0x0  }
0x2b1: {  	[sflag:s4] =	ssyncadd.s32 $0xFFFF8000  }
0x2b2: {  	_ =	swait.ge [sflag:s9], $0x8000  }
0x2b3: {  	s0 =	sld [smem:$0x7F6]  }
0x2b4: {  	[sflag:s9] =	ssyncset.done $0x0  }
0x2b5: {  	[sflag:s9] =	ssyncadd.s32 $0xFFFF8000  }
0x2b6: {  	[tilespmem:s6], [sflag:$0x2] =	stream.indirect.gather [hbm4b:s3+s5], $0x80, s0, s5, $0xb8;
	[tilespmem:$0x12000] =	vst v63  }
0x2b7: {  	s1 =	rddreg [dreg:$0x5]  }
0x2b8: {  	[hbm4b:s1+s2] =	stream.linear.scatter [tilespmem:s7], [sflag:$0x3], $0x8000, $0x38;
	[tilespmem:$0x12000] =	vst v63  }
0x2b9: {  	_ =	swait.ge [sflag:s4], $0x8000  }
0x2ba: {  	[sflag:s4] =	ssyncset.done $0x0  }
0x2bb: {  	[sflag:s4] =	ssyncadd.s32 $0xFFFF8000  }
0x2bc: {  	_ =	swait.ge [sflag:s8], $0x8000  }
0x2bd: {  	s0 =	sld [smem:$0x7F7]  }
0x2be: {  	[sflag:s8] =	ssyncset.done $0x0  }
0x2bf: {  	[sflag:s8] =	ssyncadd.s32 $0xFFFF8000  }
0x2c0: {  	[tilespmem:s7], [sflag:$0x1] =	stream.indirect.gather [hbm4b:s3+s5], $0x80, s0, s5, $0xb8;
	[tilespmem:$0x12000] =	vst v63  }
0x2c1: {  	s1 =	rddreg [dreg:$0x6]  }
0x2c2: {  	[hbm4b:s1+s2] =	stream.linear.scatter [tilespmem:s6], [sflag:$0x3], $0x8000, $0x38;
	[tilespmem:$0x12000] =	vst v63  }
0x2c3: {  	_ =	swait.ge [sflag:s4], $0x8000  }
0x2c4: {  	[sflag:s4] =	ssyncset.done $0x0  }
0x2c5: {  	[sflag:s4] =	ssyncadd.s32 $0xFFFF8000  }
0x2c6: {  	_ =	swait.ge [sflag:s9], $0x8000  }
0x2c7: {  	s0 =	sld [smem:$0x7F8]  }
0x2c8: {  	[sflag:s9] =	ssyncset.done $0x0  }
0x2c9: {  	[sflag:s9] =	ssyncadd.s32 $0xFFFF8000  }
0x2ca: {  	[tilespmem:s6], [sflag:$0x2] =	stream.indirect.gather [hbm4b:s3+s5], $0x80, s0, s5, $0xb8;
	[tilespmem:$0x12000] =	vst v63  }
0x2cb: {  	s1 =	rddreg [dreg:$0x7]  }
0x2cc: {  	[hbm4b:s1+s2] =	stream.linear.scatter [tilespmem:s7], [sflag:$0x3], $0x8000, $0x38;
	[tilespmem:$0x12000] =	vst v63  }
0x2cd: {  	_ =	swait.ge [sflag:s4], $0x8000  }
0x2ce: {  	[sflag:s4] =	ssyncset.done $0x0  }
0x2cf: {  	[sflag:s4] =	ssyncadd.s32 $0xFFFF8000  }
0x2d0: {  	_ =	swait.ge [sflag:s8], $0x8000  }
0x2d1: {  	s0 =	sld [smem:$0x7F9]  }
0x2d2: {  	[sflag:s8] =	ssyncset.done $0x0  }
0x2d3: {  	[sflag:s8] =	ssyncadd.s32 $0xFFFF8000  }
0x2d4: {  	[tilespmem:s7], [sflag:$0x1] =	stream.indirect.gather [hbm4b:s3+s5], $0x80, s0, s5, $0xb8;
	[tilespmem:$0x12000] =	vst v63  }
0x2d5: {  	s1 =	rddreg [dreg:$0x8]  }
0x2d6: {  	[hbm4b:s1+s2] =	stream.linear.scatter [tilespmem:s6], [sflag:$0x3], $0x8000, $0x38;
	[tilespmem:$0x12000] =	vst v63  }
0x2d7: {  	_ =	swait.ge [sflag:s4], $0x8000  }
0x2d8: {  	[sflag:s4] =	ssyncset.done $0x0  }
0x2d9: {  	[sflag:s4] =	ssyncadd.s32 $0xFFFF8000  }
0x2da: {  	_ =	swait.ge [sflag:s9], $0x8000  }
0x2db: {  	s0 =	sld [smem:$0x7FA]  }
0x2dc: {  	[sflag:s9] =	ssyncset.done $0x0  }
0x2dd: {  	[sflag:s9] =	ssyncadd.s32 $0xFFFF8000  }
0x2de: {  	[tilespmem:s6], [sflag:$0x2] =	stream.indirect.gather [hbm4b:s3+s5], $0x80, s0, s5, $0xb8;
	[tilespmem:$0x12000] =	vst v63  }
0x2df: {  	s1 =	rddreg [dreg:$0x9]  }
0x2e0: {  	[hbm4b:s1+s2] =	stream.linear.scatter [tilespmem:s7], [sflag:$0x3], $0x8000, $0x38;
	[tilespmem:$0x12000] =	vst v63  }
0x2e1: {  	_ =	swait.ge [sflag:s4], $0x8000  }
0x2e2: {  	[sflag:s4] =	ssyncset.done $0x0  }
0x2e3: {  	[sflag:s4] =	ssyncadd.s32 $0xFFFF8000  }
0x2e4: {  	_ =	swait.ge [sflag:s8], $0x8000  }
0x2e5: {  	s0 =	sld [smem:$0x7FB]  }
0x2e6: {  	[sflag:s8] =	ssyncset.done $0x0  }
0x2e7: {  	[sflag:s8] =	ssyncadd.s32 $0xFFFF8000  }
0x2e8: {  	[tilespmem:s7], [sflag:$0x1] =	stream.indirect.gather [hbm4b:s3+s5], $0x80, s0, s5, $0xb8;
	[tilespmem:$0x12000] =	vst v63  }
0x2e9: {  	s1 =	rddreg [dreg:$0xa]  }
0x2ea: {  	[hbm4b:s1+s2] =	stream.linear.scatter [tilespmem:s6], [sflag:$0x3], $0x8000, $0x38;
	[tilespmem:$0x12000] =	vst v63  }
0x2eb: {  	_ =	swait.ge [sflag:s4], $0x8000  }
0x2ec: {  	[sflag:s4] =	ssyncset.done $0x0  }
0x2ed: {  	[sflag:s4] =	ssyncadd.s32 $0xFFFF8000  }
0x2ee: {  	_ =	swait.ge [sflag:s9], $0x8000  }
0x2ef: {  	s0 =	sld [smem:$0x7FC]  }
0x2f0: {  	[sflag:s9] =	ssyncset.done $0x0  }
0x2f1: {  	[sflag:s9] =	ssyncadd.s32 $0xFFFF8000  }
0x2f2: {  	[tilespmem:s6], [sflag:$0x2] =	stream.indirect.gather [hbm4b:s3+s5], $0x80, s0, s5, $0xb8;
	[tilespmem:$0x12000] =	vst v63  }
0x2f3: {  	s1 =	rddreg [dreg:$0xb]  }
0x2f4: {  	[hbm4b:s1+s2] =	stream.linear.scatter [tilespmem:s7], [sflag:$0x3], $0x8000, $0x38;
	[tilespmem:$0x12000] =	vst v63  }
0x2f5: {  	_ =	swait.ge [sflag:s4], $0x8000  }
0x2f6: {  	[sflag:s4] =	ssyncset.done $0x0  }
0x2f7: {  	[sflag:s4] =	ssyncadd.s32 $0xFFFF8000  }
0x2f8: {  	_ =	swait.ge [sflag:s8], $0x8000  }
0x2f9: {  	s0 =	sld [smem:$0x7FD]  }
0x2fa: {  	[sflag:s8] =	ssyncset.done $0x0  }
0x2fb: {  	[sflag:s8] =	ssyncadd.s32 $0xFFFF8000  }
0x2fc: {  	[tilespmem:s7], [sflag:$0x1] =	stream.indirect.gather [hbm4b:s3+s5], $0x80, s0, s5, $0xb8;
	[tilespmem:$0x12000] =	vst v63  }
0x2fd: {  	s1 =	rddreg [dreg:$0xc]  }
0x2fe: {  	[hbm4b:s1+s2] =	stream.linear.scatter [tilespmem:s6], [sflag:$0x3], $0x8000, $0x38;
	[tilespmem:$0x12000] =	vst v63  }
0x2ff: {  	_ =	swait.ge [sflag:s4], $0x8000  }
0x300: {  	[sflag:s4] =	ssyncset.done $0x0  }
0x301: {  	[sflag:s4] =	ssyncadd.s32 $0xFFFF8000  }
0x302: {  	_ =	swait.ge [sflag:s9], $0x8000  }
0x303: {  	[sflag:s9] =	ssyncset.done $0x0  }
0x304: {  	[sflag:s9] =	ssyncadd.s32 $0xFFFF8000  }
0x305: {  	[tilespmem:s6], [sflag:$0x2] =	stream.indirect.gather [hbm4b:s3+s5], $0x80, s11, s5, $0xb8;
	[tilespmem:$0x12000] =	vst v63  }
0x306: {  	s1 =	rddreg [dreg:$0xd]  }
0x307: {  	[hbm4b:s1+s2] =	stream.linear.scatter [tilespmem:s7], [sflag:$0x3], $0x8000, $0x38;
	[tilespmem:$0x12000] =	vst v63  }
0x308: {  	_ =	swait.ge [sflag:s4], $0x8000  }
0x309: {  	[sflag:s4] =	ssyncset.done $0x0  }
0x30a: {  	[sflag:s4] =	ssyncadd.s32 $0xFFFF8000  }
0x30b: {  	_ =	swait.ge [sflag:s8], $0x8000  }
0x30c: {  	[sflag:s8] =	ssyncset.done $0x0  }
0x30d: {  	[sflag:s8] =	ssyncadd.s32 $0xFFFF8000  }
0x30e: {  	[tilespmem:s7], [sflag:$0x1] =	stream.indirect.gather [hbm4b:s3+s5], $0x80, s31, s5, $0xb8;
	[tilespmem:$0x12000] =	vst v63  }
0x30f: {  	s1 =	rddreg [dreg:$0xe]  }
0x310: {  	[hbm4b:s1+s2] =	stream.linear.scatter [tilespmem:s6], [sflag:$0x3], $0x8000, $0x38;
	[tilespmem:$0x12000] =	vst v63  }
0x311: {  	_ =	swait.ge [sflag:s4], $0x8000  }
0x312: {  	[sflag:s4] =	ssyncset.done $0x0  }
0x313: {  	[sflag:s4] =	ssyncadd.s32 $0xFFFF8000  }
0x314: {  	_ =	swait.ge [sflag:s9], $0x8000  }
0x315: {  	[sflag:s9] =	ssyncset.done $0x0  }
0x316: {  	[sflag:s9] =	ssyncadd.s32 $0xFFFF8000  }
0x317: {  	[tilespmem:s6], [sflag:$0x2] =	stream.indirect.gather [hbm4b:s3+s5], $0x80, s30, s5, $0xb8;
	[tilespmem:$0x12000] =	vst v63  }
0x318: {  	s11 =	rddreg [dreg:$0xf]  }
0x319: {  	[hbm4b:s11+s2] =	stream.linear.scatter [tilespmem:s7], [sflag:$0x3], $0x8000, $0x38;
	[tilespmem:$0x12000] =	vst v63  }
0x31a: {  	_ =	swait.ge [sflag:s4], $0x8000  }
0x31b: {  	[sflag:s4] =	ssyncset.done $0x0  }
0x31c: {  	[sflag:s4] =	ssyncadd.s32 $0xFFFF8000  }
0x31d: {  	_ =	swait.ge [sflag:s8], $0x8000  }
0x31e: {  	[sflag:s8] =	ssyncset.done $0x0  }
0x31f: {  	[sflag:s8] =	ssyncadd.s32 $0xFFFF8000  }
0x320: {  	[tilespmem:s7], [sflag:$0x1] =	stream.indirect.gather [hbm4b:s3+s5], $0x80, s29, s5, $0xb8;
	[tilespmem:$0x12000] =	vst v63  }
0x321: {  	s31 =	rddreg [dreg:$0x10]  }
0x322: {  	[hbm4b:s31+s2] =	stream.linear.scatter [tilespmem:s6], [sflag:$0x3], $0x8000, $0x38;
	[tilespmem:$0x12000] =	vst v63  }
0x323: {  	_ =	swait.ge [sflag:s4], $0x8000  }
0x324: {  	[sflag:s4] =	ssyncset.done $0x0  }
0x325: {  	[sflag:s4] =	ssyncadd.s32 $0xFFFF8000  }
0x326: {  	_ =	swait.ge [sflag:s9], $0x8000  }
0x327: {  	[sflag:s9] =	ssyncset.done $0x0  }
0x328: {  	[sflag:s9] =	ssyncadd.s32 $0xFFFF8000  }
0x329: {  	[tilespmem:s6], [sflag:$0x2] =	stream.indirect.gather [hbm4b:s3+s5], $0x80, s28, s5, $0xb8;
	[tilespmem:$0x12000] =	vst v63  }
0x32a: {  	s1 =	rddreg [dreg:$0x11]  }
0x32b: {  	[hbm4b:s1+s2] =	stream.linear.scatter [tilespmem:s7], [sflag:$0x3], $0x8000, $0x38;
	[tilespmem:$0x12000] =	vst v63  }
0x32c: {  	_ =	swait.ge [sflag:s4], $0x8000  }
0x32d: {  	[sflag:s4] =	ssyncset.done $0x0  }
0x32e: {  	[sflag:s4] =	ssyncadd.s32 $0xFFFF8000  }
0x32f: {  	_ =	swait.ge [sflag:s8], $0x8000  }
0x330: {  	[sflag:s8] =	ssyncset.done $0x0  }
0x331: {  	[sflag:s8] =	ssyncadd.s32 $0xFFFF8000  }
0x332: {  	[tilespmem:s7], [sflag:$0x1] =	stream.indirect.gather [hbm4b:s3+s5], $0x80, s26, s5, $0xb8;
	[tilespmem:$0x12000] =	vst v63  }
0x333: {  	s11 =	rddreg [dreg:$0x12]  }
0x334: {  	[hbm4b:s11+s2] =	stream.linear.scatter [tilespmem:s6], [sflag:$0x3], $0x8000, $0x38;
	[tilespmem:$0x12000] =	vst v63  }
0x335: {  	_ =	swait.ge [sflag:s4], $0x8000  }
0x336: {  	[sflag:s4] =	ssyncset.done $0x0  }
0x337: {  	[sflag:s4] =	ssyncadd.s32 $0xFFFF8000  }
0x338: {  	_ =	swait.ge [sflag:s9], $0x8000  }
0x339: {  	[sflag:s9] =	ssyncset.done $0x0  }
0x33a: {  	[sflag:s9] =	ssyncadd.s32 $0xFFFF8000  }
0x33b: {  	[tilespmem:s6], [sflag:$0x2] =	stream.indirect.gather [hbm4b:s3+s5], $0x80, s25, s5, $0xb8;
	[tilespmem:$0x12000] =	vst v63  }
0x33c: {  	s28 =	rddreg [dreg:$0x13]  }
0x33d: {  	[hbm4b:s28+s2] =	stream.linear.scatter [tilespmem:s7], [sflag:$0x3], $0x8000, $0x38;
	[tilespmem:$0x12000] =	vst v63  }
0x33e: {  	_ =	swait.ge [sflag:s4], $0x8000  }
0x33f: {  	[sflag:s4] =	ssyncset.done $0x0  }
0x340: {  	[sflag:s4] =	ssyncadd.s32 $0xFFFF8000  }
0x341: {  	_ =	swait.ge [sflag:s8], $0x8000  }
0x342: {  	[sflag:s8] =	ssyncset.done $0x0  }
0x343: {  	[sflag:s8] =	ssyncadd.s32 $0xFFFF8000  }
0x344: {  	[tilespmem:s7], [sflag:$0x1] =	stream.indirect.gather [hbm4b:s3+s5], $0x80, s24, s5, $0xb8;
	[tilespmem:$0x12000] =	vst v63  }
0x345: {  	s29 =	rddreg [dreg:$0x14]  }
0x346: {  	[hbm4b:s29+s2] =	stream.linear.scatter [tilespmem:s6], [sflag:$0x3], $0x8000, $0x38;
	[tilespmem:$0x12000] =	vst v63  }
0x347: {  	_ =	swait.ge [sflag:s4], $0x8000  }
0x348: {  	[sflag:s4] =	ssyncset.done $0x0  }
0x349: {  	[sflag:s4] =	ssyncadd.s32 $0xFFFF8000  }
0x34a: {  	_ =	swait.ge [sflag:s9], $0x8000  }
0x34b: {  	[sflag:s9] =	ssyncset.done $0x0  }
0x34c: {  	[sflag:s9] =	ssyncadd.s32 $0xFFFF8000  }
0x34d: {  	[tilespmem:s6], [sflag:$0x2] =	stream.indirect.gather [hbm4b:s3+s5], $0x80, s23, s5, $0xb8;
	[tilespmem:$0x12000] =	vst v63  }
0x34e: {  	s30 =	rddreg [dreg:$0x15]  }
0x34f: {  	[hbm4b:s30+s2] =	stream.linear.scatter [tilespmem:s7], [sflag:$0x3], $0x8000, $0x38;
	[tilespmem:$0x12000] =	vst v63  }
0x350: {  	_ =	swait.ge [sflag:s4], $0x8000  }
0x351: {  	[sflag:s4] =	ssyncset.done $0x0  }
0x352: {  	[sflag:s4] =	ssyncadd.s32 $0xFFFF8000  }
0x353: {  	_ =	swait.ge [sflag:s8], $0x8000  }
0x354: {  	[sflag:s8] =	ssyncset.done $0x0  }
0x355: {  	[sflag:s8] =	ssyncadd.s32 $0xFFFF8000  }
0x356: {  	[tilespmem:s7], [sflag:$0x1] =	stream.indirect.gather [hbm4b:s3+s5], $0x80, s22, s5, $0xb8;
	[tilespmem:$0x12000] =	vst v63  }
0x357: {  	s31 =	rddreg [dreg:$0x16]  }
0x358: {  	[hbm4b:s31+s2] =	stream.linear.scatter [tilespmem:s6], [sflag:$0x3], $0x8000, $0x38;
	[tilespmem:$0x12000] =	vst v63  }
0x359: {  	_ =	swait.ge [sflag:s4], $0x8000  }
0x35a: {  	[sflag:s4] =	ssyncset.done $0x0  }
0x35b: {  	[sflag:s4] =	ssyncadd.s32 $0xFFFF8000  }
0x35c: {  	_ =	swait.ge [sflag:s9], $0x8000  }
0x35d: {  	[sflag:s9] =	ssyncset.done $0x0  }
0x35e: {  	[sflag:s9] =	ssyncadd.s32 $0xFFFF8000  }
0x35f: {  	[tilespmem:s6], [sflag:$0x2] =	stream.indirect.gather [hbm4b:s3+s5], $0x80, s21, s5, $0xb8;
	[tilespmem:$0x12000] =	vst v63  }
0x360: {  	s1 =	rddreg [dreg:$0x17]  }
0x361: {  	[hbm4b:s1+s2] =	stream.linear.scatter [tilespmem:s7], [sflag:$0x3], $0x8000, $0x38;
	[tilespmem:$0x12000] =	vst v63  }
0x362: {  	_ =	swait.ge [sflag:s4], $0x8000  }
0x363: {  	[sflag:s4] =	ssyncset.done $0x0  }
0x364: {  	[sflag:s4] =	ssyncadd.s32 $0xFFFF8000  }
0x365: {  	_ =	swait.ge [sflag:s8], $0x8000  }
0x366: {  	[sflag:s8] =	ssyncset.done $0x0  }
0x367: {  	[sflag:s8] =	ssyncadd.s32 $0xFFFF8000  }
0x368: {  	[tilespmem:s7], [sflag:$0x1] =	stream.indirect.gather [hbm4b:s3+s5], $0x80, s20, s5, $0xb8;
	[tilespmem:$0x12000] =	vst v63  }
0x369: {  	s11 =	rddreg [dreg:$0x18]  }
0x36a: {  	[hbm4b:s11+s2] =	stream.linear.scatter [tilespmem:s6], [sflag:$0x3], $0x8000, $0x38;
	[tilespmem:$0x12000] =	vst v63  }
0x36b: {  	_ =	swait.ge [sflag:s4], $0x8000  }
0x36c: {  	[sflag:s4] =	ssyncset.done $0x0  }
0x36d: {  	[sflag:s4] =	ssyncadd.s32 $0xFFFF8000  }
0x36e: {  	_ =	swait.ge [sflag:s9], $0x8000  }
0x36f: {  	[sflag:s9] =	ssyncset.done $0x0  }
0x370: {  	[sflag:s9] =	ssyncadd.s32 $0xFFFF8000  }
0x371: {  	[tilespmem:s6], [sflag:$0x2] =	stream.indirect.gather [hbm4b:s3+s5], $0x80, s19, s5, $0xb8;
	[tilespmem:$0x12000] =	vst v63  }
0x372: {  	s20 =	rddreg [dreg:$0x19]  }
0x373: {  	[hbm4b:s20+s2] =	stream.linear.scatter [tilespmem:s7], [sflag:$0x3], $0x8000, $0x38;
	[tilespmem:$0x12000] =	vst v63  }
0x374: {  	_ =	swait.ge [sflag:s4], $0x8000  }
0x375: {  	[sflag:s4] =	ssyncset.done $0x0  }
0x376: {  	[sflag:s4] =	ssyncadd.s32 $0xFFFF8000  }
0x377: {  	_ =	swait.ge [sflag:s8], $0x8000  }
0x378: {  	[sflag:s8] =	ssyncset.done $0x0  }
0x379: {  	[sflag:s8] =	ssyncadd.s32 $0xFFFF8000  }
0x37a: {  	[tilespmem:s7], [sflag:$0x1] =	stream.indirect.gather [hbm4b:s3+s5], $0x80, s18, s5, $0xb8;
	[tilespmem:$0x12000] =	vst v63  }
0x37b: {  	s21 =	rddreg [dreg:$0x1a]  }
0x37c: {  	[hbm4b:s21+s2] =	stream.linear.scatter [tilespmem:s6], [sflag:$0x3], $0x8000, $0x38;
	[tilespmem:$0x12000] =	vst v63  }
0x37d: {  	_ =	swait.ge [sflag:s4], $0x8000  }
0x37e: {  	[sflag:s4] =	ssyncset.done $0x0  }
0x37f: {  	[sflag:s4] =	ssyncadd.s32 $0xFFFF8000  }
0x380: {  	_ =	swait.ge [sflag:s9], $0x8000  }
0x381: {  	[sflag:s9] =	ssyncset.done $0x0  }
0x382: {  	[sflag:s9] =	ssyncadd.s32 $0xFFFF8000  }
0x383: {  	[tilespmem:s6], [sflag:$0x2] =	stream.indirect.gather [hbm4b:s3+s5], $0x80, s17, s5, $0xb8;
	[tilespmem:$0x12000] =	vst v63  }
0x384: {  	s22 =	rddreg [dreg:$0x1b]  }
0x385: {  	[hbm4b:s22+s2] =	stream.linear.scatter [tilespmem:s7], [sflag:$0x3], $0x8000, $0x38;
	[tilespmem:$0x12000] =	vst v63  }
0x386: {  	_ =	swait.ge [sflag:s4], $0x8000  }
0x387: {  	[sflag:s4] =	ssyncset.done $0x0  }
0x388: {  	[sflag:s4] =	ssyncadd.s32 $0xFFFF8000  }
0x389: {  	_ =	swait.ge [sflag:s8], $0x8000  }
0x38a: {  	[sflag:s8] =	ssyncset.done $0x0  }
0x38b: {  	[sflag:s8] =	ssyncadd.s32 $0xFFFF8000  }
0x38c: {  	[tilespmem:s7], [sflag:$0x1] =	stream.indirect.gather [hbm4b:s3+s5], $0x80, s16, s5, $0xb8;
	[tilespmem:$0x12000] =	vst v63  }
0x38d: {  	s23 =	rddreg [dreg:$0x1c]  }
0x38e: {  	[hbm4b:s23+s2] =	stream.linear.scatter [tilespmem:s6], [sflag:$0x3], $0x8000, $0x38;
	[tilespmem:$0x12000] =	vst v63  }
0x38f: {  	_ =	swait.ge [sflag:s4], $0x8000  }
0x390: {  	[sflag:s4] =	ssyncset.done $0x0  }
0x391: {  	[sflag:s4] =	ssyncadd.s32 $0xFFFF8000  }
0x392: {  	_ =	swait.ge [sflag:s9], $0x8000  }
0x393: {  	[sflag:s9] =	ssyncset.done $0x0  }
0x394: {  	[sflag:s9] =	ssyncadd.s32 $0xFFFF8000  }
0x395: {  	[tilespmem:s6], [sflag:$0x2] =	stream.indirect.gather [hbm4b:s3+s5], $0x80, s15, s5, $0xb8;
	[tilespmem:$0x12000] =	vst v63  }
0x396: {  	s24 =	rddreg [dreg:$0x1d]  }
0x397: {  	[hbm4b:s24+s2] =	stream.linear.scatter [tilespmem:s7], [sflag:$0x3], $0x8000, $0x38;
	[tilespmem:$0x12000] =	vst v63  }
0x398: {  	_ =	swait.ge [sflag:s4], $0x8000  }
0x399: {  	[sflag:s4] =	ssyncset.done $0x0  }
0x39a: {  	[sflag:s4] =	ssyncadd.s32 $0xFFFF8000  }
0x39b: {  	_ =	swait.ge [sflag:s8], $0x8000  }
0x39c: {  	[sflag:s8] =	ssyncset.done $0x0  }
0x39d: {  	[sflag:s8] =	ssyncadd.s32 $0xFFFF8000  }
0x39e: {  	[tilespmem:s7], [sflag:$0x1] =	stream.indirect.gather [hbm4b:s3+s5], $0x80, s14, s5, $0xb8;
	[tilespmem:$0x12000] =	vst v63  }
0x39f: {  	s25 =	rddreg [dreg:$0x1e]  }
0x3a0: {  	[hbm4b:s25+s2] =	stream.linear.scatter [tilespmem:s6], [sflag:$0x3], $0x8000, $0x38;
	[tilespmem:$0x12000] =	vst v63  }
0x3a1: {  	_ =	swait.ge [sflag:s4], $0x8000  }
0x3a2: {  	[sflag:s4] =	ssyncset.done $0x0  }
0x3a3: {  	[sflag:s4] =	ssyncadd.s32 $0xFFFF8000  }
0x3a4: {  	_ =	swait.ge [sflag:s9], $0x8000  }
0x3a5: {  	[sflag:s9] =	ssyncset.done $0x0  }
0x3a6: {  	[sflag:s9] =	ssyncadd.s32 $0xFFFF8000  }
0x3a7: {  	[tilespmem:s6], [sflag:$0x2] =	stream.indirect.gather [hbm4b:s3+s5], $0x80, s13, s5, $0xb8;
	[tilespmem:$0x12000] =	vst v63  }
0x3a8: {  	s26 =	rddreg [dreg:$0x1f]  }
0x3a9: {  	[hbm4b:s26+s2] =	stream.linear.scatter [tilespmem:s7], [sflag:$0x3], $0x8000, $0x38;
	[tilespmem:$0x12000] =	vst v63  }
0x3aa: {  	_ =	swait.ge [sflag:s4], $0x8000  }
0x3ab: {  	[sflag:s4] =	ssyncset.done $0x0  }
0x3ac: {  	[sflag:s4] =	ssyncadd.s32 $0xFFFF8000  }
0x3ad: {  	_ =	swait.ge [sflag:s8], $0x8000  }
0x3ae: {  	[sflag:s8] =	ssyncset.done $0x0  }
0x3af: {  	s28 =	sld [smem:$0x7F2];
	[sflag:s8] =	ssyncadd.s32 $0xFFFF8000  }
0x3b0: {  	[tilespmem:s7], [sflag:$0x1] =	stream.indirect.gather [hbm4b:s3+s5], $0x80, s12, s5, $0xb8;
	[tilespmem:$0x12000] =	vst v63  }
0x3b1: {  	_ = 	snop  }
0x3b2: {  	[hbm4b:s28+s2] =	stream.linear.scatter [tilespmem:s6], [sflag:$0x3], $0x8000, $0x38;
	[tilespmem:$0x12000] =	vst v63  }
0x3b3: {  	_ =	swait.ge [sflag:s4], $0x8000  }
0x3b4: {  	[sflag:s4] =	ssyncset.done $0x0  }
0x3b5: {  	[sflag:s4] =	ssyncadd.s32 $0xFFFF8000  }
0x3b6: {  	_ =	swait.ge [sflag:s9], $0x8000  }
0x3b7: {  	[sflag:s9] =	ssyncset.done $0x0  }
0x3b8: {  	s30 =	simm.s32 $0x1F00;
	s29 =	sld [smem:$0x7F3];
	[sflag:s9] =	ssyncadd.s32 $0xFFFF8000  }
0x3b9: {  	[tilespmem:s6], [sflag:$0x2] =	stream.indirect.gather [hbm4b:s3+s5], $0x80, s30, s5, $0xb8;
	[tilespmem:$0x12000] =	vst v63  }
0x3ba: {  	_ = 	snop  }
0x3bb: {  	[hbm4b:s29+s2] =	stream.linear.scatter [tilespmem:s7], [sflag:$0x3], $0x8000, $0x38;
	[tilespmem:$0x12000] =	vst v63  }
0x3bc: {  	_ =	swait.ge [sflag:s4], $0x8000  }
0x3bd: {  	[sflag:s4] =	ssyncset.done $0x0  }
0x3be: {  	[sflag:s4] =	ssyncadd.s32 $0xFFFF8000  }
0x3bf: {  	_ =	swait.ge [sflag:s8], $0x8000  }
0x3c0: {  	s31 =	sld [smem:$0x7F4]  }
0x3c1: {  	[sflag:s8] =	ssyncset.done $0x0  }
0x3c2: {  	[sflag:s8] =	ssyncadd.s32 $0xFFFF8000  }
0x3c3: {  	[hbm4b:s31+s2] =	stream.linear.scatter [tilespmem:s6], [sflag:$0x3], $0x8000, $0x38;
	[tilespmem:$0x12000] =	vst v63  }
0x3c4: {  	_ =	swait.ge [sflag:s4], $0x8000  }
0x3c5: {  	[sflag:s4] =	ssyncset.done $0x0  }
0x3c6: {  	[sflag:s4] =	ssyncadd.s32 $0xFFFF8000  }
0x3c7: {  	_ =	sfence.sel $0x180000  }
0x3c8: {  	[bflag:$0x0] =	sbarrier.arrive $0xFFFF  }
0x3c9: {  	_ =	strace $0x90000047  }
0x3ca: {  	[bflag:$0x2] =	sbarrier.arrive $0xFFFF  }
0x3cb: {  	p0 =	sne.s32 s10, $0x0;
	s0 =	rddreg [dreg:$0x1]  }
0x3cc: {  	s0 =	sadd.s32 @!p0 $0x100000, s0  }
0x3cd: {  	[sflag:s0] =	ssyncadd.tile.s32 @!p0 $0x1;
	_ =	shalt  }
.LBB2_1:
0x3ce: {  	s11 =	simm.s32 $0xB00;
	s31 =	simm.s32 $0xC00;
	s30 =	simm.s32 $0xD00  }
0x3cf: {  	s29 =	simm.s32 $0xE00;
	s28 =	simm.s32 $0xF00;
	s26 =	simm.s32 $0x1000  }
.Ltmp3:
0x3d0: {  	s25 =	simm.s32 $0x1100;
	s24 =	simm.s32 $0x1200;
	(pc) =	sbr.rel .LBB2_6-.Ltmp3, $4  }
0x3d1: {  	s23 =	simm.s32 $0x1300;
	s22 =	simm.s32 $0x1400;
	s21 =	simm.s32 $0x1500  }
0x3d2: {  	s20 =	simm.s32 $0x1600;
	s19 =	simm.s32 $0x1700;
	s18 =	simm.s32 $0x1800  }
0x3d3: {  	s17 =	simm.s32 $0x1900;
	s16 =	simm.s32 $0x1A00;
	s15 =	simm.s32 $0x1B00  }
0x3d4: {  	s14 =	simm.s32 $0x1C00;
	s13 =	simm.s32 $0x1D00;
	s12 =	simm.s32 $0x1E00  }
.LBB2_3:
0x3d5: {  	s11 =	simm.s32 $0xB00  }
0x3d6: {  	s31 =	simm.s32 $0xC00;
	s30 =	simm.s32 $0xD00;
	s29 =	simm.s32 $0xE00  }
0x3d7: {  	s28 =	simm.s32 $0xF00;
	s26 =	simm.s32 $0x1000;
	s25 =	simm.s32 $0x1100  }
.Ltmp4:
0x3d8: {  	s24 =	simm.s32 $0x1200;
	s23 =	simm.s32 $0x1300;
	(pc) =	sbr.rel .LBB2_6-.Ltmp4, $4  }
0x3d9: {  	s22 =	simm.s32 $0x1400;
	s21 =	simm.s32 $0x1500;
	s20 =	simm.s32 $0x1600  }
0x3da: {  	s19 =	simm.s32 $0x1700;
	s18 =	simm.s32 $0x1800;
	s17 =	simm.s32 $0x1900  }
0x3db: {  	s16 =	simm.s32 $0x1A00;
	s15 =	simm.s32 $0x1B00;
	s14 =	simm.s32 $0x1C00  }
0x3dc: {  	s13 =	simm.s32 $0x1D00;
	s12 =	simm.s32 $0x1E00;
	s10 =	stileid.u32  }
.Lfunc_end2:
_tile_overlayer_lowered:
.L_overlay_start_2:
0x3dd: {  	(tag) =	ssettag $0x2  }
0x3de: {  	s0 =	rddreg [dreg:$0x0];
	s2 =	stileid.u32  }
0x3df: {  	s1 =	rddreg [dreg:$0x1];
	p0 =	sne.s32 s2, $0x0  }
0x3e0: {  	s3 =	rddreg [dreg:$0x2];
	[bflag:$0x3] =	sbarrier.arrive $0xFFFF;
	s2 =	simm.s32 @!p0 $0x1C03  }
0x3e1: {  	[timem:s3], [sflag:s2] =	dma.local @!p0 [hbm:s0], s1  }
0x3e2: {  	s0 =	simm.s32 @!p0 $0x3  }
0x3e3: {  	_ =	swait.ge @!p0 [sflag:s0], s1  }
0x3e4: {  	s1 =	ssub.s32 @!p0 $0x0, s1;
	[sflag:s0] =	ssyncset.done @!p0 $0x0  }
0x3e5: {  	[sflag:s0] =	ssyncadd.s32 @!p0 s1  }
0x3e6: {  	[bflag:$0x3] =	sbarrier.arrive $0xFFFF  }
0x3e7: {  	_ =	shalt  }

</sc_bundles>
